<compile_context>
chip_gen: v7x
topology: tpu7x:2x2x1
jax: 0.10.2.dev20260603
libtpu: 0.0.44.dev20260713+nightly
codegen_flags: <defaults>
</compile_context>

<pallas_src>
import functools

import jax
import jax.numpy as jnp
from jax import lax
from jax.experimental import pallas as pl
from jax.experimental.pallas import tpu as pltpu
from jax.experimental.pallas import tpu_sc as plsc

B = 16384
D = 50
NC = 2
NS = 16
NW = NC * NS
BPW = B // NW
ICHUNK = 128
NCHUNK = BPW // ICHUNK


def _gather_body(users_hbm, movies_hbm, uw_hbm, mw_hbm, uout_hbm, mout_hbm,
                 uidx, midx, urows, mrows, usem0, usem1, msem0, msem1):
    usems = (usem0, usem1)
    msems = (msem0, msem1)
    wid = lax.axis_index("s") * NC + lax.axis_index("c")
    base = wid * BPW
    pltpu.sync_copy(users_hbm.at[pl.ds(base, BPW)], uidx)
    pltpu.sync_copy(movies_hbm.at[pl.ds(base, BPW)], midx)

    L = 16

    def issue(c, slot):
        off = c * ICHUNK

        def issue_g(g, _):
            uvec = uidx[pl.ds(off + g * L, L)]
            mvec = midx[pl.ds(off + g * L, L)]
            for l in range(L):
                pltpu.async_copy(uw_hbm.at[uvec[l]],
                                 urows.at[slot, g * L + l], usems[slot])
                pltpu.async_copy(mw_hbm.at[mvec[l]],
                                 mrows.at[slot, g * L + l], msems[slot])
            return 0

        lax.fori_loop(0, ICHUNK // L, issue_g, 0)

    def drain_and_store(c, slot):
        def drain(i, _):
            pltpu.make_async_copy(uw_hbm.at[0], urows.at[0, 0],
                                  usems[slot]).wait()
            pltpu.make_async_copy(mw_hbm.at[0], mrows.at[0, 0],
                                  msems[slot]).wait()
            return 0

        lax.fori_loop(0, ICHUNK, drain, 0)
        off = c * ICHUNK
        pltpu.sync_copy(urows.at[slot], uout_hbm.at[pl.ds(base + off, ICHUNK)])
        pltpu.sync_copy(mrows.at[slot], mout_hbm.at[pl.ds(base + off, ICHUNK)])

    issue(0, 0)
    for c in range(NCHUNK - 1):
        issue(c + 1, (c + 1) % 2)
        drain_and_store(c, c % 2)
    drain_and_store(NCHUNK - 1, (NCHUNK - 1) % 2)


@functools.cache
def _make_gather():
    return pl.kernel(
        _gather_body,
        out_type=(jax.ShapeDtypeStruct((B, D), jnp.float32),
                  jax.ShapeDtypeStruct((B, D), jnp.float32)),
        mesh=plsc.VectorSubcoreMesh(core_axis_name="c", subcore_axis_name="s",
                                    num_cores=NC, num_subcores=NS),
        scratch_types=[
            pltpu.VMEM((BPW,), jnp.int32),
            pltpu.VMEM((BPW,), jnp.int32),
            pltpu.VMEM((2, ICHUNK, D), jnp.float32),
            pltpu.VMEM((2, ICHUNK, D), jnp.float32),
            pltpu.SemaphoreType.DMA,
            pltpu.SemaphoreType.DMA,
            pltpu.SemaphoreType.DMA,
            pltpu.SemaphoreType.DMA,
        ],
    )


BB = 4096


def _split(w):
    hi = w.astype(jnp.bfloat16)
    lo = (w - hi.astype(jnp.float32)).astype(jnp.bfloat16)
    return hi, lo


def _mlp_body(u_ref, m_ref, w1uh_ref, w1ul_ref, w1mh_ref, w1ml_ref, b1_ref,
              w2h_ref, w2l_ref, b2_ref, w3h_ref, w3l_ref, b3_ref,
              wf_ref, bf_ref, out_ref):
    f32 = jnp.float32

    def dot(x, wh, wl):
        xh = x.astype(jnp.bfloat16)
        xl = (x - xh.astype(f32)).astype(jnp.bfloat16)
        acc = jnp.dot(xh, wh, preferred_element_type=f32)
        acc += jnp.dot(xh, wl, preferred_element_type=f32)
        acc += jnp.dot(xl, wh, preferred_element_type=f32)
        return acc

    x = (dot(u_ref[...], w1uh_ref[...], w1ul_ref[...])
         + dot(m_ref[...], w1mh_ref[...], w1ml_ref[...]) + b1_ref[...])
    x = jnp.maximum(x, 0.0)
    x = jnp.maximum(dot(x, w2h_ref[...], w2l_ref[...]) + b2_ref[...], 0.0)
    x = jnp.maximum(dot(x, w3h_ref[...], w3l_ref[...]) + b3_ref[...], 0.0)
    z = jnp.sum(x * wf_ref[...], axis=1, keepdims=True) + bf_ref[...]
    out_ref[...] = jax.nn.sigmoid(z) * 4.0 + 0.5


def _mlp(u_emb, m_emb, w1uh, w1ul, w1mh, w1ml, b1, w2h, w2l, b2,
         w3h, w3l, b3, wf, bf):
    full = lambda shape: pl.BlockSpec(shape, lambda i: (0,) * len(shape))
    return pl.pallas_call(
        _mlp_body,
        grid=(B // BB,),
        in_specs=[
            pl.BlockSpec((BB, D), lambda i: (i, 0)),
            pl.BlockSpec((BB, D), lambda i: (i, 0)),
            full((D, 128)), full((D, 128)), full((D, 128)), full((D, 128)),
            full((1, 128)),
            full((128, 256)), full((128, 256)), full((1, 256)),
            full((256, 128)), full((256, 128)), full((1, 128)),
            full((1, 128)), full((1, 1)),
        ],
        out_specs=pl.BlockSpec((BB, 1), lambda i: (i, 0)),
        out_shape=jax.ShapeDtypeStruct((B, 1), jnp.float32),
    )(u_emb, m_emb, w1uh, w1ul, w1mh, w1ml, b1, w2h, w2l, b2,
      w3h, w3l, b3, wf, bf)


@jax.jit
def kernel(users, movies, Uw, Mw, W1, b1, W2, b2, W3, b3, Wf, bf):
    u_emb, m_emb = _make_gather()(users.astype(jnp.int32),
                                  movies.astype(jnp.int32), Uw, Mw)
    w1uh, w1ul = _split(W1[:D])
    w1mh, w1ml = _split(W1[D:])
    w2h, w2l = _split(W2)
    w3h, w3l = _split(W3)
    return _mlp(u_emb, m_emb, w1uh, w1ul, w1mh, w1ml, b1[None, :],
                w2h, w2l, b2[None, :], w3h, w3l, b3[None, :],
                Wf.reshape(1, 128), bf[None, :])

# --- scband reference (transcript-rebuilt; emitter-appended) ---
"""Pipeline reference for scband-recommender-net-38585986187701 (READ-ONLY COPY).

The authoritative reference and input builder live on the scoring server;
editing this copy changes nothing except your own understanding.
"""

import jax, jax.numpy as jnp
import numpy as np

N_USERS = 100000
N_MOVIES = 100000
N_FACTORS = 50
BATCH = 16384


def setup_inputs(seed: int = 0) -> dict:
    key = jax.random.key(seed)
    ks = jax.random.split(key, 12)
    users = jax.random.randint(ks[0], (BATCH,), 0, N_USERS, dtype=jnp.int64 if jax.config.jax_enable_x64 else jnp.int32)
    movies = jax.random.randint(ks[1], (BATCH,), 0, N_MOVIES, dtype=jnp.int64 if jax.config.jax_enable_x64 else jnp.int32)
    # embedding tables: uniform(-0.05, 0.05) per _init
    Uw = jax.random.uniform(ks[2], (N_USERS, N_FACTORS), jnp.float32, -0.05, 0.05)
    Mw = jax.random.uniform(ks[3], (N_MOVIES, N_FACTORS), jnp.float32, -0.05, 0.05)
    def xavier(k, fan_in, fan_out):
        limit = jnp.sqrt(6.0 / (fan_in + fan_out))
        return jax.random.uniform(k, (fan_in, fan_out), jnp.float32, -limit, limit)
    W1 = xavier(ks[4], 100, 128)
    b1 = jnp.full((128,), 0.01, jnp.float32)
    W2 = xavier(ks[5], 128, 256)
    b2 = jnp.full((256,), 0.01, jnp.float32)
    W3 = xavier(ks[6], 256, 128)
    b3 = jnp.full((128,), 0.01, jnp.float32)
    Wf = xavier(ks[7], 128, 1)
    bf = jnp.full((1,), 0.01, jnp.float32)
    return {"users": users, "movies": movies, "Uw": Uw, "Mw": Mw,
            "W1": W1, "b1": b1, "W2": W2, "b2": b2, "W3": W3, "b3": b3,
            "Wf": Wf, "bf": bf}


def reference(users, movies, Uw, Mw, W1, b1, W2, b2, W3, b3, Wf, bf):
    # Dropout layers are identity in eval/inference mode.
    u_emb = jnp.take(Uw, users, axis=0)
    m_emb = jnp.take(Mw, movies, axis=0)
    features = jnp.concatenate([u_emb, m_emb], axis=1)
    x = features
    x = jax.nn.relu(x @ W1 + b1)
    x = jax.nn.relu(x @ W2 + b2)
    x = jax.nn.relu(x @ W3 + b3)
    out = jax.nn.sigmoid(x @ Wf + bf)
    min_rating, max_rating = 1.0, 4.0
    out = out * (max_rating - min_rating + 1.0) + min_rating - 0.5
    return out

if __name__ == "__main__":
    import jax
    _d = setup_inputs()
    print(jax.jit(kernel)(*tuple(_d.values())))

</pallas_src>

<mosaic_0001>
#map = affine_map<(d0, d1) -> (0)>
#map1 = affine_map<(d0, d1) -> (0, 0)>
module attributes {stable_mosaic.version = 14 : i64} {
  func.func @_gather_body(%arg0: i32, %arg1: i32, %arg2: memref<16384xi32, #tpu.memory_space<hbm>>, %arg3: memref<16384xi32, #tpu.memory_space<hbm>>, %arg4: memref<100000x50xf32, #tpu.memory_space<hbm>>, %arg5: memref<100000x50xf32, #tpu.memory_space<hbm>>, %arg6: memref<16384x50xf32, #tpu.memory_space<hbm>>, %arg7: memref<16384x50xf32, #tpu.memory_space<hbm>>, %arg8: memref<512xi32, #tpu.memory_space<vmem>>, %arg9: memref<512xi32, #tpu.memory_space<vmem>>, %arg10: memref<2x128x50xf32, #tpu.memory_space<vmem>>, %arg11: memref<2x128x50xf32, #tpu.memory_space<vmem>>, %arg12: memref<!tpu.dma_semaphore, #tpu.memory_space<semaphore_mem>>, %arg13: memref<!tpu.dma_semaphore, #tpu.memory_space<semaphore_mem>>, %arg14: memref<!tpu.dma_semaphore, #tpu.memory_space<semaphore_mem>>, %arg15: memref<!tpu.dma_semaphore, #tpu.memory_space<semaphore_mem>>) attributes {dimension_semantics = [#tpu.dimension_semantics<core_parallel>, #tpu.dimension_semantics<subcore_parallel>], iteration_bounds = array<i64: 2, 16>, scalar_prefetch = 0 : i64, scratch_operands = 8 : i64, tpu.core_type = #tpu.core_type<sc_vector_subcore>, window_params = [{transform_indices = #map}, {transform_indices = #map}, {transform_indices = #map1}, {transform_indices = #map1}, {transform_indices = #map1}, {transform_indices = #map1}]} {
    %mul3A = arith.constant 2 : i32
    %mul3A_0 = arith.muli %arg1, %mul3A : i32
    %add3A = arith.addi %mul3A_0, %arg0 : i32
    %mul3A_1 = arith.constant 512 : i32
    %mul3A_2 = arith.muli %add3A, %mul3A_1 : i32
    "tpu.region"() ({
      %run_scoped3A_81 = tpu.sem_alloc : memref<!tpu.dma_semaphore, #tpu.memory_space<semaphore_mem>>
      %dma_start3A = tpu.memref_slice %arg2[%mul3A_2] : memref<16384xi32, #tpu.memory_space<hbm>> -> memref<512xi32, #tpu.memory_space<hbm>>
      %dma_start3A_82 = tpu.memref_slice %arg2[%mul3A_2] : memref<16384xi32, #tpu.memory_space<hbm>> -> memref<512xi32, #tpu.memory_space<hbm>>
      tpu.enqueue_dma source(%dma_start3A_82 : memref<512xi32, #tpu.memory_space<hbm>>) target(%arg8 : memref<512xi32, #tpu.memory_space<vmem>>) target_semaphore(%run_scoped3A_81 : memref<!tpu.dma_semaphore, #tpu.memory_space<semaphore_mem>>)
      %dma_wait3A = tpu.memref_slice %arg2[%mul3A_2] : memref<16384xi32, #tpu.memory_space<hbm>> -> memref<512xi32, #tpu.memory_space<hbm>>
      %dma_wait3A_83 = tpu.memref_slice %arg2[%mul3A_2] : memref<16384xi32, #tpu.memory_space<hbm>> -> memref<512xi32, #tpu.memory_space<hbm>>
      tpu.wait_dma2 semaphore(%run_scoped3A_81 : memref<!tpu.dma_semaphore, #tpu.memory_space<semaphore_mem>>) src(%dma_wait3A_83 : memref<512xi32, #tpu.memory_space<hbm>>) dst(%arg8 : memref<512xi32, #tpu.memory_space<vmem>>)
      tpu.yield
    }) : () -> ()
    "tpu.region"() ({
      %run_scoped3A_81 = tpu.sem_alloc : memref<!tpu.dma_semaphore, #tpu.memory_space<semaphore_mem>>
      %dma_start3A = tpu.memref_slice %arg3[%mul3A_2] : memref<16384xi32, #tpu.memory_space<hbm>> -> memref<512xi32, #tpu.memory_space<hbm>>
      %dma_start3A_82 = tpu.memref_slice %arg3[%mul3A_2] : memref<16384xi32, #tpu.memory_space<hbm>> -> memref<512xi32, #tpu.memory_space<hbm>>
      tpu.enqueue_dma source(%dma_start3A_82 : memref<512xi32, #tpu.memory_space<hbm>>) target(%arg9 : memref<512xi32, #tpu.memory_space<vmem>>) target_semaphore(%run_scoped3A_81 : memref<!tpu.dma_semaphore, #tpu.memory_space<semaphore_mem>>)
      %dma_wait3A = tpu.memref_slice %arg3[%mul3A_2] : memref<16384xi32, #tpu.memory_space<hbm>> -> memref<512xi32, #tpu.memory_space<hbm>>
      %dma_wait3A_83 = tpu.memref_slice %arg3[%mul3A_2] : memref<16384xi32, #tpu.memory_space<hbm>> -> memref<512xi32, #tpu.memory_space<hbm>>
      tpu.wait_dma2 semaphore(%run_scoped3A_81 : memref<!tpu.dma_semaphore, #tpu.memory_space<semaphore_mem>>) src(%dma_wait3A_83 : memref<512xi32, #tpu.memory_space<hbm>>) dst(%arg9 : memref<512xi32, #tpu.memory_space<vmem>>)
      tpu.yield
    }) : () -> ()
    %scan3A = arith.constant 0 : i32
    %scan3A_3 = arith.constant 0 : i32
    %scan3A_4 = arith.constant 8 : i32
    %scan3A_5 = arith.addi %scan3A_3, %scan3A_4 : i32
    %scan3A_6 = arith.constant 1 : i32
    %scan3A_7 = scf.for %scan3A_81 = %scan3A_3 to %scan3A_5 step %scan3A_6 iter_args(%scan3A_82 = %scan3A) -> (i32)  : i32 {
      %mul3A_83 = arith.constant 16 : i32
      %mul3A_84 = arith.muli %scan3A_81, %mul3A_83 : i32
      %add3A_85 = arith.constant 0 : i32
      %add3A_86 = arith.addi %add3A_85, %mul3A_84 : i32
      %get3A = arith.index_cast %add3A_86 : i32 to index
      %get3A_87 = tpu.vector_load %arg8[%get3A] {strides = array<i32>} : memref<512xi32, #tpu.memory_space<vmem>>, vector<16xi32>,
      %get3A_88 = vector.shape_cast %get3A_87 : vector<16xi32> to vector<16xi32>
      %mul3A_89 = arith.constant 16 : i32
      %mul3A_90 = arith.muli %scan3A_81, %mul3A_89 : i32
      %add3A_91 = arith.constant 0 : i32
      %add3A_92 = arith.addi %add3A_91, %mul3A_90 : i32
      %get3A_93 = arith.index_cast %add3A_92 : i32 to index
      %get3A_94 = tpu.vector_load %arg9[%get3A_93] {strides = array<i32>} : memref<512xi32, #tpu.memory_space<vmem>>, vector<16xi32>,
      %get3A_95 = vector.shape_cast %get3A_94 : vector<16xi32> to vector<16xi32>
      %slice3A = vector.extract_strided_slice %get3A_88 {offsets = [0], sizes = [1], strides = [1]} : vector<16xi32> to vector<1xi32>
      %squeeze3A = vector.extract %slice3A[0] : i32 from vector<1xi32>
      %mul3A_96 = arith.constant 16 : i32
      %mul3A_97 = arith.muli %scan3A_81, %mul3A_96 : i32
      %add3A_98 = arith.constant 0 : i32
      %add3A_99 = arith.addi %mul3A_97, %add3A_98 : i32
      %dma_start3A = arith.constant 0 : i32
      %dma_start3A_100 = arith.constant 0 : i32
      %dma_start3A_101 = tpu.memref_slice %arg10[%dma_start3A, %add3A_99, %dma_start3A_100] : memref<2x128x50xf32, #tpu.memory_space<vmem>> -> memref<1x1x50xf32, #tpu.memory_space<vmem>>
      %dma_start3A_102 = tpu.memref_squeeze %dma_start3A_101 : memref<1x1x50xf32, #tpu.memory_space<vmem>> -> memref<50xf32, #tpu.memory_space<vmem>>
      %dma_start3A_103 = arith.constant 0 : i32
      %dma_start3A_104 = tpu.memref_slice %arg4[%squeeze3A, %dma_start3A_103] : memref<100000x50xf32, #tpu.memory_space<hbm>> -> memref<1x50xf32, #tpu.memory_space<hbm>>
      %dma_start3A_105 = tpu.memref_squeeze %dma_start3A_104 : memref<1x50xf32, #tpu.memory_space<hbm>> -> memref<50xf32, #tpu.memory_space<hbm>>
      %dma_start3A_106 = arith.constant 0 : i32
      %dma_start3A_107 = tpu.memref_slice %arg10[%dma_start3A, %add3A_99, %dma_start3A_106] : memref<2x128x50xf32, #tpu.memory_space<vmem>> -> memref<1x1x50xf32, #tpu.memory_space<vmem>>
      %dma_start3A_108 = tpu.memref_squeeze %dma_start3A_107 : memref<1x1x50xf32, #tpu.memory_space<vmem>> -> memref<50xf32, #tpu.memory_space<vmem>>
      %dma_start3A_109 = arith.constant 0 : i32
      %dma_start3A_110 = tpu.memref_slice %arg4[%squeeze3A, %dma_start3A_109] : memref<100000x50xf32, #tpu.memory_space<hbm>> -> memref<1x50xf32, #tpu.memory_space<hbm>>
      %dma_start3A_111 = tpu.memref_squeeze %dma_start3A_110 : memref<1x50xf32, #tpu.memory_space<hbm>> -> memref<50xf32, #tpu.memory_space<hbm>>
      tpu.enqueue_dma source(%dma_start3A_111 : memref<50xf32, #tpu.memory_space<hbm>>) target(%dma_start3A_108 : memref<50xf32, #tpu.memory_space<vmem>>) target_semaphore(%arg12 : memref<!tpu.dma_semaphore, #tpu.memory_space<semaphore_mem>>)
      %slice3A_112 = vector.extract_strided_slice %get3A_95 {offsets = [0], sizes = [1], strides = [1]} : vector<16xi32> to vector<1xi32>
      %squeeze3A_113 = vector.extract %slice3A_112[0] : i32 from vector<1xi32>
      %mul3A_114 = arith.constant 16 : i32
      %mul3A_115 = arith.muli %scan3A_81, %mul3A_114 : i32
      %add3A_116 = arith.constant 0 : i32
      %add3A_117 = arith.addi %mul3A_115, %add3A_116 : i32
      %dma_start3A_118 = arith.constant 0 : i32
      %dma_start3A_119 = arith.constant 0 : i32
      %dma_start3A_120 = tpu.memref_slice %arg11[%dma_start3A_118, %add3A_117, %dma_start3A_119] : memref<2x128x50xf32, #tpu.memory_space<vmem>> -> memref<1x1x50xf32, #tpu.memory_space<vmem>>
      %dma_start3A_121 = tpu.memref_squeeze %dma_start3A_120 : memref<1x1x50xf32, #tpu.memory_space<vmem>> -> memref<50xf32, #tpu.memory_space<vmem>>
      %dma_start3A_122 = arith.constant 0 : i32
      %dma_start3A_123 = tpu.memref_slice %arg5[%squeeze3A_113, %dma_start3A_122] : memref<100000x50xf32, #tpu.memory_space<hbm>> -> memref<1x50xf32, #tpu.memory_space<hbm>>
      %dma_start3A_124 = tpu.memref_squeeze %dma_start3A_123 : memref<1x50xf32, #tpu.memory_space<hbm>> -> memref<50xf32, #tpu.memory_space<hbm>>
      %dma_start3A_125 = arith.constant 0 : i32
      %dma_start3A_126 = tpu.memref_slice %arg11[%dma_start3A_118, %add3A_117, %dma_start3A_125] : memref<2x128x50xf32, #tpu.memory_space<vmem>> -> memref<1x1x50xf32, #tpu.memory_space<vmem>>
      %dma_start3A_127 = tpu.memref_squeeze %dma_start3A_126 : memref<1x1x50xf32, #tpu.memory_space<vmem>> -> memref<50xf32, #tpu.memory_space<vmem>>
      %dma_start3A_128 = arith.constant 0 : i32
      %dma_start3A_129 = tpu.memref_slice %arg5[%squeeze3A_113, %dma_start3A_128] : memref<100000x50xf32, #tpu.memory_space<hbm>> -> memref<1x50xf32, #tpu.memory_space<hbm>>
      %dma_start3A_130 = tpu.memref_squeeze %dma_start3A_129 : memref<1x50xf32, #tpu.memory_space<hbm>> -> memref<50xf32, #tpu.memory_space<hbm>>
      tpu.enqueue_dma source(%dma_start3A_130 : memref<50xf32, #tpu.memory_space<hbm>>) target(%dma_start3A_127 : memref<50xf32, #tpu.memory_space<vmem>>) target_semaphore(%arg14 : memref<!tpu.dma_semaphore, #tpu.memory_space<semaphore_mem>>)
      %slice3A_131 = vector.extract_strided_slice %get3A_88 {offsets = [1], sizes = [1], strides = [1]} : vector<16xi32> to vector<1xi32>
      %squeeze3A_132 = vector.extract %slice3A_131[0] : i32 from vector<1xi32>
      %mul3A_133 = arith.constant 16 : i32
      %mul3A_134 = arith.muli %scan3A_81, %mul3A_133 : i32
      %add3A_135 = arith.constant 1 : i32
      %add3A_136 = arith.addi %mul3A_134, %add3A_135 : i32
      %dma_start3A_137 = arith.constant 0 : i32
      %dma_start3A_138 = arith.constant 0 : i32
      %dma_start3A_139 = tpu.memref_slice %arg10[%dma_start3A_137, %add3A_136, %dma_start3A_138] : memref<2x128x50xf32, #tpu.memory_space<vmem>> -> memref<1x1x50xf32, #tpu.memory_space<vmem>>
      %dma_start3A_140 = tpu.memref_squeeze %dma_start3A_139 : memref<1x1x50xf32, #tpu.memory_space<vmem>> -> memref<50xf32, #tpu.memory_space<vmem>>
      %dma_start3A_141 = arith.constant 0 : i32
      %dma_start3A_142 = tpu.memref_slice %arg4[%squeeze3A_132, %dma_start3A_141] : memref<100000x50xf32, #tpu.memory_space<hbm>> -> memref<1x50xf32, #tpu.memory_space<hbm>>
      %dma_start3A_143 = tpu.memref_squeeze %dma_start3A_142 : memref<1x50xf32, #tpu.memory_space<hbm>> -> memref<50xf32, #tpu.memory_space<hbm>>
      %dma_start3A_144 = arith.constant 0 : i32
      %dma_start3A_145 = tpu.memref_slice %arg10[%dma_start3A_137, %add3A_136, %dma_start3A_144] : memref<2x128x50xf32, #tpu.memory_space<vmem>> -> memref<1x1x50xf32, #tpu.memory_space<vmem>>
      %dma_start3A_146 = tpu.memref_squeeze %dma_start3A_145 : memref<1x1x50xf32, #tpu.memory_space<vmem>> -> memref<50xf32, #tpu.memory_space<vmem>>
      %dma_start3A_147 = arith.constant 0 : i32
      %dma_start3A_148 = tpu.memref_slice %arg4[%squeeze3A_132, %dma_start3A_147] : memref<100000x50xf32, #tpu.memory_space<hbm>> -> memref<1x50xf32, #tpu.memory_space<hbm>>
      %dma_start3A_149 = tpu.memref_squeeze %dma_start3A_148 : memref<1x50xf32, #tpu.memory_space<hbm>> -> memref<50xf32, #tpu.memory_space<hbm>>
      tpu.enqueue_dma source(%dma_start3A_149 : memref<50xf32, #tpu.memory_space<hbm>>) target(%dma_start3A_146 : memref<50xf32, #tpu.memory_space<vmem>>) target_semaphore(%arg12 : memref<!tpu.dma_semaphore, #tpu.memory_space<semaphore_mem>>)
      %slice3A_150 = vector.extract_strided_slice %get3A_95 {offsets = [1], sizes = [1], strides = [1]} : vector<16xi32> to vector<1xi32>
      %squeeze3A_151 = vector.extract %slice3A_150[0] : i32 from vector<1xi32>
      %mul3A_152 = arith.constant 16 : i32
      %mul3A_153 = arith.muli %scan3A_81, %mul3A_152 : i32
      %add3A_154 = arith.constant 1 : i32
      %add3A_155 = arith.addi %mul3A_153, %add3A_154 : i32
      %dma_start3A_156 = arith.constant 0 : i32
      %dma_start3A_157 = arith.constant 0 : i32
      %dma_start3A_158 = tpu.memref_slice %arg11[%dma_start3A_156, %add3A_155, %dma_start3A_157] : memref<2x128x50xf32, #tpu.memory_space<vmem>> -> memref<1x1x50xf32, #tpu.memory_space<vmem>>
      %dma_start3A_159 = tpu.memref_squeeze %dma_start3A_158 : memref<1x1x50xf32, #tpu.memory_space<vmem>> -> memref<50xf32, #tpu.memory_space<vmem>>
      %dma_start3A_160 = arith.constant 0 : i32
      %dma_start3A_161 = tpu.memref_slice %arg5[%squeeze3A_151, %dma_start3A_160] : memref<100000x50xf32, #tpu.memory_space<hbm>> -> memref<1x50xf32, #tpu.memory_space<hbm>>
      %dma_start3A_162 = tpu.memref_squeeze %dma_start3A_161 : memref<1x50xf32, #tpu.memory_space<hbm>> -> memref<50xf32, #tpu.memory_space<hbm>>
      %dma_start3A_163 = arith.constant 0 : i32
      %dma_start3A_164 = tpu.memref_slice %arg11[%dma_start3A_156, %add3A_155, %dma_start3A_163] : memref<2x128x50xf32, #tpu.memory_space<vmem>> -> memref<1x1x50xf32, #tpu.memory_space<vmem>>
      %dma_start3A_165 = tpu.memref_squeeze %dma_start3A_164 : memref<1x1x50xf32, #tpu.memory_space<vmem>> -> memref<50xf32, #tpu.memory_space<vmem>>
      %dma_start3A_166 = arith.constant 0 : i32
      %dma_start3A_167 = tpu.memref_slice %arg5[%squeeze3A_151, %dma_start3A_166] : memref<100000x50xf32, #tpu.memory_space<hbm>> -> memref<1x50xf32, #tpu.memory_space<hbm>>
      %dma_start3A_168 = tpu.memref_squeeze %dma_start3A_167 : memref<1x50xf32, #tpu.memory_space<hbm>> -> memref<50xf32, #tpu.memory_space<hbm>>
      tpu.enqueue_dma source(%dma_start3A_168 : memref<50xf32, #tpu.memory_space<hbm>>) target(%dma_start3A_165 : memref<50xf32, #tpu.memory_space<vmem>>) target_semaphore(%arg14 : memref<!tpu.dma_semaphore, #tpu.memory_space<semaphore_mem>>)
      %slice3A_169 = vector.extract_strided_slice %get3A_88 {offsets = [2], sizes = [1], strides = [1]} : vector<16xi32> to vector<1xi32>
      %squeeze3A_170 = vector.extract %slice3A_169[0] : i32 from vector<1xi32>
      %mul3A_171 = arith.constant 16 : i32
      %mul3A_172 = arith.muli %scan3A_81, %mul3A_171 : i32
      %add3A_173 = arith.constant 2 : i32
      %add3A_174 = arith.addi %mul3A_172, %add3A_173 : i32
      %dma_start3A_175 = arith.constant 0 : i32
      %dma_start3A_176 = arith.constant 0 : i32
      %dma_start3A_177 = tpu.memref_slice %arg10[%dma_start3A_175, %add3A_174, %dma_start3A_176] : memref<2x128x50xf32, #tpu.memory_space<vmem>> -> memref<1x1x50xf32, #tpu.memory_space<vmem>>
      %dma_start3A_178 = tpu.memref_squeeze %dma_start3A_177 : memref<1x1x50xf32, #tpu.memory_space<vmem>> -> memref<50xf32, #tpu.memory_space<vmem>>
      %dma_start3A_179 = arith.constant 0 : i32
      %dma_start3A_180 = tpu.memref_slice %arg4[%squeeze3A_170, %dma_start3A_179] : memref<100000x50xf32, #tpu.memory_space<hbm>> -> memref<1x50xf32, #tpu.memory_space<hbm>>
      %dma_start3A_181 = tpu.memref_squeeze %dma_start3A_180 : memref<1x50xf32, #tpu.memory_space<hbm>> -> memref<50xf32, #tpu.memory_space<hbm>>
      %dma_start3A_182 = arith.constant 0 : i32
      %dma_start3A_183 = tpu.memref_slice %arg10[%dma_start3A_175, %add3A_174, %dma_start3A_182] : memref<2x128x50xf32, #tpu.memory_space<vmem>> -> memref<1x1x50xf32, #tpu.memory_space<vmem>>
      %dma_start3A_184 = tpu.memref_squeeze %dma_start3A_183 : memref<1x1x50xf32, #tpu.memory_space<vmem>> -> memref<50xf32, #tpu.memory_space<vmem>>
      %dma_start3A_185 = arith.constant 0 : i32
      %dma_start3A_186 = tpu.memref_slice %arg4[%squeeze3A_170, %dma_start3A_185] : memref<100000x50xf32, #tpu.memory_space<hbm>> -> memref<1x50xf32, #tpu.memory_space<hbm>>
      %dma_start3A_187 = tpu.memref_squeeze %dma_start3A_186 : memref<1x50xf32, #tpu.memory_space<hbm>> -> memref<50xf32, #tpu.memory_space<hbm>>
      tpu.enqueue_dma source(%dma_start3A_187 : memref<50xf32, #tpu.memory_space<hbm>>) target(%dma_start3A_184 : memref<50xf32, #tpu.memory_space<vmem>>) target_semaphore(%arg12 : memref<!tpu.dma_semaphore, #tpu.memory_space<semaphore_mem>>)
      %slice3A_188 = vector.extract_strided_slice %get3A_95 {offsets = [2], sizes = [1], strides = [1]} : vector<16xi32> to vector<1xi32>
      %squeeze3A_189 = vector.extract %slice3A_188[0] : i32 from vector<1xi32>
      %mul3A_190 = arith.constant 16 : i32
      %mul3A_191 = arith.muli %scan3A_81, %mul3A_190 : i32
      %add3A_192 = arith.constant 2 : i32
      %add3A_193 = arith.addi %mul3A_191, %add3A_192 : i32
      %dma_start3A_194 = arith.constant 0 : i32
      %dma_start3A_195 = arith.constant 0 : i32
      %dma_start3A_196 = tpu.memref_slice %arg11[%dma_start3A_194, %add3A_193, %dma_start3A_195] : memref<2x128x50xf32, #tpu.memory_space<vmem>> -> memref<1x1x50xf32, #tpu.memory_space<vmem>>
      %dma_start3A_197 = tpu.memref_squeeze %dma_start3A_196 : memref<1x1x50xf32, #tpu.memory_space<vmem>> -> memref<50xf32, #tpu.memory_space<vmem>>
      %dma_start3A_198 = arith.constant 0 : i32
      %dma_start3A_199 = tpu.memref_slice %arg5[%squeeze3A_189, %dma_start3A_198] : memref<100000x50xf32, #tpu.memory_space<hbm>> -> memref<1x50xf32, #tpu.memory_space<hbm>>
      %dma_start3A_200 = tpu.memref_squeeze %dma_start3A_199 : memref<1x50xf32, #tpu.memory_space<hbm>> -> memref<50xf32, #tpu.memory_space<hbm>>
      %dma_start3A_201 = arith.constant 0 : i32
      %dma_start3A_202 = tpu.memref_slice %arg11[%dma_start3A_194, %add3A_193, %dma_start3A_201] : memref<2x128x50xf32, #tpu.memory_space<vmem>> -> memref<1x1x50xf32, #tpu.memory_space<vmem>>
      %dma_start3A_203 = tpu.memref_squeeze %dma_start3A_202 : memref<1x1x50xf32, #tpu.memory_space<vmem>> -> memref<50xf32, #tpu.memory_space<vmem>>
      %dma_start3A_204 = arith.constant 0 : i32
      %dma_start3A_205 = tpu.memref_slice %arg5[%squeeze3A_189, %dma_start3A_204] : memref<100000x50xf32, #tpu.memory_space<hbm>> -> memref<1x50xf32, #tpu.memory_space<hbm>>
      %dma_start3A_206 = tpu.memref_squeeze %dma_start3A_205 : memref<1x50xf32, #tpu.memory_space<hbm>> -> memref<50xf32, #tpu.memory_space<hbm>>
      tpu.enqueue_dma source(%dma_start3A_206 : memref<50xf32, #tpu.memory_space<hbm>>) target(%dma_start3A_203 : memref<50xf32, #tpu.memory_space<vmem>>) target_semaphore(%arg14 : memref<!tpu.dma_semaphore, #tpu.memory_space<semaphore_mem>>)
      %slice3A_207 = vector.extract_strided_slice %get3A_88 {offsets = [3], sizes = [1], strides = [1]} : vector<16xi32> to vector<1xi32>
      %squeeze3A_208 = vector.extract %slice3A_207[0] : i32 from vector<1xi32>
      %mul3A_209 = arith.constant 16 : i32
      %mul3A_210 = arith.muli %scan3A_81, %mul3A_209 : i32
      %add3A_211 = arith.constant 3 : i32
      %add3A_212 = arith.addi %mul3A_210, %add3A_211 : i32
      %dma_start3A_213 = arith.constant 0 : i32
      %dma_start3A_214 = arith.constant 0 : i32
      %dma_start3A_215 = tpu.memref_slice %arg10[%dma_start3A_213, %add3A_212, %dma_start3A_214] : memref<2x128x50xf32, #tpu.memory_space<vmem>> -> memref<1x1x50xf32, #tpu.memory_space<vmem>>
      %dma_start3A_216 = tpu.memref_squeeze %dma_start3A_215 : memref<1x1x50xf32, #tpu.memory_space<vmem>> -> memref<50xf32, #tpu.memory_space<vmem>>
      %dma_start3A_217 = arith.constant 0 : i32
      %dma_start3A_218 = tpu.memref_slice %arg4[%squeeze3A_208, %dma_start3A_217] : memref<100000x50xf32, #tpu.memory_space<hbm>> -> memref<1x50xf32, #tpu.memory_space<hbm>>
      %dma_start3A_219 = tpu.memref_squeeze %dma_start3A_218 : memref<1x50xf32, #tpu.memory_space<hbm>> -> memref<50xf32, #tpu.memory_space<hbm>>
      %dma_start3A_220 = arith.constant 0 : i32
      %dma_start3A_221 = tpu.memref_slice %arg10[%dma_start3A_213, %add3A_212, %dma_start3A_220] : memref<2x128x50xf32, #tpu.memory_space<vmem>> -> memref<1x1x50xf32, #tpu.memory_space<vmem>>
      %dma_start3A_222 = tpu.memref_squeeze %dma_start3A_221 : memref<1x1x50xf32, #tpu.memory_space<vmem>> -> memref<50xf32, #tpu.memory_space<vmem>>
      %dma_start3A_223 = arith.constant 0 : i32
      %dma_start3A_224 = tpu.memref_slice %arg4[%squeeze3A_208, %dma_start3A_223] : memref<100000x50xf32, #tpu.memory_space<hbm>> -> memref<1x50xf32, #tpu.memory_space<hbm>>
      %dma_start3A_225 = tpu.memref_squeeze %dma_start3A_224 : memref<1x50xf32, #tpu.memory_space<hbm>> -> memref<50xf32, #tpu.memory_space<hbm>>
      tpu.enqueue_dma source(%dma_start3A_225 : memref<50xf32, #tpu.memory_space<hbm>>) target(%dma_start3A_222 : memref<50xf32, #tpu.memory_space<vmem>>) target_semaphore(%arg12 : memref<!tpu.dma_semaphore, #tpu.memory_space<semaphore_mem>>)
      %slice3A_226 = vector.extract_strided_slice %get3A_95 {offsets = [3], sizes = [1], strides = [1]} : vector<16xi32> to vector<1xi32>
      %squeeze3A_227 = vector.extract %slice3A_226[0] : i32 from vector<1xi32>
      %mul3A_228 = arith.constant 16 : i32
      %mul3A_229 = arith.muli %scan3A_81, %mul3A_228 : i32
      %add3A_230 = arith.constant 3 : i32
      %add3A_231 = arith.addi %mul3A_229, %add3A_230 : i32
      %dma_start3A_232 = arith.constant 0 : i32
      %dma_start3A_233 = arith.constant 0 : i32
      %dma_start3A_234 = tpu.memref_slice %arg11[%dma_start3A_232, %add3A_231, %dma_start3A_233] : memref<2x128x50xf32, #tpu.memory_space<vmem>> -> memref<1x1x50xf32, #tpu.memory_space<vmem>>
      %dma_start3A_235 = tpu.memref_squeeze %dma_start3A_234 : memref<1x1x50xf32, #tpu.memory_space<vmem>> -> memref<50xf32, #tpu.memory_space<vmem>>
      %dma_start3A_236 = arith.constant 0 : i32
      %dma_start3A_237 = tpu.memref_slice %arg5[%squeeze3A_227, %dma_start3A_236] : memref<100000x50xf32, #tpu.memory_space<hbm>> -> memref<1x50xf32, #tpu.memory_space<hbm>>
      %dma_start3A_238 = tpu.memref_squeeze %dma_start3A_237 : memref<1x50xf32, #tpu.memory_space<hbm>> -> memref<50xf32, #tpu.memory_space<hbm>>
      %dma_start3A_239 = arith.constant 0 : i32
      %dma_start3A_240 = tpu.memref_slice %arg11[%dma_start3A_232, %add3A_231, %dma_start3A_239] : memref<2x128x50xf32, #tpu.memory_space<vmem>> -> memref<1x1x50xf32, #tpu.memory_space<vmem>>
      %dma_start3A_241 = tpu.memref_squeeze %dma_start3A_240 : memref<1x1x50xf32, #tpu.memory_space<vmem>> -> memref<50xf32, #tpu.memory_space<vmem>>
      %dma_start3A_242 = arith.constant 0 : i32
      %dma_start3A_243 = tpu.memref_slice %arg5[%squeeze3A_227, %dma_start3A_242] : memref<100000x50xf32, #tpu.memory_space<hbm>> -> memref<1x50xf32, #tpu.memory_space<hbm>>
      %dma_start3A_244 = tpu.memref_squeeze %dma_start3A_243 : memref<1x50xf32, #tpu.memory_space<hbm>> -> memref<50xf32, #tpu.memory_space<hbm>>
      tpu.enqueue_dma source(%dma_start3A_244 : memref<50xf32, #tpu.memory_space<hbm>>) target(%dma_start3A_241 : memref<50xf32, #tpu.memory_space<vmem>>) target_semaphore(%arg14 : memref<!tpu.dma_semaphore, #tpu.memory_space<semaphore_mem>>)
      %slice3A_245 = vector.extract_strided_slice %get3A_88 {offsets = [4], sizes = [1], strides = [1]} : vector<16xi32> to vector<1xi32>
      %squeeze3A_246 = vector.extract %slice3A_245[0] : i32 from vector<1xi32>
      %mul3A_247 = arith.constant 16 : i32
      %mul3A_248 = arith.muli %scan3A_81, %mul3A_247 : i32
      %add3A_249 = arith.constant 4 : i32
      %add3A_250 = arith.addi %mul3A_248, %add3A_249 : i32
      %dma_start3A_251 = arith.constant 0 : i32
      %dma_start3A_252 = arith.constant 0 : i32
      %dma_start3A_253 = tpu.memref_slice %arg10[%dma_start3A_251, %add3A_250, %dma_start3A_252] : memref<2x128x50xf32, #tpu.memory_space<vmem>> -> memref<1x1x50xf32, #tpu.memory_space<vmem>>
      %dma_start3A_254 = tpu.memref_squeeze %dma_start3A_253 : memref<1x1x50xf32, #tpu.memory_space<vmem>> -> memref<50xf32, #tpu.memory_space<vmem>>
      %dma_start3A_255 = arith.constant 0 : i32
      %dma_start3A_256 = tpu.memref_slice %arg4[%squeeze3A_246, %dma_start3A_255] : memref<100000x50xf32, #tpu.memory_space<hbm>> -> memref<1x50xf32, #tpu.memory_space<hbm>>
      %dma_start3A_257 = tpu.memref_squeeze %dma_start3A_256 : memref<1x50xf32, #tpu.memory_space<hbm>> -> memref<50xf32, #tpu.memory_space<hbm>>
      %dma_start3A_258 = arith.constant 0 : i32
      %dma_start3A_259 = tpu.memref_slice %arg10[%dma_start3A_251, %add3A_250, %dma_start3A_258] : memref<2x128x50xf32, #tpu.memory_space<vmem>> -> memref<1x1x50xf32, #tpu.memory_space<vmem>>
      %dma_start3A_260 = tpu.memref_squeeze %dma_start3A_259 : memref<1x1x50xf32, #tpu.memory_space<vmem>> -> memref<50xf32, #tpu.memory_space<vmem>>
      %dma_start3A_261 = arith.constant 0 : i32
      %dma_start3A_262 = tpu.memref_slice %arg4[%squeeze3A_246, %dma_start3A_261] : memref<100000x50xf32, #tpu.memory_space<hbm>> -> memref<1x50xf32, #tpu.memory_space<hbm>>
      %dma_start3A_263 = tpu.memref_squeeze %dma_start3A_262 : memref<1x50xf32, #tpu.memory_space<hbm>> -> memref<50xf32, #tpu.memory_space<hbm>>
      tpu.enqueue_dma source(%dma_start3A_263 : memref<50xf32, #tpu.memory_space<hbm>>) target(%dma_start3A_260 : memref<50xf32, #tpu.memory_space<vmem>>) target_semaphore(%arg12 : memref<!tpu.dma_semaphore, #tpu.memory_space<semaphore_mem>>)
      %slice3A_264 = vector.extract_strided_slice %get3A_95 {offsets = [4], sizes = [1], strides = [1]} : vector<16xi32> to vector<1xi32>
      %squeeze3A_265 = vector.extract %slice3A_264[0] : i32 from vector<1xi32>
      %mul3A_266 = arith.constant 16 : i32
      %mul3A_267 = arith.muli %scan3A_81, %mul3A_266 : i32
      %add3A_268 = arith.constant 4 : i32
      %add3A_269 = arith.addi %mul3A_267, %add3A_268 : i32
      %dma_start3A_270 = arith.constant 0 : i32
      %dma_start3A_271 = arith.constant 0 : i32
      %dma_start3A_272 = tpu.memref_slice %arg11[%dma_start3A_270, %add3A_269, %dma_start3A_271] : memref<2x128x50xf32, #tpu.memory_space<vmem>> -> memref<1x1x50xf32, #tpu.memory_space<vmem>>
      %dma_start3A_273 = tpu.memref_squeeze %dma_start3A_272 : memref<1x1x50xf32, #tpu.memory_space<vmem>> -> memref<50xf32, #tpu.memory_space<vmem>>
      %dma_start3A_274 = arith.constant 0 : i32
      %dma_start3A_275 = tpu.memref_slice %arg5[%squeeze3A_265, %dma_start3A_274] : memref<100000x50xf32, #tpu.memory_space<hbm>> -> memref<1x50xf32, #tpu.memory_space<hbm>>
      %dma_start3A_276 = tpu.memref_squeeze %dma_start3A_275 : memref<1x50xf32, #tpu.memory_space<hbm>> -> memref<50xf32, #tpu.memory_space<hbm>>
      %dma_start3A_277 = arith.constant 0 : i32
      %dma_start3A_278 = tpu.memref_slice %arg11[%dma_start3A_270, %add3A_269, %dma_start3A_277] : memref<2x128x50xf32, #tpu.memory_space<vmem>> -> memref<1x1x50xf32, #tpu.memory_space<vmem>>
      %dma_start3A_279 = tpu.memref_squeeze %dma_start3A_278 : memref<1x1x50xf32, #tpu.memory_space<vmem>> -> memref<50xf32, #tpu.memory_space<vmem>>
      %dma_start3A_280 = arith.constant 0 : i32
      %dma_start3A_281 = tpu.memref_slice %arg5[%squeeze3A_265, %dma_start3A_280] : memref<100000x50xf32, #tpu.memory_space<hbm>> -> memref<1x50xf32, #tpu.memory_space<hbm>>
      %dma_start3A_282 = tpu.memref_squeeze %dma_start3A_281 : memref<1x50xf32, #tpu.memory_space<hbm>> -> memref<50xf32, #tpu.memory_space<hbm>>
      tpu.enqueue_dma source(%dma_start3A_282 : memref<50xf32, #tpu.memory_space<hbm>>) target(%dma_start3A_279 : memref<50xf32, #tpu.memory_space<vmem>>) target_semaphore(%arg14 : memref<!tpu.dma_semaphore, #tpu.memory_space<semaphore_mem>>)
      %slice3A_283 = vector.extract_strided_slice %get3A_88 {offsets = [5], sizes = [1], strides = [1]} : vector<16xi32> to vector<1xi32>
      %squeeze3A_284 = vector.extract %slice3A_283[0] : i32 from vector<1xi32>
      %mul3A_285 = arith.constant 16 : i32
      %mul3A_286 = arith.muli %scan3A_81, %mul3A_285 : i32
      %add3A_287 = arith.constant 5 : i32
      %add3A_288 = arith.addi %mul3A_286, %add3A_287 : i32
      %dma_start3A_289 = arith.constant 0 : i32
      %dma_start3A_290 = arith.constant 0 : i32
      %dma_start3A_291 = tpu.memref_slice %arg10[%dma_start3A_289, %add3A_288, %dma_start3A_290] : memref<2x128x50xf32, #tpu.memory_space<vmem>> -> memref<1x1x50xf32, #tpu.memory_space<vmem>>
      %dma_start3A_292 = tpu.memref_squeeze %dma_start3A_291 : memref<1x1x50xf32, #tpu.memory_space<vmem>> -> memref<50xf32, #tpu.memory_space<vmem>>
      %dma_start3A_293 = arith.constant 0 : i32
      %dma_start3A_294 = tpu.memref_slice %arg4[%squeeze3A_284, %dma_start3A_293] : memref<100000x50xf32, #tpu.memory_space<hbm>> -> memref<1x50xf32, #tpu.memory_space<hbm>>
      %dma_start3A_295 = tpu.memref_squeeze %dma_start3A_294 : memref<1x50xf32, #tpu.memory_space<hbm>> -> memref<50xf32, #tpu.memory_space<hbm>>
      %dma_start3A_296 = arith.constant 0 : i32
      %dma_start3A_297 = tpu.memref_slice %arg10[%dma_start3A_289, %add3A_288, %dma_start3A_296] : memref<2x128x50xf32, #tpu.memory_space<vmem>> -> memref<1x1x50xf32, #tpu.memory_space<vmem>>
      %dma_start3A_298 = tpu.memref_squeeze %dma_start3A_297 : memref<1x1x50xf32, #tpu.memory_space<vmem>> -> memref<50xf32, #tpu.memory_space<vmem>>
      %dma_start3A_299 = arith.constant 0 : i32
      %dma_start3A_300 = tpu.memref_slice %arg4[%squeeze3A_284, %dma_start3A_299] : memref<100000x50xf32, #tpu.memory_space<hbm>> -> memref<1x50xf32, #tpu.memory_space<hbm>>
      %dma_start3A_301 = tpu.memref_squeeze %dma_start3A_300 : memref<1x50xf32, #tpu.memory_space<hbm>> -> memref<50xf32, #tpu.memory_space<hbm>>
      tpu.enqueue_dma source(%dma_start3A_301 : memref<50xf32, #tpu.memory_space<hbm>>) target(%dma_start3A_298 : memref<50xf32, #tpu.memory_space<vmem>>) target_semaphore(%arg12 : memref<!tpu.dma_semaphore, #tpu.memory_space<semaphore_mem>>)
      %slice3A_302 = vector.extract_strided_slice %get3A_95 {offsets = [5], sizes = [1], strides = [1]} : vector<16xi32> to vector<1xi32>
      %squeeze3A_303 = vector.extract %slice3A_302[0] : i32 from vector<1xi32>
      %mul3A_304 = arith.constant 16 : i32
      %mul3A_305 = arith.muli %scan3A_81, %mul3A_304 : i32
      %add3A_306 = arith.constant 5 : i32
      %add3A_307 = arith.addi %mul3A_305, %add3A_306 : i32
      %dma_start3A_308 = arith.constant 0 : i32
      %dma_start3A_309 = arith.constant 0 : i32
      %dma_start3A_310 = tpu.memref_slice %arg11[%dma_start3A_308, %add3A_307, %dma_start3A_309] : memref<2x128x50xf32, #tpu.memory_space<vmem>> -> memref<1x1x50xf32, #tpu.memory_space<vmem>>
      %dma_start3A_311 = tpu.memref_squeeze %dma_start3A_310 : memref<1x1x50xf32, #tpu.memory_space<vmem>> -> memref<50xf32, #tpu.memory_space<vmem>>
      %dma_start3A_312 = arith.constant 0 : i32
      %dma_start3A_313 = tpu.memref_slice %arg5[%squeeze3A_303, %dma_start3A_312] : memref<100000x50xf32, #tpu.memory_space<hbm>> -> memref<1x50xf32, #tpu.memory_space<hbm>>
      %dma_start3A_314 = tpu.memref_squeeze %dma_start3A_313 : memref<1x50xf32, #tpu.memory_space<hbm>> -> memref<50xf32, #tpu.memory_space<hbm>>
      %dma_start3A_315 = arith.constant 0 : i32
      %dma_start3A_316 = tpu.memref_slice %arg11[%dma_start3A_308, %add3A_307, %dma_start3A_315] : memref<2x128x50xf32, #tpu.memory_space<vmem>> -> memref<1x1x50xf32, #tpu.memory_space<vmem>>
      %dma_start3A_317 = tpu.memref_squeeze %dma_start3A_316 : memref<1x1x50xf32, #tpu.memory_space<vmem>> -> memref<50xf32, #tpu.memory_space<vmem>>
      %dma_start3A_318 = arith.constant 0 : i32
      %dma_start3A_319 = tpu.memref_slice %arg5[%squeeze3A_303, %dma_start3A_318] : memref<100000x50xf32, #tpu.memory_space<hbm>> -> memref<1x50xf32, #tpu.memory_space<hbm>>
      %dma_start3A_320 = tpu.memref_squeeze %dma_start3A_319 : memref<1x50xf32, #tpu.memory_space<hbm>> -> memref<50xf32, #tpu.memory_space<hbm>>
      tpu.enqueue_dma source(%dma_start3A_320 : memref<50xf32, #tpu.memory_space<hbm>>) target(%dma_start3A_317 : memref<50xf32, #tpu.memory_space<vmem>>) target_semaphore(%arg14 : memref<!tpu.dma_semaphore, #tpu.memory_space<semaphore_mem>>)
      %slice3A_321 = vector.extract_strided_slice %get3A_88 {offsets = [6], sizes = [1], strides = [1]} : vector<16xi32> to vector<1xi32>
      %squeeze3A_322 = vector.extract %slice3A_321[0] : i32 from vector<1xi32>
      %mul3A_323 = arith.constant 16 : i32
      %mul3A_324 = arith.muli %scan3A_81, %mul3A_323 : i32
      %add3A_325 = arith.constant 6 : i32
      %add3A_326 = arith.addi %mul3A_324, %add3A_325 : i32
      %dma_start3A_327 = arith.constant 0 : i32
      %dma_start3A_328 = arith.constant 0 : i32
      %dma_start3A_329 = tpu.memref_slice %arg10[%dma_start3A_327, %add3A_326, %dma_start3A_328] : memref<2x128x50xf32, #tpu.memory_space<vmem>> -> memref<1x1x50xf32, #tpu.memory_space<vmem>>
      %dma_start3A_330 = tpu.memref_squeeze %dma_start3A_329 : memref<1x1x50xf32, #tpu.memory_space<vmem>> -> memref<50xf32, #tpu.memory_space<vmem>>
      %dma_start3A_331 = arith.constant 0 : i32
      %dma_start3A_332 = tpu.memref_slice %arg4[%squeeze3A_322, %dma_start3A_331] : memref<100000x50xf32, #tpu.memory_space<hbm>> -> memref<1x50xf32, #tpu.memory_space<hbm>>
      %dma_start3A_333 = tpu.memref_squeeze %dma_start3A_332 : memref<1x50xf32, #tpu.memory_space<hbm>> -> memref<50xf32, #tpu.memory_space<hbm>>
      %dma_start3A_334 = arith.constant 0 : i32
      %dma_start3A_335 = tpu.memref_slice %arg10[%dma_start3A_327, %add3A_326, %dma_start3A_334] : memref<2x128x50xf32, #tpu.memory_space<vmem>> -> memref<1x1x50xf32, #tpu.memory_space<vmem>>
      %dma_start3A_336 = tpu.memref_squeeze %dma_start3A_335 : memref<1x1x50xf32, #tpu.memory_space<vmem>> -> memref<50xf32, #tpu.memory_space<vmem>>
      %dma_start3A_337 = arith.constant 0 : i32
      %dma_start3A_338 = tpu.memref_slice %arg4[%squeeze3A_322, %dma_start3A_337] : memref<100000x50xf32, #tpu.memory_space<hbm>> -> memref<1x50xf32, #tpu.memory_space<hbm>>
      %dma_start3A_339 = tpu.memref_squeeze %dma_start3A_338 : memref<1x50xf32, #tpu.memory_space<hbm>> -> memref<50xf32, #tpu.memory_space<hbm>>
      tpu.enqueue_dma source(%dma_start3A_339 : memref<50xf32, #tpu.memory_space<hbm>>) target(%dma_start3A_336 : memref<50xf32, #tpu.memory_space<vmem>>) target_semaphore(%arg12 : memref<!tpu.dma_semaphore, #tpu.memory_space<semaphore_mem>>)
      %slice3A_340 = vector.extract_strided_slice %get3A_95 {offsets = [6], sizes = [1], strides = [1]} : vector<16xi32> to vector<1xi32>
      %squeeze3A_341 = vector.extract %slice3A_340[0] : i32 from vector<1xi32>
      %mul3A_342 = arith.constant 16 : i32
      %mul3A_343 = arith.muli %scan3A_81, %mul3A_342 : i32
      %add3A_344 = arith.constant 6 : i32
      %add3A_345 = arith.addi %mul3A_343, %add3A_344 : i32
      %dma_start3A_346 = arith.constant 0 : i32
      %dma_start3A_347 = arith.constant 0 : i32
      %dma_start3A_348 = tpu.memref_slice %arg11[%dma_start3A_346, %add3A_345, %dma_start3A_347] : memref<2x128x50xf32, #tpu.memory_space<vmem>> -> memref<1x1x50xf32, #tpu.memory_space<vmem>>
      %dma_start3A_349 = tpu.memref_squeeze %dma_start3A_348 : memref<1x1x50xf32, #tpu.memory_space<vmem>> -> memref<50xf32, #tpu.memory_space<vmem>>
      %dma_start3A_350 = arith.constant 0 : i32
      %dma_start3A_351 = tpu.memref_slice %arg5[%squeeze3A_341, %dma_start3A_350] : memref<100000x50xf32, #tpu.memory_space<hbm>> -> memref<1x50xf32, #tpu.memory_space<hbm>>
      %dma_start3A_352 = tpu.memref_squeeze %dma_start3A_351 : memref<1x50xf32, #tpu.memory_space<hbm>> -> memref<50xf32, #tpu.memory_space<hbm>>
      %dma_start3A_353 = arith.constant 0 : i32
      %dma_start3A_354 = tpu.memref_slice %arg11[%dma_start3A_346, %add3A_345, %dma_start3A_353] : memref<2x128x50xf32, #tpu.memory_space<vmem>> -> memref<1x1x50xf32, #tpu.memory_space<vmem>>
      %dma_start3A_355 = tpu.memref_squeeze %dma_start3A_354 : memref<1x1x50xf32, #tpu.memory_space<vmem>> -> memref<50xf32, #tpu.memory_space<vmem>>
      %dma_start3A_356 = arith.constant 0 : i32
      %dma_start3A_357 = tpu.memref_slice %arg5[%squeeze3A_341, %dma_start3A_356] : memref<100000x50xf32, #tpu.memory_space<hbm>> -> memref<1x50xf32, #tpu.memory_space<hbm>>
      %dma_start3A_358 = tpu.memref_squeeze %dma_start3A_357 : memref<1x50xf32, #tpu.memory_space<hbm>> -> memref<50xf32, #tpu.memory_space<hbm>>
      tpu.enqueue_dma source(%dma_start3A_358 : memref<50xf32, #tpu.memory_space<hbm>>) target(%dma_start3A_355 : memref<50xf32, #tpu.memory_space<vmem>>) target_semaphore(%arg14 : memref<!tpu.dma_semaphore, #tpu.memory_space<semaphore_mem>>)
      %slice3A_359 = vector.extract_strided_slice %get3A_88 {offsets = [7], sizes = [1], strides = [1]} : vector<16xi32> to vector<1xi32>
      %squeeze3A_360 = vector.extract %slice3A_359[0] : i32 from vector<1xi32>
      %mul3A_361 = arith.constant 16 : i32
      %mul3A_362 = arith.muli %scan3A_81, %mul3A_361 : i32
      %add3A_363 = arith.constant 7 : i32
      %add3A_364 = arith.addi %mul3A_362, %add3A_363 : i32
      %dma_start3A_365 = arith.constant 0 : i32
      %dma_start3A_366 = arith.constant 0 : i32
      %dma_start3A_367 = tpu.memref_slice %arg10[%dma_start3A_365, %add3A_364, %dma_start3A_366] : memref<2x128x50xf32, #tpu.memory_space<vmem>> -> memref<1x1x50xf32, #tpu.memory_space<vmem>>
      %dma_start3A_368 = tpu.memref_squeeze %dma_start3A_367 : memref<1x1x50xf32, #tpu.memory_space<vmem>> -> memref<50xf32, #tpu.memory_space<vmem>>
      %dma_start3A_369 = arith.constant 0 : i32
      %dma_start3A_370 = tpu.memref_slice %arg4[%squeeze3A_360, %dma_start3A_369] : memref<100000x50xf32, #tpu.memory_space<hbm>> -> memref<1x50xf32, #tpu.memory_space<hbm>>
      %dma_start3A_371 = tpu.memref_squeeze %dma_start3A_370 : memref<1x50xf32, #tpu.memory_space<hbm>> -> memref<50xf32, #tpu.memory_space<hbm>>
      %dma_start3A_372 = arith.constant 0 : i32
      %dma_start3A_373 = tpu.memref_slice %arg10[%dma_start3A_365, %add3A_364, %dma_start3A_372] : memref<2x128x50xf32, #tpu.memory_space<vmem>> -> memref<1x1x50xf32, #tpu.memory_space<vmem>>
      %dma_start3A_374 = tpu.memref_squeeze %dma_start3A_373 : memref<1x1x50xf32, #tpu.memory_space<vmem>> -> memref<50xf32, #tpu.memory_space<vmem>>
      %dma_start3A_375 = arith.constant 0 : i32
      %dma_start3A_376 = tpu.memref_slice %arg4[%squeeze3A_360, %dma_start3A_375] : memref<100000x50xf32, #tpu.memory_space<hbm>> -> memref<1x50xf32, #tpu.memory_space<hbm>>
      %dma_start3A_377 = tpu.memref_squeeze %dma_start3A_376 : memref<1x50xf32, #tpu.memory_space<hbm>> -> memref<50xf32, #tpu.memory_space<hbm>>
      tpu.enqueue_dma source(%dma_start3A_377 : memref<50xf32, #tpu.memory_space<hbm>>) target(%dma_start3A_374 : memref<50xf32, #tpu.memory_space<vmem>>) target_semaphore(%arg12 : memref<!tpu.dma_semaphore, #tpu.memory_space<semaphore_mem>>)
      %slice3A_378 = vector.extract_strided_slice %get3A_95 {offsets = [7], sizes = [1], strides = [1]} : vector<16xi32> to vector<1xi32>
      %squeeze3A_379 = vector.extract %slice3A_378[0] : i32 from vector<1xi32>
      %mul3A_380 = arith.constant 16 : i32
      %mul3A_381 = arith.muli %scan3A_81, %mul3A_380 : i32
      %add3A_382 = arith.constant 7 : i32
      %add3A_383 = arith.addi %mul3A_381, %add3A_382 : i32
      %dma_start3A_384 = arith.constant 0 : i32
      %dma_start3A_385 = arith.constant 0 : i32
      %dma_start3A_386 = tpu.memref_slice %arg11[%dma_start3A_384, %add3A_383, %dma_start3A_385] : memref<2x128x50xf32, #tpu.memory_space<vmem>> -> memref<1x1x50xf32, #tpu.memory_space<vmem>>
      %dma_start3A_387 = tpu.memref_squeeze %dma_start3A_386 : memref<1x1x50xf32, #tpu.memory_space<vmem>> -> memref<50xf32, #tpu.memory_space<vmem>>
      %dma_start3A_388 = arith.constant 0 : i32
      %dma_start3A_389 = tpu.memref_slice %arg5[%squeeze3A_379, %dma_start3A_388] : memref<100000x50xf32, #tpu.memory_space<hbm>> -> memref<1x50xf32, #tpu.memory_space<hbm>>
      %dma_start3A_390 = tpu.memref_squeeze %dma_start3A_389 : memref<1x50xf32, #tpu.memory_space<hbm>> -> memref<50xf32, #tpu.memory_space<hbm>>
      %dma_start3A_391 = arith.constant 0 : i32
      %dma_start3A_392 = tpu.memref_slice %arg11[%dma_start3A_384, %add3A_383, %dma_start3A_391] : memref<2x128x50xf32, #tpu.memory_space<vmem>> -> memref<1x1x50xf32, #tpu.memory_space<vmem>>
      %dma_start3A_393 = tpu.memref_squeeze %dma_start3A_392 : memref<1x1x50xf32, #tpu.memory_space<vmem>> -> memref<50xf32, #tpu.memory_space<vmem>>
      %dma_start3A_394 = arith.constant 0 : i32
      %dma_start3A_395 = tpu.memref_slice %arg5[%squeeze3A_379, %dma_start3A_394] : memref<100000x50xf32, #tpu.memory_space<hbm>> -> memref<1x50xf32, #tpu.memory_space<hbm>>
      %dma_start3A_396 = tpu.memref_squeeze %dma_start3A_395 : memref<1x50xf32, #tpu.memory_space<hbm>> -> memref<50xf32, #tpu.memory_space<hbm>>
      tpu.enqueue_dma source(%dma_start3A_396 : memref<50xf32, #tpu.memory_space<hbm>>) target(%dma_start3A_393 : memref<50xf32, #tpu.memory_space<vmem>>) target_semaphore(%arg14 : memref<!tpu.dma_semaphore, #tpu.memory_space<semaphore_mem>>)
      %slice3A_397 = vector.extract_strided_slice %get3A_88 {offsets = [8], sizes = [1], strides = [1]} : vector<16xi32> to vector<1xi32>
      %squeeze3A_398 = vector.extract %slice3A_397[0] : i32 from vector<1xi32>
      %mul3A_399 = arith.constant 16 : i32
      %mul3A_400 = arith.muli %scan3A_81, %mul3A_399 : i32
      %add3A_401 = arith.constant 8 : i32
      %add3A_402 = arith.addi %mul3A_400, %add3A_401 : i32
      %dma_start3A_403 = arith.constant 0 : i32
      %dma_start3A_404 = arith.constant 0 : i32
      %dma_start3A_405 = tpu.memref_slice %arg10[%dma_start3A_403, %add3A_402, %dma_start3A_404] : memref<2x128x50xf32, #tpu.memory_space<vmem>> -> memref<1x1x50xf32, #tpu.memory_space<vmem>>
      %dma_start3A_406 = tpu.memref_squeeze %dma_start3A_405 : memref<1x1x50xf32, #tpu.memory_space<vmem>> -> memref<50xf32, #tpu.memory_space<vmem>>
      %dma_start3A_407 = arith.constant 0 : i32
      %dma_start3A_408 = tpu.memref_slice %arg4[%squeeze3A_398, %dma_start3A_407] : memref<100000x50xf32, #tpu.memory_space<hbm>> -> memref<1x50xf32, #tpu.memory_space<hbm>>
      %dma_start3A_409 = tpu.memref_squeeze %dma_start3A_408 : memref<1x50xf32, #tpu.memory_space<hbm>> -> memref<50xf32, #tpu.memory_space<hbm>>
      %dma_start3A_410 = arith.constant 0 : i32
      %dma_start3A_411 = tpu.memref_slice %arg10[%dma_start3A_403, %add3A_402, %dma_start3A_410] : memref<2x128x50xf32, #tpu.memory_space<vmem>> -> memref<1x1x50xf32, #tpu.memory_space<vmem>>
      %dma_start3A_412 = tpu.memref_squeeze %dma_start3A_411 : memref<1x1x50xf32, #tpu.memory_space<vmem>> -> memref<50xf32, #tpu.memory_space<vmem>>
      %dma_start3A_413 = arith.constant 0 : i32
      %dma_start3A_414 = tpu.memref_slice %arg4[%squeeze3A_398, %dma_start3A_413] : memref<100000x50xf32, #tpu.memory_space<hbm>> -> memref<1x50xf32, #tpu.memory_space<hbm>>
      %dma_start3A_415 = tpu.memref_squeeze %dma_start3A_414 : memref<1x50xf32, #tpu.memory_space<hbm>> -> memref<50xf32, #tpu.memory_space<hbm>>
      tpu.enqueue_dma source(%dma_start3A_415 : memref<50xf32, #tpu.memory_space<hbm>>) target(%dma_start3A_412 : memref<50xf32, #tpu.memory_space<vmem>>) target_semaphore(%arg12 : memref<!tpu.dma_semaphore, #tpu.memory_space<semaphore_mem>>)
      %slice3A_416 = vector.extract_strided_slice %get3A_95 {offsets = [8], sizes = [1], strides = [1]} : vector<16xi32> to vector<1xi32>
      %squeeze3A_417 = vector.extract %slice3A_416[0] : i32 from vector<1xi32>
      %mul3A_418 = arith.constant 16 : i32
      %mul3A_419 = arith.muli %scan3A_81, %mul3A_418 : i32
      %add3A_420 = arith.constant 8 : i32
      %add3A_421 = arith.addi %mul3A_419, %add3A_420 : i32
      %dma_start3A_422 = arith.constant 0 : i32
      %dma_start3A_423 = arith.constant 0 : i32
      %dma_start3A_424 = tpu.memref_slice %arg11[%dma_start3A_422, %add3A_421, %dma_start3A_423] : memref<2x128x50xf32, #tpu.memory_space<vmem>> -> memref<1x1x50xf32, #tpu.memory_space<vmem>>
      %dma_start3A_425 = tpu.memref_squeeze %dma_start3A_424 : memref<1x1x50xf32, #tpu.memory_space<vmem>> -> memref<50xf32, #tpu.memory_space<vmem>>
      %dma_start3A_426 = arith.constant 0 : i32
      %dma_start3A_427 = tpu.memref_slice %arg5[%squeeze3A_417, %dma_start3A_426] : memref<100000x50xf32, #tpu.memory_space<hbm>> -> memref<1x50xf32, #tpu.memory_space<hbm>>
      %dma_start3A_428 = tpu.memref_squeeze %dma_start3A_427 : memref<1x50xf32, #tpu.memory_space<hbm>> -> memref<50xf32, #tpu.memory_space<hbm>>
      %dma_start3A_429 = arith.constant 0 : i32
      %dma_start3A_430 = tpu.memref_slice %arg11[%dma_start3A_422, %add3A_421, %dma_start3A_429] : memref<2x128x50xf32, #tpu.memory_space<vmem>> -> memref<1x1x50xf32, #tpu.memory_space<vmem>>
      %dma_start3A_431 = tpu.memref_squeeze %dma_start3A_430 : memref<1x1x50xf32, #tpu.memory_space<vmem>> -> memref<50xf32, #tpu.memory_space<vmem>>
      %dma_start3A_432 = arith.constant 0 : i32
      %dma_start3A_433 = tpu.memref_slice %arg5[%squeeze3A_417, %dma_start3A_432] : memref<100000x50xf32, #tpu.memory_space<hbm>> -> memref<1x50xf32, #tpu.memory_space<hbm>>
      %dma_start3A_434 = tpu.memref_squeeze %dma_start3A_433 : memref<1x50xf32, #tpu.memory_space<hbm>> -> memref<50xf32, #tpu.memory_space<hbm>>
      tpu.enqueue_dma source(%dma_start3A_434 : memref<50xf32, #tpu.memory_space<hbm>>) target(%dma_start3A_431 : memref<50xf32, #tpu.memory_space<vmem>>) target_semaphore(%arg14 : memref<!tpu.dma_semaphore, #tpu.memory_space<semaphore_mem>>)
      %slice3A_435 = vector.extract_strided_slice %get3A_88 {offsets = [9], sizes = [1], strides = [1]} : vector<16xi32> to vector<1xi32>
      %squeeze3A_436 = vector.extract %slice3A_435[0] : i32 from vector<1xi32>
      %mul3A_437 = arith.constant 16 : i32
      %mul3A_438 = arith.muli %scan3A_81, %mul3A_437 : i32
      %add3A_439 = arith.constant 9 : i32
      %add3A_440 = arith.addi %mul3A_438, %add3A_439 : i32
      %dma_start3A_441 = arith.constant 0 : i32
      %dma_start3A_442 = arith.constant 0 : i32
      %dma_start3A_443 = tpu.memref_slice %arg10[%dma_start3A_441, %add3A_440, %dma_start3A_442] : memref<2x128x50xf32, #tpu.memory_space<vmem>> -> memref<1x1x50xf32, #tpu.memory_space<vmem>>
      %dma_start3A_444 = tpu.memref_squeeze %dma_start3A_443 : memref<1x1x50xf32, #tpu.memory_space<vmem>> -> memref<50xf32, #tpu.memory_space<vmem>>
      %dma_start3A_445 = arith.constant 0 : i32
      %dma_start3A_446 = tpu.memref_slice %arg4[%squeeze3A_436, %dma_start3A_445] : memref<100000x50xf32, #tpu.memory_space<hbm>> -> memref<1x50xf32, #tpu.memory_space<hbm>>
      %dma_start3A_447 = tpu.memref_squeeze %dma_start3A_446 : memref<1x50xf32, #tpu.memory_space<hbm>> -> memref<50xf32, #tpu.memory_space<hbm>>
      %dma_start3A_448 = arith.constant 0 : i32
      %dma_start3A_449 = tpu.memref_slice %arg10[%dma_start3A_441, %add3A_440, %dma_start3A_448] : memref<2x128x50xf32, #tpu.memory_space<vmem>> -> memref<1x1x50xf32, #tpu.memory_space<vmem>>
      %dma_start3A_450 = tpu.memref_squeeze %dma_start3A_449 : memref<1x1x50xf32, #tpu.memory_space<vmem>> -> memref<50xf32, #tpu.memory_space<vmem>>
      %dma_start3A_451 = arith.constant 0 : i32
      %dma_start3A_452 = tpu.memref_slice %arg4[%squeeze3A_436, %dma_start3A_451] : memref<100000x50xf32, #tpu.memory_space<hbm>> -> memref<1x50xf32, #tpu.memory_space<hbm>>
      %dma_start3A_453 = tpu.memref_squeeze %dma_start3A_452 : memref<1x50xf32, #tpu.memory_space<hbm>> -> memref<50xf32, #tpu.memory_space<hbm>>
      tpu.enqueue_dma source(%dma_start3A_453 : memref<50xf32, #tpu.memory_space<hbm>>) target(%dma_start3A_450 : memref<50xf32, #tpu.memory_space<vmem>>) target_semaphore(%arg12 : memref<!tpu.dma_semaphore, #tpu.memory_space<semaphore_mem>>)
      %slice3A_454 = vector.extract_strided_slice %get3A_95 {offsets = [9], sizes = [1], strides = [1]} : vector<16xi32> to vector<1xi32>
      %squeeze3A_455 = vector.extract %slice3A_454[0] : i32 from vector<1xi32>
      %mul3A_456 = arith.constant 16 : i32
      %mul3A_457 = arith.muli %scan3A_81, %mul3A_456 : i32
      %add3A_458 = arith.constant 9 : i32
      %add3A_459 = arith.addi %mul3A_457, %add3A_458 : i32
      %dma_start3A_460 = arith.constant 0 : i32
      %dma_start3A_461 = arith.constant 0 : i32
      %dma_start3A_462 = tpu.memref_slice %arg11[%dma_start3A_460, %add3A_459, %dma_start3A_461] : memref<2x128x50xf32, #tpu.memory_space<vmem>> -> memref<1x1x50xf32, #tpu.memory_space<vmem>>
      %dma_start3A_463 = tpu.memref_squeeze %dma_start3A_462 : memref<1x1x50xf32, #tpu.memory_space<vmem>> -> memref<50xf32, #tpu.memory_space<vmem>>
      %dma_start3A_464 = arith.constant 0 : i32
      %dma_start3A_465 = tpu.memref_slice %arg5[%squeeze3A_455, %dma_start3A_464] : memref<100000x50xf32, #tpu.memory_space<hbm>> -> memref<1x50xf32, #tpu.memory_space<hbm>>
      %dma_start3A_466 = tpu.memref_squeeze %dma_start3A_465 : memref<1x50xf32, #tpu.memory_space<hbm>> -> memref<50xf32, #tpu.memory_space<hbm>>
      %dma_start3A_467 = arith.constant 0 : i32
      %dma_start3A_468 = tpu.memref_slice %arg11[%dma_start3A_460, %add3A_459, %dma_start3A_467] : memref<2x128x50xf32, #tpu.memory_space<vmem>> -> memref<1x1x50xf32, #tpu.memory_space<vmem>>
      %dma_start3A_469 = tpu.memref_squeeze %dma_start3A_468 : memref<1x1x50xf32, #tpu.memory_space<vmem>> -> memref<50xf32, #tpu.memory_space<vmem>>
      %dma_start3A_470 = arith.constant 0 : i32
      %dma_start3A_471 = tpu.memref_slice %arg5[%squeeze3A_455, %dma_start3A_470] : memref<100000x50xf32, #tpu.memory_space<hbm>> -> memref<1x50xf32, #tpu.memory_space<hbm>>
      %dma_start3A_472 = tpu.memref_squeeze %dma_start3A_471 : memref<1x50xf32, #tpu.memory_space<hbm>> -> memref<50xf32, #tpu.memory_space<hbm>>
      tpu.enqueue_dma source(%dma_start3A_472 : memref<50xf32, #tpu.memory_space<hbm>>) target(%dma_start3A_469 : memref<50xf32, #tpu.memory_space<vmem>>) target_semaphore(%arg14 : memref<!tpu.dma_semaphore, #tpu.memory_space<semaphore_mem>>)
      %slice3A_473 = vector.extract_strided_slice %get3A_88 {offsets = [10], sizes = [1], strides = [1]} : vector<16xi32> to vector<1xi32>
      %squeeze3A_474 = vector.extract %slice3A_473[0] : i32 from vector<1xi32>
      %mul3A_475 = arith.constant 16 : i32
      %mul3A_476 = arith.muli %scan3A_81, %mul3A_475 : i32
      %add3A_477 = arith.constant 10 : i32
      %add3A_478 = arith.addi %mul3A_476, %add3A_477 : i32
      %dma_start3A_479 = arith.constant 0 : i32
      %dma_start3A_480 = arith.constant 0 : i32
      %dma_start3A_481 = tpu.memref_slice %arg10[%dma_start3A_479, %add3A_478, %dma_start3A_480] : memref<2x128x50xf32, #tpu.memory_space<vmem>> -> memref<1x1x50xf32, #tpu.memory_space<vmem>>
      %dma_start3A_482 = tpu.memref_squeeze %dma_start3A_481 : memref<1x1x50xf32, #tpu.memory_space<vmem>> -> memref<50xf32, #tpu.memory_space<vmem>>
      %dma_start3A_483 = arith.constant 0 : i32
      %dma_start3A_484 = tpu.memref_slice %arg4[%squeeze3A_474, %dma_start3A_483] : memref<100000x50xf32, #tpu.memory_space<hbm>> -> memref<1x50xf32, #tpu.memory_space<hbm>>
      %dma_start3A_485 = tpu.memref_squeeze %dma_start3A_484 : memref<1x50xf32, #tpu.memory_space<hbm>> -> memref<50xf32, #tpu.memory_space<hbm>>
      %dma_start3A_486 = arith.constant 0 : i32
      %dma_start3A_487 = tpu.memref_slice %arg10[%dma_start3A_479, %add3A_478, %dma_start3A_486] : memref<2x128x50xf32, #tpu.memory_space<vmem>> -> memref<1x1x50xf32, #tpu.memory_space<vmem>>
      %dma_start3A_488 = tpu.memref_squeeze %dma_start3A_487 : memref<1x1x50xf32, #tpu.memory_space<vmem>> -> memref<50xf32, #tpu.memory_space<vmem>>
      %dma_start3A_489 = arith.constant 0 : i32
      %dma_start3A_490 = tpu.memref_slice %arg4[%squeeze3A_474, %dma_start3A_489] : memref<100000x50xf32, #tpu.memory_space<hbm>> -> memref<1x50xf32, #tpu.memory_space<hbm>>
      %dma_start3A_491 = tpu.memref_squeeze %dma_start3A_490 : memref<1x50xf32, #tpu.memory_space<hbm>> -> memref<50xf32, #tpu.memory_space<hbm>>
      tpu.enqueue_dma source(%dma_start3A_491 : memref<50xf32, #tpu.memory_space<hbm>>) target(%dma_start3A_488 : memref<50xf32, #tpu.memory_space<vmem>>) target_semaphore(%arg12 : memref<!tpu.dma_semaphore, #tpu.memory_space<semaphore_mem>>)
      %slice3A_492 = vector.extract_strided_slice %get3A_95 {offsets = [10], sizes = [1], strides = [1]} : vector<16xi32> to vector<1xi32>
      %squeeze3A_493 = vector.extract %slice3A_492[0] : i32 from vector<1xi32>
      %mul3A_494 = arith.constant 16 : i32
      %mul3A_495 = arith.muli %scan3A_81, %mul3A_494 : i32
      %add3A_496 = arith.constant 10 : i32
      %add3A_497 = arith.addi %mul3A_495, %add3A_496 : i32
      %dma_start3A_498 = arith.constant 0 : i32
      %dma_start3A_499 = arith.constant 0 : i32
      %dma_start3A_500 = tpu.memref_slice %arg11[%dma_start3A_498, %add3A_497, %dma_start3A_499] : memref<2x128x50xf32, #tpu.memory_space<vmem>> -> memref<1x1x50xf32, #tpu.memory_space<vmem>>
      %dma_start3A_501 = tpu.memref_squeeze %dma_start3A_500 : memref<1x1x50xf32, #tpu.memory_space<vmem>> -> memref<50xf32, #tpu.memory_space<vmem>>
      %dma_start3A_502 = arith.constant 0 : i32
      %dma_start3A_503 = tpu.memref_slice %arg5[%squeeze3A_493, %dma_start3A_502] : memref<100000x50xf32, #tpu.memory_space<hbm>> -> memref<1x50xf32, #tpu.memory_space<hbm>>
      %dma_start3A_504 = tpu.memref_squeeze %dma_start3A_503 : memref<1x50xf32, #tpu.memory_space<hbm>> -> memref<50xf32, #tpu.memory_space<hbm>>
      %dma_start3A_505 = arith.constant 0 : i32
      %dma_start3A_506 = tpu.memref_slice %arg11[%dma_start3A_498, %add3A_497, %dma_start3A_505] : memref<2x128x50xf32, #tpu.memory_space<vmem>> -> memref<1x1x50xf32, #tpu.memory_space<vmem>>
      %dma_start3A_507 = tpu.memref_squeeze %dma_start3A_506 : memref<1x1x50xf32, #tpu.memory_space<vmem>> -> memref<50xf32, #tpu.memory_space<vmem>>
      %dma_start3A_508 = arith.constant 0 : i32
      %dma_start3A_509 = tpu.memref_slice %arg5[%squeeze3A_493, %dma_start3A_508] : memref<100000x50xf32, #tpu.memory_space<hbm>> -> memref<1x50xf32, #tpu.memory_space<hbm>>
      %dma_start3A_510 = tpu.memref_squeeze %dma_start3A_509 : memref<1x50xf32, #tpu.memory_space<hbm>> -> memref<50xf32, #tpu.memory_space<hbm>>
      tpu.enqueue_dma source(%dma_start3A_510 : memref<50xf32, #tpu.memory_space<hbm>>) target(%dma_start3A_507 : memref<50xf32, #tpu.memory_space<vmem>>) target_semaphore(%arg14 : memref<!tpu.dma_semaphore, #tpu.memory_space<semaphore_mem>>)
      %slice3A_511 = vector.extract_strided_slice %get3A_88 {offsets = [11], sizes = [1], strides = [1]} : vector<16xi32> to vector<1xi32>
      %squeeze3A_512 = vector.extract %slice3A_511[0] : i32 from vector<1xi32>
      %mul3A_513 = arith.constant 16 : i32
      %mul3A_514 = arith.muli %scan3A_81, %mul3A_513 : i32
      %add3A_515 = arith.constant 11 : i32
      %add3A_516 = arith.addi %mul3A_514, %add3A_515 : i32
      %dma_start3A_517 = arith.constant 0 : i32
      %dma_start3A_518 = arith.constant 0 : i32
      %dma_start3A_519 = tpu.memref_slice %arg10[%dma_start3A_517, %add3A_516, %dma_start3A_518] : memref<2x128x50xf32, #tpu.memory_space<vmem>> -> memref<1x1x50xf32, #tpu.memory_space<vmem>>
      %dma_start3A_520 = tpu.memref_squeeze %dma_start3A_519 : memref<1x1x50xf32, #tpu.memory_space<vmem>> -> memref<50xf32, #tpu.memory_space<vmem>>
      %dma_start3A_521 = arith.constant 0 : i32
      %dma_start3A_522 = tpu.memref_slice %arg4[%squeeze3A_512, %dma_start3A_521] : memref<100000x50xf32, #tpu.memory_space<hbm>> -> memref<1x50xf32, #tpu.memory_space<hbm>>
      %dma_start3A_523 = tpu.memref_squeeze %dma_start3A_522 : memref<1x50xf32, #tpu.memory_space<hbm>> -> memref<50xf32, #tpu.memory_space<hbm>>
      %dma_start3A_524 = arith.constant 0 : i32
      %dma_start3A_525 = tpu.memref_slice %arg10[%dma_start3A_517, %add3A_516, %dma_start3A_524] : memref<2x128x50xf32, #tpu.memory_space<vmem>> -> memref<1x1x50xf32, #tpu.memory_space<vmem>>
      %dma_start3A_526 = tpu.memref_squeeze %dma_start3A_525 : memref<1x1x50xf32, #tpu.memory_space<vmem>> -> memref<50xf32, #tpu.memory_space<vmem>>
      %dma_start3A_527 = arith.constant 0 : i32
      %dma_start3A_528 = tpu.memref_slice %arg4[%squeeze3A_512, %dma_start3A_527] : memref<100000x50xf32, #tpu.memory_space<hbm>> -> memref<1x50xf32, #tpu.memory_space<hbm>>
      %dma_start3A_529 = tpu.memref_squeeze %dma_start3A_528 : memref<1x50xf32, #tpu.memory_space<hbm>> -> memref<50xf32, #tpu.memory_space<hbm>>
      tpu.enqueue_dma source(%dma_start3A_529 : memref<50xf32, #tpu.memory_space<hbm>>) target(%dma_start3A_526 : memref<50xf32, #tpu.memory_space<vmem>>) target_semaphore(%arg12 : memref<!tpu.dma_semaphore, #tpu.memory_space<semaphore_mem>>)
      %slice3A_530 = vector.extract_strided_slice %get3A_95 {offsets = [11], sizes = [1], strides = [1]} : vector<16xi32> to vector<1xi32>
      %squeeze3A_531 = vector.extract %slice3A_530[0] : i32 from vector<1xi32>
      %mul3A_532 = arith.constant 16 : i32
      %mul3A_533 = arith.muli %scan3A_81, %mul3A_532 : i32
      %add3A_534 = arith.constant 11 : i32
      %add3A_535 = arith.addi %mul3A_533, %add3A_534 : i32
      %dma_start3A_536 = arith.constant 0 : i32
      %dma_start3A_537 = arith.constant 0 : i32
      %dma_start3A_538 = tpu.memref_slice %arg11[%dma_start3A_536, %add3A_535, %dma_start3A_537] : memref<2x128x50xf32, #tpu.memory_space<vmem>> -> memref<1x1x50xf32, #tpu.memory_space<vmem>>
      %dma_start3A_539 = tpu.memref_squeeze %dma_start3A_538 : memref<1x1x50xf32, #tpu.memory_space<vmem>> -> memref<50xf32, #tpu.memory_space<vmem>>
      %dma_start3A_540 = arith.constant 0 : i32
      %dma_start3A_541 = tpu.memref_slice %arg5[%squeeze3A_531, %dma_start3A_540] : memref<100000x50xf32, #tpu.memory_space<hbm>> -> memref<1x50xf32, #tpu.memory_space<hbm>>
      %dma_start3A_542 = tpu.memref_squeeze %dma_start3A_541 : memref<1x50xf32, #tpu.memory_space<hbm>> -> memref<50xf32, #tpu.memory_space<hbm>>
      %dma_start3A_543 = arith.constant 0 : i32
      %dma_start3A_544 = tpu.memref_slice %arg11[%dma_start3A_536, %add3A_535, %dma_start3A_543] : memref<2x128x50xf32, #tpu.memory_space<vmem>> -> memref<1x1x50xf32, #tpu.memory_space<vmem>>
      %dma_start3A_545 = tpu.memref_squeeze %dma_start3A_544 : memref<1x1x50xf32, #tpu.memory_space<vmem>> -> memref<50xf32, #tpu.memory_space<vmem>>
      %dma_start3A_546 = arith.constant 0 : i32
      %dma_start3A_547 = tpu.memref_slice %arg5[%squeeze3A_531, %dma_start3A_546] : memref<100000x50xf32, #tpu.memory_space<hbm>> -> memref<1x50xf32, #tpu.memory_space<hbm>>
      %dma_start3A_548 = tpu.memref_squeeze %dma_start3A_547 : memref<1x50xf32, #tpu.memory_space<hbm>> -> memref<50xf32, #tpu.memory_space<hbm>>
      tpu.enqueue_dma source(%dma_start3A_548 : memref<50xf32, #tpu.memory_space<hbm>>) target(%dma_start3A_545 : memref<50xf32, #tpu.memory_space<vmem>>) target_semaphore(%arg14 : memref<!tpu.dma_semaphore, #tpu.memory_space<semaphore_mem>>)
      %slice3A_549 = vector.extract_strided_slice %get3A_88 {offsets = [12], sizes = [1], strides = [1]} : vector<16xi32> to vector<1xi32>
      %squeeze3A_550 = vector.extract %slice3A_549[0] : i32 from vector<1xi32>
      %mul3A_551 = arith.constant 16 : i32
      %mul3A_552 = arith.muli %scan3A_81, %mul3A_551 : i32
      %add3A_553 = arith.constant 12 : i32
      %add3A_554 = arith.addi %mul3A_552, %add3A_553 : i32
      %dma_start3A_555 = arith.constant 0 : i32
      %dma_start3A_556 = arith.constant 0 : i32
      %dma_start3A_557 = tpu.memref_slice %arg10[%dma_start3A_555, %add3A_554, %dma_start3A_556] : memref<2x128x50xf32, #tpu.memory_space<vmem>> -> memref<1x1x50xf32, #tpu.memory_space<vmem>>
      %dma_start3A_558 = tpu.memref_squeeze %dma_start3A_557 : memref<1x1x50xf32, #tpu.memory_space<vmem>> -> memref<50xf32, #tpu.memory_space<vmem>>
      %dma_start3A_559 = arith.constant 0 : i32
      %dma_start3A_560 = tpu.memref_slice %arg4[%squeeze3A_550, %dma_start3A_559] : memref<100000x50xf32, #tpu.memory_space<hbm>> -> memref<1x50xf32, #tpu.memory_space<hbm>>
      %dma_start3A_561 = tpu.memref_squeeze %dma_start3A_560 : memref<1x50xf32, #tpu.memory_space<hbm>> -> memref<50xf32, #tpu.memory_space<hbm>>
      %dma_start3A_562 = arith.constant 0 : i32
      %dma_start3A_563 = tpu.memref_slice %arg10[%dma_start3A_555, %add3A_554, %dma_start3A_562] : memref<2x128x50xf32, #tpu.memory_space<vmem>> -> memref<1x1x50xf32, #tpu.memory_space<vmem>>
      %dma_start3A_564 = tpu.memref_squeeze %dma_start3A_563 : memref<1x1x50xf32, #tpu.memory_space<vmem>> -> memref<50xf32, #tpu.memory_space<vmem>>
      %dma_start3A_565 = arith.constant 0 : i32
      %dma_start3A_566 = tpu.memref_slice %arg4[%squeeze3A_550, %dma_start3A_565] : memref<100000x50xf32, #tpu.memory_space<hbm>> -> memref<1x50xf32, #tpu.memory_space<hbm>>
      %dma_start3A_567 = tpu.memref_squeeze %dma_start3A_566 : memref<1x50xf32, #tpu.memory_space<hbm>> -> memref<50xf32, #tpu.memory_space<hbm>>
      tpu.enqueue_dma source(%dma_start3A_567 : memref<50xf32, #tpu.memory_space<hbm>>) target(%dma_start3A_564 : memref<50xf32, #tpu.memory_space<vmem>>) target_semaphore(%arg12 : memref<!tpu.dma_semaphore, #tpu.memory_space<semaphore_mem>>)
      %slice3A_568 = vector.extract_strided_slice %get3A_95 {offsets = [12], sizes = [1], strides = [1]} : vector<16xi32> to vector<1xi32>
      %squeeze3A_569 = vector.extract %slice3A_568[0] : i32 from vector<1xi32>
      %mul3A_570 = arith.constant 16 : i32
      %mul3A_571 = arith.muli %scan3A_81, %mul3A_570 : i32
      %add3A_572 = arith.constant 12 : i32
      %add3A_573 = arith.addi %mul3A_571, %add3A_572 : i32
      %dma_start3A_574 = arith.constant 0 : i32
      %dma_start3A_575 = arith.constant 0 : i32
      %dma_start3A_576 = tpu.memref_slice %arg11[%dma_start3A_574, %add3A_573, %dma_start3A_575] : memref<2x128x50xf32, #tpu.memory_space<vmem>> -> memref<1x1x50xf32, #tpu.memory_space<vmem>>
      %dma_start3A_577 = tpu.memref_squeeze %dma_start3A_576 : memref<1x1x50xf32, #tpu.memory_space<vmem>> -> memref<50xf32, #tpu.memory_space<vmem>>
      %dma_start3A_578 = arith.constant 0 : i32
      %dma_start3A_579 = tpu.memref_slice %arg5[%squeeze3A_569, %dma_start3A_578] : memref<100000x50xf32, #tpu.memory_space<hbm>> -> memref<1x50xf32, #tpu.memory_space<hbm>>
      %dma_start3A_580 = tpu.memref_squeeze %dma_start3A_579 : memref<1x50xf32, #tpu.memory_space<hbm>> -> memref<50xf32, #tpu.memory_space<hbm>>
      %dma_start3A_581 = arith.constant 0 : i32
      %dma_start3A_582 = tpu.memref_slice %arg11[%dma_start3A_574, %add3A_573, %dma_start3A_581] : memref<2x128x50xf32, #tpu.memory_space<vmem>> -> memref<1x1x50xf32, #tpu.memory_space<vmem>>
      %dma_start3A_583 = tpu.memref_squeeze %dma_start3A_582 : memref<1x1x50xf32, #tpu.memory_space<vmem>> -> memref<50xf32, #tpu.memory_space<vmem>>
      %dma_start3A_584 = arith.constant 0 : i32
      %dma_start3A_585 = tpu.memref_slice %arg5[%squeeze3A_569, %dma_start3A_584] : memref<100000x50xf32, #tpu.memory_space<hbm>> -> memref<1x50xf32, #tpu.memory_space<hbm>>
      %dma_start3A_586 = tpu.memref_squeeze %dma_start3A_585 : memref<1x50xf32, #tpu.memory_space<hbm>> -> memref<50xf32, #tpu.memory_space<hbm>>
      tpu.enqueue_dma source(%dma_start3A_586 : memref<50xf32, #tpu.memory_space<hbm>>) target(%dma_start3A_583 : memref<50xf32, #tpu.memory_space<vmem>>) target_semaphore(%arg14 : memref<!tpu.dma_semaphore, #tpu.memory_space<semaphore_mem>>)
      %slice3A_587 = vector.extract_strided_slice %get3A_88 {offsets = [13], sizes = [1], strides = [1]} : vector<16xi32> to vector<1xi32>
      %squeeze3A_588 = vector.extract %slice3A_587[0] : i32 from vector<1xi32>
      %mul3A_589 = arith.constant 16 : i32
      %mul3A_590 = arith.muli %scan3A_81, %mul3A_589 : i32
      %add3A_591 = arith.constant 13 : i32
      %add3A_592 = arith.addi %mul3A_590, %add3A_591 : i32
      %dma_start3A_593 = arith.constant 0 : i32
      %dma_start3A_594 = arith.constant 0 : i32
      %dma_start3A_595 = tpu.memref_slice %arg10[%dma_start3A_593, %add3A_592, %dma_start3A_594] : memref<2x128x50xf32, #tpu.memory_space<vmem>> -> memref<1x1x50xf32, #tpu.memory_space<vmem>>
      %dma_start3A_596 = tpu.memref_squeeze %dma_start3A_595 : memref<1x1x50xf32, #tpu.memory_space<vmem>> -> memref<50xf32, #tpu.memory_space<vmem>>
      %dma_start3A_597 = arith.constant 0 : i32
      %dma_start3A_598 = tpu.memref_slice %arg4[%squeeze3A_588, %dma_start3A_597] : memref<100000x50xf32, #tpu.memory_space<hbm>> -> memref<1x50xf32, #tpu.memory_space<hbm>>
      %dma_start3A_599 = tpu.memref_squeeze %dma_start3A_598 : memref<1x50xf32, #tpu.memory_space<hbm>> -> memref<50xf32, #tpu.memory_space<hbm>>
      %dma_start3A_600 = arith.constant 0 : i32
      %dma_start3A_601 = tpu.memref_slice %arg10[%dma_start3A_593, %add3A_592, %dma_start3A_600] : memref<2x128x50xf32, #tpu.memory_space<vmem>> -> memref<1x1x50xf32, #tpu.memory_space<vmem>>
      %dma_start3A_602 = tpu.memref_squeeze %dma_start3A_601 : memref<1x1x50xf32, #tpu.memory_space<vmem>> -> memref<50xf32, #tpu.memory_space<vmem>>
      %dma_start3A_603 = arith.constant 0 : i32
      %dma_start3A_604 = tpu.memref_slice %arg4[%squeeze3A_588, %dma_start3A_603] : memref<100000x50xf32, #tpu.memory_space<hbm>> -> memref<1x50xf32, #tpu.memory_space<hbm>>
      %dma_start3A_605 = tpu.memref_squeeze %dma_start3A_604 : memref<1x50xf32, #tpu.memory_space<hbm>> -> memref<50xf32, #tpu.memory_space<hbm>>
      tpu.enqueue_dma source(%dma_start3A_605 : memref<50xf32, #tpu.memory_space<hbm>>) target(%dma_start3A_602 : memref<50xf32, #tpu.memory_space<vmem>>) target_semaphore(%arg12 : memref<!tpu.dma_semaphore, #tpu.memory_space<semaphore_mem>>)
      %slice3A_606 = vector.extract_strided_slice %get3A_95 {offsets = [13], sizes = [1], strides = [1]} : vector<16xi32> to vector<1xi32>
      %squeeze3A_607 = vector.extract %slice3A_606[0] : i32 from vector<1xi32>
      %mul3A_608 = arith.constant 16 : i32
      %mul3A_609 = arith.muli %scan3A_81, %mul3A_608 : i32
      %add3A_610 = arith.constant 13 : i32
      %add3A_611 = arith.addi %mul3A_609, %add3A_610 : i32
      %dma_start3A_612 = arith.constant 0 : i32
      %dma_start3A_613 = arith.constant 0 : i32
      %dma_start3A_614 = tpu.memref_slice %arg11[%dma_start3A_612, %add3A_611, %dma_start3A_613] : memref<2x128x50xf32, #tpu.memory_space<vmem>> -> memref<1x1x50xf32, #tpu.memory_space<vmem>>
      %dma_start3A_615 = tpu.memref_squeeze %dma_start3A_614 : memref<1x1x50xf32, #tpu.memory_space<vmem>> -> memref<50xf32, #tpu.memory_space<vmem>>
      %dma_start3A_616 = arith.constant 0 : i32
      %dma_start3A_617 = tpu.memref_slice %arg5[%squeeze3A_607, %dma_start3A_616] : memref<100000x50xf32, #tpu.memory_space<hbm>> -> memref<1x50xf32, #tpu.memory_space<hbm>>
      %dma_start3A_618 = tpu.memref_squeeze %dma_start3A_617 : memref<1x50xf32, #tpu.memory_space<hbm>> -> memref<50xf32, #tpu.memory_space<hbm>>
      %dma_start3A_619 = arith.constant 0 : i32
      %dma_start3A_620 = tpu.memref_slice %arg11[%dma_start3A_612, %add3A_611, %dma_start3A_619] : memref<2x128x50xf32, #tpu.memory_space<vmem>> -> memref<1x1x50xf32, #tpu.memory_space<vmem>>
      %dma_start3A_621 = tpu.memref_squeeze %dma_start3A_620 : memref<1x1x50xf32, #tpu.memory_space<vmem>> -> memref<50xf32, #tpu.memory_space<vmem>>
      %dma_start3A_622 = arith.constant 0 : i32
      %dma_start3A_623 = tpu.memref_slice %arg5[%squeeze3A_607, %dma_start3A_622] : memref<100000x50xf32, #tpu.memory_space<hbm>> -> memref<1x50xf32, #tpu.memory_space<hbm>>
      %dma_start3A_624 = tpu.memref_squeeze %dma_start3A_623 : memref<1x50xf32, #tpu.memory_space<hbm>> -> memref<50xf32, #tpu.memory_space<hbm>>
      tpu.enqueue_dma source(%dma_start3A_624 : memref<50xf32, #tpu.memory_space<hbm>>) target(%dma_start3A_621 : memref<50xf32, #tpu.memory_space<vmem>>) target_semaphore(%arg14 : memref<!tpu.dma_semaphore, #tpu.memory_space<semaphore_mem>>)
      %slice3A_625 = vector.extract_strided_slice %get3A_88 {offsets = [14], sizes = [1], strides = [1]} : vector<16xi32> to vector<1xi32>
      %squeeze3A_626 = vector.extract %slice3A_625[0] : i32 from vector<1xi32>
      %mul3A_627 = arith.constant 16 : i32
      %mul3A_628 = arith.muli %scan3A_81, %mul3A_627 : i32
      %add3A_629 = arith.constant 14 : i32
      %add3A_630 = arith.addi %mul3A_628, %add3A_629 : i32
      %dma_start3A_631 = arith.constant 0 : i32
      %dma_start3A_632 = arith.constant 0 : i32
      %dma_start3A_633 = tpu.memref_slice %arg10[%dma_start3A_631, %add3A_630, %dma_start3A_632] : memref<2x128x50xf32, #tpu.memory_space<vmem>> -> memref<1x1x50xf32, #tpu.memory_space<vmem>>
      %dma_start3A_634 = tpu.memref_squeeze %dma_start3A_633 : memref<1x1x50xf32, #tpu.memory_space<vmem>> -> memref<50xf32, #tpu.memory_space<vmem>>
      %dma_start3A_635 = arith.constant 0 : i32
      %dma_start3A_636 = tpu.memref_slice %arg4[%squeeze3A_626, %dma_start3A_635] : memref<100000x50xf32, #tpu.memory_space<hbm>> -> memref<1x50xf32, #tpu.memory_space<hbm>>
      %dma_start3A_637 = tpu.memref_squeeze %dma_start3A_636 : memref<1x50xf32, #tpu.memory_space<hbm>> -> memref<50xf32, #tpu.memory_space<hbm>>
      %dma_start3A_638 = arith.constant 0 : i32
      %dma_start3A_639 = tpu.memref_slice %arg10[%dma_start3A_631, %add3A_630, %dma_start3A_638] : memref<2x128x50xf32, #tpu.memory_space<vmem>> -> memref<1x1x50xf32, #tpu.memory_space<vmem>>
      %dma_start3A_640 = tpu.memref_squeeze %dma_start3A_639 : memref<1x1x50xf32, #tpu.memory_space<vmem>> -> memref<50xf32, #tpu.memory_space<vmem>>
      %dma_start3A_641 = arith.constant 0 : i32
      %dma_start3A_642 = tpu.memref_slice %arg4[%squeeze3A_626, %dma_start3A_641] : memref<100000x50xf32, #tpu.memory_space<hbm>> -> memref<1x50xf32, #tpu.memory_space<hbm>>
      %dma_start3A_643 = tpu.memref_squeeze %dma_start3A_642 : memref<1x50xf32, #tpu.memory_space<hbm>> -> memref<50xf32, #tpu.memory_space<hbm>>
      tpu.enqueue_dma source(%dma_start3A_643 : memref<50xf32, #tpu.memory_space<hbm>>) target(%dma_start3A_640 : memref<50xf32, #tpu.memory_space<vmem>>) target_semaphore(%arg12 : memref<!tpu.dma_semaphore, #tpu.memory_space<semaphore_mem>>)
      %slice3A_644 = vector.extract_strided_slice %get3A_95 {offsets = [14], sizes = [1], strides = [1]} : vector<16xi32> to vector<1xi32>
      %squeeze3A_645 = vector.extract %slice3A_644[0] : i32 from vector<1xi32>
      %mul3A_646 = arith.constant 16 : i32
      %mul3A_647 = arith.muli %scan3A_81, %mul3A_646 : i32
      %add3A_648 = arith.constant 14 : i32
      %add3A_649 = arith.addi %mul3A_647, %add3A_648 : i32
      %dma_start3A_650 = arith.constant 0 : i32
      %dma_start3A_651 = arith.constant 0 : i32
      %dma_start3A_652 = tpu.memref_slice %arg11[%dma_start3A_650, %add3A_649, %dma_start3A_651] : memref<2x128x50xf32, #tpu.memory_space<vmem>> -> memref<1x1x50xf32, #tpu.memory_space<vmem>>
      %dma_start3A_653 = tpu.memref_squeeze %dma_start3A_652 : memref<1x1x50xf32, #tpu.memory_space<vmem>> -> memref<50xf32, #tpu.memory_space<vmem>>
      %dma_start3A_654 = arith.constant 0 : i32
      %dma_start3A_655 = tpu.memref_slice %arg5[%squeeze3A_645, %dma_start3A_654] : memref<100000x50xf32, #tpu.memory_space<hbm>> -> memref<1x50xf32, #tpu.memory_space<hbm>>
      %dma_start3A_656 = tpu.memref_squeeze %dma_start3A_655 : memref<1x50xf32, #tpu.memory_space<hbm>> -> memref<50xf32, #tpu.memory_space<hbm>>
      %dma_start3A_657 = arith.constant 0 : i32
      %dma_start3A_658 = tpu.memref_slice %arg11[%dma_start3A_650, %add3A_649, %dma_start3A_657] : memref<2x128x50xf32, #tpu.memory_space<vmem>> -> memref<1x1x50xf32, #tpu.memory_space<vmem>>
      %dma_start3A_659 = tpu.memref_squeeze %dma_start3A_658 : memref<1x1x50xf32, #tpu.memory_space<vmem>> -> memref<50xf32, #tpu.memory_space<vmem>>
      %dma_start3A_660 = arith.constant 0 : i32
      %dma_start3A_661 = tpu.memref_slice %arg5[%squeeze3A_645, %dma_start3A_660] : memref<100000x50xf32, #tpu.memory_space<hbm>> -> memref<1x50xf32, #tpu.memory_space<hbm>>
      %dma_start3A_662 = tpu.memref_squeeze %dma_start3A_661 : memref<1x50xf32, #tpu.memory_space<hbm>> -> memref<50xf32, #tpu.memory_space<hbm>>
      tpu.enqueue_dma source(%dma_start3A_662 : memref<50xf32, #tpu.memory_space<hbm>>) target(%dma_start3A_659 : memref<50xf32, #tpu.memory_space<vmem>>) target_semaphore(%arg14 : memref<!tpu.dma_semaphore, #tpu.memory_space<semaphore_mem>>)
      %slice3A_663 = vector.extract_strided_slice %get3A_88 {offsets = [15], sizes = [1], strides = [1]} : vector<16xi32> to vector<1xi32>
      %squeeze3A_664 = vector.extract %slice3A_663[0] : i32 from vector<1xi32>
      %mul3A_665 = arith.constant 16 : i32
      %mul3A_666 = arith.muli %scan3A_81, %mul3A_665 : i32
      %add3A_667 = arith.constant 15 : i32
      %add3A_668 = arith.addi %mul3A_666, %add3A_667 : i32
      %dma_start3A_669 = arith.constant 0 : i32
      %dma_start3A_670 = arith.constant 0 : i32
      %dma_start3A_671 = tpu.memref_slice %arg10[%dma_start3A_669, %add3A_668, %dma_start3A_670] : memref<2x128x50xf32, #tpu.memory_space<vmem>> -> memref<1x1x50xf32, #tpu.memory_space<vmem>>
      %dma_start3A_672 = tpu.memref_squeeze %dma_start3A_671 : memref<1x1x50xf32, #tpu.memory_space<vmem>> -> memref<50xf32, #tpu.memory_space<vmem>>
      %dma_start3A_673 = arith.constant 0 : i32
      %dma_start3A_674 = tpu.memref_slice %arg4[%squeeze3A_664, %dma_start3A_673] : memref<100000x50xf32, #tpu.memory_space<hbm>> -> memref<1x50xf32, #tpu.memory_space<hbm>>
      %dma_start3A_675 = tpu.memref_squeeze %dma_start3A_674 : memref<1x50xf32, #tpu.memory_space<hbm>> -> memref<50xf32, #tpu.memory_space<hbm>>
      %dma_start3A_676 = arith.constant 0 : i32
      %dma_start3A_677 = tpu.memref_slice %arg10[%dma_start3A_669, %add3A_668, %dma_start3A_676] : memref<2x128x50xf32, #tpu.memory_space<vmem>> -> memref<1x1x50xf32, #tpu.memory_space<vmem>>
      %dma_start3A_678 = tpu.memref_squeeze %dma_start3A_677 : memref<1x1x50xf32, #tpu.memory_space<vmem>> -> memref<50xf32, #tpu.memory_space<vmem>>
      %dma_start3A_679 = arith.constant 0 : i32
      %dma_start3A_680 = tpu.memref_slice %arg4[%squeeze3A_664, %dma_start3A_679] : memref<100000x50xf32, #tpu.memory_space<hbm>> -> memref<1x50xf32, #tpu.memory_space<hbm>>
      %dma_start3A_681 = tpu.memref_squeeze %dma_start3A_680 : memref<1x50xf32, #tpu.memory_space<hbm>> -> memref<50xf32, #tpu.memory_space<hbm>>
      tpu.enqueue_dma source(%dma_start3A_681 : memref<50xf32, #tpu.memory_space<hbm>>) target(%dma_start3A_678 : memref<50xf32, #tpu.memory_space<vmem>>) target_semaphore(%arg12 : memref<!tpu.dma_semaphore, #tpu.memory_space<semaphore_mem>>)
      %slice3A_682 = vector.extract_strided_slice %get3A_95 {offsets = [15], sizes = [1], strides = [1]} : vector<16xi32> to vector<1xi32>
      %squeeze3A_683 = vector.extract %slice3A_682[0] : i32 from vector<1xi32>
      %mul3A_684 = arith.constant 16 : i32
      %mul3A_685 = arith.muli %scan3A_81, %mul3A_684 : i32
      %add3A_686 = arith.constant 15 : i32
      %add3A_687 = arith.addi %mul3A_685, %add3A_686 : i32
      %dma_start3A_688 = arith.constant 0 : i32
      %dma_start3A_689 = arith.constant 0 : i32
      %dma_start3A_690 = tpu.memref_slice %arg11[%dma_start3A_688, %add3A_687, %dma_start3A_689] : memref<2x128x50xf32, #tpu.memory_space<vmem>> -> memref<1x1x50xf32, #tpu.memory_space<vmem>>
      %dma_start3A_691 = tpu.memref_squeeze %dma_start3A_690 : memref<1x1x50xf32, #tpu.memory_space<vmem>> -> memref<50xf32, #tpu.memory_space<vmem>>
      %dma_start3A_692 = arith.constant 0 : i32
      %dma_start3A_693 = tpu.memref_slice %arg5[%squeeze3A_683, %dma_start3A_692] : memref<100000x50xf32, #tpu.memory_space<hbm>> -> memref<1x50xf32, #tpu.memory_space<hbm>>
      %dma_start3A_694 = tpu.memref_squeeze %dma_start3A_693 : memref<1x50xf32, #tpu.memory_space<hbm>> -> memref<50xf32, #tpu.memory_space<hbm>>
      %dma_start3A_695 = arith.constant 0 : i32
      %dma_start3A_696 = tpu.memref_slice %arg11[%dma_start3A_688, %add3A_687, %dma_start3A_695] : memref<2x128x50xf32, #tpu.memory_space<vmem>> -> memref<1x1x50xf32, #tpu.memory_space<vmem>>
      %dma_start3A_697 = tpu.memref_squeeze %dma_start3A_696 : memref<1x1x50xf32, #tpu.memory_space<vmem>> -> memref<50xf32, #tpu.memory_space<vmem>>
      %dma_start3A_698 = arith.constant 0 : i32
      %dma_start3A_699 = tpu.memref_slice %arg5[%squeeze3A_683, %dma_start3A_698] : memref<100000x50xf32, #tpu.memory_space<hbm>> -> memref<1x50xf32, #tpu.memory_space<hbm>>
      %dma_start3A_700 = tpu.memref_squeeze %dma_start3A_699 : memref<1x50xf32, #tpu.memory_space<hbm>> -> memref<50xf32, #tpu.memory_space<hbm>>
      tpu.enqueue_dma source(%dma_start3A_700 : memref<50xf32, #tpu.memory_space<hbm>>) target(%dma_start3A_697 : memref<50xf32, #tpu.memory_space<vmem>>) target_semaphore(%arg14 : memref<!tpu.dma_semaphore, #tpu.memory_space<semaphore_mem>>)
      %scan3A_701 = arith.constant 0 : i32
      scf.yield %scan3A_701 : i32
    }
    %scan3A_8 = arith.constant 8 : i32
    %scan3A_9 = arith.constant 0 : i32
    %scan3A_10 = arith.constant 0 : i32
    %scan3A_11 = arith.constant 8 : i32
    %scan3A_12 = arith.addi %scan3A_10, %scan3A_11 : i32
    %scan3A_13 = arith.constant 1 : i32
    %scan3A_14 = scf.for %scan3A_81 = %scan3A_10 to %scan3A_12 step %scan3A_13 iter_args(%scan3A_82 = %scan3A_9) -> (i32)  : i32 {
      %mul3A_83 = arith.constant 16 : i32
      %mul3A_84 = arith.muli %scan3A_81, %mul3A_83 : i32
      %add3A_85 = arith.constant 128 : i32
      %add3A_86 = arith.addi %add3A_85, %mul3A_84 : i32
      %get3A = arith.index_cast %add3A_86 : i32 to index
      %get3A_87 = tpu.vector_load %arg8[%get3A] {strides = array<i32>} : memref<512xi32, #tpu.memory_space<vmem>>, vector<16xi32>,
      %get3A_88 = vector.shape_cast %get3A_87 : vector<16xi32> to vector<16xi32>
      %mul3A_89 = arith.constant 16 : i32
      %mul3A_90 = arith.muli %scan3A_81, %mul3A_89 : i32
      %add3A_91 = arith.constant 128 : i32
      %add3A_92 = arith.addi %add3A_91, %mul3A_90 : i32
      %get3A_93 = arith.index_cast %add3A_92 : i32 to index
      %get3A_94 = tpu.vector_load %arg9[%get3A_93] {strides = array<i32>} : memref<512xi32, #tpu.memory_space<vmem>>, vector<16xi32>,
      %get3A_95 = vector.shape_cast %get3A_94 : vector<16xi32> to vector<16xi32>
      %slice3A = vector.extract_strided_slice %get3A_88 {offsets = [0], sizes = [1], strides = [1]} : vector<16xi32> to vector<1xi32>
      %squeeze3A = vector.extract %slice3A[0] : i32 from vector<1xi32>
      %mul3A_96 = arith.constant 16 : i32
      %mul3A_97 = arith.muli %scan3A_81, %mul3A_96 : i32
      %add3A_98 = arith.constant 0 : i32
      %add3A_99 = arith.addi %mul3A_97, %add3A_98 : i32
      %dma_start3A = arith.constant 1 : i32
      %dma_start3A_100 = arith.constant 0 : i32
      %dma_start3A_101 = tpu.memref_slice %arg10[%dma_start3A, %add3A_99, %dma_start3A_100] : memref<2x128x50xf32, #tpu.memory_space<vmem>> -> memref<1x1x50xf32, #tpu.memory_space<vmem>>
      %dma_start3A_102 = tpu.memref_squeeze %dma_start3A_101 : memref<1x1x50xf32, #tpu.memory_space<vmem>> -> memref<50xf32, #tpu.memory_space<vmem>>
      %dma_start3A_103 = arith.constant 0 : i32
      %dma_start3A_104 = tpu.memref_slice %arg4[%squeeze3A, %dma_start3A_103] : memref<100000x50xf32, #tpu.memory_space<hbm>> -> memref<1x50xf32, #tpu.memory_space<hbm>>
      %dma_start3A_105 = tpu.memref_squeeze %dma_start3A_104 : memref<1x50xf32, #tpu.memory_space<hbm>> -> memref<50xf32, #tpu.memory_space<hbm>>
      %dma_start3A_106 = arith.constant 0 : i32
      %dma_start3A_107 = tpu.memref_slice %arg10[%dma_start3A, %add3A_99, %dma_start3A_106] : memref<2x128x50xf32, #tpu.memory_space<vmem>> -> memref<1x1x50xf32, #tpu.memory_space<vmem>>
      %dma_start3A_108 = tpu.memref_squeeze %dma_start3A_107 : memref<1x1x50xf32, #tpu.memory_space<vmem>> -> memref<50xf32, #tpu.memory_space<vmem>>
      %dma_start3A_109 = arith.constant 0 : i32
      %dma_start3A_110 = tpu.memref_slice %arg4[%squeeze3A, %dma_start3A_109] : memref<100000x50xf32, #tpu.memory_space<hbm>> -> memref<1x50xf32, #tpu.memory_space<hbm>>
      %dma_start3A_111 = tpu.memref_squeeze %dma_start3A_110 : memref<1x50xf32, #tpu.memory_space<hbm>> -> memref<50xf32, #tpu.memory_space<hbm>>
      tpu.enqueue_dma source(%dma_start3A_111 : memref<50xf32, #tpu.memory_space<hbm>>) target(%dma_start3A_108 : memref<50xf32, #tpu.memory_space<vmem>>) target_semaphore(%arg13 : memref<!tpu.dma_semaphore, #tpu.memory_space<semaphore_mem>>)
      %slice3A_112 = vector.extract_strided_slice %get3A_95 {offsets = [0], sizes = [1], strides = [1]} : vector<16xi32> to vector<1xi32>
      %squeeze3A_113 = vector.extract %slice3A_112[0] : i32 from vector<1xi32>
      %mul3A_114 = arith.constant 16 : i32
      %mul3A_115 = arith.muli %scan3A_81, %mul3A_114 : i32
      %add3A_116 = arith.constant 0 : i32
      %add3A_117 = arith.addi %mul3A_115, %add3A_116 : i32
      %dma_start3A_118 = arith.constant 1 : i32
      %dma_start3A_119 = arith.constant 0 : i32
      %dma_start3A_120 = tpu.memref_slice %arg11[%dma_start3A_118, %add3A_117, %dma_start3A_119] : memref<2x128x50xf32, #tpu.memory_space<vmem>> -> memref<1x1x50xf32, #tpu.memory_space<vmem>>
      %dma_start3A_121 = tpu.memref_squeeze %dma_start3A_120 : memref<1x1x50xf32, #tpu.memory_space<vmem>> -> memref<50xf32, #tpu.memory_space<vmem>>
      %dma_start3A_122 = arith.constant 0 : i32
      %dma_start3A_123 = tpu.memref_slice %arg5[%squeeze3A_113, %dma_start3A_122] : memref<100000x50xf32, #tpu.memory_space<hbm>> -> memref<1x50xf32, #tpu.memory_space<hbm>>
      %dma_start3A_124 = tpu.memref_squeeze %dma_start3A_123 : memref<1x50xf32, #tpu.memory_space<hbm>> -> memref<50xf32, #tpu.memory_space<hbm>>
      %dma_start3A_125 = arith.constant 0 : i32
      %dma_start3A_126 = tpu.memref_slice %arg11[%dma_start3A_118, %add3A_117, %dma_start3A_125] : memref<2x128x50xf32, #tpu.memory_space<vmem>> -> memref<1x1x50xf32, #tpu.memory_space<vmem>>
      %dma_start3A_127 = tpu.memref_squeeze %dma_start3A_126 : memref<1x1x50xf32, #tpu.memory_space<vmem>> -> memref<50xf32, #tpu.memory_space<vmem>>
      %dma_start3A_128 = arith.constant 0 : i32
      %dma_start3A_129 = tpu.memref_slice %arg5[%squeeze3A_113, %dma_start3A_128] : memref<100000x50xf32, #tpu.memory_space<hbm>> -> memref<1x50xf32, #tpu.memory_space<hbm>>
      %dma_start3A_130 = tpu.memref_squeeze %dma_start3A_129 : memref<1x50xf32, #tpu.memory_space<hbm>> -> memref<50xf32, #tpu.memory_space<hbm>>
      tpu.enqueue_dma source(%dma_start3A_130 : memref<50xf32, #tpu.memory_space<hbm>>) target(%dma_start3A_127 : memref<50xf32, #tpu.memory_space<vmem>>) target_semaphore(%arg15 : memref<!tpu.dma_semaphore, #tpu.memory_space<semaphore_mem>>)
      %slice3A_131 = vector.extract_strided_slice %get3A_88 {offsets = [1], sizes = [1], strides = [1]} : vector<16xi32> to vector<1xi32>
      %squeeze3A_132 = vector.extract %slice3A_131[0] : i32 from vector<1xi32>
      %mul3A_133 = arith.constant 16 : i32
      %mul3A_134 = arith.muli %scan3A_81, %mul3A_133 : i32
      %add3A_135 = arith.constant 1 : i32
      %add3A_136 = arith.addi %mul3A_134, %add3A_135 : i32
      %dma_start3A_137 = arith.constant 1 : i32
      %dma_start3A_138 = arith.constant 0 : i32
      %dma_start3A_139 = tpu.memref_slice %arg10[%dma_start3A_137, %add3A_136, %dma_start3A_138] : memref<2x128x50xf32, #tpu.memory_space<vmem>> -> memref<1x1x50xf32, #tpu.memory_space<vmem>>
      %dma_start3A_140 = tpu.memref_squeeze %dma_start3A_139 : memref<1x1x50xf32, #tpu.memory_space<vmem>> -> memref<50xf32, #tpu.memory_space<vmem>>
      %dma_start3A_141 = arith.constant 0 : i32
      %dma_start3A_142 = tpu.memref_slice %arg4[%squeeze3A_132, %dma_start3A_141] : memref<100000x50xf32, #tpu.memory_space<hbm>> -> memref<1x50xf32, #tpu.memory_space<hbm>>
      %dma_start3A_143 = tpu.memref_squeeze %dma_start3A_142 : memref<1x50xf32, #tpu.memory_space<hbm>> -> memref<50xf32, #tpu.memory_space<hbm>>
      %dma_start3A_144 = arith.constant 0 : i32
      %dma_start3A_145 = tpu.memref_slice %arg10[%dma_start3A_137, %add3A_136, %dma_start3A_144] : memref<2x128x50xf32, #tpu.memory_space<vmem>> -> memref<1x1x50xf32, #tpu.memory_space<vmem>>
      %dma_start3A_146 = tpu.memref_squeeze %dma_start3A_145 : memref<1x1x50xf32, #tpu.memory_space<vmem>> -> memref<50xf32, #tpu.memory_space<vmem>>
      %dma_start3A_147 = arith.constant 0 : i32
      %dma_start3A_148 = tpu.memref_slice %arg4[%squeeze3A_132, %dma_start3A_147] : memref<100000x50xf32, #tpu.memory_space<hbm>> -> memref<1x50xf32, #tpu.memory_space<hbm>>
      %dma_start3A_149 = tpu.memref_squeeze %dma_start3A_148 : memref<1x50xf32, #tpu.memory_space<hbm>> -> memref<50xf32, #tpu.memory_space<hbm>>
      tpu.enqueue_dma source(%dma_start3A_149 : memref<50xf32, #tpu.memory_space<hbm>>) target(%dma_start3A_146 : memref<50xf32, #tpu.memory_space<vmem>>) target_semaphore(%arg13 : memref<!tpu.dma_semaphore, #tpu.memory_space<semaphore_mem>>)
      %slice3A_150 = vector.extract_strided_slice %get3A_95 {offsets = [1], sizes = [1], strides = [1]} : vector<16xi32> to vector<1xi32>
      %squeeze3A_151 = vector.extract %slice3A_150[0] : i32 from vector<1xi32>
      %mul3A_152 = arith.constant 16 : i32
      %mul3A_153 = arith.muli %scan3A_81, %mul3A_152 : i32
      %add3A_154 = arith.constant 1 : i32
      %add3A_155 = arith.addi %mul3A_153, %add3A_154 : i32
      %dma_start3A_156 = arith.constant 1 : i32
      %dma_start3A_157 = arith.constant 0 : i32
      %dma_start3A_158 = tpu.memref_slice %arg11[%dma_start3A_156, %add3A_155, %dma_start3A_157] : memref<2x128x50xf32, #tpu.memory_space<vmem>> -> memref<1x1x50xf32, #tpu.memory_space<vmem>>
      %dma_start3A_159 = tpu.memref_squeeze %dma_start3A_158 : memref<1x1x50xf32, #tpu.memory_space<vmem>> -> memref<50xf32, #tpu.memory_space<vmem>>
      %dma_start3A_160 = arith.constant 0 : i32
      %dma_start3A_161 = tpu.memref_slice %arg5[%squeeze3A_151, %dma_start3A_160] : memref<100000x50xf32, #tpu.memory_space<hbm>> -> memref<1x50xf32, #tpu.memory_space<hbm>>
      %dma_start3A_162 = tpu.memref_squeeze %dma_start3A_161 : memref<1x50xf32, #tpu.memory_space<hbm>> -> memref<50xf32, #tpu.memory_space<hbm>>
      %dma_start3A_163 = arith.constant 0 : i32
      %dma_start3A_164 = tpu.memref_slice %arg11[%dma_start3A_156, %add3A_155, %dma_start3A_163] : memref<2x128x50xf32, #tpu.memory_space<vmem>> -> memref<1x1x50xf32, #tpu.memory_space<vmem>>
      %dma_start3A_165 = tpu.memref_squeeze %dma_start3A_164 : memref<1x1x50xf32, #tpu.memory_space<vmem>> -> memref<50xf32, #tpu.memory_space<vmem>>
      %dma_start3A_166 = arith.constant 0 : i32
      %dma_start3A_167 = tpu.memref_slice %arg5[%squeeze3A_151, %dma_start3A_166] : memref<100000x50xf32, #tpu.memory_space<hbm>> -> memref<1x50xf32, #tpu.memory_space<hbm>>
      %dma_start3A_168 = tpu.memref_squeeze %dma_start3A_167 : memref<1x50xf32, #tpu.memory_space<hbm>> -> memref<50xf32, #tpu.memory_space<hbm>>
      tpu.enqueue_dma source(%dma_start3A_168 : memref<50xf32, #tpu.memory_space<hbm>>) target(%dma_start3A_165 : memref<50xf32, #tpu.memory_space<vmem>>) target_semaphore(%arg15 : memref<!tpu.dma_semaphore, #tpu.memory_space<semaphore_mem>>)
      %slice3A_169 = vector.extract_strided_slice %get3A_88 {offsets = [2], sizes = [1], strides = [1]} : vector<16xi32> to vector<1xi32>
      %squeeze3A_170 = vector.extract %slice3A_169[0] : i32 from vector<1xi32>
      %mul3A_171 = arith.constant 16 : i32
      %mul3A_172 = arith.muli %scan3A_81, %mul3A_171 : i32
      %add3A_173 = arith.constant 2 : i32
      %add3A_174 = arith.addi %mul3A_172, %add3A_173 : i32
      %dma_start3A_175 = arith.constant 1 : i32
      %dma_start3A_176 = arith.constant 0 : i32
      %dma_start3A_177 = tpu.memref_slice %arg10[%dma_start3A_175, %add3A_174, %dma_start3A_176] : memref<2x128x50xf32, #tpu.memory_space<vmem>> -> memref<1x1x50xf32, #tpu.memory_space<vmem>>
      %dma_start3A_178 = tpu.memref_squeeze %dma_start3A_177 : memref<1x1x50xf32, #tpu.memory_space<vmem>> -> memref<50xf32, #tpu.memory_space<vmem>>
      %dma_start3A_179 = arith.constant 0 : i32
      %dma_start3A_180 = tpu.memref_slice %arg4[%squeeze3A_170, %dma_start3A_179] : memref<100000x50xf32, #tpu.memory_space<hbm>> -> memref<1x50xf32, #tpu.memory_space<hbm>>
      %dma_start3A_181 = tpu.memref_squeeze %dma_start3A_180 : memref<1x50xf32, #tpu.memory_space<hbm>> -> memref<50xf32, #tpu.memory_space<hbm>>
      %dma_start3A_182 = arith.constant 0 : i32
      %dma_start3A_183 = tpu.memref_slice %arg10[%dma_start3A_175, %add3A_174, %dma_start3A_182] : memref<2x128x50xf32, #tpu.memory_space<vmem>> -> memref<1x1x50xf32, #tpu.memory_space<vmem>>
      %dma_start3A_184 = tpu.memref_squeeze %dma_start3A_183 : memref<1x1x50xf32, #tpu.memory_space<vmem>> -> memref<50xf32, #tpu.memory_space<vmem>>
      %dma_start3A_185 = arith.constant 0 : i32
      %dma_start3A_186 = tpu.memref_slice %arg4[%squeeze3A_170, %dma_start3A_185] : memref<100000x50xf32, #tpu.memory_space<hbm>> -> memref<1x50xf32, #tpu.memory_space<hbm>>
      %dma_start3A_187 = tpu.memref_squeeze %dma_start3A_186 : memref<1x50xf32, #tpu.memory_space<hbm>> -> memref<50xf32, #tpu.memory_space<hbm>>
      tpu.enqueue_dma source(%dma_start3A_187 : memref<50xf32, #tpu.memory_space<hbm>>) target(%dma_start3A_184 : memref<50xf32, #tpu.memory_space<vmem>>) target_semaphore(%arg13 : memref<!tpu.dma_semaphore, #tpu.memory_space<semaphore_mem>>)
      %slice3A_188 = vector.extract_strided_slice %get3A_95 {offsets = [2], sizes = [1], strides = [1]} : vector<16xi32> to vector<1xi32>
      %squeeze3A_189 = vector.extract %slice3A_188[0] : i32 from vector<1xi32>
      %mul3A_190 = arith.constant 16 : i32
      %mul3A_191 = arith.muli %scan3A_81, %mul3A_190 : i32
      %add3A_192 = arith.constant 2 : i32
      %add3A_193 = arith.addi %mul3A_191, %add3A_192 : i32
      %dma_start3A_194 = arith.constant 1 : i32
      %dma_start3A_195 = arith.constant 0 : i32
      %dma_start3A_196 = tpu.memref_slice %arg11[%dma_start3A_194, %add3A_193, %dma_start3A_195] : memref<2x128x50xf32, #tpu.memory_space<vmem>> -> memref<1x1x50xf32, #tpu.memory_space<vmem>>
      %dma_start3A_197 = tpu.memref_squeeze %dma_start3A_196 : memref<1x1x50xf32, #tpu.memory_space<vmem>> -> memref<50xf32, #tpu.memory_space<vmem>>
      %dma_start3A_198 = arith.constant 0 : i32
      %dma_start3A_199 = tpu.memref_slice %arg5[%squeeze3A_189, %dma_start3A_198] : memref<100000x50xf32, #tpu.memory_space<hbm>> -> memref<1x50xf32, #tpu.memory_space<hbm>>
      %dma_start3A_200 = tpu.memref_squeeze %dma_start3A_199 : memref<1x50xf32, #tpu.memory_space<hbm>> -> memref<50xf32, #tpu.memory_space<hbm>>
      %dma_start3A_201 = arith.constant 0 : i32
      %dma_start3A_202 = tpu.memref_slice %arg11[%dma_start3A_194, %add3A_193, %dma_start3A_201] : memref<2x128x50xf32, #tpu.memory_space<vmem>> -> memref<1x1x50xf32, #tpu.memory_space<vmem>>
      %dma_start3A_203 = tpu.memref_squeeze %dma_start3A_202 : memref<1x1x50xf32, #tpu.memory_space<vmem>> -> memref<50xf32, #tpu.memory_space<vmem>>
      %dma_start3A_204 = arith.constant 0 : i32
      %dma_start3A_205 = tpu.memref_slice %arg5[%squeeze3A_189, %dma_start3A_204] : memref<100000x50xf32, #tpu.memory_space<hbm>> -> memref<1x50xf32, #tpu.memory_space<hbm>>
      %dma_start3A_206 = tpu.memref_squeeze %dma_start3A_205 : memref<1x50xf32, #tpu.memory_space<hbm>> -> memref<50xf32, #tpu.memory_space<hbm>>
      tpu.enqueue_dma source(%dma_start3A_206 : memref<50xf32, #tpu.memory_space<hbm>>) target(%dma_start3A_203 : memref<50xf32, #tpu.memory_space<vmem>>) target_semaphore(%arg15 : memref<!tpu.dma_semaphore, #tpu.memory_space<semaphore_mem>>)
      %slice3A_207 = vector.extract_strided_slice %get3A_88 {offsets = [3], sizes = [1], strides = [1]} : vector<16xi32> to vector<1xi32>
      %squeeze3A_208 = vector.extract %slice3A_207[0] : i32 from vector<1xi32>
      %mul3A_209 = arith.constant 16 : i32
      %mul3A_210 = arith.muli %scan3A_81, %mul3A_209 : i32
      %add3A_211 = arith.constant 3 : i32
      %add3A_212 = arith.addi %mul3A_210, %add3A_211 : i32
      %dma_start3A_213 = arith.constant 1 : i32
      %dma_start3A_214 = arith.constant 0 : i32
      %dma_start3A_215 = tpu.memref_slice %arg10[%dma_start3A_213, %add3A_212, %dma_start3A_214] : memref<2x128x50xf32, #tpu.memory_space<vmem>> -> memref<1x1x50xf32, #tpu.memory_space<vmem>>
      %dma_start3A_216 = tpu.memref_squeeze %dma_start3A_215 : memref<1x1x50xf32, #tpu.memory_space<vmem>> -> memref<50xf32, #tpu.memory_space<vmem>>
      %dma_start3A_217 = arith.constant 0 : i32
      %dma_start3A_218 = tpu.memref_slice %arg4[%squeeze3A_208, %dma_start3A_217] : memref<100000x50xf32, #tpu.memory_space<hbm>> -> memref<1x50xf32, #tpu.memory_space<hbm>>
      %dma_start3A_219 = tpu.memref_squeeze %dma_start3A_218 : memref<1x50xf32, #tpu.memory_space<hbm>> -> memref<50xf32, #tpu.memory_space<hbm>>
      %dma_start3A_220 = arith.constant 0 : i32
      %dma_start3A_221 = tpu.memref_slice %arg10[%dma_start3A_213, %add3A_212, %dma_start3A_220] : memref<2x128x50xf32, #tpu.memory_space<vmem>> -> memref<1x1x50xf32, #tpu.memory_space<vmem>>
      %dma_start3A_222 = tpu.memref_squeeze %dma_start3A_221 : memref<1x1x50xf32, #tpu.memory_space<vmem>> -> memref<50xf32, #tpu.memory_space<vmem>>
      %dma_start3A_223 = arith.constant 0 : i32
      %dma_start3A_224 = tpu.memref_slice %arg4[%squeeze3A_208, %dma_start3A_223] : memref<100000x50xf32, #tpu.memory_space<hbm>> -> memref<1x50xf32, #tpu.memory_space<hbm>>
      %dma_start3A_225 = tpu.memref_squeeze %dma_start3A_224 : memref<1x50xf32, #tpu.memory_space<hbm>> -> memref<50xf32, #tpu.memory_space<hbm>>
      tpu.enqueue_dma source(%dma_start3A_225 : memref<50xf32, #tpu.memory_space<hbm>>) target(%dma_start3A_222 : memref<50xf32, #tpu.memory_space<vmem>>) target_semaphore(%arg13 : memref<!tpu.dma_semaphore, #tpu.memory_space<semaphore_mem>>)
      %slice3A_226 = vector.extract_strided_slice %get3A_95 {offsets = [3], sizes = [1], strides = [1]} : vector<16xi32> to vector<1xi32>
      %squeeze3A_227 = vector.extract %slice3A_226[0] : i32 from vector<1xi32>
      %mul3A_228 = arith.constant 16 : i32
      %mul3A_229 = arith.muli %scan3A_81, %mul3A_228 : i32
      %add3A_230 = arith.constant 3 : i32
      %add3A_231 = arith.addi %mul3A_229, %add3A_230 : i32
      %dma_start3A_232 = arith.constant 1 : i32
      %dma_start3A_233 = arith.constant 0 : i32
      %dma_start3A_234 = tpu.memref_slice %arg11[%dma_start3A_232, %add3A_231, %dma_start3A_233] : memref<2x128x50xf32, #tpu.memory_space<vmem>> -> memref<1x1x50xf32, #tpu.memory_space<vmem>>
      %dma_start3A_235 = tpu.memref_squeeze %dma_start3A_234 : memref<1x1x50xf32, #tpu.memory_space<vmem>> -> memref<50xf32, #tpu.memory_space<vmem>>
      %dma_start3A_236 = arith.constant 0 : i32
      %dma_start3A_237 = tpu.memref_slice %arg5[%squeeze3A_227, %dma_start3A_236] : memref<100000x50xf32, #tpu.memory_space<hbm>> -> memref<1x50xf32, #tpu.memory_space<hbm>>
      %dma_start3A_238 = tpu.memref_squeeze %dma_start3A_237 : memref<1x50xf32, #tpu.memory_space<hbm>> -> memref<50xf32, #tpu.memory_space<hbm>>
      %dma_start3A_239 = arith.constant 0 : i32
      %dma_start3A_240 = tpu.memref_slice %arg11[%dma_start3A_232, %add3A_231, %dma_start3A_239] : memref<2x128x50xf32, #tpu.memory_space<vmem>> -> memref<1x1x50xf32, #tpu.memory_space<vmem>>
      %dma_start3A_241 = tpu.memref_squeeze %dma_start3A_240 : memref<1x1x50xf32, #tpu.memory_space<vmem>> -> memref<50xf32, #tpu.memory_space<vmem>>
      %dma_start3A_242 = arith.constant 0 : i32
      %dma_start3A_243 = tpu.memref_slice %arg5[%squeeze3A_227, %dma_start3A_242] : memref<100000x50xf32, #tpu.memory_space<hbm>> -> memref<1x50xf32, #tpu.memory_space<hbm>>
      %dma_start3A_244 = tpu.memref_squeeze %dma_start3A_243 : memref<1x50xf32, #tpu.memory_space<hbm>> -> memref<50xf32, #tpu.memory_space<hbm>>
      tpu.enqueue_dma source(%dma_start3A_244 : memref<50xf32, #tpu.memory_space<hbm>>) target(%dma_start3A_241 : memref<50xf32, #tpu.memory_space<vmem>>) target_semaphore(%arg15 : memref<!tpu.dma_semaphore, #tpu.memory_space<semaphore_mem>>)
      %slice3A_245 = vector.extract_strided_slice %get3A_88 {offsets = [4], sizes = [1], strides = [1]} : vector<16xi32> to vector<1xi32>
      %squeeze3A_246 = vector.extract %slice3A_245[0] : i32 from vector<1xi32>
      %mul3A_247 = arith.constant 16 : i32
      %mul3A_248 = arith.muli %scan3A_81, %mul3A_247 : i32
      %add3A_249 = arith.constant 4 : i32
      %add3A_250 = arith.addi %mul3A_248, %add3A_249 : i32
      %dma_start3A_251 = arith.constant 1 : i32
      %dma_start3A_252 = arith.constant 0 : i32
      %dma_start3A_253 = tpu.memref_slice %arg10[%dma_start3A_251, %add3A_250, %dma_start3A_252] : memref<2x128x50xf32, #tpu.memory_space<vmem>> -> memref<1x1x50xf32, #tpu.memory_space<vmem>>
      %dma_start3A_254 = tpu.memref_squeeze %dma_start3A_253 : memref<1x1x50xf32, #tpu.memory_space<vmem>> -> memref<50xf32, #tpu.memory_space<vmem>>
      %dma_start3A_255 = arith.constant 0 : i32
      %dma_start3A_256 = tpu.memref_slice %arg4[%squeeze3A_246, %dma_start3A_255] : memref<100000x50xf32, #tpu.memory_space<hbm>> -> memref<1x50xf32, #tpu.memory_space<hbm>>
      %dma_start3A_257 = tpu.memref_squeeze %dma_start3A_256 : memref<1x50xf32, #tpu.memory_space<hbm>> -> memref<50xf32, #tpu.memory_space<hbm>>
      %dma_start3A_258 = arith.constant 0 : i32
      %dma_start3A_259 = tpu.memref_slice %arg10[%dma_start3A_251, %add3A_250, %dma_start3A_258] : memref<2x128x50xf32, #tpu.memory_space<vmem>> -> memref<1x1x50xf32, #tpu.memory_space<vmem>>
      %dma_start3A_260 = tpu.memref_squeeze %dma_start3A_259 : memref<1x1x50xf32, #tpu.memory_space<vmem>> -> memref<50xf32, #tpu.memory_space<vmem>>
      %dma_start3A_261 = arith.constant 0 : i32
      %dma_start3A_262 = tpu.memref_slice %arg4[%squeeze3A_246, %dma_start3A_261] : memref<100000x50xf32, #tpu.memory_space<hbm>> -> memref<1x50xf32, #tpu.memory_space<hbm>>
      %dma_start3A_263 = tpu.memref_squeeze %dma_start3A_262 : memref<1x50xf32, #tpu.memory_space<hbm>> -> memref<50xf32, #tpu.memory_space<hbm>>
      tpu.enqueue_dma source(%dma_start3A_263 : memref<50xf32, #tpu.memory_space<hbm>>) target(%dma_start3A_260 : memref<50xf32, #tpu.memory_space<vmem>>) target_semaphore(%arg13 : memref<!tpu.dma_semaphore, #tpu.memory_space<semaphore_mem>>)
      %slice3A_264 = vector.extract_strided_slice %get3A_95 {offsets = [4], sizes = [1], strides = [1]} : vector<16xi32> to vector<1xi32>
      %squeeze3A_265 = vector.extract %slice3A_264[0] : i32 from vector<1xi32>
      %mul3A_266 = arith.constant 16 : i32
      %mul3A_267 = arith.muli %scan3A_81, %mul3A_266 : i32
      %add3A_268 = arith.constant 4 : i32
      %add3A_269 = arith.addi %mul3A_267, %add3A_268 : i32
      %dma_start3A_270 = arith.constant 1 : i32
      %dma_start3A_271 = arith.constant 0 : i32
      %dma_start3A_272 = tpu.memref_slice %arg11[%dma_start3A_270, %add3A_269, %dma_start3A_271] : memref<2x128x50xf32, #tpu.memory_space<vmem>> -> memref<1x1x50xf32, #tpu.memory_space<vmem>>
      %dma_start3A_273 = tpu.memref_squeeze %dma_start3A_272 : memref<1x1x50xf32, #tpu.memory_space<vmem>> -> memref<50xf32, #tpu.memory_space<vmem>>
      %dma_start3A_274 = arith.constant 0 : i32
      %dma_start3A_275 = tpu.memref_slice %arg5[%squeeze3A_265, %dma_start3A_274] : memref<100000x50xf32, #tpu.memory_space<hbm>> -> memref<1x50xf32, #tpu.memory_space<hbm>>
      %dma_start3A_276 = tpu.memref_squeeze %dma_start3A_275 : memref<1x50xf32, #tpu.memory_space<hbm>> -> memref<50xf32, #tpu.memory_space<hbm>>
      %dma_start3A_277 = arith.constant 0 : i32
      %dma_start3A_278 = tpu.memref_slice %arg11[%dma_start3A_270, %add3A_269, %dma_start3A_277] : memref<2x128x50xf32, #tpu.memory_space<vmem>> -> memref<1x1x50xf32, #tpu.memory_space<vmem>>
      %dma_start3A_279 = tpu.memref_squeeze %dma_start3A_278 : memref<1x1x50xf32, #tpu.memory_space<vmem>> -> memref<50xf32, #tpu.memory_space<vmem>>
      %dma_start3A_280 = arith.constant 0 : i32
      %dma_start3A_281 = tpu.memref_slice %arg5[%squeeze3A_265, %dma_start3A_280] : memref<100000x50xf32, #tpu.memory_space<hbm>> -> memref<1x50xf32, #tpu.memory_space<hbm>>
      %dma_start3A_282 = tpu.memref_squeeze %dma_start3A_281 : memref<1x50xf32, #tpu.memory_space<hbm>> -> memref<50xf32, #tpu.memory_space<hbm>>
      tpu.enqueue_dma source(%dma_start3A_282 : memref<50xf32, #tpu.memory_space<hbm>>) target(%dma_start3A_279 : memref<50xf32, #tpu.memory_space<vmem>>) target_semaphore(%arg15 : memref<!tpu.dma_semaphore, #tpu.memory_space<semaphore_mem>>)
      %slice3A_283 = vector.extract_strided_slice %get3A_88 {offsets = [5], sizes = [1], strides = [1]} : vector<16xi32> to vector<1xi32>
      %squeeze3A_284 = vector.extract %slice3A_283[0] : i32 from vector<1xi32>
      %mul3A_285 = arith.constant 16 : i32
      %mul3A_286 = arith.muli %scan3A_81, %mul3A_285 : i32
      %add3A_287 = arith.constant 5 : i32
      %add3A_288 = arith.addi %mul3A_286, %add3A_287 : i32
      %dma_start3A_289 = arith.constant 1 : i32
      %dma_start3A_290 = arith.constant 0 : i32
      %dma_start3A_291 = tpu.memref_slice %arg10[%dma_start3A_289, %add3A_288, %dma_start3A_290] : memref<2x128x50xf32, #tpu.memory_space<vmem>> -> memref<1x1x50xf32, #tpu.memory_space<vmem>>
      %dma_start3A_292 = tpu.memref_squeeze %dma_start3A_291 : memref<1x1x50xf32, #tpu.memory_space<vmem>> -> memref<50xf32, #tpu.memory_space<vmem>>
      %dma_start3A_293 = arith.constant 0 : i32
      %dma_start3A_294 = tpu.memref_slice %arg4[%squeeze3A_284, %dma_start3A_293] : memref<100000x50xf32, #tpu.memory_space<hbm>> -> memref<1x50xf32, #tpu.memory_space<hbm>>
      %dma_start3A_295 = tpu.memref_squeeze %dma_start3A_294 : memref<1x50xf32, #tpu.memory_space<hbm>> -> memref<50xf32, #tpu.memory_space<hbm>>
      %dma_start3A_296 = arith.constant 0 : i32
      %dma_start3A_297 = tpu.memref_slice %arg10[%dma_start3A_289, %add3A_288, %dma_start3A_296] : memref<2x128x50xf32, #tpu.memory_space<vmem>> -> memref<1x1x50xf32, #tpu.memory_space<vmem>>
      %dma_start3A_298 = tpu.memref_squeeze %dma_start3A_297 : memref<1x1x50xf32, #tpu.memory_space<vmem>> -> memref<50xf32, #tpu.memory_space<vmem>>
      %dma_start3A_299 = arith.constant 0 : i32
      %dma_start3A_300 = tpu.memref_slice %arg4[%squeeze3A_284, %dma_start3A_299] : memref<100000x50xf32, #tpu.memory_space<hbm>> -> memref<1x50xf32, #tpu.memory_space<hbm>>
      %dma_start3A_301 = tpu.memref_squeeze %dma_start3A_300 : memref<1x50xf32, #tpu.memory_space<hbm>> -> memref<50xf32, #tpu.memory_space<hbm>>
      tpu.enqueue_dma source(%dma_start3A_301 : memref<50xf32, #tpu.memory_space<hbm>>) target(%dma_start3A_298 : memref<50xf32, #tpu.memory_space<vmem>>) target_semaphore(%arg13 : memref<!tpu.dma_semaphore, #tpu.memory_space<semaphore_mem>>)
      %slice3A_302 = vector.extract_strided_slice %get3A_95 {offsets = [5], sizes = [1], strides = [1]} : vector<16xi32> to vector<1xi32>
      %squeeze3A_303 = vector.extract %slice3A_302[0] : i32 from vector<1xi32>
      %mul3A_304 = arith.constant 16 : i32
      %mul3A_305 = arith.muli %scan3A_81, %mul3A_304 : i32
      %add3A_306 = arith.constant 5 : i32
      %add3A_307 = arith.addi %mul3A_305, %add3A_306 : i32
      %dma_start3A_308 = arith.constant 1 : i32
      %dma_start3A_309 = arith.constant 0 : i32
      %dma_start3A_310 = tpu.memref_slice %arg11[%dma_start3A_308, %add3A_307, %dma_start3A_309] : memref<2x128x50xf32, #tpu.memory_space<vmem>> -> memref<1x1x50xf32, #tpu.memory_space<vmem>>
      %dma_start3A_311 = tpu.memref_squeeze %dma_start3A_310 : memref<1x1x50xf32, #tpu.memory_space<vmem>> -> memref<50xf32, #tpu.memory_space<vmem>>
      %dma_start3A_312 = arith.constant 0 : i32
      %dma_start3A_313 = tpu.memref_slice %arg5[%squeeze3A_303, %dma_start3A_312] : memref<100000x50xf32, #tpu.memory_space<hbm>> -> memref<1x50xf32, #tpu.memory_space<hbm>>
      %dma_start3A_314 = tpu.memref_squeeze %dma_start3A_313 : memref<1x50xf32, #tpu.memory_space<hbm>> -> memref<50xf32, #tpu.memory_space<hbm>>
      %dma_start3A_315 = arith.constant 0 : i32
      %dma_start3A_316 = tpu.memref_slice %arg11[%dma_start3A_308, %add3A_307, %dma_start3A_315] : memref<2x128x50xf32, #tpu.memory_space<vmem>> -> memref<1x1x50xf32, #tpu.memory_space<vmem>>
      %dma_start3A_317 = tpu.memref_squeeze %dma_start3A_316 : memref<1x1x50xf32, #tpu.memory_space<vmem>> -> memref<50xf32, #tpu.memory_space<vmem>>
      %dma_start3A_318 = arith.constant 0 : i32
      %dma_start3A_319 = tpu.memref_slice %arg5[%squeeze3A_303, %dma_start3A_318] : memref<100000x50xf32, #tpu.memory_space<hbm>> -> memref<1x50xf32, #tpu.memory_space<hbm>>
      %dma_start3A_320 = tpu.memref_squeeze %dma_start3A_319 : memref<1x50xf32, #tpu.memory_space<hbm>> -> memref<50xf32, #tpu.memory_space<hbm>>
      tpu.enqueue_dma source(%dma_start3A_320 : memref<50xf32, #tpu.memory_space<hbm>>) target(%dma_start3A_317 : memref<50xf32, #tpu.memory_space<vmem>>) target_semaphore(%arg15 : memref<!tpu.dma_semaphore, #tpu.memory_space<semaphore_mem>>)
      %slice3A_321 = vector.extract_strided_slice %get3A_88 {offsets = [6], sizes = [1], strides = [1]} : vector<16xi32> to vector<1xi32>
      %squeeze3A_322 = vector.extract %slice3A_321[0] : i32 from vector<1xi32>
      %mul3A_323 = arith.constant 16 : i32
      %mul3A_324 = arith.muli %scan3A_81, %mul3A_323 : i32
      %add3A_325 = arith.constant 6 : i32
      %add3A_326 = arith.addi %mul3A_324, %add3A_325 : i32
      %dma_start3A_327 = arith.constant 1 : i32
      %dma_start3A_328 = arith.constant 0 : i32
      %dma_start3A_329 = tpu.memref_slice %arg10[%dma_start3A_327, %add3A_326, %dma_start3A_328] : memref<2x128x50xf32, #tpu.memory_space<vmem>> -> memref<1x1x50xf32, #tpu.memory_space<vmem>>
      %dma_start3A_330 = tpu.memref_squeeze %dma_start3A_329 : memref<1x1x50xf32, #tpu.memory_space<vmem>> -> memref<50xf32, #tpu.memory_space<vmem>>
      %dma_start3A_331 = arith.constant 0 : i32
      %dma_start3A_332 = tpu.memref_slice %arg4[%squeeze3A_322, %dma_start3A_331] : memref<100000x50xf32, #tpu.memory_space<hbm>> -> memref<1x50xf32, #tpu.memory_space<hbm>>
      %dma_start3A_333 = tpu.memref_squeeze %dma_start3A_332 : memref<1x50xf32, #tpu.memory_space<hbm>> -> memref<50xf32, #tpu.memory_space<hbm>>
      %dma_start3A_334 = arith.constant 0 : i32
      %dma_start3A_335 = tpu.memref_slice %arg10[%dma_start3A_327, %add3A_326, %dma_start3A_334] : memref<2x128x50xf32, #tpu.memory_space<vmem>> -> memref<1x1x50xf32, #tpu.memory_space<vmem>>
      %dma_start3A_336 = tpu.memref_squeeze %dma_start3A_335 : memref<1x1x50xf32, #tpu.memory_space<vmem>> -> memref<50xf32, #tpu.memory_space<vmem>>
      %dma_start3A_337 = arith.constant 0 : i32
      %dma_start3A_338 = tpu.memref_slice %arg4[%squeeze3A_322, %dma_start3A_337] : memref<100000x50xf32, #tpu.memory_space<hbm>> -> memref<1x50xf32, #tpu.memory_space<hbm>>
      %dma_start3A_339 = tpu.memref_squeeze %dma_start3A_338 : memref<1x50xf32, #tpu.memory_space<hbm>> -> memref<50xf32, #tpu.memory_space<hbm>>
      tpu.enqueue_dma source(%dma_start3A_339 : memref<50xf32, #tpu.memory_space<hbm>>) target(%dma_start3A_336 : memref<50xf32, #tpu.memory_space<vmem>>) target_semaphore(%arg13 : memref<!tpu.dma_semaphore, #tpu.memory_space<semaphore_mem>>)
      %slice3A_340 = vector.extract_strided_slice %get3A_95 {offsets = [6], sizes = [1], strides = [1]} : vector<16xi32> to vector<1xi32>
      %squeeze3A_341 = vector.extract %slice3A_340[0] : i32 from vector<1xi32>
      %mul3A_342 = arith.constant 16 : i32
      %mul3A_343 = arith.muli %scan3A_81, %mul3A_342 : i32
      %add3A_344 = arith.constant 6 : i32
      %add3A_345 = arith.addi %mul3A_343, %add3A_344 : i32
      %dma_start3A_346 = arith.constant 1 : i32
      %dma_start3A_347 = arith.constant 0 : i32
      %dma_start3A_348 = tpu.memref_slice %arg11[%dma_start3A_346, %add3A_345, %dma_start3A_347] : memref<2x128x50xf32, #tpu.memory_space<vmem>> -> memref<1x1x50xf32, #tpu.memory_space<vmem>>
      %dma_start3A_349 = tpu.memref_squeeze %dma_start3A_348 : memref<1x1x50xf32, #tpu.memory_space<vmem>> -> memref<50xf32, #tpu.memory_space<vmem>>
      %dma_start3A_350 = arith.constant 0 : i32
      %dma_start3A_351 = tpu.memref_slice %arg5[%squeeze3A_341, %dma_start3A_350] : memref<100000x50xf32, #tpu.memory_space<hbm>> -> memref<1x50xf32, #tpu.memory_space<hbm>>
      %dma_start3A_352 = tpu.memref_squeeze %dma_start3A_351 : memref<1x50xf32, #tpu.memory_space<hbm>> -> memref<50xf32, #tpu.memory_space<hbm>>
      %dma_start3A_353 = arith.constant 0 : i32
      %dma_start3A_354 = tpu.memref_slice %arg11[%dma_start3A_346, %add3A_345, %dma_start3A_353] : memref<2x128x50xf32, #tpu.memory_space<vmem>> -> memref<1x1x50xf32, #tpu.memory_space<vmem>>
      %dma_start3A_355 = tpu.memref_squeeze %dma_start3A_354 : memref<1x1x50xf32, #tpu.memory_space<vmem>> -> memref<50xf32, #tpu.memory_space<vmem>>
      %dma_start3A_356 = arith.constant 0 : i32
      %dma_start3A_357 = tpu.memref_slice %arg5[%squeeze3A_341, %dma_start3A_356] : memref<100000x50xf32, #tpu.memory_space<hbm>> -> memref<1x50xf32, #tpu.memory_space<hbm>>
      %dma_start3A_358 = tpu.memref_squeeze %dma_start3A_357 : memref<1x50xf32, #tpu.memory_space<hbm>> -> memref<50xf32, #tpu.memory_space<hbm>>
      tpu.enqueue_dma source(%dma_start3A_358 : memref<50xf32, #tpu.memory_space<hbm>>) target(%dma_start3A_355 : memref<50xf32, #tpu.memory_space<vmem>>) target_semaphore(%arg15 : memref<!tpu.dma_semaphore, #tpu.memory_space<semaphore_mem>>)
      %slice3A_359 = vector.extract_strided_slice %get3A_88 {offsets = [7], sizes = [1], strides = [1]} : vector<16xi32> to vector<1xi32>
      %squeeze3A_360 = vector.extract %slice3A_359[0] : i32 from vector<1xi32>
      %mul3A_361 = arith.constant 16 : i32
      %mul3A_362 = arith.muli %scan3A_81, %mul3A_361 : i32
      %add3A_363 = arith.constant 7 : i32
      %add3A_364 = arith.addi %mul3A_362, %add3A_363 : i32
      %dma_start3A_365 = arith.constant 1 : i32
      %dma_start3A_366 = arith.constant 0 : i32
      %dma_start3A_367 = tpu.memref_slice %arg10[%dma_start3A_365, %add3A_364, %dma_start3A_366] : memref<2x128x50xf32, #tpu.memory_space<vmem>> -> memref<1x1x50xf32, #tpu.memory_space<vmem>>
      %dma_start3A_368 = tpu.memref_squeeze %dma_start3A_367 : memref<1x1x50xf32, #tpu.memory_space<vmem>> -> memref<50xf32, #tpu.memory_space<vmem>>
      %dma_start3A_369 = arith.constant 0 : i32
      %dma_start3A_370 = tpu.memref_slice %arg4[%squeeze3A_360, %dma_start3A_369] : memref<100000x50xf32, #tpu.memory_space<hbm>> -> memref<1x50xf32, #tpu.memory_space<hbm>>
      %dma_start3A_371 = tpu.memref_squeeze %dma_start3A_370 : memref<1x50xf32, #tpu.memory_space<hbm>> -> memref<50xf32, #tpu.memory_space<hbm>>
      %dma_start3A_372 = arith.constant 0 : i32
      %dma_start3A_373 = tpu.memref_slice %arg10[%dma_start3A_365, %add3A_364, %dma_start3A_372] : memref<2x128x50xf32, #tpu.memory_space<vmem>> -> memref<1x1x50xf32, #tpu.memory_space<vmem>>
      %dma_start3A_374 = tpu.memref_squeeze %dma_start3A_373 : memref<1x1x50xf32, #tpu.memory_space<vmem>> -> memref<50xf32, #tpu.memory_space<vmem>>
      %dma_start3A_375 = arith.constant 0 : i32
      %dma_start3A_376 = tpu.memref_slice %arg4[%squeeze3A_360, %dma_start3A_375] : memref<100000x50xf32, #tpu.memory_space<hbm>> -> memref<1x50xf32, #tpu.memory_space<hbm>>
      %dma_start3A_377 = tpu.memref_squeeze %dma_start3A_376 : memref<1x50xf32, #tpu.memory_space<hbm>> -> memref<50xf32, #tpu.memory_space<hbm>>
      tpu.enqueue_dma source(%dma_start3A_377 : memref<50xf32, #tpu.memory_space<hbm>>) target(%dma_start3A_374 : memref<50xf32, #tpu.memory_space<vmem>>) target_semaphore(%arg13 : memref<!tpu.dma_semaphore, #tpu.memory_space<semaphore_mem>>)
      %slice3A_378 = vector.extract_strided_slice %get3A_95 {offsets = [7], sizes = [1], strides = [1]} : vector<16xi32> to vector<1xi32>
      %squeeze3A_379 = vector.extract %slice3A_378[0] : i32 from vector<1xi32>
      %mul3A_380 = arith.constant 16 : i32
      %mul3A_381 = arith.muli %scan3A_81, %mul3A_380 : i32
      %add3A_382 = arith.constant 7 : i32
      %add3A_383 = arith.addi %mul3A_381, %add3A_382 : i32
      %dma_start3A_384 = arith.constant 1 : i32
      %dma_start3A_385 = arith.constant 0 : i32
      %dma_start3A_386 = tpu.memref_slice %arg11[%dma_start3A_384, %add3A_383, %dma_start3A_385] : memref<2x128x50xf32, #tpu.memory_space<vmem>> -> memref<1x1x50xf32, #tpu.memory_space<vmem>>
      %dma_start3A_387 = tpu.memref_squeeze %dma_start3A_386 : memref<1x1x50xf32, #tpu.memory_space<vmem>> -> memref<50xf32, #tpu.memory_space<vmem>>
      %dma_start3A_388 = arith.constant 0 : i32
      %dma_start3A_389 = tpu.memref_slice %arg5[%squeeze3A_379, %dma_start3A_388] : memref<100000x50xf32, #tpu.memory_space<hbm>> -> memref<1x50xf32, #tpu.memory_space<hbm>>
      %dma_start3A_390 = tpu.memref_squeeze %dma_start3A_389 : memref<1x50xf32, #tpu.memory_space<hbm>> -> memref<50xf32, #tpu.memory_space<hbm>>
      %dma_start3A_391 = arith.constant 0 : i32
      %dma_start3A_392 = tpu.memref_slice %arg11[%dma_start3A_384, %add3A_383, %dma_start3A_391] : memref<2x128x50xf32, #tpu.memory_space<vmem>> -> memref<1x1x50xf32, #tpu.memory_space<vmem>>
      %dma_start3A_393 = tpu.memref_squeeze %dma_start3A_392 : memref<1x1x50xf32, #tpu.memory_space<vmem>> -> memref<50xf32, #tpu.memory_space<vmem>>
      %dma_start3A_394 = arith.constant 0 : i32
      %dma_start3A_395 = tpu.memref_slice %arg5[%squeeze3A_379, %dma_start3A_394] : memref<100000x50xf32, #tpu.memory_space<hbm>> -> memref<1x50xf32, #tpu.memory_space<hbm>>
      %dma_start3A_396 = tpu.memref_squeeze %dma_start3A_395 : memref<1x50xf32, #tpu.memory_space<hbm>> -> memref<50xf32, #tpu.memory_space<hbm>>
      tpu.enqueue_dma source(%dma_start3A_396 : memref<50xf32, #tpu.memory_space<hbm>>) target(%dma_start3A_393 : memref<50xf32, #tpu.memory_space<vmem>>) target_semaphore(%arg15 : memref<!tpu.dma_semaphore, #tpu.memory_space<semaphore_mem>>)
      %slice3A_397 = vector.extract_strided_slice %get3A_88 {offsets = [8], sizes = [1], strides = [1]} : vector<16xi32> to vector<1xi32>
      %squeeze3A_398 = vector.extract %slice3A_397[0] : i32 from vector<1xi32>
      %mul3A_399 = arith.constant 16 : i32
      %mul3A_400 = arith.muli %scan3A_81, %mul3A_399 : i32
      %add3A_401 = arith.constant 8 : i32
      %add3A_402 = arith.addi %mul3A_400, %add3A_401 : i32
      %dma_start3A_403 = arith.constant 1 : i32
      %dma_start3A_404 = arith.constant 0 : i32
      %dma_start3A_405 = tpu.memref_slice %arg10[%dma_start3A_403, %add3A_402, %dma_start3A_404] : memref<2x128x50xf32, #tpu.memory_space<vmem>> -> memref<1x1x50xf32, #tpu.memory_space<vmem>>
      %dma_start3A_406 = tpu.memref_squeeze %dma_start3A_405 : memref<1x1x50xf32, #tpu.memory_space<vmem>> -> memref<50xf32, #tpu.memory_space<vmem>>
      %dma_start3A_407 = arith.constant 0 : i32
      %dma_start3A_408 = tpu.memref_slice %arg4[%squeeze3A_398, %dma_start3A_407] : memref<100000x50xf32, #tpu.memory_space<hbm>> -> memref<1x50xf32, #tpu.memory_space<hbm>>
      %dma_start3A_409 = tpu.memref_squeeze %dma_start3A_408 : memref<1x50xf32, #tpu.memory_space<hbm>> -> memref<50xf32, #tpu.memory_space<hbm>>
      %dma_start3A_410 = arith.constant 0 : i32
      %dma_start3A_411 = tpu.memref_slice %arg10[%dma_start3A_403, %add3A_402, %dma_start3A_410] : memref<2x128x50xf32, #tpu.memory_space<vmem>> -> memref<1x1x50xf32, #tpu.memory_space<vmem>>
      %dma_start3A_412 = tpu.memref_squeeze %dma_start3A_411 : memref<1x1x50xf32, #tpu.memory_space<vmem>> -> memref<50xf32, #tpu.memory_space<vmem>>
      %dma_start3A_413 = arith.constant 0 : i32
      %dma_start3A_414 = tpu.memref_slice %arg4[%squeeze3A_398, %dma_start3A_413] : memref<100000x50xf32, #tpu.memory_space<hbm>> -> memref<1x50xf32, #tpu.memory_space<hbm>>
      %dma_start3A_415 = tpu.memref_squeeze %dma_start3A_414 : memref<1x50xf32, #tpu.memory_space<hbm>> -> memref<50xf32, #tpu.memory_space<hbm>>
      tpu.enqueue_dma source(%dma_start3A_415 : memref<50xf32, #tpu.memory_space<hbm>>) target(%dma_start3A_412 : memref<50xf32, #tpu.memory_space<vmem>>) target_semaphore(%arg13 : memref<!tpu.dma_semaphore, #tpu.memory_space<semaphore_mem>>)
      %slice3A_416 = vector.extract_strided_slice %get3A_95 {offsets = [8], sizes = [1], strides = [1]} : vector<16xi32> to vector<1xi32>
      %squeeze3A_417 = vector.extract %slice3A_416[0] : i32 from vector<1xi32>
      %mul3A_418 = arith.constant 16 : i32
      %mul3A_419 = arith.muli %scan3A_81, %mul3A_418 : i32
      %add3A_420 = arith.constant 8 : i32
      %add3A_421 = arith.addi %mul3A_419, %add3A_420 : i32
      %dma_start3A_422 = arith.constant 1 : i32
      %dma_start3A_423 = arith.constant 0 : i32
      %dma_start3A_424 = tpu.memref_slice %arg11[%dma_start3A_422, %add3A_421, %dma_start3A_423] : memref<2x128x50xf32, #tpu.memory_space<vmem>> -> memref<1x1x50xf32, #tpu.memory_space<vmem>>
      %dma_start3A_425 = tpu.memref_squeeze %dma_start3A_424 : memref<1x1x50xf32, #tpu.memory_space<vmem>> -> memref<50xf32, #tpu.memory_space<vmem>>
      %dma_start3A_426 = arith.constant 0 : i32
      %dma_start3A_427 = tpu.memref_slice %arg5[%squeeze3A_417, %dma_start3A_426] : memref<100000x50xf32, #tpu.memory_space<hbm>> -> memref<1x50xf32, #tpu.memory_space<hbm>>
      %dma_start3A_428 = tpu.memref_squeeze %dma_start3A_427 : memref<1x50xf32, #tpu.memory_space<hbm>> -> memref<50xf32, #tpu.memory_space<hbm>>
      %dma_start3A_429 = arith.constant 0 : i32
      %dma_start3A_430 = tpu.memref_slice %arg11[%dma_start3A_422, %add3A_421, %dma_start3A_429] : memref<2x128x50xf32, #tpu.memory_space<vmem>> -> memref<1x1x50xf32, #tpu.memory_space<vmem>>
      %dma_start3A_431 = tpu.memref_squeeze %dma_start3A_430 : memref<1x1x50xf32, #tpu.memory_space<vmem>> -> memref<50xf32, #tpu.memory_space<vmem>>
      %dma_start3A_432 = arith.constant 0 : i32
      %dma_start3A_433 = tpu.memref_slice %arg5[%squeeze3A_417, %dma_start3A_432] : memref<100000x50xf32, #tpu.memory_space<hbm>> -> memref<1x50xf32, #tpu.memory_space<hbm>>
      %dma_start3A_434 = tpu.memref_squeeze %dma_start3A_433 : memref<1x50xf32, #tpu.memory_space<hbm>> -> memref<50xf32, #tpu.memory_space<hbm>>
      tpu.enqueue_dma source(%dma_start3A_434 : memref<50xf32, #tpu.memory_space<hbm>>) target(%dma_start3A_431 : memref<50xf32, #tpu.memory_space<vmem>>) target_semaphore(%arg15 : memref<!tpu.dma_semaphore, #tpu.memory_space<semaphore_mem>>)
      %slice3A_435 = vector.extract_strided_slice %get3A_88 {offsets = [9], sizes = [1], strides = [1]} : vector<16xi32> to vector<1xi32>
      %squeeze3A_436 = vector.extract %slice3A_435[0] : i32 from vector<1xi32>
      %mul3A_437 = arith.constant 16 : i32
      %mul3A_438 = arith.muli %scan3A_81, %mul3A_437 : i32
      %add3A_439 = arith.constant 9 : i32
      %add3A_440 = arith.addi %mul3A_438, %add3A_439 : i32
      %dma_start3A_441 = arith.constant 1 : i32
      %dma_start3A_442 = arith.constant 0 : i32
      %dma_start3A_443 = tpu.memref_slice %arg10[%dma_start3A_441, %add3A_440, %dma_start3A_442] : memref<2x128x50xf32, #tpu.memory_space<vmem>> -> memref<1x1x50xf32, #tpu.memory_space<vmem>>
      %dma_start3A_444 = tpu.memref_squeeze %dma_start3A_443 : memref<1x1x50xf32, #tpu.memory_space<vmem>> -> memref<50xf32, #tpu.memory_space<vmem>>
      %dma_start3A_445 = arith.constant 0 : i32
      %dma_start3A_446 = tpu.memref_slice %arg4[%squeeze3A_436, %dma_start3A_445] : memref<100000x50xf32, #tpu.memory_space<hbm>> -> memref<1x50xf32, #tpu.memory_space<hbm>>
      %dma_start3A_447 = tpu.memref_squeeze %dma_start3A_446 : memref<1x50xf32, #tpu.memory_space<hbm>> -> memref<50xf32, #tpu.memory_space<hbm>>
      %dma_start3A_448 = arith.constant 0 : i32
      %dma_start3A_449 = tpu.memref_slice %arg10[%dma_start3A_441, %add3A_440, %dma_start3A_448] : memref<2x128x50xf32, #tpu.memory_space<vmem>> -> memref<1x1x50xf32, #tpu.memory_space<vmem>>
      %dma_start3A_450 = tpu.memref_squeeze %dma_start3A_449 : memref<1x1x50xf32, #tpu.memory_space<vmem>> -> memref<50xf32, #tpu.memory_space<vmem>>
      %dma_start3A_451 = arith.constant 0 : i32
      %dma_start3A_452 = tpu.memref_slice %arg4[%squeeze3A_436, %dma_start3A_451] : memref<100000x50xf32, #tpu.memory_space<hbm>> -> memref<1x50xf32, #tpu.memory_space<hbm>>
      %dma_start3A_453 = tpu.memref_squeeze %dma_start3A_452 : memref<1x50xf32, #tpu.memory_space<hbm>> -> memref<50xf32, #tpu.memory_space<hbm>>
      tpu.enqueue_dma source(%dma_start3A_453 : memref<50xf32, #tpu.memory_space<hbm>>) target(%dma_start3A_450 : memref<50xf32, #tpu.memory_space<vmem>>) target_semaphore(%arg13 : memref<!tpu.dma_semaphore, #tpu.memory_space<semaphore_mem>>)
      %slice3A_454 = vector.extract_strided_slice %get3A_95 {offsets = [9], sizes = [1], strides = [1]} : vector<16xi32> to vector<1xi32>
      %squeeze3A_455 = vector.extract %slice3A_454[0] : i32 from vector<1xi32>
      %mul3A_456 = arith.constant 16 : i32
      %mul3A_457 = arith.muli %scan3A_81, %mul3A_456 : i32
      %add3A_458 = arith.constant 9 : i32
      %add3A_459 = arith.addi %mul3A_457, %add3A_458 : i32
      %dma_start3A_460 = arith.constant 1 : i32
      %dma_start3A_461 = arith.constant 0 : i32
      %dma_start3A_462 = tpu.memref_slice %arg11[%dma_start3A_460, %add3A_459, %dma_start3A_461] : memref<2x128x50xf32, #tpu.memory_space<vmem>> -> memref<1x1x50xf32, #tpu.memory_space<vmem>>
      %dma_start3A_463 = tpu.memref_squeeze %dma_start3A_462 : memref<1x1x50xf32, #tpu.memory_space<vmem>> -> memref<50xf32, #tpu.memory_space<vmem>>
      %dma_start3A_464 = arith.constant 0 : i32
      %dma_start3A_465 = tpu.memref_slice %arg5[%squeeze3A_455, %dma_start3A_464] : memref<100000x50xf32, #tpu.memory_space<hbm>> -> memref<1x50xf32, #tpu.memory_space<hbm>>
      %dma_start3A_466 = tpu.memref_squeeze %dma_start3A_465 : memref<1x50xf32, #tpu.memory_space<hbm>> -> memref<50xf32, #tpu.memory_space<hbm>>
      %dma_start3A_467 = arith.constant 0 : i32
      %dma_start3A_468 = tpu.memref_slice %arg11[%dma_start3A_460, %add3A_459, %dma_start3A_467] : memref<2x128x50xf32, #tpu.memory_space<vmem>> -> memref<1x1x50xf32, #tpu.memory_space<vmem>>
      %dma_start3A_469 = tpu.memref_squeeze %dma_start3A_468 : memref<1x1x50xf32, #tpu.memory_space<vmem>> -> memref<50xf32, #tpu.memory_space<vmem>>
      %dma_start3A_470 = arith.constant 0 : i32
      %dma_start3A_471 = tpu.memref_slice %arg5[%squeeze3A_455, %dma_start3A_470] : memref<100000x50xf32, #tpu.memory_space<hbm>> -> memref<1x50xf32, #tpu.memory_space<hbm>>
      %dma_start3A_472 = tpu.memref_squeeze %dma_start3A_471 : memref<1x50xf32, #tpu.memory_space<hbm>> -> memref<50xf32, #tpu.memory_space<hbm>>
      tpu.enqueue_dma source(%dma_start3A_472 : memref<50xf32, #tpu.memory_space<hbm>>) target(%dma_start3A_469 : memref<50xf32, #tpu.memory_space<vmem>>) target_semaphore(%arg15 : memref<!tpu.dma_semaphore, #tpu.memory_space<semaphore_mem>>)
      %slice3A_473 = vector.extract_strided_slice %get3A_88 {offsets = [10], sizes = [1], strides = [1]} : vector<16xi32> to vector<1xi32>
      %squeeze3A_474 = vector.extract %slice3A_473[0] : i32 from vector<1xi32>
      %mul3A_475 = arith.constant 16 : i32
      %mul3A_476 = arith.muli %scan3A_81, %mul3A_475 : i32
      %add3A_477 = arith.constant 10 : i32
      %add3A_478 = arith.addi %mul3A_476, %add3A_477 : i32
      %dma_start3A_479 = arith.constant 1 : i32
      %dma_start3A_480 = arith.constant 0 : i32
      %dma_start3A_481 = tpu.memref_slice %arg10[%dma_start3A_479, %add3A_478, %dma_start3A_480] : memref<2x128x50xf32, #tpu.memory_space<vmem>> -> memref<1x1x50xf32, #tpu.memory_space<vmem>>
      %dma_start3A_482 = tpu.memref_squeeze %dma_start3A_481 : memref<1x1x50xf32, #tpu.memory_space<vmem>> -> memref<50xf32, #tpu.memory_space<vmem>>
      %dma_start3A_483 = arith.constant 0 : i32
      %dma_start3A_484 = tpu.memref_slice %arg4[%squeeze3A_474, %dma_start3A_483] : memref<100000x50xf32, #tpu.memory_space<hbm>> -> memref<1x50xf32, #tpu.memory_space<hbm>>
      %dma_start3A_485 = tpu.memref_squeeze %dma_start3A_484 : memref<1x50xf32, #tpu.memory_space<hbm>> -> memref<50xf32, #tpu.memory_space<hbm>>
      %dma_start3A_486 = arith.constant 0 : i32
      %dma_start3A_487 = tpu.memref_slice %arg10[%dma_start3A_479, %add3A_478, %dma_start3A_486] : memref<2x128x50xf32, #tpu.memory_space<vmem>> -> memref<1x1x50xf32, #tpu.memory_space<vmem>>
      %dma_start3A_488 = tpu.memref_squeeze %dma_start3A_487 : memref<1x1x50xf32, #tpu.memory_space<vmem>> -> memref<50xf32, #tpu.memory_space<vmem>>
      %dma_start3A_489 = arith.constant 0 : i32
      %dma_start3A_490 = tpu.memref_slice %arg4[%squeeze3A_474, %dma_start3A_489] : memref<100000x50xf32, #tpu.memory_space<hbm>> -> memref<1x50xf32, #tpu.memory_space<hbm>>
      %dma_start3A_491 = tpu.memref_squeeze %dma_start3A_490 : memref<1x50xf32, #tpu.memory_space<hbm>> -> memref<50xf32, #tpu.memory_space<hbm>>
      tpu.enqueue_dma source(%dma_start3A_491 : memref<50xf32, #tpu.memory_space<hbm>>) target(%dma_start3A_488 : memref<50xf32, #tpu.memory_space<vmem>>) target_semaphore(%arg13 : memref<!tpu.dma_semaphore, #tpu.memory_space<semaphore_mem>>)
      %slice3A_492 = vector.extract_strided_slice %get3A_95 {offsets = [10], sizes = [1], strides = [1]} : vector<16xi32> to vector<1xi32>
      %squeeze3A_493 = vector.extract %slice3A_492[0] : i32 from vector<1xi32>
      %mul3A_494 = arith.constant 16 : i32
      %mul3A_495 = arith.muli %scan3A_81, %mul3A_494 : i32
      %add3A_496 = arith.constant 10 : i32
      %add3A_497 = arith.addi %mul3A_495, %add3A_496 : i32
      %dma_start3A_498 = arith.constant 1 : i32
      %dma_start3A_499 = arith.constant 0 : i32
      %dma_start3A_500 = tpu.memref_slice %arg11[%dma_start3A_498, %add3A_497, %dma_start3A_499] : memref<2x128x50xf32, #tpu.memory_space<vmem>> -> memref<1x1x50xf32, #tpu.memory_space<vmem>>
      %dma_start3A_501 = tpu.memref_squeeze %dma_start3A_500 : memref<1x1x50xf32, #tpu.memory_space<vmem>> -> memref<50xf32, #tpu.memory_space<vmem>>
      %dma_start3A_502 = arith.constant 0 : i32
      %dma_start3A_503 = tpu.memref_slice %arg5[%squeeze3A_493, %dma_start3A_502] : memref<100000x50xf32, #tpu.memory_space<hbm>> -> memref<1x50xf32, #tpu.memory_space<hbm>>
      %dma_start3A_504 = tpu.memref_squeeze %dma_start3A_503 : memref<1x50xf32, #tpu.memory_space<hbm>> -> memref<50xf32, #tpu.memory_space<hbm>>
      %dma_start3A_505 = arith.constant 0 : i32
      %dma_start3A_506 = tpu.memref_slice %arg11[%dma_start3A_498, %add3A_497, %dma_start3A_505] : memref<2x128x50xf32, #tpu.memory_space<vmem>> -> memref<1x1x50xf32, #tpu.memory_space<vmem>>
      %dma_start3A_507 = tpu.memref_squeeze %dma_start3A_506 : memref<1x1x50xf32, #tpu.memory_space<vmem>> -> memref<50xf32, #tpu.memory_space<vmem>>
      %dma_start3A_508 = arith.constant 0 : i32
      %dma_start3A_509 = tpu.memref_slice %arg5[%squeeze3A_493, %dma_start3A_508] : memref<100000x50xf32, #tpu.memory_space<hbm>> -> memref<1x50xf32, #tpu.memory_space<hbm>>
      %dma_start3A_510 = tpu.memref_squeeze %dma_start3A_509 : memref<1x50xf32, #tpu.memory_space<hbm>> -> memref<50xf32, #tpu.memory_space<hbm>>
      tpu.enqueue_dma source(%dma_start3A_510 : memref<50xf32, #tpu.memory_space<hbm>>) target(%dma_start3A_507 : memref<50xf32, #tpu.memory_space<vmem>>) target_semaphore(%arg15 : memref<!tpu.dma_semaphore, #tpu.memory_space<semaphore_mem>>)
      %slice3A_511 = vector.extract_strided_slice %get3A_88 {offsets = [11], sizes = [1], strides = [1]} : vector<16xi32> to vector<1xi32>
      %squeeze3A_512 = vector.extract %slice3A_511[0] : i32 from vector<1xi32>
      %mul3A_513 = arith.constant 16 : i32
      %mul3A_514 = arith.muli %scan3A_81, %mul3A_513 : i32
      %add3A_515 = arith.constant 11 : i32
      %add3A_516 = arith.addi %mul3A_514, %add3A_515 : i32
      %dma_start3A_517 = arith.constant 1 : i32
      %dma_start3A_518 = arith.constant 0 : i32
      %dma_start3A_519 = tpu.memref_slice %arg10[%dma_start3A_517, %add3A_516, %dma_start3A_518] : memref<2x128x50xf32, #tpu.memory_space<vmem>> -> memref<1x1x50xf32, #tpu.memory_space<vmem>>
      %dma_start3A_520 = tpu.memref_squeeze %dma_start3A_519 : memref<1x1x50xf32, #tpu.memory_space<vmem>> -> memref<50xf32, #tpu.memory_space<vmem>>
      %dma_start3A_521 = arith.constant 0 : i32
      %dma_start3A_522 = tpu.memref_slice %arg4[%squeeze3A_512, %dma_start3A_521] : memref<100000x50xf32, #tpu.memory_space<hbm>> -> memref<1x50xf32, #tpu.memory_space<hbm>>
      %dma_start3A_523 = tpu.memref_squeeze %dma_start3A_522 : memref<1x50xf32, #tpu.memory_space<hbm>> -> memref<50xf32, #tpu.memory_space<hbm>>
      %dma_start3A_524 = arith.constant 0 : i32
      %dma_start3A_525 = tpu.memref_slice %arg10[%dma_start3A_517, %add3A_516, %dma_start3A_524] : memref<2x128x50xf32, #tpu.memory_space<vmem>> -> memref<1x1x50xf32, #tpu.memory_space<vmem>>
      %dma_start3A_526 = tpu.memref_squeeze %dma_start3A_525 : memref<1x1x50xf32, #tpu.memory_space<vmem>> -> memref<50xf32, #tpu.memory_space<vmem>>
      %dma_start3A_527 = arith.constant 0 : i32
      %dma_start3A_528 = tpu.memref_slice %arg4[%squeeze3A_512, %dma_start3A_527] : memref<100000x50xf32, #tpu.memory_space<hbm>> -> memref<1x50xf32, #tpu.memory_space<hbm>>
      %dma_start3A_529 = tpu.memref_squeeze %dma_start3A_528 : memref<1x50xf32, #tpu.memory_space<hbm>> -> memref<50xf32, #tpu.memory_space<hbm>>
      tpu.enqueue_dma source(%dma_start3A_529 : memref<50xf32, #tpu.memory_space<hbm>>) target(%dma_start3A_526 : memref<50xf32, #tpu.memory_space<vmem>>) target_semaphore(%arg13 : memref<!tpu.dma_semaphore, #tpu.memory_space<semaphore_mem>>)
      %slice3A_530 = vector.extract_strided_slice %get3A_95 {offsets = [11], sizes = [1], strides = [1]} : vector<16xi32> to vector<1xi32>
      %squeeze3A_531 = vector.extract %slice3A_530[0] : i32 from vector<1xi32>
      %mul3A_532 = arith.constant 16 : i32
      %mul3A_533 = arith.muli %scan3A_81, %mul3A_532 : i32
      %add3A_534 = arith.constant 11 : i32
      %add3A_535 = arith.addi %mul3A_533, %add3A_534 : i32
      %dma_start3A_536 = arith.constant 1 : i32
      %dma_start3A_537 = arith.constant 0 : i32
      %dma_start3A_538 = tpu.memref_slice %arg11[%dma_start3A_536, %add3A_535, %dma_start3A_537] : memref<2x128x50xf32, #tpu.memory_space<vmem>> -> memref<1x1x50xf32, #tpu.memory_space<vmem>>
      %dma_start3A_539 = tpu.memref_squeeze %dma_start3A_538 : memref<1x1x50xf32, #tpu.memory_space<vmem>> -> memref<50xf32, #tpu.memory_space<vmem>>
      %dma_start3A_540 = arith.constant 0 : i32
      %dma_start3A_541 = tpu.memref_slice %arg5[%squeeze3A_531, %dma_start3A_540] : memref<100000x50xf32, #tpu.memory_space<hbm>> -> memref<1x50xf32, #tpu.memory_space<hbm>>
      %dma_start3A_542 = tpu.memref_squeeze %dma_start3A_541 : memref<1x50xf32, #tpu.memory_space<hbm>> -> memref<50xf32, #tpu.memory_space<hbm>>
      %dma_start3A_543 = arith.constant 0 : i32
      %dma_start3A_544 = tpu.memref_slice %arg11[%dma_start3A_536, %add3A_535, %dma_start3A_543] : memref<2x128x50xf32, #tpu.memory_space<vmem>> -> memref<1x1x50xf32, #tpu.memory_space<vmem>>
      %dma_start3A_545 = tpu.memref_squeeze %dma_start3A_544 : memref<1x1x50xf32, #tpu.memory_space<vmem>> -> memref<50xf32, #tpu.memory_space<vmem>>
      %dma_start3A_546 = arith.constant 0 : i32
      %dma_start3A_547 = tpu.memref_slice %arg5[%squeeze3A_531, %dma_start3A_546] : memref<100000x50xf32, #tpu.memory_space<hbm>> -> memref<1x50xf32, #tpu.memory_space<hbm>>
      %dma_start3A_548 = tpu.memref_squeeze %dma_start3A_547 : memref<1x50xf32, #tpu.memory_space<hbm>> -> memref<50xf32, #tpu.memory_space<hbm>>
      tpu.enqueue_dma source(%dma_start3A_548 : memref<50xf32, #tpu.memory_space<hbm>>) target(%dma_start3A_545 : memref<50xf32, #tpu.memory_space<vmem>>) target_semaphore(%arg15 : memref<!tpu.dma_semaphore, #tpu.memory_space<semaphore_mem>>)
      %slice3A_549 = vector.extract_strided_slice %get3A_88 {offsets = [12], sizes = [1], strides = [1]} : vector<16xi32> to vector<1xi32>
      %squeeze3A_550 = vector.extract %slice3A_549[0] : i32 from vector<1xi32>
      %mul3A_551 = arith.constant 16 : i32
      %mul3A_552 = arith.muli %scan3A_81, %mul3A_551 : i32
      %add3A_553 = arith.constant 12 : i32
      %add3A_554 = arith.addi %mul3A_552, %add3A_553 : i32
      %dma_start3A_555 = arith.constant 1 : i32
      %dma_start3A_556 = arith.constant 0 : i32
      %dma_start3A_557 = tpu.memref_slice %arg10[%dma_start3A_555, %add3A_554, %dma_start3A_556] : memref<2x128x50xf32, #tpu.memory_space<vmem>> -> memref<1x1x50xf32, #tpu.memory_space<vmem>>
      %dma_start3A_558 = tpu.memref_squeeze %dma_start3A_557 : memref<1x1x50xf32, #tpu.memory_space<vmem>> -> memref<50xf32, #tpu.memory_space<vmem>>
      %dma_start3A_559 = arith.constant 0 : i32
      %dma_start3A_560 = tpu.memref_slice %arg4[%squeeze3A_550, %dma_start3A_559] : memref<100000x50xf32, #tpu.memory_space<hbm>> -> memref<1x50xf32, #tpu.memory_space<hbm>>
      %dma_start3A_561 = tpu.memref_squeeze %dma_start3A_560 : memref<1x50xf32, #tpu.memory_space<hbm>> -> memref<50xf32, #tpu.memory_space<hbm>>
      %dma_start3A_562 = arith.constant 0 : i32
      %dma_start3A_563 = tpu.memref_slice %arg10[%dma_start3A_555, %add3A_554, %dma_start3A_562] : memref<2x128x50xf32, #tpu.memory_space<vmem>> -> memref<1x1x50xf32, #tpu.memory_space<vmem>>
      %dma_start3A_564 = tpu.memref_squeeze %dma_start3A_563 : memref<1x1x50xf32, #tpu.memory_space<vmem>> -> memref<50xf32, #tpu.memory_space<vmem>>
      %dma_start3A_565 = arith.constant 0 : i32
      %dma_start3A_566 = tpu.memref_slice %arg4[%squeeze3A_550, %dma_start3A_565] : memref<100000x50xf32, #tpu.memory_space<hbm>> -> memref<1x50xf32, #tpu.memory_space<hbm>>
      %dma_start3A_567 = tpu.memref_squeeze %dma_start3A_566 : memref<1x50xf32, #tpu.memory_space<hbm>> -> memref<50xf32, #tpu.memory_space<hbm>>
      tpu.enqueue_dma source(%dma_start3A_567 : memref<50xf32, #tpu.memory_space<hbm>>) target(%dma_start3A_564 : memref<50xf32, #tpu.memory_space<vmem>>) target_semaphore(%arg13 : memref<!tpu.dma_semaphore, #tpu.memory_space<semaphore_mem>>)
      %slice3A_568 = vector.extract_strided_slice %get3A_95 {offsets = [12], sizes = [1], strides = [1]} : vector<16xi32> to vector<1xi32>
      %squeeze3A_569 = vector.extract %slice3A_568[0] : i32 from vector<1xi32>
      %mul3A_570 = arith.constant 16 : i32
      %mul3A_571 = arith.muli %scan3A_81, %mul3A_570 : i32
      %add3A_572 = arith.constant 12 : i32
      %add3A_573 = arith.addi %mul3A_571, %add3A_572 : i32
      %dma_start3A_574 = arith.constant 1 : i32
      %dma_start3A_575 = arith.constant 0 : i32
      %dma_start3A_576 = tpu.memref_slice %arg11[%dma_start3A_574, %add3A_573, %dma_start3A_575] : memref<2x128x50xf32, #tpu.memory_space<vmem>> -> memref<1x1x50xf32, #tpu.memory_space<vmem>>
      %dma_start3A_577 = tpu.memref_squeeze %dma_start3A_576 : memref<1x1x50xf32, #tpu.memory_space<vmem>> -> memref<50xf32, #tpu.memory_space<vmem>>
      %dma_start3A_578 = arith.constant 0 : i32
      %dma_start3A_579 = tpu.memref_slice %arg5[%squeeze3A_569, %dma_start3A_578] : memref<100000x50xf32, #tpu.memory_space<hbm>> -> memref<1x50xf32, #tpu.memory_space<hbm>>
      %dma_start3A_580 = tpu.memref_squeeze %dma_start3A_579 : memref<1x50xf32, #tpu.memory_space<hbm>> -> memref<50xf32, #tpu.memory_space<hbm>>
      %dma_start3A_581 = arith.constant 0 : i32
      %dma_start3A_582 = tpu.memref_slice %arg11[%dma_start3A_574, %add3A_573, %dma_start3A_581] : memref<2x128x50xf32, #tpu.memory_space<vmem>> -> memref<1x1x50xf32, #tpu.memory_space<vmem>>
      %dma_start3A_583 = tpu.memref_squeeze %dma_start3A_582 : memref<1x1x50xf32, #tpu.memory_space<vmem>> -> memref<50xf32, #tpu.memory_space<vmem>>
      %dma_start3A_584 = arith.constant 0 : i32
      %dma_start3A_585 = tpu.memref_slice %arg5[%squeeze3A_569, %dma_start3A_584] : memref<100000x50xf32, #tpu.memory_space<hbm>> -> memref<1x50xf32, #tpu.memory_space<hbm>>
      %dma_start3A_586 = tpu.memref_squeeze %dma_start3A_585 : memref<1x50xf32, #tpu.memory_space<hbm>> -> memref<50xf32, #tpu.memory_space<hbm>>
      tpu.enqueue_dma source(%dma_start3A_586 : memref<50xf32, #tpu.memory_space<hbm>>) target(%dma_start3A_583 : memref<50xf32, #tpu.memory_space<vmem>>) target_semaphore(%arg15 : memref<!tpu.dma_semaphore, #tpu.memory_space<semaphore_mem>>)
      %slice3A_587 = vector.extract_strided_slice %get3A_88 {offsets = [13], sizes = [1], strides = [1]} : vector<16xi32> to vector<1xi32>
      %squeeze3A_588 = vector.extract %slice3A_587[0] : i32 from vector<1xi32>
      %mul3A_589 = arith.constant 16 : i32
      %mul3A_590 = arith.muli %scan3A_81, %mul3A_589 : i32
      %add3A_591 = arith.constant 13 : i32
      %add3A_592 = arith.addi %mul3A_590, %add3A_591 : i32
      %dma_start3A_593 = arith.constant 1 : i32
      %dma_start3A_594 = arith.constant 0 : i32
      %dma_start3A_595 = tpu.memref_slice %arg10[%dma_start3A_593, %add3A_592, %dma_start3A_594] : memref<2x128x50xf32, #tpu.memory_space<vmem>> -> memref<1x1x50xf32, #tpu.memory_space<vmem>>
      %dma_start3A_596 = tpu.memref_squeeze %dma_start3A_595 : memref<1x1x50xf32, #tpu.memory_space<vmem>> -> memref<50xf32, #tpu.memory_space<vmem>>
      %dma_start3A_597 = arith.constant 0 : i32
      %dma_start3A_598 = tpu.memref_slice %arg4[%squeeze3A_588, %dma_start3A_597] : memref<100000x50xf32, #tpu.memory_space<hbm>> -> memref<1x50xf32, #tpu.memory_space<hbm>>
      %dma_start3A_599 = tpu.memref_squeeze %dma_start3A_598 : memref<1x50xf32, #tpu.memory_space<hbm>> -> memref<50xf32, #tpu.memory_space<hbm>>
      %dma_start3A_600 = arith.constant 0 : i32
      %dma_start3A_601 = tpu.memref_slice %arg10[%dma_start3A_593, %add3A_592, %dma_start3A_600] : memref<2x128x50xf32, #tpu.memory_space<vmem>> -> memref<1x1x50xf32, #tpu.memory_space<vmem>>
      %dma_start3A_602 = tpu.memref_squeeze %dma_start3A_601 : memref<1x1x50xf32, #tpu.memory_space<vmem>> -> memref<50xf32, #tpu.memory_space<vmem>>
      %dma_start3A_603 = arith.constant 0 : i32
      %dma_start3A_604 = tpu.memref_slice %arg4[%squeeze3A_588, %dma_start3A_603] : memref<100000x50xf32, #tpu.memory_space<hbm>> -> memref<1x50xf32, #tpu.memory_space<hbm>>
      %dma_start3A_605 = tpu.memref_squeeze %dma_start3A_604 : memref<1x50xf32, #tpu.memory_space<hbm>> -> memref<50xf32, #tpu.memory_space<hbm>>
      tpu.enqueue_dma source(%dma_start3A_605 : memref<50xf32, #tpu.memory_space<hbm>>) target(%dma_start3A_602 : memref<50xf32, #tpu.memory_space<vmem>>) target_semaphore(%arg13 : memref<!tpu.dma_semaphore, #tpu.memory_space<semaphore_mem>>)
      %slice3A_606 = vector.extract_strided_slice %get3A_95 {offsets = [13], sizes = [1], strides = [1]} : vector<16xi32> to vector<1xi32>
      %squeeze3A_607 = vector.extract %slice3A_606[0] : i32 from vector<1xi32>
      %mul3A_608 = arith.constant 16 : i32
      %mul3A_609 = arith.muli %scan3A_81, %mul3A_608 : i32
      %add3A_610 = arith.constant 13 : i32
      %add3A_611 = arith.addi %mul3A_609, %add3A_610 : i32
      %dma_start3A_612 = arith.constant 1 : i32
      %dma_start3A_613 = arith.constant 0 : i32
      %dma_start3A_614 = tpu.memref_slice %arg11[%dma_start3A_612, %add3A_611, %dma_start3A_613] : memref<2x128x50xf32, #tpu.memory_space<vmem>> -> memref<1x1x50xf32, #tpu.memory_space<vmem>>
      %dma_start3A_615 = tpu.memref_squeeze %dma_start3A_614 : memref<1x1x50xf32, #tpu.memory_space<vmem>> -> memref<50xf32, #tpu.memory_space<vmem>>
      %dma_start3A_616 = arith.constant 0 : i32
      %dma_start3A_617 = tpu.memref_slice %arg5[%squeeze3A_607, %dma_start3A_616] : memref<100000x50xf32, #tpu.memory_space<hbm>> -> memref<1x50xf32, #tpu.memory_space<hbm>>
      %dma_start3A_618 = tpu.memref_squeeze %dma_start3A_617 : memref<1x50xf32, #tpu.memory_space<hbm>> -> memref<50xf32, #tpu.memory_space<hbm>>
      %dma_start3A_619 = arith.constant 0 : i32
      %dma_start3A_620 = tpu.memref_slice %arg11[%dma_start3A_612, %add3A_611, %dma_start3A_619] : memref<2x128x50xf32, #tpu.memory_space<vmem>> -> memref<1x1x50xf32, #tpu.memory_space<vmem>>
      %dma_start3A_621 = tpu.memref_squeeze %dma_start3A_620 : memref<1x1x50xf32, #tpu.memory_space<vmem>> -> memref<50xf32, #tpu.memory_space<vmem>>
      %dma_start3A_622 = arith.constant 0 : i32
      %dma_start3A_623 = tpu.memref_slice %arg5[%squeeze3A_607, %dma_start3A_622] : memref<100000x50xf32, #tpu.memory_space<hbm>> -> memref<1x50xf32, #tpu.memory_space<hbm>>
      %dma_start3A_624 = tpu.memref_squeeze %dma_start3A_623 : memref<1x50xf32, #tpu.memory_space<hbm>> -> memref<50xf32, #tpu.memory_space<hbm>>
      tpu.enqueue_dma source(%dma_start3A_624 : memref<50xf32, #tpu.memory_space<hbm>>) target(%dma_start3A_621 : memref<50xf32, #tpu.memory_space<vmem>>) target_semaphore(%arg15 : memref<!tpu.dma_semaphore, #tpu.memory_space<semaphore_mem>>)
      %slice3A_625 = vector.extract_strided_slice %get3A_88 {offsets = [14], sizes = [1], strides = [1]} : vector<16xi32> to vector<1xi32>
      %squeeze3A_626 = vector.extract %slice3A_625[0] : i32 from vector<1xi32>
      %mul3A_627 = arith.constant 16 : i32
      %mul3A_628 = arith.muli %scan3A_81, %mul3A_627 : i32
      %add3A_629 = arith.constant 14 : i32
      %add3A_630 = arith.addi %mul3A_628, %add3A_629 : i32
      %dma_start3A_631 = arith.constant 1 : i32
      %dma_start3A_632 = arith.constant 0 : i32
      %dma_start3A_633 = tpu.memref_slice %arg10[%dma_start3A_631, %add3A_630, %dma_start3A_632] : memref<2x128x50xf32, #tpu.memory_space<vmem>> -> memref<1x1x50xf32, #tpu.memory_space<vmem>>
      %dma_start3A_634 = tpu.memref_squeeze %dma_start3A_633 : memref<1x1x50xf32, #tpu.memory_space<vmem>> -> memref<50xf32, #tpu.memory_space<vmem>>
      %dma_start3A_635 = arith.constant 0 : i32
      %dma_start3A_636 = tpu.memref_slice %arg4[%squeeze3A_626, %dma_start3A_635] : memref<100000x50xf32, #tpu.memory_space<hbm>> -> memref<1x50xf32, #tpu.memory_space<hbm>>
      %dma_start3A_637 = tpu.memref_squeeze %dma_start3A_636 : memref<1x50xf32, #tpu.memory_space<hbm>> -> memref<50xf32, #tpu.memory_space<hbm>>
      %dma_start3A_638 = arith.constant 0 : i32
      %dma_start3A_639 = tpu.memref_slice %arg10[%dma_start3A_631, %add3A_630, %dma_start3A_638] : memref<2x128x50xf32, #tpu.memory_space<vmem>> -> memref<1x1x50xf32, #tpu.memory_space<vmem>>
      %dma_start3A_640 = tpu.memref_squeeze %dma_start3A_639 : memref<1x1x50xf32, #tpu.memory_space<vmem>> -> memref<50xf32, #tpu.memory_space<vmem>>
      %dma_start3A_641 = arith.constant 0 : i32
      %dma_start3A_642 = tpu.memref_slice %arg4[%squeeze3A_626, %dma_start3A_641] : memref<100000x50xf32, #tpu.memory_space<hbm>> -> memref<1x50xf32, #tpu.memory_space<hbm>>
      %dma_start3A_643 = tpu.memref_squeeze %dma_start3A_642 : memref<1x50xf32, #tpu.memory_space<hbm>> -> memref<50xf32, #tpu.memory_space<hbm>>
      tpu.enqueue_dma source(%dma_start3A_643 : memref<50xf32, #tpu.memory_space<hbm>>) target(%dma_start3A_640 : memref<50xf32, #tpu.memory_space<vmem>>) target_semaphore(%arg13 : memref<!tpu.dma_semaphore, #tpu.memory_space<semaphore_mem>>)
      %slice3A_644 = vector.extract_strided_slice %get3A_95 {offsets = [14], sizes = [1], strides = [1]} : vector<16xi32> to vector<1xi32>
      %squeeze3A_645 = vector.extract %slice3A_644[0] : i32 from vector<1xi32>
      %mul3A_646 = arith.constant 16 : i32
      %mul3A_647 = arith.muli %scan3A_81, %mul3A_646 : i32
      %add3A_648 = arith.constant 14 : i32
      %add3A_649 = arith.addi %mul3A_647, %add3A_648 : i32
      %dma_start3A_650 = arith.constant 1 : i32
      %dma_start3A_651 = arith.constant 0 : i32
      %dma_start3A_652 = tpu.memref_slice %arg11[%dma_start3A_650, %add3A_649, %dma_start3A_651] : memref<2x128x50xf32, #tpu.memory_space<vmem>> -> memref<1x1x50xf32, #tpu.memory_space<vmem>>
      %dma_start3A_653 = tpu.memref_squeeze %dma_start3A_652 : memref<1x1x50xf32, #tpu.memory_space<vmem>> -> memref<50xf32, #tpu.memory_space<vmem>>
      %dma_start3A_654 = arith.constant 0 : i32
      %dma_start3A_655 = tpu.memref_slice %arg5[%squeeze3A_645, %dma_start3A_654] : memref<100000x50xf32, #tpu.memory_space<hbm>> -> memref<1x50xf32, #tpu.memory_space<hbm>>
      %dma_start3A_656 = tpu.memref_squeeze %dma_start3A_655 : memref<1x50xf32, #tpu.memory_space<hbm>> -> memref<50xf32, #tpu.memory_space<hbm>>
      %dma_start3A_657 = arith.constant 0 : i32
      %dma_start3A_658 = tpu.memref_slice %arg11[%dma_start3A_650, %add3A_649, %dma_start3A_657] : memref<2x128x50xf32, #tpu.memory_space<vmem>> -> memref<1x1x50xf32, #tpu.memory_space<vmem>>
      %dma_start3A_659 = tpu.memref_squeeze %dma_start3A_658 : memref<1x1x50xf32, #tpu.memory_space<vmem>> -> memref<50xf32, #tpu.memory_space<vmem>>
      %dma_start3A_660 = arith.constant 0 : i32
      %dma_start3A_661 = tpu.memref_slice %arg5[%squeeze3A_645, %dma_start3A_660] : memref<100000x50xf32, #tpu.memory_space<hbm>> -> memref<1x50xf32, #tpu.memory_space<hbm>>
      %dma_start3A_662 = tpu.memref_squeeze %dma_start3A_661 : memref<1x50xf32, #tpu.memory_space<hbm>> -> memref<50xf32, #tpu.memory_space<hbm>>
      tpu.enqueue_dma source(%dma_start3A_662 : memref<50xf32, #tpu.memory_space<hbm>>) target(%dma_start3A_659 : memref<50xf32, #tpu.memory_space<vmem>>) target_semaphore(%arg15 : memref<!tpu.dma_semaphore, #tpu.memory_space<semaphore_mem>>)
      %slice3A_663 = vector.extract_strided_slice %get3A_88 {offsets = [15], sizes = [1], strides = [1]} : vector<16xi32> to vector<1xi32>
      %squeeze3A_664 = vector.extract %slice3A_663[0] : i32 from vector<1xi32>
      %mul3A_665 = arith.constant 16 : i32
      %mul3A_666 = arith.muli %scan3A_81, %mul3A_665 : i32
      %add3A_667 = arith.constant 15 : i32
      %add3A_668 = arith.addi %mul3A_666, %add3A_667 : i32
      %dma_start3A_669 = arith.constant 1 : i32
      %dma_start3A_670 = arith.constant 0 : i32
      %dma_start3A_671 = tpu.memref_slice %arg10[%dma_start3A_669, %add3A_668, %dma_start3A_670] : memref<2x128x50xf32, #tpu.memory_space<vmem>> -> memref<1x1x50xf32, #tpu.memory_space<vmem>>
      %dma_start3A_672 = tpu.memref_squeeze %dma_start3A_671 : memref<1x1x50xf32, #tpu.memory_space<vmem>> -> memref<50xf32, #tpu.memory_space<vmem>>
      %dma_start3A_673 = arith.constant 0 : i32
      %dma_start3A_674 = tpu.memref_slice %arg4[%squeeze3A_664, %dma_start3A_673] : memref<100000x50xf32, #tpu.memory_space<hbm>> -> memref<1x50xf32, #tpu.memory_space<hbm>>
      %dma_start3A_675 = tpu.memref_squeeze %dma_start3A_674 : memref<1x50xf32, #tpu.memory_space<hbm>> -> memref<50xf32, #tpu.memory_space<hbm>>
      %dma_start3A_676 = arith.constant 0 : i32
      %dma_start3A_677 = tpu.memref_slice %arg10[%dma_start3A_669, %add3A_668, %dma_start3A_676] : memref<2x128x50xf32, #tpu.memory_space<vmem>> -> memref<1x1x50xf32, #tpu.memory_space<vmem>>
      %dma_start3A_678 = tpu.memref_squeeze %dma_start3A_677 : memref<1x1x50xf32, #tpu.memory_space<vmem>> -> memref<50xf32, #tpu.memory_space<vmem>>
      %dma_start3A_679 = arith.constant 0 : i32
      %dma_start3A_680 = tpu.memref_slice %arg4[%squeeze3A_664, %dma_start3A_679] : memref<100000x50xf32, #tpu.memory_space<hbm>> -> memref<1x50xf32, #tpu.memory_space<hbm>>
      %dma_start3A_681 = tpu.memref_squeeze %dma_start3A_680 : memref<1x50xf32, #tpu.memory_space<hbm>> -> memref<50xf32, #tpu.memory_space<hbm>>
      tpu.enqueue_dma source(%dma_start3A_681 : memref<50xf32, #tpu.memory_space<hbm>>) target(%dma_start3A_678 : memref<50xf32, #tpu.memory_space<vmem>>) target_semaphore(%arg13 : memref<!tpu.dma_semaphore, #tpu.memory_space<semaphore_mem>>)
      %slice3A_682 = vector.extract_strided_slice %get3A_95 {offsets = [15], sizes = [1], strides = [1]} : vector<16xi32> to vector<1xi32>
      %squeeze3A_683 = vector.extract %slice3A_682[0] : i32 from vector<1xi32>
      %mul3A_684 = arith.constant 16 : i32
      %mul3A_685 = arith.muli %scan3A_81, %mul3A_684 : i32
      %add3A_686 = arith.constant 15 : i32
      %add3A_687 = arith.addi %mul3A_685, %add3A_686 : i32
      %dma_start3A_688 = arith.constant 1 : i32
      %dma_start3A_689 = arith.constant 0 : i32
      %dma_start3A_690 = tpu.memref_slice %arg11[%dma_start3A_688, %add3A_687, %dma_start3A_689] : memref<2x128x50xf32, #tpu.memory_space<vmem>> -> memref<1x1x50xf32, #tpu.memory_space<vmem>>
      %dma_start3A_691 = tpu.memref_squeeze %dma_start3A_690 : memref<1x1x50xf32, #tpu.memory_space<vmem>> -> memref<50xf32, #tpu.memory_space<vmem>>
      %dma_start3A_692 = arith.constant 0 : i32
      %dma_start3A_693 = tpu.memref_slice %arg5[%squeeze3A_683, %dma_start3A_692] : memref<100000x50xf32, #tpu.memory_space<hbm>> -> memref<1x50xf32, #tpu.memory_space<hbm>>
      %dma_start3A_694 = tpu.memref_squeeze %dma_start3A_693 : memref<1x50xf32, #tpu.memory_space<hbm>> -> memref<50xf32, #tpu.memory_space<hbm>>
      %dma_start3A_695 = arith.constant 0 : i32
      %dma_start3A_696 = tpu.memref_slice %arg11[%dma_start3A_688, %add3A_687, %dma_start3A_695] : memref<2x128x50xf32, #tpu.memory_space<vmem>> -> memref<1x1x50xf32, #tpu.memory_space<vmem>>
      %dma_start3A_697 = tpu.memref_squeeze %dma_start3A_696 : memref<1x1x50xf32, #tpu.memory_space<vmem>> -> memref<50xf32, #tpu.memory_space<vmem>>
      %dma_start3A_698 = arith.constant 0 : i32
      %dma_start3A_699 = tpu.memref_slice %arg5[%squeeze3A_683, %dma_start3A_698] : memref<100000x50xf32, #tpu.memory_space<hbm>> -> memref<1x50xf32, #tpu.memory_space<hbm>>
      %dma_start3A_700 = tpu.memref_squeeze %dma_start3A_699 : memref<1x50xf32, #tpu.memory_space<hbm>> -> memref<50xf32, #tpu.memory_space<hbm>>
      tpu.enqueue_dma source(%dma_start3A_700 : memref<50xf32, #tpu.memory_space<hbm>>) target(%dma_start3A_697 : memref<50xf32, #tpu.memory_space<vmem>>) target_semaphore(%arg15 : memref<!tpu.dma_semaphore, #tpu.memory_space<semaphore_mem>>)
      %scan3A_701 = arith.constant 0 : i32
      scf.yield %scan3A_701 : i32
    }
    %scan3A_15 = arith.constant 8 : i32
    %scan3A_16 = arith.constant 0 : i32
    %scan3A_17 = arith.constant 0 : i32
    %scan3A_18 = arith.constant 128 : i32
    %scan3A_19 = arith.addi %scan3A_17, %scan3A_18 : i32
    %scan3A_20 = arith.constant 1 : i32
    %scan3A_21 = scf.for %scan3A_81 = %scan3A_17 to %scan3A_19 step %scan3A_20 iter_args(%scan3A_82 = %scan3A_16) -> (i32)  : i32 {
      %dma_wait3A = arith.constant 0 : i32
      %dma_wait3A_83 = arith.constant 0 : i32
      %dma_wait3A_84 = arith.constant 0 : i32
      %dma_wait3A_85 = arith.constant 0 : i32
      %dma_wait3A_86 = tpu.memref_slice %arg10[%dma_wait3A_83, %dma_wait3A_84, %dma_wait3A_85] : memref<2x128x50xf32, #tpu.memory_space<vmem>> -> memref<1x1x50xf32, #tpu.memory_space<vmem>>
      %dma_wait3A_87 = tpu.memref_squeeze %dma_wait3A_86 : memref<1x1x50xf32, #tpu.memory_space<vmem>> -> memref<50xf32, #tpu.memory_space<vmem>>
      %dma_wait3A_88 = arith.constant 0 : i32
      %dma_wait3A_89 = tpu.memref_slice %arg4[%dma_wait3A, %dma_wait3A_88] : memref<100000x50xf32, #tpu.memory_space<hbm>> -> memref<1x50xf32, #tpu.memory_space<hbm>>
      %dma_wait3A_90 = tpu.memref_squeeze %dma_wait3A_89 : memref<1x50xf32, #tpu.memory_space<hbm>> -> memref<50xf32, #tpu.memory_space<hbm>>
      %dma_wait3A_91 = arith.constant 0 : i32
      %dma_wait3A_92 = tpu.memref_slice %arg10[%dma_wait3A_83, %dma_wait3A_84, %dma_wait3A_91] : memref<2x128x50xf32, #tpu.memory_space<vmem>> -> memref<1x1x50xf32, #tpu.memory_space<vmem>>
      %dma_wait3A_93 = tpu.memref_squeeze %dma_wait3A_92 : memref<1x1x50xf32, #tpu.memory_space<vmem>> -> memref<50xf32, #tpu.memory_space<vmem>>
      %dma_wait3A_94 = arith.constant 0 : i32
      %dma_wait3A_95 = tpu.memref_slice %arg4[%dma_wait3A, %dma_wait3A_94] : memref<100000x50xf32, #tpu.memory_space<hbm>> -> memref<1x50xf32, #tpu.memory_space<hbm>>
      %dma_wait3A_96 = tpu.memref_squeeze %dma_wait3A_95 : memref<1x50xf32, #tpu.memory_space<hbm>> -> memref<50xf32, #tpu.memory_space<hbm>>
      tpu.wait_dma2 semaphore(%arg12 : memref<!tpu.dma_semaphore, #tpu.memory_space<semaphore_mem>>) src(%dma_wait3A_96 : memref<50xf32, #tpu.memory_space<hbm>>) dst(%dma_wait3A_93 : memref<50xf32, #tpu.memory_space<vmem>>)
      %dma_wait3A_97 = arith.constant 0 : i32
      %dma_wait3A_98 = arith.constant 0 : i32
      %dma_wait3A_99 = arith.constant 0 : i32
      %dma_wait3A_100 = arith.constant 0 : i32
      %dma_wait3A_101 = tpu.memref_slice %arg11[%dma_wait3A_98, %dma_wait3A_99, %dma_wait3A_100] : memref<2x128x50xf32, #tpu.memory_space<vmem>> -> memref<1x1x50xf32, #tpu.memory_space<vmem>>
      %dma_wait3A_102 = tpu.memref_squeeze %dma_wait3A_101 : memref<1x1x50xf32, #tpu.memory_space<vmem>> -> memref<50xf32, #tpu.memory_space<vmem>>
      %dma_wait3A_103 = arith.constant 0 : i32
      %dma_wait3A_104 = tpu.memref_slice %arg5[%dma_wait3A_97, %dma_wait3A_103] : memref<100000x50xf32, #tpu.memory_space<hbm>> -> memref<1x50xf32, #tpu.memory_space<hbm>>
      %dma_wait3A_105 = tpu.memref_squeeze %dma_wait3A_104 : memref<1x50xf32, #tpu.memory_space<hbm>> -> memref<50xf32, #tpu.memory_space<hbm>>
      %dma_wait3A_106 = arith.constant 0 : i32
      %dma_wait3A_107 = tpu.memref_slice %arg11[%dma_wait3A_98, %dma_wait3A_99, %dma_wait3A_106] : memref<2x128x50xf32, #tpu.memory_space<vmem>> -> memref<1x1x50xf32, #tpu.memory_space<vmem>>
      %dma_wait3A_108 = tpu.memref_squeeze %dma_wait3A_107 : memref<1x1x50xf32, #tpu.memory_space<vmem>> -> memref<50xf32, #tpu.memory_space<vmem>>
      %dma_wait3A_109 = arith.constant 0 : i32
      %dma_wait3A_110 = tpu.memref_slice %arg5[%dma_wait3A_97, %dma_wait3A_109] : memref<100000x50xf32, #tpu.memory_space<hbm>> -> memref<1x50xf32, #tpu.memory_space<hbm>>
      %dma_wait3A_111 = tpu.memref_squeeze %dma_wait3A_110 : memref<1x50xf32, #tpu.memory_space<hbm>> -> memref<50xf32, #tpu.memory_space<hbm>>
      tpu.wait_dma2 semaphore(%arg14 : memref<!tpu.dma_semaphore, #tpu.memory_space<semaphore_mem>>) src(%dma_wait3A_111 : memref<50xf32, #tpu.memory_space<hbm>>) dst(%dma_wait3A_108 : memref<50xf32, #tpu.memory_space<vmem>>)
      %scan3A_112 = arith.constant 0 : i32
      scf.yield %scan3A_112 : i32
    }
    %scan3A_22 = arith.constant 128 : i32
    %add3A_23 = arith.constant 0 : i32
    %add3A_24 = arith.addi %mul3A_2, %add3A_23 : i32
    %run_scoped3A = arith.constant 0 : i32
    "tpu.region"() ({
      %run_scoped3A_81 = tpu.sem_alloc : memref<!tpu.dma_semaphore, #tpu.memory_space<semaphore_mem>>
      %dma_start3A = arith.constant 0 : i32
      %dma_start3A_82 = arith.constant 0 : i32
      %dma_start3A_83 = tpu.memref_slice %arg10[%run_scoped3A, %dma_start3A, %dma_start3A_82] : memref<2x128x50xf32, #tpu.memory_space<vmem>> -> memref<1x128x50xf32, #tpu.memory_space<vmem>>
      %dma_start3A_84 = tpu.memref_squeeze %dma_start3A_83 : memref<1x128x50xf32, #tpu.memory_space<vmem>> -> memref<128x50xf32, #tpu.memory_space<vmem>>
      %dma_start3A_85 = arith.constant 0 : i32
      %dma_start3A_86 = tpu.memref_slice %arg6[%add3A_24, %dma_start3A_85] : memref<16384x50xf32, #tpu.memory_space<hbm>> -> memref<128x50xf32, #tpu.memory_space<hbm>>
      %dma_start3A_87 = arith.constant 0 : i32
      %dma_start3A_88 = tpu.memref_slice %arg6[%add3A_24, %dma_start3A_87] : memref<16384x50xf32, #tpu.memory_space<hbm>> -> memref<128x50xf32, #tpu.memory_space<hbm>>
      %dma_start3A_89 = arith.constant 0 : i32
      %dma_start3A_90 = arith.constant 0 : i32
      %dma_start3A_91 = tpu.memref_slice %arg10[%run_scoped3A, %dma_start3A_89, %dma_start3A_90] : memref<2x128x50xf32, #tpu.memory_space<vmem>> -> memref<1x128x50xf32, #tpu.memory_space<vmem>>
      %dma_start3A_92 = tpu.memref_squeeze %dma_start3A_91 : memref<1x128x50xf32, #tpu.memory_space<vmem>> -> memref<128x50xf32, #tpu.memory_space<vmem>>
      tpu.enqueue_dma source(%dma_start3A_92 : memref<128x50xf32, #tpu.memory_space<vmem>>) target(%dma_start3A_88 : memref<128x50xf32, #tpu.memory_space<hbm>>) target_semaphore(%run_scoped3A_81 : memref<!tpu.dma_semaphore, #tpu.memory_space<semaphore_mem>>)
      %dma_wait3A = arith.constant 0 : i32
      %dma_wait3A_93 = arith.constant 0 : i32
      %dma_wait3A_94 = tpu.memref_slice %arg10[%run_scoped3A, %dma_wait3A, %dma_wait3A_93] : memref<2x128x50xf32, #tpu.memory_space<vmem>> -> memref<1x128x50xf32, #tpu.memory_space<vmem>>
      %dma_wait3A_95 = tpu.memref_squeeze %dma_wait3A_94 : memref<1x128x50xf32, #tpu.memory_space<vmem>> -> memref<128x50xf32, #tpu.memory_space<vmem>>
      %dma_wait3A_96 = arith.constant 0 : i32
      %dma_wait3A_97 = tpu.memref_slice %arg6[%add3A_24, %dma_wait3A_96] : memref<16384x50xf32, #tpu.memory_space<hbm>> -> memref<128x50xf32, #tpu.memory_space<hbm>>
      %dma_wait3A_98 = arith.constant 0 : i32
      %dma_wait3A_99 = tpu.memref_slice %arg6[%add3A_24, %dma_wait3A_98] : memref<16384x50xf32, #tpu.memory_space<hbm>> -> memref<128x50xf32, #tpu.memory_space<hbm>>
      %dma_wait3A_100 = arith.constant 0 : i32
      %dma_wait3A_101 = arith.constant 0 : i32
      %dma_wait3A_102 = tpu.memref_slice %arg10[%run_scoped3A, %dma_wait3A_100, %dma_wait3A_101] : memref<2x128x50xf32, #tpu.memory_space<vmem>> -> memref<1x128x50xf32, #tpu.memory_space<vmem>>
      %dma_wait3A_103 = tpu.memref_squeeze %dma_wait3A_102 : memref<1x128x50xf32, #tpu.memory_space<vmem>> -> memref<128x50xf32, #tpu.memory_space<vmem>>
      tpu.wait_dma2 semaphore(%run_scoped3A_81 : memref<!tpu.dma_semaphore, #tpu.memory_space<semaphore_mem>>) src(%dma_wait3A_103 : memref<128x50xf32, #tpu.memory_space<vmem>>) dst(%dma_wait3A_99 : memref<128x50xf32, #tpu.memory_space<hbm>>)
      tpu.yield
    }) : () -> ()
    %add3A_25 = arith.constant 0 : i32
    %add3A_26 = arith.addi %mul3A_2, %add3A_25 : i32
    %run_scoped3A_27 = arith.constant 0 : i32
    "tpu.region"() ({
      %run_scoped3A_81 = tpu.sem_alloc : memref<!tpu.dma_semaphore, #tpu.memory_space<semaphore_mem>>
      %dma_start3A = arith.constant 0 : i32
      %dma_start3A_82 = arith.constant 0 : i32
      %dma_start3A_83 = tpu.memref_slice %arg11[%run_scoped3A_27, %dma_start3A, %dma_start3A_82] : memref<2x128x50xf32, #tpu.memory_space<vmem>> -> memref<1x128x50xf32, #tpu.memory_space<vmem>>
      %dma_start3A_84 = tpu.memref_squeeze %dma_start3A_83 : memref<1x128x50xf32, #tpu.memory_space<vmem>> -> memref<128x50xf32, #tpu.memory_space<vmem>>
      %dma_start3A_85 = arith.constant 0 : i32
      %dma_start3A_86 = tpu.memref_slice %arg7[%add3A_26, %dma_start3A_85] : memref<16384x50xf32, #tpu.memory_space<hbm>> -> memref<128x50xf32, #tpu.memory_space<hbm>>
      %dma_start3A_87 = arith.constant 0 : i32
      %dma_start3A_88 = tpu.memref_slice %arg7[%add3A_26, %dma_start3A_87] : memref<16384x50xf32, #tpu.memory_space<hbm>> -> memref<128x50xf32, #tpu.memory_space<hbm>>
      %dma_start3A_89 = arith.constant 0 : i32
      %dma_start3A_90 = arith.constant 0 : i32
      %dma_start3A_91 = tpu.memref_slice %arg11[%run_scoped3A_27, %dma_start3A_89, %dma_start3A_90] : memref<2x128x50xf32, #tpu.memory_space<vmem>> -> memref<1x128x50xf32, #tpu.memory_space<vmem>>
      %dma_start3A_92 = tpu.memref_squeeze %dma_start3A_91 : memref<1x128x50xf32, #tpu.memory_space<vmem>> -> memref<128x50xf32, #tpu.memory_space<vmem>>
      tpu.enqueue_dma source(%dma_start3A_92 : memref<128x50xf32, #tpu.memory_space<vmem>>) target(%dma_start3A_88 : memref<128x50xf32, #tpu.memory_space<hbm>>) target_semaphore(%run_scoped3A_81 : memref<!tpu.dma_semaphore, #tpu.memory_space<semaphore_mem>>)
      %dma_wait3A = arith.constant 0 : i32
      %dma_wait3A_93 = arith.constant 0 : i32
      %dma_wait3A_94 = tpu.memref_slice %arg11[%run_scoped3A_27, %dma_wait3A, %dma_wait3A_93] : memref<2x128x50xf32, #tpu.memory_space<vmem>> -> memref<1x128x50xf32, #tpu.memory_space<vmem>>
      %dma_wait3A_95 = tpu.memref_squeeze %dma_wait3A_94 : memref<1x128x50xf32, #tpu.memory_space<vmem>> -> memref<128x50xf32, #tpu.memory_space<vmem>>
      %dma_wait3A_96 = arith.constant 0 : i32
      %dma_wait3A_97 = tpu.memref_slice %arg7[%add3A_26, %dma_wait3A_96] : memref<16384x50xf32, #tpu.memory_space<hbm>> -> memref<128x50xf32, #tpu.memory_space<hbm>>
      %dma_wait3A_98 = arith.constant 0 : i32
      %dma_wait3A_99 = tpu.memref_slice %arg7[%add3A_26, %dma_wait3A_98] : memref<16384x50xf32, #tpu.memory_space<hbm>> -> memref<128x50xf32, #tpu.memory_space<hbm>>
      %dma_wait3A_100 = arith.constant 0 : i32
      %dma_wait3A_101 = arith.constant 0 : i32
      %dma_wait3A_102 = tpu.memref_slice %arg11[%run_scoped3A_27, %dma_wait3A_100, %dma_wait3A_101] : memref<2x128x50xf32, #tpu.memory_space<vmem>> -> memref<1x128x50xf32, #tpu.memory_space<vmem>>
      %dma_wait3A_103 = tpu.memref_squeeze %dma_wait3A_102 : memref<1x128x50xf32, #tpu.memory_space<vmem>> -> memref<128x50xf32, #tpu.memory_space<vmem>>
      tpu.wait_dma2 semaphore(%run_scoped3A_81 : memref<!tpu.dma_semaphore, #tpu.memory_space<semaphore_mem>>) src(%dma_wait3A_103 : memref<128x50xf32, #tpu.memory_space<vmem>>) dst(%dma_wait3A_99 : memref<128x50xf32, #tpu.memory_space<hbm>>)
      tpu.yield
    }) : () -> ()
    %scan3A_28 = arith.constant 0 : i32
    %scan3A_29 = arith.constant 0 : i32
    %scan3A_30 = arith.constant 8 : i32
    %scan3A_31 = arith.addi %scan3A_29, %scan3A_30 : i32
    %scan3A_32 = arith.constant 1 : i32
    %scan3A_33 = scf.for %scan3A_81 = %scan3A_29 to %scan3A_31 step %scan3A_32 iter_args(%scan3A_82 = %scan3A_28) -> (i32)  : i32 {
      %mul3A_83 = arith.constant 16 : i32
      %mul3A_84 = arith.muli %scan3A_81, %mul3A_83 : i32
      %add3A_85 = arith.constant 256 : i32
      %add3A_86 = arith.addi %add3A_85, %mul3A_84 : i32
      %get3A = arith.index_cast %add3A_86 : i32 to index
      %get3A_87 = tpu.vector_load %arg8[%get3A] {strides = array<i32>} : memref<512xi32, #tpu.memory_space<vmem>>, vector<16xi32>,
      %get3A_88 = vector.shape_cast %get3A_87 : vector<16xi32> to vector<16xi32>
      %mul3A_89 = arith.constant 16 : i32
      %mul3A_90 = arith.muli %scan3A_81, %mul3A_89 : i32
      %add3A_91 = arith.constant 256 : i32
      %add3A_92 = arith.addi %add3A_91, %mul3A_90 : i32
      %get3A_93 = arith.index_cast %add3A_92 : i32 to index
      %get3A_94 = tpu.vector_load %arg9[%get3A_93] {strides = array<i32>} : memref<512xi32, #tpu.memory_space<vmem>>, vector<16xi32>,
      %get3A_95 = vector.shape_cast %get3A_94 : vector<16xi32> to vector<16xi32>
      %slice3A = vector.extract_strided_slice %get3A_88 {offsets = [0], sizes = [1], strides = [1]} : vector<16xi32> to vector<1xi32>
      %squeeze3A = vector.extract %slice3A[0] : i32 from vector<1xi32>
      %mul3A_96 = arith.constant 16 : i32
      %mul3A_97 = arith.muli %scan3A_81, %mul3A_96 : i32
      %add3A_98 = arith.constant 0 : i32
      %add3A_99 = arith.addi %mul3A_97, %add3A_98 : i32
      %dma_start3A = arith.constant 0 : i32
      %dma_start3A_100 = arith.constant 0 : i32
      %dma_start3A_101 = tpu.memref_slice %arg10[%dma_start3A, %add3A_99, %dma_start3A_100] : memref<2x128x50xf32, #tpu.memory_space<vmem>> -> memref<1x1x50xf32, #tpu.memory_space<vmem>>
      %dma_start3A_102 = tpu.memref_squeeze %dma_start3A_101 : memref<1x1x50xf32, #tpu.memory_space<vmem>> -> memref<50xf32, #tpu.memory_space<vmem>>
      %dma_start3A_103 = arith.constant 0 : i32
      %dma_start3A_104 = tpu.memref_slice %arg4[%squeeze3A, %dma_start3A_103] : memref<100000x50xf32, #tpu.memory_space<hbm>> -> memref<1x50xf32, #tpu.memory_space<hbm>>
      %dma_start3A_105 = tpu.memref_squeeze %dma_start3A_104 : memref<1x50xf32, #tpu.memory_space<hbm>> -> memref<50xf32, #tpu.memory_space<hbm>>
      %dma_start3A_106 = arith.constant 0 : i32
      %dma_start3A_107 = tpu.memref_slice %arg10[%dma_start3A, %add3A_99, %dma_start3A_106] : memref<2x128x50xf32, #tpu.memory_space<vmem>> -> memref<1x1x50xf32, #tpu.memory_space<vmem>>
      %dma_start3A_108 = tpu.memref_squeeze %dma_start3A_107 : memref<1x1x50xf32, #tpu.memory_space<vmem>> -> memref<50xf32, #tpu.memory_space<vmem>>
      %dma_start3A_109 = arith.constant 0 : i32
      %dma_start3A_110 = tpu.memref_slice %arg4[%squeeze3A, %dma_start3A_109] : memref<100000x50xf32, #tpu.memory_space<hbm>> -> memref<1x50xf32, #tpu.memory_space<hbm>>
      %dma_start3A_111 = tpu.memref_squeeze %dma_start3A_110 : memref<1x50xf32, #tpu.memory_space<hbm>> -> memref<50xf32, #tpu.memory_space<hbm>>
      tpu.enqueue_dma source(%dma_start3A_111 : memref<50xf32, #tpu.memory_space<hbm>>) target(%dma_start3A_108 : memref<50xf32, #tpu.memory_space<vmem>>) target_semaphore(%arg12 : memref<!tpu.dma_semaphore, #tpu.memory_space<semaphore_mem>>)
      %slice3A_112 = vector.extract_strided_slice %get3A_95 {offsets = [0], sizes = [1], strides = [1]} : vector<16xi32> to vector<1xi32>
      %squeeze3A_113 = vector.extract %slice3A_112[0] : i32 from vector<1xi32>
      %mul3A_114 = arith.constant 16 : i32
      %mul3A_115 = arith.muli %scan3A_81, %mul3A_114 : i32
      %add3A_116 = arith.constant 0 : i32
      %add3A_117 = arith.addi %mul3A_115, %add3A_116 : i32
      %dma_start3A_118 = arith.constant 0 : i32
      %dma_start3A_119 = arith.constant 0 : i32
      %dma_start3A_120 = tpu.memref_slice %arg11[%dma_start3A_118, %add3A_117, %dma_start3A_119] : memref<2x128x50xf32, #tpu.memory_space<vmem>> -> memref<1x1x50xf32, #tpu.memory_space<vmem>>
      %dma_start3A_121 = tpu.memref_squeeze %dma_start3A_120 : memref<1x1x50xf32, #tpu.memory_space<vmem>> -> memref<50xf32, #tpu.memory_space<vmem>>
      %dma_start3A_122 = arith.constant 0 : i32
      %dma_start3A_123 = tpu.memref_slice %arg5[%squeeze3A_113, %dma_start3A_122] : memref<100000x50xf32, #tpu.memory_space<hbm>> -> memref<1x50xf32, #tpu.memory_space<hbm>>
      %dma_start3A_124 = tpu.memref_squeeze %dma_start3A_123 : memref<1x50xf32, #tpu.memory_space<hbm>> -> memref<50xf32, #tpu.memory_space<hbm>>
      %dma_start3A_125 = arith.constant 0 : i32
      %dma_start3A_126 = tpu.memref_slice %arg11[%dma_start3A_118, %add3A_117, %dma_start3A_125] : memref<2x128x50xf32, #tpu.memory_space<vmem>> -> memref<1x1x50xf32, #tpu.memory_space<vmem>>
      %dma_start3A_127 = tpu.memref_squeeze %dma_start3A_126 : memref<1x1x50xf32, #tpu.memory_space<vmem>> -> memref<50xf32, #tpu.memory_space<vmem>>
      %dma_start3A_128 = arith.constant 0 : i32
      %dma_start3A_129 = tpu.memref_slice %arg5[%squeeze3A_113, %dma_start3A_128] : memref<100000x50xf32, #tpu.memory_space<hbm>> -> memref<1x50xf32, #tpu.memory_space<hbm>>
      %dma_start3A_130 = tpu.memref_squeeze %dma_start3A_129 : memref<1x50xf32, #tpu.memory_space<hbm>> -> memref<50xf32, #tpu.memory_space<hbm>>
      tpu.enqueue_dma source(%dma_start3A_130 : memref<50xf32, #tpu.memory_space<hbm>>) target(%dma_start3A_127 : memref<50xf32, #tpu.memory_space<vmem>>) target_semaphore(%arg14 : memref<!tpu.dma_semaphore, #tpu.memory_space<semaphore_mem>>)
      %slice3A_131 = vector.extract_strided_slice %get3A_88 {offsets = [1], sizes = [1], strides = [1]} : vector<16xi32> to vector<1xi32>
      %squeeze3A_132 = vector.extract %slice3A_131[0] : i32 from vector<1xi32>
      %mul3A_133 = arith.constant 16 : i32
      %mul3A_134 = arith.muli %scan3A_81, %mul3A_133 : i32
      %add3A_135 = arith.constant 1 : i32
      %add3A_136 = arith.addi %mul3A_134, %add3A_135 : i32
      %dma_start3A_137 = arith.constant 0 : i32
      %dma_start3A_138 = arith.constant 0 : i32
      %dma_start3A_139 = tpu.memref_slice %arg10[%dma_start3A_137, %add3A_136, %dma_start3A_138] : memref<2x128x50xf32, #tpu.memory_space<vmem>> -> memref<1x1x50xf32, #tpu.memory_space<vmem>>
      %dma_start3A_140 = tpu.memref_squeeze %dma_start3A_139 : memref<1x1x50xf32, #tpu.memory_space<vmem>> -> memref<50xf32, #tpu.memory_space<vmem>>
      %dma_start3A_141 = arith.constant 0 : i32
      %dma_start3A_142 = tpu.memref_slice %arg4[%squeeze3A_132, %dma_start3A_141] : memref<100000x50xf32, #tpu.memory_space<hbm>> -> memref<1x50xf32, #tpu.memory_space<hbm>>
      %dma_start3A_143 = tpu.memref_squeeze %dma_start3A_142 : memref<1x50xf32, #tpu.memory_space<hbm>> -> memref<50xf32, #tpu.memory_space<hbm>>
      %dma_start3A_144 = arith.constant 0 : i32
      %dma_start3A_145 = tpu.memref_slice %arg10[%dma_start3A_137, %add3A_136, %dma_start3A_144] : memref<2x128x50xf32, #tpu.memory_space<vmem>> -> memref<1x1x50xf32, #tpu.memory_space<vmem>>
      %dma_start3A_146 = tpu.memref_squeeze %dma_start3A_145 : memref<1x1x50xf32, #tpu.memory_space<vmem>> -> memref<50xf32, #tpu.memory_space<vmem>>
      %dma_start3A_147 = arith.constant 0 : i32
      %dma_start3A_148 = tpu.memref_slice %arg4[%squeeze3A_132, %dma_start3A_147] : memref<100000x50xf32, #tpu.memory_space<hbm>> -> memref<1x50xf32, #tpu.memory_space<hbm>>
      %dma_start3A_149 = tpu.memref_squeeze %dma_start3A_148 : memref<1x50xf32, #tpu.memory_space<hbm>> -> memref<50xf32, #tpu.memory_space<hbm>>
      tpu.enqueue_dma source(%dma_start3A_149 : memref<50xf32, #tpu.memory_space<hbm>>) target(%dma_start3A_146 : memref<50xf32, #tpu.memory_space<vmem>>) target_semaphore(%arg12 : memref<!tpu.dma_semaphore, #tpu.memory_space<semaphore_mem>>)
      %slice3A_150 = vector.extract_strided_slice %get3A_95 {offsets = [1], sizes = [1], strides = [1]} : vector<16xi32> to vector<1xi32>
      %squeeze3A_151 = vector.extract %slice3A_150[0] : i32 from vector<1xi32>
      %mul3A_152 = arith.constant 16 : i32
      %mul3A_153 = arith.muli %scan3A_81, %mul3A_152 : i32
      %add3A_154 = arith.constant 1 : i32
      %add3A_155 = arith.addi %mul3A_153, %add3A_154 : i32
      %dma_start3A_156 = arith.constant 0 : i32
      %dma_start3A_157 = arith.constant 0 : i32
      %dma_start3A_158 = tpu.memref_slice %arg11[%dma_start3A_156, %add3A_155, %dma_start3A_157] : memref<2x128x50xf32, #tpu.memory_space<vmem>> -> memref<1x1x50xf32, #tpu.memory_space<vmem>>
      %dma_start3A_159 = tpu.memref_squeeze %dma_start3A_158 : memref<1x1x50xf32, #tpu.memory_space<vmem>> -> memref<50xf32, #tpu.memory_space<vmem>>
      %dma_start3A_160 = arith.constant 0 : i32
      %dma_start3A_161 = tpu.memref_slice %arg5[%squeeze3A_151, %dma_start3A_160] : memref<100000x50xf32, #tpu.memory_space<hbm>> -> memref<1x50xf32, #tpu.memory_space<hbm>>
      %dma_start3A_162 = tpu.memref_squeeze %dma_start3A_161 : memref<1x50xf32, #tpu.memory_space<hbm>> -> memref<50xf32, #tpu.memory_space<hbm>>
      %dma_start3A_163 = arith.constant 0 : i32
      %dma_start3A_164 = tpu.memref_slice %arg11[%dma_start3A_156, %add3A_155, %dma_start3A_163] : memref<2x128x50xf32, #tpu.memory_space<vmem>> -> memref<1x1x50xf32, #tpu.memory_space<vmem>>
      %dma_start3A_165 = tpu.memref_squeeze %dma_start3A_164 : memref<1x1x50xf32, #tpu.memory_space<vmem>> -> memref<50xf32, #tpu.memory_space<vmem>>
      %dma_start3A_166 = arith.constant 0 : i32
      %dma_start3A_167 = tpu.memref_slice %arg5[%squeeze3A_151, %dma_start3A_166] : memref<100000x50xf32, #tpu.memory_space<hbm>> -> memref<1x50xf32, #tpu.memory_space<hbm>>
      %dma_start3A_168 = tpu.memref_squeeze %dma_start3A_167 : memref<1x50xf32, #tpu.memory_space<hbm>> -> memref<50xf32, #tpu.memory_space<hbm>>
      tpu.enqueue_dma source(%dma_start3A_168 : memref<50xf32, #tpu.memory_space<hbm>>) target(%dma_start3A_165 : memref<50xf32, #tpu.memory_space<vmem>>) target_semaphore(%arg14 : memref<!tpu.dma_semaphore, #tpu.memory_space<semaphore_mem>>)
      %slice3A_169 = vector.extract_strided_slice %get3A_88 {offsets = [2], sizes = [1], strides = [1]} : vector<16xi32> to vector<1xi32>
      %squeeze3A_170 = vector.extract %slice3A_169[0] : i32 from vector<1xi32>
      %mul3A_171 = arith.constant 16 : i32
      %mul3A_172 = arith.muli %scan3A_81, %mul3A_171 : i32
      %add3A_173 = arith.constant 2 : i32
      %add3A_174 = arith.addi %mul3A_172, %add3A_173 : i32
      %dma_start3A_175 = arith.constant 0 : i32
      %dma_start3A_176 = arith.constant 0 : i32
      %dma_start3A_177 = tpu.memref_slice %arg10[%dma_start3A_175, %add3A_174, %dma_start3A_176] : memref<2x128x50xf32, #tpu.memory_space<vmem>> -> memref<1x1x50xf32, #tpu.memory_space<vmem>>
      %dma_start3A_178 = tpu.memref_squeeze %dma_start3A_177 : memref<1x1x50xf32, #tpu.memory_space<vmem>> -> memref<50xf32, #tpu.memory_space<vmem>>
      %dma_start3A_179 = arith.constant 0 : i32
      %dma_start3A_180 = tpu.memref_slice %arg4[%squeeze3A_170, %dma_start3A_179] : memref<100000x50xf32, #tpu.memory_space<hbm>> -> memref<1x50xf32, #tpu.memory_space<hbm>>
      %dma_start3A_181 = tpu.memref_squeeze %dma_start3A_180 : memref<1x50xf32, #tpu.memory_space<hbm>> -> memref<50xf32, #tpu.memory_space<hbm>>
      %dma_start3A_182 = arith.constant 0 : i32
      %dma_start3A_183 = tpu.memref_slice %arg10[%dma_start3A_175, %add3A_174, %dma_start3A_182] : memref<2x128x50xf32, #tpu.memory_space<vmem>> -> memref<1x1x50xf32, #tpu.memory_space<vmem>>
      %dma_start3A_184 = tpu.memref_squeeze %dma_start3A_183 : memref<1x1x50xf32, #tpu.memory_space<vmem>> -> memref<50xf32, #tpu.memory_space<vmem>>
      %dma_start3A_185 = arith.constant 0 : i32
      %dma_start3A_186 = tpu.memref_slice %arg4[%squeeze3A_170, %dma_start3A_185] : memref<100000x50xf32, #tpu.memory_space<hbm>> -> memref<1x50xf32, #tpu.memory_space<hbm>>
      %dma_start3A_187 = tpu.memref_squeeze %dma_start3A_186 : memref<1x50xf32, #tpu.memory_space<hbm>> -> memref<50xf32, #tpu.memory_space<hbm>>
      tpu.enqueue_dma source(%dma_start3A_187 : memref<50xf32, #tpu.memory_space<hbm>>) target(%dma_start3A_184 : memref<50xf32, #tpu.memory_space<vmem>>) target_semaphore(%arg12 : memref<!tpu.dma_semaphore, #tpu.memory_space<semaphore_mem>>)
      %slice3A_188 = vector.extract_strided_slice %get3A_95 {offsets = [2], sizes = [1], strides = [1]} : vector<16xi32> to vector<1xi32>
      %squeeze3A_189 = vector.extract %slice3A_188[0] : i32 from vector<1xi32>
      %mul3A_190 = arith.constant 16 : i32
      %mul3A_191 = arith.muli %scan3A_81, %mul3A_190 : i32
      %add3A_192 = arith.constant 2 : i32
      %add3A_193 = arith.addi %mul3A_191, %add3A_192 : i32
      %dma_start3A_194 = arith.constant 0 : i32
      %dma_start3A_195 = arith.constant 0 : i32
      %dma_start3A_196 = tpu.memref_slice %arg11[%dma_start3A_194, %add3A_193, %dma_start3A_195] : memref<2x128x50xf32, #tpu.memory_space<vmem>> -> memref<1x1x50xf32, #tpu.memory_space<vmem>>
      %dma_start3A_197 = tpu.memref_squeeze %dma_start3A_196 : memref<1x1x50xf32, #tpu.memory_space<vmem>> -> memref<50xf32, #tpu.memory_space<vmem>>
      %dma_start3A_198 = arith.constant 0 : i32
      %dma_start3A_199 = tpu.memref_slice %arg5[%squeeze3A_189, %dma_start3A_198] : memref<100000x50xf32, #tpu.memory_space<hbm>> -> memref<1x50xf32, #tpu.memory_space<hbm>>
      %dma_start3A_200 = tpu.memref_squeeze %dma_start3A_199 : memref<1x50xf32, #tpu.memory_space<hbm>> -> memref<50xf32, #tpu.memory_space<hbm>>
      %dma_start3A_201 = arith.constant 0 : i32
      %dma_start3A_202 = tpu.memref_slice %arg11[%dma_start3A_194, %add3A_193, %dma_start3A_201] : memref<2x128x50xf32, #tpu.memory_space<vmem>> -> memref<1x1x50xf32, #tpu.memory_space<vmem>>
      %dma_start3A_203 = tpu.memref_squeeze %dma_start3A_202 : memref<1x1x50xf32, #tpu.memory_space<vmem>> -> memref<50xf32, #tpu.memory_space<vmem>>
      %dma_start3A_204 = arith.constant 0 : i32
      %dma_start3A_205 = tpu.memref_slice %arg5[%squeeze3A_189, %dma_start3A_204] : memref<100000x50xf32, #tpu.memory_space<hbm>> -> memref<1x50xf32, #tpu.memory_space<hbm>>
      %dma_start3A_206 = tpu.memref_squeeze %dma_start3A_205 : memref<1x50xf32, #tpu.memory_space<hbm>> -> memref<50xf32, #tpu.memory_space<hbm>>
      tpu.enqueue_dma source(%dma_start3A_206 : memref<50xf32, #tpu.memory_space<hbm>>) target(%dma_start3A_203 : memref<50xf32, #tpu.memory_space<vmem>>) target_semaphore(%arg14 : memref<!tpu.dma_semaphore, #tpu.memory_space<semaphore_mem>>)
      %slice3A_207 = vector.extract_strided_slice %get3A_88 {offsets = [3], sizes = [1], strides = [1]} : vector<16xi32> to vector<1xi32>
      %squeeze3A_208 = vector.extract %slice3A_207[0] : i32 from vector<1xi32>
      %mul3A_209 = arith.constant 16 : i32
      %mul3A_210 = arith.muli %scan3A_81, %mul3A_209 : i32
      %add3A_211 = arith.constant 3 : i32
      %add3A_212 = arith.addi %mul3A_210, %add3A_211 : i32
      %dma_start3A_213 = arith.constant 0 : i32
      %dma_start3A_214 = arith.constant 0 : i32
      %dma_start3A_215 = tpu.memref_slice %arg10[%dma_start3A_213, %add3A_212, %dma_start3A_214] : memref<2x128x50xf32, #tpu.memory_space<vmem>> -> memref<1x1x50xf32, #tpu.memory_space<vmem>>
      %dma_start3A_216 = tpu.memref_squeeze %dma_start3A_215 : memref<1x1x50xf32, #tpu.memory_space<vmem>> -> memref<50xf32, #tpu.memory_space<vmem>>
      %dma_start3A_217 = arith.constant 0 : i32
      %dma_start3A_218 = tpu.memref_slice %arg4[%squeeze3A_208, %dma_start3A_217] : memref<100000x50xf32, #tpu.memory_space<hbm>> -> memref<1x50xf32, #tpu.memory_space<hbm>>
      %dma_start3A_219 = tpu.memref_squeeze %dma_start3A_218 : memref<1x50xf32, #tpu.memory_space<hbm>> -> memref<50xf32, #tpu.memory_space<hbm>>
      %dma_start3A_220 = arith.constant 0 : i32
      %dma_start3A_221 = tpu.memref_slice %arg10[%dma_start3A_213, %add3A_212, %dma_start3A_220] : memref<2x128x50xf32, #tpu.memory_space<vmem>> -> memref<1x1x50xf32, #tpu.memory_space<vmem>>
      %dma_start3A_222 = tpu.memref_squeeze %dma_start3A_221 : memref<1x1x50xf32, #tpu.memory_space<vmem>> -> memref<50xf32, #tpu.memory_space<vmem>>
      %dma_start3A_223 = arith.constant 0 : i32
      %dma_start3A_224 = tpu.memref_slice %arg4[%squeeze3A_208, %dma_start3A_223] : memref<100000x50xf32, #tpu.memory_space<hbm>> -> memref<1x50xf32, #tpu.memory_space<hbm>>
      %dma_start3A_225 = tpu.memref_squeeze %dma_start3A_224 : memref<1x50xf32, #tpu.memory_space<hbm>> -> memref<50xf32, #tpu.memory_space<hbm>>
      tpu.enqueue_dma source(%dma_start3A_225 : memref<50xf32, #tpu.memory_space<hbm>>) target(%dma_start3A_222 : memref<50xf32, #tpu.memory_space<vmem>>) target_semaphore(%arg12 : memref<!tpu.dma_semaphore, #tpu.memory_space<semaphore_mem>>)
      %slice3A_226 = vector.extract_strided_slice %get3A_95 {offsets = [3], sizes = [1], strides = [1]} : vector<16xi32> to vector<1xi32>
      %squeeze3A_227 = vector.extract %slice3A_226[0] : i32 from vector<1xi32>
      %mul3A_228 = arith.constant 16 : i32
      %mul3A_229 = arith.muli %scan3A_81, %mul3A_228 : i32
      %add3A_230 = arith.constant 3 : i32
      %add3A_231 = arith.addi %mul3A_229, %add3A_230 : i32
      %dma_start3A_232 = arith.constant 0 : i32
      %dma_start3A_233 = arith.constant 0 : i32
      %dma_start3A_234 = tpu.memref_slice %arg11[%dma_start3A_232, %add3A_231, %dma_start3A_233] : memref<2x128x50xf32, #tpu.memory_space<vmem>> -> memref<1x1x50xf32, #tpu.memory_space<vmem>>
      %dma_start3A_235 = tpu.memref_squeeze %dma_start3A_234 : memref<1x1x50xf32, #tpu.memory_space<vmem>> -> memref<50xf32, #tpu.memory_space<vmem>>
      %dma_start3A_236 = arith.constant 0 : i32
      %dma_start3A_237 = tpu.memref_slice %arg5[%squeeze3A_227, %dma_start3A_236] : memref<100000x50xf32, #tpu.memory_space<hbm>> -> memref<1x50xf32, #tpu.memory_space<hbm>>
      %dma_start3A_238 = tpu.memref_squeeze %dma_start3A_237 : memref<1x50xf32, #tpu.memory_space<hbm>> -> memref<50xf32, #tpu.memory_space<hbm>>
      %dma_start3A_239 = arith.constant 0 : i32
      %dma_start3A_240 = tpu.memref_slice %arg11[%dma_start3A_232, %add3A_231, %dma_start3A_239] : memref<2x128x50xf32, #tpu.memory_space<vmem>> -> memref<1x1x50xf32, #tpu.memory_space<vmem>>
      %dma_start3A_241 = tpu.memref_squeeze %dma_start3A_240 : memref<1x1x50xf32, #tpu.memory_space<vmem>> -> memref<50xf32, #tpu.memory_space<vmem>>
      %dma_start3A_242 = arith.constant 0 : i32
      %dma_start3A_243 = tpu.memref_slice %arg5[%squeeze3A_227, %dma_start3A_242] : memref<100000x50xf32, #tpu.memory_space<hbm>> -> memref<1x50xf32, #tpu.memory_space<hbm>>
      %dma_start3A_244 = tpu.memref_squeeze %dma_start3A_243 : memref<1x50xf32, #tpu.memory_space<hbm>> -> memref<50xf32, #tpu.memory_space<hbm>>
      tpu.enqueue_dma source(%dma_start3A_244 : memref<50xf32, #tpu.memory_space<hbm>>) target(%dma_start3A_241 : memref<50xf32, #tpu.memory_space<vmem>>) target_semaphore(%arg14 : memref<!tpu.dma_semaphore, #tpu.memory_space<semaphore_mem>>)
      %slice3A_245 = vector.extract_strided_slice %get3A_88 {offsets = [4], sizes = [1], strides = [1]} : vector<16xi32> to vector<1xi32>
      %squeeze3A_246 = vector.extract %slice3A_245[0] : i32 from vector<1xi32>
      %mul3A_247 = arith.constant 16 : i32
      %mul3A_248 = arith.muli %scan3A_81, %mul3A_247 : i32
      %add3A_249 = arith.constant 4 : i32
      %add3A_250 = arith.addi %mul3A_248, %add3A_249 : i32
      %dma_start3A_251 = arith.constant 0 : i32
      %dma_start3A_252 = arith.constant 0 : i32
      %dma_start3A_253 = tpu.memref_slice %arg10[%dma_start3A_251, %add3A_250, %dma_start3A_252] : memref<2x128x50xf32, #tpu.memory_space<vmem>> -> memref<1x1x50xf32, #tpu.memory_space<vmem>>
      %dma_start3A_254 = tpu.memref_squeeze %dma_start3A_253 : memref<1x1x50xf32, #tpu.memory_space<vmem>> -> memref<50xf32, #tpu.memory_space<vmem>>
      %dma_start3A_255 = arith.constant 0 : i32
      %dma_start3A_256 = tpu.memref_slice %arg4[%squeeze3A_246, %dma_start3A_255] : memref<100000x50xf32, #tpu.memory_space<hbm>> -> memref<1x50xf32, #tpu.memory_space<hbm>>
      %dma_start3A_257 = tpu.memref_squeeze %dma_start3A_256 : memref<1x50xf32, #tpu.memory_space<hbm>> -> memref<50xf32, #tpu.memory_space<hbm>>
      %dma_start3A_258 = arith.constant 0 : i32
      %dma_start3A_259 = tpu.memref_slice %arg10[%dma_start3A_251, %add3A_250, %dma_start3A_258] : memref<2x128x50xf32, #tpu.memory_space<vmem>> -> memref<1x1x50xf32, #tpu.memory_space<vmem>>
      %dma_start3A_260 = tpu.memref_squeeze %dma_start3A_259 : memref<1x1x50xf32, #tpu.memory_space<vmem>> -> memref<50xf32, #tpu.memory_space<vmem>>
      %dma_start3A_261 = arith.constant 0 : i32
      %dma_start3A_262 = tpu.memref_slice %arg4[%squeeze3A_246, %dma_start3A_261] : memref<100000x50xf32, #tpu.memory_space<hbm>> -> memref<1x50xf32, #tpu.memory_space<hbm>>
      %dma_start3A_263 = tpu.memref_squeeze %dma_start3A_262 : memref<1x50xf32, #tpu.memory_space<hbm>> -> memref<50xf32, #tpu.memory_space<hbm>>
      tpu.enqueue_dma source(%dma_start3A_263 : memref<50xf32, #tpu.memory_space<hbm>>) target(%dma_start3A_260 : memref<50xf32, #tpu.memory_space<vmem>>) target_semaphore(%arg12 : memref<!tpu.dma_semaphore, #tpu.memory_space<semaphore_mem>>)
      %slice3A_264 = vector.extract_strided_slice %get3A_95 {offsets = [4], sizes = [1], strides = [1]} : vector<16xi32> to vector<1xi32>
      %squeeze3A_265 = vector.extract %slice3A_264[0] : i32 from vector<1xi32>
      %mul3A_266 = arith.constant 16 : i32
      %mul3A_267 = arith.muli %scan3A_81, %mul3A_266 : i32
      %add3A_268 = arith.constant 4 : i32
      %add3A_269 = arith.addi %mul3A_267, %add3A_268 : i32
      %dma_start3A_270 = arith.constant 0 : i32
      %dma_start3A_271 = arith.constant 0 : i32
      %dma_start3A_272 = tpu.memref_slice %arg11[%dma_start3A_270, %add3A_269, %dma_start3A_271] : memref<2x128x50xf32, #tpu.memory_space<vmem>> -> memref<1x1x50xf32, #tpu.memory_space<vmem>>
      %dma_start3A_273 = tpu.memref_squeeze %dma_start3A_272 : memref<1x1x50xf32, #tpu.memory_space<vmem>> -> memref<50xf32, #tpu.memory_space<vmem>>
      %dma_start3A_274 = arith.constant 0 : i32
      %dma_start3A_275 = tpu.memref_slice %arg5[%squeeze3A_265, %dma_start3A_274] : memref<100000x50xf32, #tpu.memory_space<hbm>> -> memref<1x50xf32, #tpu.memory_space<hbm>>
      %dma_start3A_276 = tpu.memref_squeeze %dma_start3A_275 : memref<1x50xf32, #tpu.memory_space<hbm>> -> memref<50xf32, #tpu.memory_space<hbm>>
      %dma_start3A_277 = arith.constant 0 : i32
      %dma_start3A_278 = tpu.memref_slice %arg11[%dma_start3A_270, %add3A_269, %dma_start3A_277] : memref<2x128x50xf32, #tpu.memory_space<vmem>> -> memref<1x1x50xf32, #tpu.memory_space<vmem>>
      %dma_start3A_279 = tpu.memref_squeeze %dma_start3A_278 : memref<1x1x50xf32, #tpu.memory_space<vmem>> -> memref<50xf32, #tpu.memory_space<vmem>>
      %dma_start3A_280 = arith.constant 0 : i32
      %dma_start3A_281 = tpu.memref_slice %arg5[%squeeze3A_265, %dma_start3A_280] : memref<100000x50xf32, #tpu.memory_space<hbm>> -> memref<1x50xf32, #tpu.memory_space<hbm>>
      %dma_start3A_282 = tpu.memref_squeeze %dma_start3A_281 : memref<1x50xf32, #tpu.memory_space<hbm>> -> memref<50xf32, #tpu.memory_space<hbm>>
      tpu.enqueue_dma source(%dma_start3A_282 : memref<50xf32, #tpu.memory_space<hbm>>) target(%dma_start3A_279 : memref<50xf32, #tpu.memory_space<vmem>>) target_semaphore(%arg14 : memref<!tpu.dma_semaphore, #tpu.memory_space<semaphore_mem>>)
      %slice3A_283 = vector.extract_strided_slice %get3A_88 {offsets = [5], sizes = [1], strides = [1]} : vector<16xi32> to vector<1xi32>
      %squeeze3A_284 = vector.extract %slice3A_283[0] : i32 from vector<1xi32>
      %mul3A_285 = arith.constant 16 : i32
      %mul3A_286 = arith.muli %scan3A_81, %mul3A_285 : i32
      %add3A_287 = arith.constant 5 : i32
      %add3A_288 = arith.addi %mul3A_286, %add3A_287 : i32
      %dma_start3A_289 = arith.constant 0 : i32
      %dma_start3A_290 = arith.constant 0 : i32
      %dma_start3A_291 = tpu.memref_slice %arg10[%dma_start3A_289, %add3A_288, %dma_start3A_290] : memref<2x128x50xf32, #tpu.memory_space<vmem>> -> memref<1x1x50xf32, #tpu.memory_space<vmem>>
      %dma_start3A_292 = tpu.memref_squeeze %dma_start3A_291 : memref<1x1x50xf32, #tpu.memory_space<vmem>> -> memref<50xf32, #tpu.memory_space<vmem>>
      %dma_start3A_293 = arith.constant 0 : i32
      %dma_start3A_294 = tpu.memref_slice %arg4[%squeeze3A_284, %dma_start3A_293] : memref<100000x50xf32, #tpu.memory_space<hbm>> -> memref<1x50xf32, #tpu.memory_space<hbm>>
      %dma_start3A_295 = tpu.memref_squeeze %dma_start3A_294 : memref<1x50xf32, #tpu.memory_space<hbm>> -> memref<50xf32, #tpu.memory_space<hbm>>
      %dma_start3A_296 = arith.constant 0 : i32
      %dma_start3A_297 = tpu.memref_slice %arg10[%dma_start3A_289, %add3A_288, %dma_start3A_296] : memref<2x128x50xf32, #tpu.memory_space<vmem>> -> memref<1x1x50xf32, #tpu.memory_space<vmem>>
      %dma_start3A_298 = tpu.memref_squeeze %dma_start3A_297 : memref<1x1x50xf32, #tpu.memory_space<vmem>> -> memref<50xf32, #tpu.memory_space<vmem>>
      %dma_start3A_299 = arith.constant 0 : i32
      %dma_start3A_300 = tpu.memref_slice %arg4[%squeeze3A_284, %dma_start3A_299] : memref<100000x50xf32, #tpu.memory_space<hbm>> -> memref<1x50xf32, #tpu.memory_space<hbm>>
      %dma_start3A_301 = tpu.memref_squeeze %dma_start3A_300 : memref<1x50xf32, #tpu.memory_space<hbm>> -> memref<50xf32, #tpu.memory_space<hbm>>
      tpu.enqueue_dma source(%dma_start3A_301 : memref<50xf32, #tpu.memory_space<hbm>>) target(%dma_start3A_298 : memref<50xf32, #tpu.memory_space<vmem>>) target_semaphore(%arg12 : memref<!tpu.dma_semaphore, #tpu.memory_space<semaphore_mem>>)
      %slice3A_302 = vector.extract_strided_slice %get3A_95 {offsets = [5], sizes = [1], strides = [1]} : vector<16xi32> to vector<1xi32>
      %squeeze3A_303 = vector.extract %slice3A_302[0] : i32 from vector<1xi32>
      %mul3A_304 = arith.constant 16 : i32
      %mul3A_305 = arith.muli %scan3A_81, %mul3A_304 : i32
      %add3A_306 = arith.constant 5 : i32
      %add3A_307 = arith.addi %mul3A_305, %add3A_306 : i32
      %dma_start3A_308 = arith.constant 0 : i32
      %dma_start3A_309 = arith.constant 0 : i32
      %dma_start3A_310 = tpu.memref_slice %arg11[%dma_start3A_308, %add3A_307, %dma_start3A_309] : memref<2x128x50xf32, #tpu.memory_space<vmem>> -> memref<1x1x50xf32, #tpu.memory_space<vmem>>
      %dma_start3A_311 = tpu.memref_squeeze %dma_start3A_310 : memref<1x1x50xf32, #tpu.memory_space<vmem>> -> memref<50xf32, #tpu.memory_space<vmem>>
      %dma_start3A_312 = arith.constant 0 : i32
      %dma_start3A_313 = tpu.memref_slice %arg5[%squeeze3A_303, %dma_start3A_312] : memref<100000x50xf32, #tpu.memory_space<hbm>> -> memref<1x50xf32, #tpu.memory_space<hbm>>
      %dma_start3A_314 = tpu.memref_squeeze %dma_start3A_313 : memref<1x50xf32, #tpu.memory_space<hbm>> -> memref<50xf32, #tpu.memory_space<hbm>>
      %dma_start3A_315 = arith.constant 0 : i32
      %dma_start3A_316 = tpu.memref_slice %arg11[%dma_start3A_308, %add3A_307, %dma_start3A_315] : memref<2x128x50xf32, #tpu.memory_space<vmem>> -> memref<1x1x50xf32, #tpu.memory_space<vmem>>
      %dma_start3A_317 = tpu.memref_squeeze %dma_start3A_316 : memref<1x1x50xf32, #tpu.memory_space<vmem>> -> memref<50xf32, #tpu.memory_space<vmem>>
      %dma_start3A_318 = arith.constant 0 : i32
      %dma_start3A_319 = tpu.memref_slice %arg5[%squeeze3A_303, %dma_start3A_318] : memref<100000x50xf32, #tpu.memory_space<hbm>> -> memref<1x50xf32, #tpu.memory_space<hbm>>
      %dma_start3A_320 = tpu.memref_squeeze %dma_start3A_319 : memref<1x50xf32, #tpu.memory_space<hbm>> -> memref<50xf32, #tpu.memory_space<hbm>>
      tpu.enqueue_dma source(%dma_start3A_320 : memref<50xf32, #tpu.memory_space<hbm>>) target(%dma_start3A_317 : memref<50xf32, #tpu.memory_space<vmem>>) target_semaphore(%arg14 : memref<!tpu.dma_semaphore, #tpu.memory_space<semaphore_mem>>)
      %slice3A_321 = vector.extract_strided_slice %get3A_88 {offsets = [6], sizes = [1], strides = [1]} : vector<16xi32> to vector<1xi32>
      %squeeze3A_322 = vector.extract %slice3A_321[0] : i32 from vector<1xi32>
      %mul3A_323 = arith.constant 16 : i32
      %mul3A_324 = arith.muli %scan3A_81, %mul3A_323 : i32
      %add3A_325 = arith.constant 6 : i32
      %add3A_326 = arith.addi %mul3A_324, %add3A_325 : i32
      %dma_start3A_327 = arith.constant 0 : i32
      %dma_start3A_328 = arith.constant 0 : i32
      %dma_start3A_329 = tpu.memref_slice %arg10[%dma_start3A_327, %add3A_326, %dma_start3A_328] : memref<2x128x50xf32, #tpu.memory_space<vmem>> -> memref<1x1x50xf32, #tpu.memory_space<vmem>>
      %dma_start3A_330 = tpu.memref_squeeze %dma_start3A_329 : memref<1x1x50xf32, #tpu.memory_space<vmem>> -> memref<50xf32, #tpu.memory_space<vmem>>
      %dma_start3A_331 = arith.constant 0 : i32
      %dma_start3A_332 = tpu.memref_slice %arg4[%squeeze3A_322, %dma_start3A_331] : memref<100000x50xf32, #tpu.memory_space<hbm>> -> memref<1x50xf32, #tpu.memory_space<hbm>>
      %dma_start3A_333 = tpu.memref_squeeze %dma_start3A_332 : memref<1x50xf32, #tpu.memory_space<hbm>> -> memref<50xf32, #tpu.memory_space<hbm>>
      %dma_start3A_334 = arith.constant 0 : i32
      %dma_start3A_335 = tpu.memref_slice %arg10[%dma_start3A_327, %add3A_326, %dma_start3A_334] : memref<2x128x50xf32, #tpu.memory_space<vmem>> -> memref<1x1x50xf32, #tpu.memory_space<vmem>>
      %dma_start3A_336 = tpu.memref_squeeze %dma_start3A_335 : memref<1x1x50xf32, #tpu.memory_space<vmem>> -> memref<50xf32, #tpu.memory_space<vmem>>
      %dma_start3A_337 = arith.constant 0 : i32
      %dma_start3A_338 = tpu.memref_slice %arg4[%squeeze3A_322, %dma_start3A_337] : memref<100000x50xf32, #tpu.memory_space<hbm>> -> memref<1x50xf32, #tpu.memory_space<hbm>>
      %dma_start3A_339 = tpu.memref_squeeze %dma_start3A_338 : memref<1x50xf32, #tpu.memory_space<hbm>> -> memref<50xf32, #tpu.memory_space<hbm>>
      tpu.enqueue_dma source(%dma_start3A_339 : memref<50xf32, #tpu.memory_space<hbm>>) target(%dma_start3A_336 : memref<50xf32, #tpu.memory_space<vmem>>) target_semaphore(%arg12 : memref<!tpu.dma_semaphore, #tpu.memory_space<semaphore_mem>>)
      %slice3A_340 = vector.extract_strided_slice %get3A_95 {offsets = [6], sizes = [1], strides = [1]} : vector<16xi32> to vector<1xi32>
      %squeeze3A_341 = vector.extract %slice3A_340[0] : i32 from vector<1xi32>
      %mul3A_342 = arith.constant 16 : i32
      %mul3A_343 = arith.muli %scan3A_81, %mul3A_342 : i32
      %add3A_344 = arith.constant 6 : i32
      %add3A_345 = arith.addi %mul3A_343, %add3A_344 : i32
      %dma_start3A_346 = arith.constant 0 : i32
      %dma_start3A_347 = arith.constant 0 : i32
      %dma_start3A_348 = tpu.memref_slice %arg11[%dma_start3A_346, %add3A_345, %dma_start3A_347] : memref<2x128x50xf32, #tpu.memory_space<vmem>> -> memref<1x1x50xf32, #tpu.memory_space<vmem>>
      %dma_start3A_349 = tpu.memref_squeeze %dma_start3A_348 : memref<1x1x50xf32, #tpu.memory_space<vmem>> -> memref<50xf32, #tpu.memory_space<vmem>>
      %dma_start3A_350 = arith.constant 0 : i32
      %dma_start3A_351 = tpu.memref_slice %arg5[%squeeze3A_341, %dma_start3A_350] : memref<100000x50xf32, #tpu.memory_space<hbm>> -> memref<1x50xf32, #tpu.memory_space<hbm>>
      %dma_start3A_352 = tpu.memref_squeeze %dma_start3A_351 : memref<1x50xf32, #tpu.memory_space<hbm>> -> memref<50xf32, #tpu.memory_space<hbm>>
      %dma_start3A_353 = arith.constant 0 : i32
      %dma_start3A_354 = tpu.memref_slice %arg11[%dma_start3A_346, %add3A_345, %dma_start3A_353] : memref<2x128x50xf32, #tpu.memory_space<vmem>> -> memref<1x1x50xf32, #tpu.memory_space<vmem>>
      %dma_start3A_355 = tpu.memref_squeeze %dma_start3A_354 : memref<1x1x50xf32, #tpu.memory_space<vmem>> -> memref<50xf32, #tpu.memory_space<vmem>>
      %dma_start3A_356 = arith.constant 0 : i32
      %dma_start3A_357 = tpu.memref_slice %arg5[%squeeze3A_341, %dma_start3A_356] : memref<100000x50xf32, #tpu.memory_space<hbm>> -> memref<1x50xf32, #tpu.memory_space<hbm>>
      %dma_start3A_358 = tpu.memref_squeeze %dma_start3A_357 : memref<1x50xf32, #tpu.memory_space<hbm>> -> memref<50xf32, #tpu.memory_space<hbm>>
      tpu.enqueue_dma source(%dma_start3A_358 : memref<50xf32, #tpu.memory_space<hbm>>) target(%dma_start3A_355 : memref<50xf32, #tpu.memory_space<vmem>>) target_semaphore(%arg14 : memref<!tpu.dma_semaphore, #tpu.memory_space<semaphore_mem>>)
      %slice3A_359 = vector.extract_strided_slice %get3A_88 {offsets = [7], sizes = [1], strides = [1]} : vector<16xi32> to vector<1xi32>
      %squeeze3A_360 = vector.extract %slice3A_359[0] : i32 from vector<1xi32>
      %mul3A_361 = arith.constant 16 : i32
      %mul3A_362 = arith.muli %scan3A_81, %mul3A_361 : i32
      %add3A_363 = arith.constant 7 : i32
      %add3A_364 = arith.addi %mul3A_362, %add3A_363 : i32
      %dma_start3A_365 = arith.constant 0 : i32
      %dma_start3A_366 = arith.constant 0 : i32
      %dma_start3A_367 = tpu.memref_slice %arg10[%dma_start3A_365, %add3A_364, %dma_start3A_366] : memref<2x128x50xf32, #tpu.memory_space<vmem>> -> memref<1x1x50xf32, #tpu.memory_space<vmem>>
      %dma_start3A_368 = tpu.memref_squeeze %dma_start3A_367 : memref<1x1x50xf32, #tpu.memory_space<vmem>> -> memref<50xf32, #tpu.memory_space<vmem>>
      %dma_start3A_369 = arith.constant 0 : i32
      %dma_start3A_370 = tpu.memref_slice %arg4[%squeeze3A_360, %dma_start3A_369] : memref<100000x50xf32, #tpu.memory_space<hbm>> -> memref<1x50xf32, #tpu.memory_space<hbm>>
      %dma_start3A_371 = tpu.memref_squeeze %dma_start3A_370 : memref<1x50xf32, #tpu.memory_space<hbm>> -> memref<50xf32, #tpu.memory_space<hbm>>
      %dma_start3A_372 = arith.constant 0 : i32
      %dma_start3A_373 = tpu.memref_slice %arg10[%dma_start3A_365, %add3A_364, %dma_start3A_372] : memref<2x128x50xf32, #tpu.memory_space<vmem>> -> memref<1x1x50xf32, #tpu.memory_space<vmem>>
      %dma_start3A_374 = tpu.memref_squeeze %dma_start3A_373 : memref<1x1x50xf32, #tpu.memory_space<vmem>> -> memref<50xf32, #tpu.memory_space<vmem>>
      %dma_start3A_375 = arith.constant 0 : i32
      %dma_start3A_376 = tpu.memref_slice %arg4[%squeeze3A_360, %dma_start3A_375] : memref<100000x50xf32, #tpu.memory_space<hbm>> -> memref<1x50xf32, #tpu.memory_space<hbm>>
      %dma_start3A_377 = tpu.memref_squeeze %dma_start3A_376 : memref<1x50xf32, #tpu.memory_space<hbm>> -> memref<50xf32, #tpu.memory_space<hbm>>
      tpu.enqueue_dma source(%dma_start3A_377 : memref<50xf32, #tpu.memory_space<hbm>>) target(%dma_start3A_374 : memref<50xf32, #tpu.memory_space<vmem>>) target_semaphore(%arg12 : memref<!tpu.dma_semaphore, #tpu.memory_space<semaphore_mem>>)
      %slice3A_378 = vector.extract_strided_slice %get3A_95 {offsets = [7], sizes = [1], strides = [1]} : vector<16xi32> to vector<1xi32>
      %squeeze3A_379 = vector.extract %slice3A_378[0] : i32 from vector<1xi32>
      %mul3A_380 = arith.constant 16 : i32
      %mul3A_381 = arith.muli %scan3A_81, %mul3A_380 : i32
      %add3A_382 = arith.constant 7 : i32
      %add3A_383 = arith.addi %mul3A_381, %add3A_382 : i32
      %dma_start3A_384 = arith.constant 0 : i32
      %dma_start3A_385 = arith.constant 0 : i32
      %dma_start3A_386 = tpu.memref_slice %arg11[%dma_start3A_384, %add3A_383, %dma_start3A_385] : memref<2x128x50xf32, #tpu.memory_space<vmem>> -> memref<1x1x50xf32, #tpu.memory_space<vmem>>
      %dma_start3A_387 = tpu.memref_squeeze %dma_start3A_386 : memref<1x1x50xf32, #tpu.memory_space<vmem>> -> memref<50xf32, #tpu.memory_space<vmem>>
      %dma_start3A_388 = arith.constant 0 : i32
      %dma_start3A_389 = tpu.memref_slice %arg5[%squeeze3A_379, %dma_start3A_388] : memref<100000x50xf32, #tpu.memory_space<hbm>> -> memref<1x50xf32, #tpu.memory_space<hbm>>
      %dma_start3A_390 = tpu.memref_squeeze %dma_start3A_389 : memref<1x50xf32, #tpu.memory_space<hbm>> -> memref<50xf32, #tpu.memory_space<hbm>>
      %dma_start3A_391 = arith.constant 0 : i32
      %dma_start3A_392 = tpu.memref_slice %arg11[%dma_start3A_384, %add3A_383, %dma_start3A_391] : memref<2x128x50xf32, #tpu.memory_space<vmem>> -> memref<1x1x50xf32, #tpu.memory_space<vmem>>
      %dma_start3A_393 = tpu.memref_squeeze %dma_start3A_392 : memref<1x1x50xf32, #tpu.memory_space<vmem>> -> memref<50xf32, #tpu.memory_space<vmem>>
      %dma_start3A_394 = arith.constant 0 : i32
      %dma_start3A_395 = tpu.memref_slice %arg5[%squeeze3A_379, %dma_start3A_394] : memref<100000x50xf32, #tpu.memory_space<hbm>> -> memref<1x50xf32, #tpu.memory_space<hbm>>
      %dma_start3A_396 = tpu.memref_squeeze %dma_start3A_395 : memref<1x50xf32, #tpu.memory_space<hbm>> -> memref<50xf32, #tpu.memory_space<hbm>>
      tpu.enqueue_dma source(%dma_start3A_396 : memref<50xf32, #tpu.memory_space<hbm>>) target(%dma_start3A_393 : memref<50xf32, #tpu.memory_space<vmem>>) target_semaphore(%arg14 : memref<!tpu.dma_semaphore, #tpu.memory_space<semaphore_mem>>)
      %slice3A_397 = vector.extract_strided_slice %get3A_88 {offsets = [8], sizes = [1], strides = [1]} : vector<16xi32> to vector<1xi32>
      %squeeze3A_398 = vector.extract %slice3A_397[0] : i32 from vector<1xi32>
      %mul3A_399 = arith.constant 16 : i32
      %mul3A_400 = arith.muli %scan3A_81, %mul3A_399 : i32
      %add3A_401 = arith.constant 8 : i32
      %add3A_402 = arith.addi %mul3A_400, %add3A_401 : i32
      %dma_start3A_403 = arith.constant 0 : i32
      %dma_start3A_404 = arith.constant 0 : i32
      %dma_start3A_405 = tpu.memref_slice %arg10[%dma_start3A_403, %add3A_402, %dma_start3A_404] : memref<2x128x50xf32, #tpu.memory_space<vmem>> -> memref<1x1x50xf32, #tpu.memory_space<vmem>>
      %dma_start3A_406 = tpu.memref_squeeze %dma_start3A_405 : memref<1x1x50xf32, #tpu.memory_space<vmem>> -> memref<50xf32, #tpu.memory_space<vmem>>
      %dma_start3A_407 = arith.constant 0 : i32
      %dma_start3A_408 = tpu.memref_slice %arg4[%squeeze3A_398, %dma_start3A_407] : memref<100000x50xf32, #tpu.memory_space<hbm>> -> memref<1x50xf32, #tpu.memory_space<hbm>>
      %dma_start3A_409 = tpu.memref_squeeze %dma_start3A_408 : memref<1x50xf32, #tpu.memory_space<hbm>> -> memref<50xf32, #tpu.memory_space<hbm>>
      %dma_start3A_410 = arith.constant 0 : i32
      %dma_start3A_411 = tpu.memref_slice %arg10[%dma_start3A_403, %add3A_402, %dma_start3A_410] : memref<2x128x50xf32, #tpu.memory_space<vmem>> -> memref<1x1x50xf32, #tpu.memory_space<vmem>>
      %dma_start3A_412 = tpu.memref_squeeze %dma_start3A_411 : memref<1x1x50xf32, #tpu.memory_space<vmem>> -> memref<50xf32, #tpu.memory_space<vmem>>
      %dma_start3A_413 = arith.constant 0 : i32
      %dma_start3A_414 = tpu.memref_slice %arg4[%squeeze3A_398, %dma_start3A_413] : memref<100000x50xf32, #tpu.memory_space<hbm>> -> memref<1x50xf32, #tpu.memory_space<hbm>>
      %dma_start3A_415 = tpu.memref_squeeze %dma_start3A_414 : memref<1x50xf32, #tpu.memory_space<hbm>> -> memref<50xf32, #tpu.memory_space<hbm>>
      tpu.enqueue_dma source(%dma_start3A_415 : memref<50xf32, #tpu.memory_space<hbm>>) target(%dma_start3A_412 : memref<50xf32, #tpu.memory_space<vmem>>) target_semaphore(%arg12 : memref<!tpu.dma_semaphore, #tpu.memory_space<semaphore_mem>>)
      %slice3A_416 = vector.extract_strided_slice %get3A_95 {offsets = [8], sizes = [1], strides = [1]} : vector<16xi32> to vector<1xi32>
      %squeeze3A_417 = vector.extract %slice3A_416[0] : i32 from vector<1xi32>
      %mul3A_418 = arith.constant 16 : i32
      %mul3A_419 = arith.muli %scan3A_81, %mul3A_418 : i32
      %add3A_420 = arith.constant 8 : i32
      %add3A_421 = arith.addi %mul3A_419, %add3A_420 : i32
      %dma_start3A_422 = arith.constant 0 : i32
      %dma_start3A_423 = arith.constant 0 : i32
      %dma_start3A_424 = tpu.memref_slice %arg11[%dma_start3A_422, %add3A_421, %dma_start3A_423] : memref<2x128x50xf32, #tpu.memory_space<vmem>> -> memref<1x1x50xf32, #tpu.memory_space<vmem>>
      %dma_start3A_425 = tpu.memref_squeeze %dma_start3A_424 : memref<1x1x50xf32, #tpu.memory_space<vmem>> -> memref<50xf32, #tpu.memory_space<vmem>>
      %dma_start3A_426 = arith.constant 0 : i32
      %dma_start3A_427 = tpu.memref_slice %arg5[%squeeze3A_417, %dma_start3A_426] : memref<100000x50xf32, #tpu.memory_space<hbm>> -> memref<1x50xf32, #tpu.memory_space<hbm>>
      %dma_start3A_428 = tpu.memref_squeeze %dma_start3A_427 : memref<1x50xf32, #tpu.memory_space<hbm>> -> memref<50xf32, #tpu.memory_space<hbm>>
      %dma_start3A_429 = arith.constant 0 : i32
      %dma_start3A_430 = tpu.memref_slice %arg11[%dma_start3A_422, %add3A_421, %dma_start3A_429] : memref<2x128x50xf32, #tpu.memory_space<vmem>> -> memref<1x1x50xf32, #tpu.memory_space<vmem>>
      %dma_start3A_431 = tpu.memref_squeeze %dma_start3A_430 : memref<1x1x50xf32, #tpu.memory_space<vmem>> -> memref<50xf32, #tpu.memory_space<vmem>>
      %dma_start3A_432 = arith.constant 0 : i32
      %dma_start3A_433 = tpu.memref_slice %arg5[%squeeze3A_417, %dma_start3A_432] : memref<100000x50xf32, #tpu.memory_space<hbm>> -> memref<1x50xf32, #tpu.memory_space<hbm>>
      %dma_start3A_434 = tpu.memref_squeeze %dma_start3A_433 : memref<1x50xf32, #tpu.memory_space<hbm>> -> memref<50xf32, #tpu.memory_space<hbm>>
      tpu.enqueue_dma source(%dma_start3A_434 : memref<50xf32, #tpu.memory_space<hbm>>) target(%dma_start3A_431 : memref<50xf32, #tpu.memory_space<vmem>>) target_semaphore(%arg14 : memref<!tpu.dma_semaphore, #tpu.memory_space<semaphore_mem>>)
      %slice3A_435 = vector.extract_strided_slice %get3A_88 {offsets = [9], sizes = [1], strides = [1]} : vector<16xi32> to vector<1xi32>
      %squeeze3A_436 = vector.extract %slice3A_435[0] : i32 from vector<1xi32>
      %mul3A_437 = arith.constant 16 : i32
      %mul3A_438 = arith.muli %scan3A_81, %mul3A_437 : i32
      %add3A_439 = arith.constant 9 : i32
      %add3A_440 = arith.addi %mul3A_438, %add3A_439 : i32
      %dma_start3A_441 = arith.constant 0 : i32
      %dma_start3A_442 = arith.constant 0 : i32
      %dma_start3A_443 = tpu.memref_slice %arg10[%dma_start3A_441, %add3A_440, %dma_start3A_442] : memref<2x128x50xf32, #tpu.memory_space<vmem>> -> memref<1x1x50xf32, #tpu.memory_space<vmem>>
      %dma_start3A_444 = tpu.memref_squeeze %dma_start3A_443 : memref<1x1x50xf32, #tpu.memory_space<vmem>> -> memref<50xf32, #tpu.memory_space<vmem>>
      %dma_start3A_445 = arith.constant 0 : i32
      %dma_start3A_446 = tpu.memref_slice %arg4[%squeeze3A_436, %dma_start3A_445] : memref<100000x50xf32, #tpu.memory_space<hbm>> -> memref<1x50xf32, #tpu.memory_space<hbm>>
      %dma_start3A_447 = tpu.memref_squeeze %dma_start3A_446 : memref<1x50xf32, #tpu.memory_space<hbm>> -> memref<50xf32, #tpu.memory_space<hbm>>
      %dma_start3A_448 = arith.constant 0 : i32
      %dma_start3A_449 = tpu.memref_slice %arg10[%dma_start3A_441, %add3A_440, %dma_start3A_448] : memref<2x128x50xf32, #tpu.memory_space<vmem>> -> memref<1x1x50xf32, #tpu.memory_space<vmem>>
      %dma_start3A_450 = tpu.memref_squeeze %dma_start3A_449 : memref<1x1x50xf32, #tpu.memory_space<vmem>> -> memref<50xf32, #tpu.memory_space<vmem>>
      %dma_start3A_451 = arith.constant 0 : i32
      %dma_start3A_452 = tpu.memref_slice %arg4[%squeeze3A_436, %dma_start3A_451] : memref<100000x50xf32, #tpu.memory_space<hbm>> -> memref<1x50xf32, #tpu.memory_space<hbm>>
      %dma_start3A_453 = tpu.memref_squeeze %dma_start3A_452 : memref<1x50xf32, #tpu.memory_space<hbm>> -> memref<50xf32, #tpu.memory_space<hbm>>
      tpu.enqueue_dma source(%dma_start3A_453 : memref<50xf32, #tpu.memory_space<hbm>>) target(%dma_start3A_450 : memref<50xf32, #tpu.memory_space<vmem>>) target_semaphore(%arg12 : memref<!tpu.dma_semaphore, #tpu.memory_space<semaphore_mem>>)
      %slice3A_454 = vector.extract_strided_slice %get3A_95 {offsets = [9], sizes = [1], strides = [1]} : vector<16xi32> to vector<1xi32>
      %squeeze3A_455 = vector.extract %slice3A_454[0] : i32 from vector<1xi32>
      %mul3A_456 = arith.constant 16 : i32
      %mul3A_457 = arith.muli %scan3A_81, %mul3A_456 : i32
      %add3A_458 = arith.constant 9 : i32
      %add3A_459 = arith.addi %mul3A_457, %add3A_458 : i32
      %dma_start3A_460 = arith.constant 0 : i32
      %dma_start3A_461 = arith.constant 0 : i32
      %dma_start3A_462 = tpu.memref_slice %arg11[%dma_start3A_460, %add3A_459, %dma_start3A_461] : memref<2x128x50xf32, #tpu.memory_space<vmem>> -> memref<1x1x50xf32, #tpu.memory_space<vmem>>
      %dma_start3A_463 = tpu.memref_squeeze %dma_start3A_462 : memref<1x1x50xf32, #tpu.memory_space<vmem>> -> memref<50xf32, #tpu.memory_space<vmem>>
      %dma_start3A_464 = arith.constant 0 : i32
      %dma_start3A_465 = tpu.memref_slice %arg5[%squeeze3A_455, %dma_start3A_464] : memref<100000x50xf32, #tpu.memory_space<hbm>> -> memref<1x50xf32, #tpu.memory_space<hbm>>
      %dma_start3A_466 = tpu.memref_squeeze %dma_start3A_465 : memref<1x50xf32, #tpu.memory_space<hbm>> -> memref<50xf32, #tpu.memory_space<hbm>>
      %dma_start3A_467 = arith.constant 0 : i32
      %dma_start3A_468 = tpu.memref_slice %arg11[%dma_start3A_460, %add3A_459, %dma_start3A_467] : memref<2x128x50xf32, #tpu.memory_space<vmem>> -> memref<1x1x50xf32, #tpu.memory_space<vmem>>
      %dma_start3A_469 = tpu.memref_squeeze %dma_start3A_468 : memref<1x1x50xf32, #tpu.memory_space<vmem>> -> memref<50xf32, #tpu.memory_space<vmem>>
      %dma_start3A_470 = arith.constant 0 : i32
      %dma_start3A_471 = tpu.memref_slice %arg5[%squeeze3A_455, %dma_start3A_470] : memref<100000x50xf32, #tpu.memory_space<hbm>> -> memref<1x50xf32, #tpu.memory_space<hbm>>
      %dma_start3A_472 = tpu.memref_squeeze %dma_start3A_471 : memref<1x50xf32, #tpu.memory_space<hbm>> -> memref<50xf32, #tpu.memory_space<hbm>>
      tpu.enqueue_dma source(%dma_start3A_472 : memref<50xf32, #tpu.memory_space<hbm>>) target(%dma_start3A_469 : memref<50xf32, #tpu.memory_space<vmem>>) target_semaphore(%arg14 : memref<!tpu.dma_semaphore, #tpu.memory_space<semaphore_mem>>)
      %slice3A_473 = vector.extract_strided_slice %get3A_88 {offsets = [10], sizes = [1], strides = [1]} : vector<16xi32> to vector<1xi32>
      %squeeze3A_474 = vector.extract %slice3A_473[0] : i32 from vector<1xi32>
      %mul3A_475 = arith.constant 16 : i32
      %mul3A_476 = arith.muli %scan3A_81, %mul3A_475 : i32
      %add3A_477 = arith.constant 10 : i32
      %add3A_478 = arith.addi %mul3A_476, %add3A_477 : i32
      %dma_start3A_479 = arith.constant 0 : i32
      %dma_start3A_480 = arith.constant 0 : i32
      %dma_start3A_481 = tpu.memref_slice %arg10[%dma_start3A_479, %add3A_478, %dma_start3A_480] : memref<2x128x50xf32, #tpu.memory_space<vmem>> -> memref<1x1x50xf32, #tpu.memory_space<vmem>>
      %dma_start3A_482 = tpu.memref_squeeze %dma_start3A_481 : memref<1x1x50xf32, #tpu.memory_space<vmem>> -> memref<50xf32, #tpu.memory_space<vmem>>
      %dma_start3A_483 = arith.constant 0 : i32
      %dma_start3A_484 = tpu.memref_slice %arg4[%squeeze3A_474, %dma_start3A_483] : memref<100000x50xf32, #tpu.memory_space<hbm>> -> memref<1x50xf32, #tpu.memory_space<hbm>>
      %dma_start3A_485 = tpu.memref_squeeze %dma_start3A_484 : memref<1x50xf32, #tpu.memory_space<hbm>> -> memref<50xf32, #tpu.memory_space<hbm>>
      %dma_start3A_486 = arith.constant 0 : i32
      %dma_start3A_487 = tpu.memref_slice %arg10[%dma_start3A_479, %add3A_478, %dma_start3A_486] : memref<2x128x50xf32, #tpu.memory_space<vmem>> -> memref<1x1x50xf32, #tpu.memory_space<vmem>>
      %dma_start3A_488 = tpu.memref_squeeze %dma_start3A_487 : memref<1x1x50xf32, #tpu.memory_space<vmem>> -> memref<50xf32, #tpu.memory_space<vmem>>
      %dma_start3A_489 = arith.constant 0 : i32
      %dma_start3A_490 = tpu.memref_slice %arg4[%squeeze3A_474, %dma_start3A_489] : memref<100000x50xf32, #tpu.memory_space<hbm>> -> memref<1x50xf32, #tpu.memory_space<hbm>>
      %dma_start3A_491 = tpu.memref_squeeze %dma_start3A_490 : memref<1x50xf32, #tpu.memory_space<hbm>> -> memref<50xf32, #tpu.memory_space<hbm>>
      tpu.enqueue_dma source(%dma_start3A_491 : memref<50xf32, #tpu.memory_space<hbm>>) target(%dma_start3A_488 : memref<50xf32, #tpu.memory_space<vmem>>) target_semaphore(%arg12 : memref<!tpu.dma_semaphore, #tpu.memory_space<semaphore_mem>>)
      %slice3A_492 = vector.extract_strided_slice %get3A_95 {offsets = [10], sizes = [1], strides = [1]} : vector<16xi32> to vector<1xi32>
      %squeeze3A_493 = vector.extract %slice3A_492[0] : i32 from vector<1xi32>
      %mul3A_494 = arith.constant 16 : i32
      %mul3A_495 = arith.muli %scan3A_81, %mul3A_494 : i32
      %add3A_496 = arith.constant 10 : i32
      %add3A_497 = arith.addi %mul3A_495, %add3A_496 : i32
      %dma_start3A_498 = arith.constant 0 : i32
      %dma_start3A_499 = arith.constant 0 : i32
      %dma_start3A_500 = tpu.memref_slice %arg11[%dma_start3A_498, %add3A_497, %dma_start3A_499] : memref<2x128x50xf32, #tpu.memory_space<vmem>> -> memref<1x1x50xf32, #tpu.memory_space<vmem>>
      %dma_start3A_501 = tpu.memref_squeeze %dma_start3A_500 : memref<1x1x50xf32, #tpu.memory_space<vmem>> -> memref<50xf32, #tpu.memory_space<vmem>>
      %dma_start3A_502 = arith.constant 0 : i32
      %dma_start3A_503 = tpu.memref_slice %arg5[%squeeze3A_493, %dma_start3A_502] : memref<100000x50xf32, #tpu.memory_space<hbm>> -> memref<1x50xf32, #tpu.memory_space<hbm>>
      %dma_start3A_504 = tpu.memref_squeeze %dma_start3A_503 : memref<1x50xf32, #tpu.memory_space<hbm>> -> memref<50xf32, #tpu.memory_space<hbm>>
      %dma_start3A_505 = arith.constant 0 : i32
      %dma_start3A_506 = tpu.memref_slice %arg11[%dma_start3A_498, %add3A_497, %dma_start3A_505] : memref<2x128x50xf32, #tpu.memory_space<vmem>> -> memref<1x1x50xf32, #tpu.memory_space<vmem>>
      %dma_start3A_507 = tpu.memref_squeeze %dma_start3A_506 : memref<1x1x50xf32, #tpu.memory_space<vmem>> -> memref<50xf32, #tpu.memory_space<vmem>>
      %dma_start3A_508 = arith.constant 0 : i32
      %dma_start3A_509 = tpu.memref_slice %arg5[%squeeze3A_493, %dma_start3A_508] : memref<100000x50xf32, #tpu.memory_space<hbm>> -> memref<1x50xf32, #tpu.memory_space<hbm>>
      %dma_start3A_510 = tpu.memref_squeeze %dma_start3A_509 : memref<1x50xf32, #tpu.memory_space<hbm>> -> memref<50xf32, #tpu.memory_space<hbm>>
      tpu.enqueue_dma source(%dma_start3A_510 : memref<50xf32, #tpu.memory_space<hbm>>) target(%dma_start3A_507 : memref<50xf32, #tpu.memory_space<vmem>>) target_semaphore(%arg14 : memref<!tpu.dma_semaphore, #tpu.memory_space<semaphore_mem>>)
      %slice3A_511 = vector.extract_strided_slice %get3A_88 {offsets = [11], sizes = [1], strides = [1]} : vector<16xi32> to vector<1xi32>
      %squeeze3A_512 = vector.extract %slice3A_511[0] : i32 from vector<1xi32>
      %mul3A_513 = arith.constant 16 : i32
      %mul3A_514 = arith.muli %scan3A_81, %mul3A_513 : i32
      %add3A_515 = arith.constant 11 : i32
      %add3A_516 = arith.addi %mul3A_514, %add3A_515 : i32
      %dma_start3A_517 = arith.constant 0 : i32
      %dma_start3A_518 = arith.constant 0 : i32
      %dma_start3A_519 = tpu.memref_slice %arg10[%dma_start3A_517, %add3A_516, %dma_start3A_518] : memref<2x128x50xf32, #tpu.memory_space<vmem>> -> memref<1x1x50xf32, #tpu.memory_space<vmem>>
      %dma_start3A_520 = tpu.memref_squeeze %dma_start3A_519 : memref<1x1x50xf32, #tpu.memory_space<vmem>> -> memref<50xf32, #tpu.memory_space<vmem>>
      %dma_start3A_521 = arith.constant 0 : i32
      %dma_start3A_522 = tpu.memref_slice %arg4[%squeeze3A_512, %dma_start3A_521] : memref<100000x50xf32, #tpu.memory_space<hbm>> -> memref<1x50xf32, #tpu.memory_space<hbm>>
      %dma_start3A_523 = tpu.memref_squeeze %dma_start3A_522 : memref<1x50xf32, #tpu.memory_space<hbm>> -> memref<50xf32, #tpu.memory_space<hbm>>
      %dma_start3A_524 = arith.constant 0 : i32
      %dma_start3A_525 = tpu.memref_slice %arg10[%dma_start3A_517, %add3A_516, %dma_start3A_524] : memref<2x128x50xf32, #tpu.memory_space<vmem>> -> memref<1x1x50xf32, #tpu.memory_space<vmem>>
      %dma_start3A_526 = tpu.memref_squeeze %dma_start3A_525 : memref<1x1x50xf32, #tpu.memory_space<vmem>> -> memref<50xf32, #tpu.memory_space<vmem>>
      %dma_start3A_527 = arith.constant 0 : i32
      %dma_start3A_528 = tpu.memref_slice %arg4[%squeeze3A_512, %dma_start3A_527] : memref<100000x50xf32, #tpu.memory_space<hbm>> -> memref<1x50xf32, #tpu.memory_space<hbm>>
      %dma_start3A_529 = tpu.memref_squeeze %dma_start3A_528 : memref<1x50xf32, #tpu.memory_space<hbm>> -> memref<50xf32, #tpu.memory_space<hbm>>
      tpu.enqueue_dma source(%dma_start3A_529 : memref<50xf32, #tpu.memory_space<hbm>>) target(%dma_start3A_526 : memref<50xf32, #tpu.memory_space<vmem>>) target_semaphore(%arg12 : memref<!tpu.dma_semaphore, #tpu.memory_space<semaphore_mem>>)
      %slice3A_530 = vector.extract_strided_slice %get3A_95 {offsets = [11], sizes = [1], strides = [1]} : vector<16xi32> to vector<1xi32>
      %squeeze3A_531 = vector.extract %slice3A_530[0] : i32 from vector<1xi32>
      %mul3A_532 = arith.constant 16 : i32
      %mul3A_533 = arith.muli %scan3A_81, %mul3A_532 : i32
      %add3A_534 = arith.constant 11 : i32
      %add3A_535 = arith.addi %mul3A_533, %add3A_534 : i32
      %dma_start3A_536 = arith.constant 0 : i32
      %dma_start3A_537 = arith.constant 0 : i32
      %dma_start3A_538 = tpu.memref_slice %arg11[%dma_start3A_536, %add3A_535, %dma_start3A_537] : memref<2x128x50xf32, #tpu.memory_space<vmem>> -> memref<1x1x50xf32, #tpu.memory_space<vmem>>
      %dma_start3A_539 = tpu.memref_squeeze %dma_start3A_538 : memref<1x1x50xf32, #tpu.memory_space<vmem>> -> memref<50xf32, #tpu.memory_space<vmem>>
      %dma_start3A_540 = arith.constant 0 : i32
      %dma_start3A_541 = tpu.memref_slice %arg5[%squeeze3A_531, %dma_start3A_540] : memref<100000x50xf32, #tpu.memory_space<hbm>> -> memref<1x50xf32, #tpu.memory_space<hbm>>
      %dma_start3A_542 = tpu.memref_squeeze %dma_start3A_541 : memref<1x50xf32, #tpu.memory_space<hbm>> -> memref<50xf32, #tpu.memory_space<hbm>>
      %dma_start3A_543 = arith.constant 0 : i32
      %dma_start3A_544 = tpu.memref_slice %arg11[%dma_start3A_536, %add3A_535, %dma_start3A_543] : memref<2x128x50xf32, #tpu.memory_space<vmem>> -> memref<1x1x50xf32, #tpu.memory_space<vmem>>
      %dma_start3A_545 = tpu.memref_squeeze %dma_start3A_544 : memref<1x1x50xf32, #tpu.memory_space<vmem>> -> memref<50xf32, #tpu.memory_space<vmem>>
      %dma_start3A_546 = arith.constant 0 : i32
      %dma_start3A_547 = tpu.memref_slice %arg5[%squeeze3A_531, %dma_start3A_546] : memref<100000x50xf32, #tpu.memory_space<hbm>> -> memref<1x50xf32, #tpu.memory_space<hbm>>
      %dma_start3A_548 = tpu.memref_squeeze %dma_start3A_547 : memref<1x50xf32, #tpu.memory_space<hbm>> -> memref<50xf32, #tpu.memory_space<hbm>>
      tpu.enqueue_dma source(%dma_start3A_548 : memref<50xf32, #tpu.memory_space<hbm>>) target(%dma_start3A_545 : memref<50xf32, #tpu.memory_space<vmem>>) target_semaphore(%arg14 : memref<!tpu.dma_semaphore, #tpu.memory_space<semaphore_mem>>)
      %slice3A_549 = vector.extract_strided_slice %get3A_88 {offsets = [12], sizes = [1], strides = [1]} : vector<16xi32> to vector<1xi32>
      %squeeze3A_550 = vector.extract %slice3A_549[0] : i32 from vector<1xi32>
      %mul3A_551 = arith.constant 16 : i32
      %mul3A_552 = arith.muli %scan3A_81, %mul3A_551 : i32
      %add3A_553 = arith.constant 12 : i32
      %add3A_554 = arith.addi %mul3A_552, %add3A_553 : i32
      %dma_start3A_555 = arith.constant 0 : i32
      %dma_start3A_556 = arith.constant 0 : i32
      %dma_start3A_557 = tpu.memref_slice %arg10[%dma_start3A_555, %add3A_554, %dma_start3A_556] : memref<2x128x50xf32, #tpu.memory_space<vmem>> -> memref<1x1x50xf32, #tpu.memory_space<vmem>>
      %dma_start3A_558 = tpu.memref_squeeze %dma_start3A_557 : memref<1x1x50xf32, #tpu.memory_space<vmem>> -> memref<50xf32, #tpu.memory_space<vmem>>
      %dma_start3A_559 = arith.constant 0 : i32
      %dma_start3A_560 = tpu.memref_slice %arg4[%squeeze3A_550, %dma_start3A_559] : memref<100000x50xf32, #tpu.memory_space<hbm>> -> memref<1x50xf32, #tpu.memory_space<hbm>>
      %dma_start3A_561 = tpu.memref_squeeze %dma_start3A_560 : memref<1x50xf32, #tpu.memory_space<hbm>> -> memref<50xf32, #tpu.memory_space<hbm>>
      %dma_start3A_562 = arith.constant 0 : i32
      %dma_start3A_563 = tpu.memref_slice %arg10[%dma_start3A_555, %add3A_554, %dma_start3A_562] : memref<2x128x50xf32, #tpu.memory_space<vmem>> -> memref<1x1x50xf32, #tpu.memory_space<vmem>>
      %dma_start3A_564 = tpu.memref_squeeze %dma_start3A_563 : memref<1x1x50xf32, #tpu.memory_space<vmem>> -> memref<50xf32, #tpu.memory_space<vmem>>
      %dma_start3A_565 = arith.constant 0 : i32
      %dma_start3A_566 = tpu.memref_slice %arg4[%squeeze3A_550, %dma_start3A_565] : memref<100000x50xf32, #tpu.memory_space<hbm>> -> memref<1x50xf32, #tpu.memory_space<hbm>>
      %dma_start3A_567 = tpu.memref_squeeze %dma_start3A_566 : memref<1x50xf32, #tpu.memory_space<hbm>> -> memref<50xf32, #tpu.memory_space<hbm>>
      tpu.enqueue_dma source(%dma_start3A_567 : memref<50xf32, #tpu.memory_space<hbm>>) target(%dma_start3A_564 : memref<50xf32, #tpu.memory_space<vmem>>) target_semaphore(%arg12 : memref<!tpu.dma_semaphore, #tpu.memory_space<semaphore_mem>>)
      %slice3A_568 = vector.extract_strided_slice %get3A_95 {offsets = [12], sizes = [1], strides = [1]} : vector<16xi32> to vector<1xi32>
      %squeeze3A_569 = vector.extract %slice3A_568[0] : i32 from vector<1xi32>
      %mul3A_570 = arith.constant 16 : i32
      %mul3A_571 = arith.muli %scan3A_81, %mul3A_570 : i32
      %add3A_572 = arith.constant 12 : i32
      %add3A_573 = arith.addi %mul3A_571, %add3A_572 : i32
      %dma_start3A_574 = arith.constant 0 : i32
      %dma_start3A_575 = arith.constant 0 : i32
      %dma_start3A_576 = tpu.memref_slice %arg11[%dma_start3A_574, %add3A_573, %dma_start3A_575] : memref<2x128x50xf32, #tpu.memory_space<vmem>> -> memref<1x1x50xf32, #tpu.memory_space<vmem>>
      %dma_start3A_577 = tpu.memref_squeeze %dma_start3A_576 : memref<1x1x50xf32, #tpu.memory_space<vmem>> -> memref<50xf32, #tpu.memory_space<vmem>>
      %dma_start3A_578 = arith.constant 0 : i32
      %dma_start3A_579 = tpu.memref_slice %arg5[%squeeze3A_569, %dma_start3A_578] : memref<100000x50xf32, #tpu.memory_space<hbm>> -> memref<1x50xf32, #tpu.memory_space<hbm>>
      %dma_start3A_580 = tpu.memref_squeeze %dma_start3A_579 : memref<1x50xf32, #tpu.memory_space<hbm>> -> memref<50xf32, #tpu.memory_space<hbm>>
      %dma_start3A_581 = arith.constant 0 : i32
      %dma_start3A_582 = tpu.memref_slice %arg11[%dma_start3A_574, %add3A_573, %dma_start3A_581] : memref<2x128x50xf32, #tpu.memory_space<vmem>> -> memref<1x1x50xf32, #tpu.memory_space<vmem>>
      %dma_start3A_583 = tpu.memref_squeeze %dma_start3A_582 : memref<1x1x50xf32, #tpu.memory_space<vmem>> -> memref<50xf32, #tpu.memory_space<vmem>>
      %dma_start3A_584 = arith.constant 0 : i32
      %dma_start3A_585 = tpu.memref_slice %arg5[%squeeze3A_569, %dma_start3A_584] : memref<100000x50xf32, #tpu.memory_space<hbm>> -> memref<1x50xf32, #tpu.memory_space<hbm>>
      %dma_start3A_586 = tpu.memref_squeeze %dma_start3A_585 : memref<1x50xf32, #tpu.memory_space<hbm>> -> memref<50xf32, #tpu.memory_space<hbm>>
      tpu.enqueue_dma source(%dma_start3A_586 : memref<50xf32, #tpu.memory_space<hbm>>) target(%dma_start3A_583 : memref<50xf32, #tpu.memory_space<vmem>>) target_semaphore(%arg14 : memref<!tpu.dma_semaphore, #tpu.memory_space<semaphore_mem>>)
      %slice3A_587 = vector.extract_strided_slice %get3A_88 {offsets = [13], sizes = [1], strides = [1]} : vector<16xi32> to vector<1xi32>
      %squeeze3A_588 = vector.extract %slice3A_587[0] : i32 from vector<1xi32>
      %mul3A_589 = arith.constant 16 : i32
      %mul3A_590 = arith.muli %scan3A_81, %mul3A_589 : i32
      %add3A_591 = arith.constant 13 : i32
      %add3A_592 = arith.addi %mul3A_590, %add3A_591 : i32
      %dma_start3A_593 = arith.constant 0 : i32
      %dma_start3A_594 = arith.constant 0 : i32
      %dma_start3A_595 = tpu.memref_slice %arg10[%dma_start3A_593, %add3A_592, %dma_start3A_594] : memref<2x128x50xf32, #tpu.memory_space<vmem>> -> memref<1x1x50xf32, #tpu.memory_space<vmem>>
      %dma_start3A_596 = tpu.memref_squeeze %dma_start3A_595 : memref<1x1x50xf32, #tpu.memory_space<vmem>> -> memref<50xf32, #tpu.memory_space<vmem>>
      %dma_start3A_597 = arith.constant 0 : i32
      %dma_start3A_598 = tpu.memref_slice %arg4[%squeeze3A_588, %dma_start3A_597] : memref<100000x50xf32, #tpu.memory_space<hbm>> -> memref<1x50xf32, #tpu.memory_space<hbm>>
      %dma_start3A_599 = tpu.memref_squeeze %dma_start3A_598 : memref<1x50xf32, #tpu.memory_space<hbm>> -> memref<50xf32, #tpu.memory_space<hbm>>
      %dma_start3A_600 = arith.constant 0 : i32
      %dma_start3A_601 = tpu.memref_slice %arg10[%dma_start3A_593, %add3A_592, %dma_start3A_600] : memref<2x128x50xf32, #tpu.memory_space<vmem>> -> memref<1x1x50xf32, #tpu.memory_space<vmem>>
      %dma_start3A_602 = tpu.memref_squeeze %dma_start3A_601 : memref<1x1x50xf32, #tpu.memory_space<vmem>> -> memref<50xf32, #tpu.memory_space<vmem>>
      %dma_start3A_603 = arith.constant 0 : i32
      %dma_start3A_604 = tpu.memref_slice %arg4[%squeeze3A_588, %dma_start3A_603] : memref<100000x50xf32, #tpu.memory_space<hbm>> -> memref<1x50xf32, #tpu.memory_space<hbm>>
      %dma_start3A_605 = tpu.memref_squeeze %dma_start3A_604 : memref<1x50xf32, #tpu.memory_space<hbm>> -> memref<50xf32, #tpu.memory_space<hbm>>
      tpu.enqueue_dma source(%dma_start3A_605 : memref<50xf32, #tpu.memory_space<hbm>>) target(%dma_start3A_602 : memref<50xf32, #tpu.memory_space<vmem>>) target_semaphore(%arg12 : memref<!tpu.dma_semaphore, #tpu.memory_space<semaphore_mem>>)
      %slice3A_606 = vector.extract_strided_slice %get3A_95 {offsets = [13], sizes = [1], strides = [1]} : vector<16xi32> to vector<1xi32>
      %squeeze3A_607 = vector.extract %slice3A_606[0] : i32 from vector<1xi32>
      %mul3A_608 = arith.constant 16 : i32
      %mul3A_609 = arith.muli %scan3A_81, %mul3A_608 : i32
      %add3A_610 = arith.constant 13 : i32
      %add3A_611 = arith.addi %mul3A_609, %add3A_610 : i32
      %dma_start3A_612 = arith.constant 0 : i32
      %dma_start3A_613 = arith.constant 0 : i32
      %dma_start3A_614 = tpu.memref_slice %arg11[%dma_start3A_612, %add3A_611, %dma_start3A_613] : memref<2x128x50xf32, #tpu.memory_space<vmem>> -> memref<1x1x50xf32, #tpu.memory_space<vmem>>
      %dma_start3A_615 = tpu.memref_squeeze %dma_start3A_614 : memref<1x1x50xf32, #tpu.memory_space<vmem>> -> memref<50xf32, #tpu.memory_space<vmem>>
      %dma_start3A_616 = arith.constant 0 : i32
      %dma_start3A_617 = tpu.memref_slice %arg5[%squeeze3A_607, %dma_start3A_616] : memref<100000x50xf32, #tpu.memory_space<hbm>> -> memref<1x50xf32, #tpu.memory_space<hbm>>
      %dma_start3A_618 = tpu.memref_squeeze %dma_start3A_617 : memref<1x50xf32, #tpu.memory_space<hbm>> -> memref<50xf32, #tpu.memory_space<hbm>>
      %dma_start3A_619 = arith.constant 0 : i32
      %dma_start3A_620 = tpu.memref_slice %arg11[%dma_start3A_612, %add3A_611, %dma_start3A_619] : memref<2x128x50xf32, #tpu.memory_space<vmem>> -> memref<1x1x50xf32, #tpu.memory_space<vmem>>
      %dma_start3A_621 = tpu.memref_squeeze %dma_start3A_620 : memref<1x1x50xf32, #tpu.memory_space<vmem>> -> memref<50xf32, #tpu.memory_space<vmem>>
      %dma_start3A_622 = arith.constant 0 : i32
      %dma_start3A_623 = tpu.memref_slice %arg5[%squeeze3A_607, %dma_start3A_622] : memref<100000x50xf32, #tpu.memory_space<hbm>> -> memref<1x50xf32, #tpu.memory_space<hbm>>
      %dma_start3A_624 = tpu.memref_squeeze %dma_start3A_623 : memref<1x50xf32, #tpu.memory_space<hbm>> -> memref<50xf32, #tpu.memory_space<hbm>>
      tpu.enqueue_dma source(%dma_start3A_624 : memref<50xf32, #tpu.memory_space<hbm>>) target(%dma_start3A_621 : memref<50xf32, #tpu.memory_space<vmem>>) target_semaphore(%arg14 : memref<!tpu.dma_semaphore, #tpu.memory_space<semaphore_mem>>)
      %slice3A_625 = vector.extract_strided_slice %get3A_88 {offsets = [14], sizes = [1], strides = [1]} : vector<16xi32> to vector<1xi32>
      %squeeze3A_626 = vector.extract %slice3A_625[0] : i32 from vector<1xi32>
      %mul3A_627 = arith.constant 16 : i32
      %mul3A_628 = arith.muli %scan3A_81, %mul3A_627 : i32
      %add3A_629 = arith.constant 14 : i32
      %add3A_630 = arith.addi %mul3A_628, %add3A_629 : i32
      %dma_start3A_631 = arith.constant 0 : i32
      %dma_start3A_632 = arith.constant 0 : i32
      %dma_start3A_633 = tpu.memref_slice %arg10[%dma_start3A_631, %add3A_630, %dma_start3A_632] : memref<2x128x50xf32, #tpu.memory_space<vmem>> -> memref<1x1x50xf32, #tpu.memory_space<vmem>>
      %dma_start3A_634 = tpu.memref_squeeze %dma_start3A_633 : memref<1x1x50xf32, #tpu.memory_space<vmem>> -> memref<50xf32, #tpu.memory_space<vmem>>
      %dma_start3A_635 = arith.constant 0 : i32
      %dma_start3A_636 = tpu.memref_slice %arg4[%squeeze3A_626, %dma_start3A_635] : memref<100000x50xf32, #tpu.memory_space<hbm>> -> memref<1x50xf32, #tpu.memory_space<hbm>>
      %dma_start3A_637 = tpu.memref_squeeze %dma_start3A_636 : memref<1x50xf32, #tpu.memory_space<hbm>> -> memref<50xf32, #tpu.memory_space<hbm>>
      %dma_start3A_638 = arith.constant 0 : i32
      %dma_start3A_639 = tpu.memref_slice %arg10[%dma_start3A_631, %add3A_630, %dma_start3A_638] : memref<2x128x50xf32, #tpu.memory_space<vmem>> -> memref<1x1x50xf32, #tpu.memory_space<vmem>>
      %dma_start3A_640 = tpu.memref_squeeze %dma_start3A_639 : memref<1x1x50xf32, #tpu.memory_space<vmem>> -> memref<50xf32, #tpu.memory_space<vmem>>
      %dma_start3A_641 = arith.constant 0 : i32
      %dma_start3A_642 = tpu.memref_slice %arg4[%squeeze3A_626, %dma_start3A_641] : memref<100000x50xf32, #tpu.memory_space<hbm>> -> memref<1x50xf32, #tpu.memory_space<hbm>>
      %dma_start3A_643 = tpu.memref_squeeze %dma_start3A_642 : memref<1x50xf32, #tpu.memory_space<hbm>> -> memref<50xf32, #tpu.memory_space<hbm>>
      tpu.enqueue_dma source(%dma_start3A_643 : memref<50xf32, #tpu.memory_space<hbm>>) target(%dma_start3A_640 : memref<50xf32, #tpu.memory_space<vmem>>) target_semaphore(%arg12 : memref<!tpu.dma_semaphore, #tpu.memory_space<semaphore_mem>>)
      %slice3A_644 = vector.extract_strided_slice %get3A_95 {offsets = [14], sizes = [1], strides = [1]} : vector<16xi32> to vector<1xi32>
      %squeeze3A_645 = vector.extract %slice3A_644[0] : i32 from vector<1xi32>
      %mul3A_646 = arith.constant 16 : i32
      %mul3A_647 = arith.muli %scan3A_81, %mul3A_646 : i32
      %add3A_648 = arith.constant 14 : i32
      %add3A_649 = arith.addi %mul3A_647, %add3A_648 : i32
      %dma_start3A_650 = arith.constant 0 : i32
      %dma_start3A_651 = arith.constant 0 : i32
      %dma_start3A_652 = tpu.memref_slice %arg11[%dma_start3A_650, %add3A_649, %dma_start3A_651] : memref<2x128x50xf32, #tpu.memory_space<vmem>> -> memref<1x1x50xf32, #tpu.memory_space<vmem>>
      %dma_start3A_653 = tpu.memref_squeeze %dma_start3A_652 : memref<1x1x50xf32, #tpu.memory_space<vmem>> -> memref<50xf32, #tpu.memory_space<vmem>>
      %dma_start3A_654 = arith.constant 0 : i32
      %dma_start3A_655 = tpu.memref_slice %arg5[%squeeze3A_645, %dma_start3A_654] : memref<100000x50xf32, #tpu.memory_space<hbm>> -> memref<1x50xf32, #tpu.memory_space<hbm>>
      %dma_start3A_656 = tpu.memref_squeeze %dma_start3A_655 : memref<1x50xf32, #tpu.memory_space<hbm>> -> memref<50xf32, #tpu.memory_space<hbm>>
      %dma_start3A_657 = arith.constant 0 : i32
      %dma_start3A_658 = tpu.memref_slice %arg11[%dma_start3A_650, %add3A_649, %dma_start3A_657] : memref<2x128x50xf32, #tpu.memory_space<vmem>> -> memref<1x1x50xf32, #tpu.memory_space<vmem>>
      %dma_start3A_659 = tpu.memref_squeeze %dma_start3A_658 : memref<1x1x50xf32, #tpu.memory_space<vmem>> -> memref<50xf32, #tpu.memory_space<vmem>>
      %dma_start3A_660 = arith.constant 0 : i32
      %dma_start3A_661 = tpu.memref_slice %arg5[%squeeze3A_645, %dma_start3A_660] : memref<100000x50xf32, #tpu.memory_space<hbm>> -> memref<1x50xf32, #tpu.memory_space<hbm>>
      %dma_start3A_662 = tpu.memref_squeeze %dma_start3A_661 : memref<1x50xf32, #tpu.memory_space<hbm>> -> memref<50xf32, #tpu.memory_space<hbm>>
      tpu.enqueue_dma source(%dma_start3A_662 : memref<50xf32, #tpu.memory_space<hbm>>) target(%dma_start3A_659 : memref<50xf32, #tpu.memory_space<vmem>>) target_semaphore(%arg14 : memref<!tpu.dma_semaphore, #tpu.memory_space<semaphore_mem>>)
      %slice3A_663 = vector.extract_strided_slice %get3A_88 {offsets = [15], sizes = [1], strides = [1]} : vector<16xi32> to vector<1xi32>
      %squeeze3A_664 = vector.extract %slice3A_663[0] : i32 from vector<1xi32>
      %mul3A_665 = arith.constant 16 : i32
      %mul3A_666 = arith.muli %scan3A_81, %mul3A_665 : i32
      %add3A_667 = arith.constant 15 : i32
      %add3A_668 = arith.addi %mul3A_666, %add3A_667 : i32
      %dma_start3A_669 = arith.constant 0 : i32
      %dma_start3A_670 = arith.constant 0 : i32
      %dma_start3A_671 = tpu.memref_slice %arg10[%dma_start3A_669, %add3A_668, %dma_start3A_670] : memref<2x128x50xf32, #tpu.memory_space<vmem>> -> memref<1x1x50xf32, #tpu.memory_space<vmem>>
      %dma_start3A_672 = tpu.memref_squeeze %dma_start3A_671 : memref<1x1x50xf32, #tpu.memory_space<vmem>> -> memref<50xf32, #tpu.memory_space<vmem>>
      %dma_start3A_673 = arith.constant 0 : i32
      %dma_start3A_674 = tpu.memref_slice %arg4[%squeeze3A_664, %dma_start3A_673] : memref<100000x50xf32, #tpu.memory_space<hbm>> -> memref<1x50xf32, #tpu.memory_space<hbm>>
      %dma_start3A_675 = tpu.memref_squeeze %dma_start3A_674 : memref<1x50xf32, #tpu.memory_space<hbm>> -> memref<50xf32, #tpu.memory_space<hbm>>
      %dma_start3A_676 = arith.constant 0 : i32
      %dma_start3A_677 = tpu.memref_slice %arg10[%dma_start3A_669, %add3A_668, %dma_start3A_676] : memref<2x128x50xf32, #tpu.memory_space<vmem>> -> memref<1x1x50xf32, #tpu.memory_space<vmem>>
      %dma_start3A_678 = tpu.memref_squeeze %dma_start3A_677 : memref<1x1x50xf32, #tpu.memory_space<vmem>> -> memref<50xf32, #tpu.memory_space<vmem>>
      %dma_start3A_679 = arith.constant 0 : i32
      %dma_start3A_680 = tpu.memref_slice %arg4[%squeeze3A_664, %dma_start3A_679] : memref<100000x50xf32, #tpu.memory_space<hbm>> -> memref<1x50xf32, #tpu.memory_space<hbm>>
      %dma_start3A_681 = tpu.memref_squeeze %dma_start3A_680 : memref<1x50xf32, #tpu.memory_space<hbm>> -> memref<50xf32, #tpu.memory_space<hbm>>
      tpu.enqueue_dma source(%dma_start3A_681 : memref<50xf32, #tpu.memory_space<hbm>>) target(%dma_start3A_678 : memref<50xf32, #tpu.memory_space<vmem>>) target_semaphore(%arg12 : memref<!tpu.dma_semaphore, #tpu.memory_space<semaphore_mem>>)
      %slice3A_682 = vector.extract_strided_slice %get3A_95 {offsets = [15], sizes = [1], strides = [1]} : vector<16xi32> to vector<1xi32>
      %squeeze3A_683 = vector.extract %slice3A_682[0] : i32 from vector<1xi32>
      %mul3A_684 = arith.constant 16 : i32
      %mul3A_685 = arith.muli %scan3A_81, %mul3A_684 : i32
      %add3A_686 = arith.constant 15 : i32
      %add3A_687 = arith.addi %mul3A_685, %add3A_686 : i32
      %dma_start3A_688 = arith.constant 0 : i32
      %dma_start3A_689 = arith.constant 0 : i32
      %dma_start3A_690 = tpu.memref_slice %arg11[%dma_start3A_688, %add3A_687, %dma_start3A_689] : memref<2x128x50xf32, #tpu.memory_space<vmem>> -> memref<1x1x50xf32, #tpu.memory_space<vmem>>
      %dma_start3A_691 = tpu.memref_squeeze %dma_start3A_690 : memref<1x1x50xf32, #tpu.memory_space<vmem>> -> memref<50xf32, #tpu.memory_space<vmem>>
      %dma_start3A_692 = arith.constant 0 : i32
      %dma_start3A_693 = tpu.memref_slice %arg5[%squeeze3A_683, %dma_start3A_692] : memref<100000x50xf32, #tpu.memory_space<hbm>> -> memref<1x50xf32, #tpu.memory_space<hbm>>
      %dma_start3A_694 = tpu.memref_squeeze %dma_start3A_693 : memref<1x50xf32, #tpu.memory_space<hbm>> -> memref<50xf32, #tpu.memory_space<hbm>>
      %dma_start3A_695 = arith.constant 0 : i32
      %dma_start3A_696 = tpu.memref_slice %arg11[%dma_start3A_688, %add3A_687, %dma_start3A_695] : memref<2x128x50xf32, #tpu.memory_space<vmem>> -> memref<1x1x50xf32, #tpu.memory_space<vmem>>
      %dma_start3A_697 = tpu.memref_squeeze %dma_start3A_696 : memref<1x1x50xf32, #tpu.memory_space<vmem>> -> memref<50xf32, #tpu.memory_space<vmem>>
      %dma_start3A_698 = arith.constant 0 : i32
      %dma_start3A_699 = tpu.memref_slice %arg5[%squeeze3A_683, %dma_start3A_698] : memref<100000x50xf32, #tpu.memory_space<hbm>> -> memref<1x50xf32, #tpu.memory_space<hbm>>
      %dma_start3A_700 = tpu.memref_squeeze %dma_start3A_699 : memref<1x50xf32, #tpu.memory_space<hbm>> -> memref<50xf32, #tpu.memory_space<hbm>>
      tpu.enqueue_dma source(%dma_start3A_700 : memref<50xf32, #tpu.memory_space<hbm>>) target(%dma_start3A_697 : memref<50xf32, #tpu.memory_space<vmem>>) target_semaphore(%arg14 : memref<!tpu.dma_semaphore, #tpu.memory_space<semaphore_mem>>)
      %scan3A_701 = arith.constant 0 : i32
      scf.yield %scan3A_701 : i32
    }
    %scan3A_34 = arith.constant 8 : i32
    %scan3A_35 = arith.constant 0 : i32
    %scan3A_36 = arith.constant 0 : i32
    %scan3A_37 = arith.constant 128 : i32
    %scan3A_38 = arith.addi %scan3A_36, %scan3A_37 : i32
    %scan3A_39 = arith.constant 1 : i32
    %scan3A_40 = scf.for %scan3A_81 = %scan3A_36 to %scan3A_38 step %scan3A_39 iter_args(%scan3A_82 = %scan3A_35) -> (i32)  : i32 {
      %dma_wait3A = arith.constant 0 : i32
      %dma_wait3A_83 = arith.constant 0 : i32
      %dma_wait3A_84 = arith.constant 0 : i32
      %dma_wait3A_85 = arith.constant 0 : i32
      %dma_wait3A_86 = tpu.memref_slice %arg10[%dma_wait3A_83, %dma_wait3A_84, %dma_wait3A_85] : memref<2x128x50xf32, #tpu.memory_space<vmem>> -> memref<1x1x50xf32, #tpu.memory_space<vmem>>
      %dma_wait3A_87 = tpu.memref_squeeze %dma_wait3A_86 : memref<1x1x50xf32, #tpu.memory_space<vmem>> -> memref<50xf32, #tpu.memory_space<vmem>>
      %dma_wait3A_88 = arith.constant 0 : i32
      %dma_wait3A_89 = tpu.memref_slice %arg4[%dma_wait3A, %dma_wait3A_88] : memref<100000x50xf32, #tpu.memory_space<hbm>> -> memref<1x50xf32, #tpu.memory_space<hbm>>
      %dma_wait3A_90 = tpu.memref_squeeze %dma_wait3A_89 : memref<1x50xf32, #tpu.memory_space<hbm>> -> memref<50xf32, #tpu.memory_space<hbm>>
      %dma_wait3A_91 = arith.constant 0 : i32
      %dma_wait3A_92 = tpu.memref_slice %arg10[%dma_wait3A_83, %dma_wait3A_84, %dma_wait3A_91] : memref<2x128x50xf32, #tpu.memory_space<vmem>> -> memref<1x1x50xf32, #tpu.memory_space<vmem>>
      %dma_wait3A_93 = tpu.memref_squeeze %dma_wait3A_92 : memref<1x1x50xf32, #tpu.memory_space<vmem>> -> memref<50xf32, #tpu.memory_space<vmem>>
      %dma_wait3A_94 = arith.constant 0 : i32
      %dma_wait3A_95 = tpu.memref_slice %arg4[%dma_wait3A, %dma_wait3A_94] : memref<100000x50xf32, #tpu.memory_space<hbm>> -> memref<1x50xf32, #tpu.memory_space<hbm>>
      %dma_wait3A_96 = tpu.memref_squeeze %dma_wait3A_95 : memref<1x50xf32, #tpu.memory_space<hbm>> -> memref<50xf32, #tpu.memory_space<hbm>>
      tpu.wait_dma2 semaphore(%arg13 : memref<!tpu.dma_semaphore, #tpu.memory_space<semaphore_mem>>) src(%dma_wait3A_96 : memref<50xf32, #tpu.memory_space<hbm>>) dst(%dma_wait3A_93 : memref<50xf32, #tpu.memory_space<vmem>>)
      %dma_wait3A_97 = arith.constant 0 : i32
      %dma_wait3A_98 = arith.constant 0 : i32
      %dma_wait3A_99 = arith.constant 0 : i32
      %dma_wait3A_100 = arith.constant 0 : i32
      %dma_wait3A_101 = tpu.memref_slice %arg11[%dma_wait3A_98, %dma_wait3A_99, %dma_wait3A_100] : memref<2x128x50xf32, #tpu.memory_space<vmem>> -> memref<1x1x50xf32, #tpu.memory_space<vmem>>
      %dma_wait3A_102 = tpu.memref_squeeze %dma_wait3A_101 : memref<1x1x50xf32, #tpu.memory_space<vmem>> -> memref<50xf32, #tpu.memory_space<vmem>>
      %dma_wait3A_103 = arith.constant 0 : i32
      %dma_wait3A_104 = tpu.memref_slice %arg5[%dma_wait3A_97, %dma_wait3A_103] : memref<100000x50xf32, #tpu.memory_space<hbm>> -> memref<1x50xf32, #tpu.memory_space<hbm>>
      %dma_wait3A_105 = tpu.memref_squeeze %dma_wait3A_104 : memref<1x50xf32, #tpu.memory_space<hbm>> -> memref<50xf32, #tpu.memory_space<hbm>>
      %dma_wait3A_106 = arith.constant 0 : i32
      %dma_wait3A_107 = tpu.memref_slice %arg11[%dma_wait3A_98, %dma_wait3A_99, %dma_wait3A_106] : memref<2x128x50xf32, #tpu.memory_space<vmem>> -> memref<1x1x50xf32, #tpu.memory_space<vmem>>
      %dma_wait3A_108 = tpu.memref_squeeze %dma_wait3A_107 : memref<1x1x50xf32, #tpu.memory_space<vmem>> -> memref<50xf32, #tpu.memory_space<vmem>>
      %dma_wait3A_109 = arith.constant 0 : i32
      %dma_wait3A_110 = tpu.memref_slice %arg5[%dma_wait3A_97, %dma_wait3A_109] : memref<100000x50xf32, #tpu.memory_space<hbm>> -> memref<1x50xf32, #tpu.memory_space<hbm>>
      %dma_wait3A_111 = tpu.memref_squeeze %dma_wait3A_110 : memref<1x50xf32, #tpu.memory_space<hbm>> -> memref<50xf32, #tpu.memory_space<hbm>>
      tpu.wait_dma2 semaphore(%arg15 : memref<!tpu.dma_semaphore, #tpu.memory_space<semaphore_mem>>) src(%dma_wait3A_111 : memref<50xf32, #tpu.memory_space<hbm>>) dst(%dma_wait3A_108 : memref<50xf32, #tpu.memory_space<vmem>>)
      %scan3A_112 = arith.constant 0 : i32
      scf.yield %scan3A_112 : i32
    }
    %scan3A_41 = arith.constant 128 : i32
    %add3A_42 = arith.constant 128 : i32
    %add3A_43 = arith.addi %mul3A_2, %add3A_42 : i32
    %run_scoped3A_44 = arith.constant 1 : i32
    "tpu.region"() ({
      %run_scoped3A_81 = tpu.sem_alloc : memref<!tpu.dma_semaphore, #tpu.memory_space<semaphore_mem>>
      %dma_start3A = arith.constant 0 : i32
      %dma_start3A_82 = arith.constant 0 : i32
      %dma_start3A_83 = tpu.memref_slice %arg10[%run_scoped3A_44, %dma_start3A, %dma_start3A_82] : memref<2x128x50xf32, #tpu.memory_space<vmem>> -> memref<1x128x50xf32, #tpu.memory_space<vmem>>
      %dma_start3A_84 = tpu.memref_squeeze %dma_start3A_83 : memref<1x128x50xf32, #tpu.memory_space<vmem>> -> memref<128x50xf32, #tpu.memory_space<vmem>>
      %dma_start3A_85 = arith.constant 0 : i32
      %dma_start3A_86 = tpu.memref_slice %arg6[%add3A_43, %dma_start3A_85] : memref<16384x50xf32, #tpu.memory_space<hbm>> -> memref<128x50xf32, #tpu.memory_space<hbm>>
      %dma_start3A_87 = arith.constant 0 : i32
      %dma_start3A_88 = tpu.memref_slice %arg6[%add3A_43, %dma_start3A_87] : memref<16384x50xf32, #tpu.memory_space<hbm>> -> memref<128x50xf32, #tpu.memory_space<hbm>>
      %dma_start3A_89 = arith.constant 0 : i32
      %dma_start3A_90 = arith.constant 0 : i32
      %dma_start3A_91 = tpu.memref_slice %arg10[%run_scoped3A_44, %dma_start3A_89, %dma_start3A_90] : memref<2x128x50xf32, #tpu.memory_space<vmem>> -> memref<1x128x50xf32, #tpu.memory_space<vmem>>
      %dma_start3A_92 = tpu.memref_squeeze %dma_start3A_91 : memref<1x128x50xf32, #tpu.memory_space<vmem>> -> memref<128x50xf32, #tpu.memory_space<vmem>>
      tpu.enqueue_dma source(%dma_start3A_92 : memref<128x50xf32, #tpu.memory_space<vmem>>) target(%dma_start3A_88 : memref<128x50xf32, #tpu.memory_space<hbm>>) target_semaphore(%run_scoped3A_81 : memref<!tpu.dma_semaphore, #tpu.memory_space<semaphore_mem>>)
      %dma_wait3A = arith.constant 0 : i32
      %dma_wait3A_93 = arith.constant 0 : i32
      %dma_wait3A_94 = tpu.memref_slice %arg10[%run_scoped3A_44, %dma_wait3A, %dma_wait3A_93] : memref<2x128x50xf32, #tpu.memory_space<vmem>> -> memref<1x128x50xf32, #tpu.memory_space<vmem>>
      %dma_wait3A_95 = tpu.memref_squeeze %dma_wait3A_94 : memref<1x128x50xf32, #tpu.memory_space<vmem>> -> memref<128x50xf32, #tpu.memory_space<vmem>>
      %dma_wait3A_96 = arith.constant 0 : i32
      %dma_wait3A_97 = tpu.memref_slice %arg6[%add3A_43, %dma_wait3A_96] : memref<16384x50xf32, #tpu.memory_space<hbm>> -> memref<128x50xf32, #tpu.memory_space<hbm>>
      %dma_wait3A_98 = arith.constant 0 : i32
      %dma_wait3A_99 = tpu.memref_slice %arg6[%add3A_43, %dma_wait3A_98] : memref<16384x50xf32, #tpu.memory_space<hbm>> -> memref<128x50xf32, #tpu.memory_space<hbm>>
      %dma_wait3A_100 = arith.constant 0 : i32
      %dma_wait3A_101 = arith.constant 0 : i32
      %dma_wait3A_102 = tpu.memref_slice %arg10[%run_scoped3A_44, %dma_wait3A_100, %dma_wait3A_101] : memref<2x128x50xf32, #tpu.memory_space<vmem>> -> memref<1x128x50xf32, #tpu.memory_space<vmem>>
      %dma_wait3A_103 = tpu.memref_squeeze %dma_wait3A_102 : memref<1x128x50xf32, #tpu.memory_space<vmem>> -> memref<128x50xf32, #tpu.memory_space<vmem>>
      tpu.wait_dma2 semaphore(%run_scoped3A_81 : memref<!tpu.dma_semaphore, #tpu.memory_space<semaphore_mem>>) src(%dma_wait3A_103 : memref<128x50xf32, #tpu.memory_space<vmem>>) dst(%dma_wait3A_99 : memref<128x50xf32, #tpu.memory_space<hbm>>)
      tpu.yield
    }) : () -> ()
    %add3A_45 = arith.constant 128 : i32
    %add3A_46 = arith.addi %mul3A_2, %add3A_45 : i32
    %run_scoped3A_47 = arith.constant 1 : i32
    "tpu.region"() ({
      %run_scoped3A_81 = tpu.sem_alloc : memref<!tpu.dma_semaphore, #tpu.memory_space<semaphore_mem>>
      %dma_start3A = arith.constant 0 : i32
      %dma_start3A_82 = arith.constant 0 : i32
      %dma_start3A_83 = tpu.memref_slice %arg11[%run_scoped3A_47, %dma_start3A, %dma_start3A_82] : memref<2x128x50xf32, #tpu.memory_space<vmem>> -> memref<1x128x50xf32, #tpu.memory_space<vmem>>
      %dma_start3A_84 = tpu.memref_squeeze %dma_start3A_83 : memref<1x128x50xf32, #tpu.memory_space<vmem>> -> memref<128x50xf32, #tpu.memory_space<vmem>>
      %dma_start3A_85 = arith.constant 0 : i32
      %dma_start3A_86 = tpu.memref_slice %arg7[%add3A_46, %dma_start3A_85] : memref<16384x50xf32, #tpu.memory_space<hbm>> -> memref<128x50xf32, #tpu.memory_space<hbm>>
      %dma_start3A_87 = arith.constant 0 : i32
      %dma_start3A_88 = tpu.memref_slice %arg7[%add3A_46, %dma_start3A_87] : memref<16384x50xf32, #tpu.memory_space<hbm>> -> memref<128x50xf32, #tpu.memory_space<hbm>>
      %dma_start3A_89 = arith.constant 0 : i32
      %dma_start3A_90 = arith.constant 0 : i32
      %dma_start3A_91 = tpu.memref_slice %arg11[%run_scoped3A_47, %dma_start3A_89, %dma_start3A_90] : memref<2x128x50xf32, #tpu.memory_space<vmem>> -> memref<1x128x50xf32, #tpu.memory_space<vmem>>
      %dma_start3A_92 = tpu.memref_squeeze %dma_start3A_91 : memref<1x128x50xf32, #tpu.memory_space<vmem>> -> memref<128x50xf32, #tpu.memory_space<vmem>>
      tpu.enqueue_dma source(%dma_start3A_92 : memref<128x50xf32, #tpu.memory_space<vmem>>) target(%dma_start3A_88 : memref<128x50xf32, #tpu.memory_space<hbm>>) target_semaphore(%run_scoped3A_81 : memref<!tpu.dma_semaphore, #tpu.memory_space<semaphore_mem>>)
      %dma_wait3A = arith.constant 0 : i32
      %dma_wait3A_93 = arith.constant 0 : i32
      %dma_wait3A_94 = tpu.memref_slice %arg11[%run_scoped3A_47, %dma_wait3A, %dma_wait3A_93] : memref<2x128x50xf32, #tpu.memory_space<vmem>> -> memref<1x128x50xf32, #tpu.memory_space<vmem>>
      %dma_wait3A_95 = tpu.memref_squeeze %dma_wait3A_94 : memref<1x128x50xf32, #tpu.memory_space<vmem>> -> memref<128x50xf32, #tpu.memory_space<vmem>>
      %dma_wait3A_96 = arith.constant 0 : i32
      %dma_wait3A_97 = tpu.memref_slice %arg7[%add3A_46, %dma_wait3A_96] : memref<16384x50xf32, #tpu.memory_space<hbm>> -> memref<128x50xf32, #tpu.memory_space<hbm>>
      %dma_wait3A_98 = arith.constant 0 : i32
      %dma_wait3A_99 = tpu.memref_slice %arg7[%add3A_46, %dma_wait3A_98] : memref<16384x50xf32, #tpu.memory_space<hbm>> -> memref<128x50xf32, #tpu.memory_space<hbm>>
      %dma_wait3A_100 = arith.constant 0 : i32
      %dma_wait3A_101 = arith.constant 0 : i32
      %dma_wait3A_102 = tpu.memref_slice %arg11[%run_scoped3A_47, %dma_wait3A_100, %dma_wait3A_101] : memref<2x128x50xf32, #tpu.memory_space<vmem>> -> memref<1x128x50xf32, #tpu.memory_space<vmem>>
      %dma_wait3A_103 = tpu.memref_squeeze %dma_wait3A_102 : memref<1x128x50xf32, #tpu.memory_space<vmem>> -> memref<128x50xf32, #tpu.memory_space<vmem>>
      tpu.wait_dma2 semaphore(%run_scoped3A_81 : memref<!tpu.dma_semaphore, #tpu.memory_space<semaphore_mem>>) src(%dma_wait3A_103 : memref<128x50xf32, #tpu.memory_space<vmem>>) dst(%dma_wait3A_99 : memref<128x50xf32, #tpu.memory_space<hbm>>)
      tpu.yield
    }) : () -> ()
    %scan3A_48 = arith.constant 0 : i32
    %scan3A_49 = arith.constant 0 : i32
    %scan3A_50 = arith.constant 8 : i32
    %scan3A_51 = arith.addi %scan3A_49, %scan3A_50 : i32
    %scan3A_52 = arith.constant 1 : i32
    %scan3A_53 = scf.for %scan3A_81 = %scan3A_49 to %scan3A_51 step %scan3A_52 iter_args(%scan3A_82 = %scan3A_48) -> (i32)  : i32 {
      %mul3A_83 = arith.constant 16 : i32
      %mul3A_84 = arith.muli %scan3A_81, %mul3A_83 : i32
      %add3A_85 = arith.constant 384 : i32
      %add3A_86 = arith.addi %add3A_85, %mul3A_84 : i32
      %get3A = arith.index_cast %add3A_86 : i32 to index
      %get3A_87 = tpu.vector_load %arg8[%get3A] {strides = array<i32>} : memref<512xi32, #tpu.memory_space<vmem>>, vector<16xi32>,
      %get3A_88 = vector.shape_cast %get3A_87 : vector<16xi32> to vector<16xi32>
      %mul3A_89 = arith.constant 16 : i32
      %mul3A_90 = arith.muli %scan3A_81, %mul3A_89 : i32
      %add3A_91 = arith.constant 384 : i32
      %add3A_92 = arith.addi %add3A_91, %mul3A_90 : i32
      %get3A_93 = arith.index_cast %add3A_92 : i32 to index
      %get3A_94 = tpu.vector_load %arg9[%get3A_93] {strides = array<i32>} : memref<512xi32, #tpu.memory_space<vmem>>, vector<16xi32>,
      %get3A_95 = vector.shape_cast %get3A_94 : vector<16xi32> to vector<16xi32>
      %slice3A = vector.extract_strided_slice %get3A_88 {offsets = [0], sizes = [1], strides = [1]} : vector<16xi32> to vector<1xi32>
      %squeeze3A = vector.extract %slice3A[0] : i32 from vector<1xi32>
      %mul3A_96 = arith.constant 16 : i32
      %mul3A_97 = arith.muli %scan3A_81, %mul3A_96 : i32
      %add3A_98 = arith.constant 0 : i32
      %add3A_99 = arith.addi %mul3A_97, %add3A_98 : i32
      %dma_start3A = arith.constant 1 : i32
      %dma_start3A_100 = arith.constant 0 : i32
      %dma_start3A_101 = tpu.memref_slice %arg10[%dma_start3A, %add3A_99, %dma_start3A_100] : memref<2x128x50xf32, #tpu.memory_space<vmem>> -> memref<1x1x50xf32, #tpu.memory_space<vmem>>
      %dma_start3A_102 = tpu.memref_squeeze %dma_start3A_101 : memref<1x1x50xf32, #tpu.memory_space<vmem>> -> memref<50xf32, #tpu.memory_space<vmem>>
      %dma_start3A_103 = arith.constant 0 : i32
      %dma_start3A_104 = tpu.memref_slice %arg4[%squeeze3A, %dma_start3A_103] : memref<100000x50xf32, #tpu.memory_space<hbm>> -> memref<1x50xf32, #tpu.memory_space<hbm>>
      %dma_start3A_105 = tpu.memref_squeeze %dma_start3A_104 : memref<1x50xf32, #tpu.memory_space<hbm>> -> memref<50xf32, #tpu.memory_space<hbm>>
      %dma_start3A_106 = arith.constant 0 : i32
      %dma_start3A_107 = tpu.memref_slice %arg10[%dma_start3A, %add3A_99, %dma_start3A_106] : memref<2x128x50xf32, #tpu.memory_space<vmem>> -> memref<1x1x50xf32, #tpu.memory_space<vmem>>
      %dma_start3A_108 = tpu.memref_squeeze %dma_start3A_107 : memref<1x1x50xf32, #tpu.memory_space<vmem>> -> memref<50xf32, #tpu.memory_space<vmem>>
      %dma_start3A_109 = arith.constant 0 : i32
      %dma_start3A_110 = tpu.memref_slice %arg4[%squeeze3A, %dma_start3A_109] : memref<100000x50xf32, #tpu.memory_space<hbm>> -> memref<1x50xf32, #tpu.memory_space<hbm>>
      %dma_start3A_111 = tpu.memref_squeeze %dma_start3A_110 : memref<1x50xf32, #tpu.memory_space<hbm>> -> memref<50xf32, #tpu.memory_space<hbm>>
      tpu.enqueue_dma source(%dma_start3A_111 : memref<50xf32, #tpu.memory_space<hbm>>) target(%dma_start3A_108 : memref<50xf32, #tpu.memory_space<vmem>>) target_semaphore(%arg13 : memref<!tpu.dma_semaphore, #tpu.memory_space<semaphore_mem>>)
      %slice3A_112 = vector.extract_strided_slice %get3A_95 {offsets = [0], sizes = [1], strides = [1]} : vector<16xi32> to vector<1xi32>
      %squeeze3A_113 = vector.extract %slice3A_112[0] : i32 from vector<1xi32>
      %mul3A_114 = arith.constant 16 : i32
      %mul3A_115 = arith.muli %scan3A_81, %mul3A_114 : i32
      %add3A_116 = arith.constant 0 : i32
      %add3A_117 = arith.addi %mul3A_115, %add3A_116 : i32
      %dma_start3A_118 = arith.constant 1 : i32
      %dma_start3A_119 = arith.constant 0 : i32
      %dma_start3A_120 = tpu.memref_slice %arg11[%dma_start3A_118, %add3A_117, %dma_start3A_119] : memref<2x128x50xf32, #tpu.memory_space<vmem>> -> memref<1x1x50xf32, #tpu.memory_space<vmem>>
      %dma_start3A_121 = tpu.memref_squeeze %dma_start3A_120 : memref<1x1x50xf32, #tpu.memory_space<vmem>> -> memref<50xf32, #tpu.memory_space<vmem>>
      %dma_start3A_122 = arith.constant 0 : i32
      %dma_start3A_123 = tpu.memref_slice %arg5[%squeeze3A_113, %dma_start3A_122] : memref<100000x50xf32, #tpu.memory_space<hbm>> -> memref<1x50xf32, #tpu.memory_space<hbm>>
      %dma_start3A_124 = tpu.memref_squeeze %dma_start3A_123 : memref<1x50xf32, #tpu.memory_space<hbm>> -> memref<50xf32, #tpu.memory_space<hbm>>
      %dma_start3A_125 = arith.constant 0 : i32
      %dma_start3A_126 = tpu.memref_slice %arg11[%dma_start3A_118, %add3A_117, %dma_start3A_125] : memref<2x128x50xf32, #tpu.memory_space<vmem>> -> memref<1x1x50xf32, #tpu.memory_space<vmem>>
      %dma_start3A_127 = tpu.memref_squeeze %dma_start3A_126 : memref<1x1x50xf32, #tpu.memory_space<vmem>> -> memref<50xf32, #tpu.memory_space<vmem>>
      %dma_start3A_128 = arith.constant 0 : i32
      %dma_start3A_129 = tpu.memref_slice %arg5[%squeeze3A_113, %dma_start3A_128] : memref<100000x50xf32, #tpu.memory_space<hbm>> -> memref<1x50xf32, #tpu.memory_space<hbm>>
      %dma_start3A_130 = tpu.memref_squeeze %dma_start3A_129 : memref<1x50xf32, #tpu.memory_space<hbm>> -> memref<50xf32, #tpu.memory_space<hbm>>
      tpu.enqueue_dma source(%dma_start3A_130 : memref<50xf32, #tpu.memory_space<hbm>>) target(%dma_start3A_127 : memref<50xf32, #tpu.memory_space<vmem>>) target_semaphore(%arg15 : memref<!tpu.dma_semaphore, #tpu.memory_space<semaphore_mem>>)
      %slice3A_131 = vector.extract_strided_slice %get3A_88 {offsets = [1], sizes = [1], strides = [1]} : vector<16xi32> to vector<1xi32>
      %squeeze3A_132 = vector.extract %slice3A_131[0] : i32 from vector<1xi32>
      %mul3A_133 = arith.constant 16 : i32
      %mul3A_134 = arith.muli %scan3A_81, %mul3A_133 : i32
      %add3A_135 = arith.constant 1 : i32
      %add3A_136 = arith.addi %mul3A_134, %add3A_135 : i32
      %dma_start3A_137 = arith.constant 1 : i32
      %dma_start3A_138 = arith.constant 0 : i32
      %dma_start3A_139 = tpu.memref_slice %arg10[%dma_start3A_137, %add3A_136, %dma_start3A_138] : memref<2x128x50xf32, #tpu.memory_space<vmem>> -> memref<1x1x50xf32, #tpu.memory_space<vmem>>
      %dma_start3A_140 = tpu.memref_squeeze %dma_start3A_139 : memref<1x1x50xf32, #tpu.memory_space<vmem>> -> memref<50xf32, #tpu.memory_space<vmem>>
      %dma_start3A_141 = arith.constant 0 : i32
      %dma_start3A_142 = tpu.memref_slice %arg4[%squeeze3A_132, %dma_start3A_141] : memref<100000x50xf32, #tpu.memory_space<hbm>> -> memref<1x50xf32, #tpu.memory_space<hbm>>
      %dma_start3A_143 = tpu.memref_squeeze %dma_start3A_142 : memref<1x50xf32, #tpu.memory_space<hbm>> -> memref<50xf32, #tpu.memory_space<hbm>>
      %dma_start3A_144 = arith.constant 0 : i32
      %dma_start3A_145 = tpu.memref_slice %arg10[%dma_start3A_137, %add3A_136, %dma_start3A_144] : memref<2x128x50xf32, #tpu.memory_space<vmem>> -> memref<1x1x50xf32, #tpu.memory_space<vmem>>
      %dma_start3A_146 = tpu.memref_squeeze %dma_start3A_145 : memref<1x1x50xf32, #tpu.memory_space<vmem>> -> memref<50xf32, #tpu.memory_space<vmem>>
      %dma_start3A_147 = arith.constant 0 : i32
      %dma_start3A_148 = tpu.memref_slice %arg4[%squeeze3A_132, %dma_start3A_147] : memref<100000x50xf32, #tpu.memory_space<hbm>> -> memref<1x50xf32, #tpu.memory_space<hbm>>
      %dma_start3A_149 = tpu.memref_squeeze %dma_start3A_148 : memref<1x50xf32, #tpu.memory_space<hbm>> -> memref<50xf32, #tpu.memory_space<hbm>>
      tpu.enqueue_dma source(%dma_start3A_149 : memref<50xf32, #tpu.memory_space<hbm>>) target(%dma_start3A_146 : memref<50xf32, #tpu.memory_space<vmem>>) target_semaphore(%arg13 : memref<!tpu.dma_semaphore, #tpu.memory_space<semaphore_mem>>)
      %slice3A_150 = vector.extract_strided_slice %get3A_95 {offsets = [1], sizes = [1], strides = [1]} : vector<16xi32> to vector<1xi32>
      %squeeze3A_151 = vector.extract %slice3A_150[0] : i32 from vector<1xi32>
      %mul3A_152 = arith.constant 16 : i32
      %mul3A_153 = arith.muli %scan3A_81, %mul3A_152 : i32
      %add3A_154 = arith.constant 1 : i32
      %add3A_155 = arith.addi %mul3A_153, %add3A_154 : i32
      %dma_start3A_156 = arith.constant 1 : i32
      %dma_start3A_157 = arith.constant 0 : i32
      %dma_start3A_158 = tpu.memref_slice %arg11[%dma_start3A_156, %add3A_155, %dma_start3A_157] : memref<2x128x50xf32, #tpu.memory_space<vmem>> -> memref<1x1x50xf32, #tpu.memory_space<vmem>>
      %dma_start3A_159 = tpu.memref_squeeze %dma_start3A_158 : memref<1x1x50xf32, #tpu.memory_space<vmem>> -> memref<50xf32, #tpu.memory_space<vmem>>
      %dma_start3A_160 = arith.constant 0 : i32
      %dma_start3A_161 = tpu.memref_slice %arg5[%squeeze3A_151, %dma_start3A_160] : memref<100000x50xf32, #tpu.memory_space<hbm>> -> memref<1x50xf32, #tpu.memory_space<hbm>>
      %dma_start3A_162 = tpu.memref_squeeze %dma_start3A_161 : memref<1x50xf32, #tpu.memory_space<hbm>> -> memref<50xf32, #tpu.memory_space<hbm>>
      %dma_start3A_163 = arith.constant 0 : i32
      %dma_start3A_164 = tpu.memref_slice %arg11[%dma_start3A_156, %add3A_155, %dma_start3A_163] : memref<2x128x50xf32, #tpu.memory_space<vmem>> -> memref<1x1x50xf32, #tpu.memory_space<vmem>>
      %dma_start3A_165 = tpu.memref_squeeze %dma_start3A_164 : memref<1x1x50xf32, #tpu.memory_space<vmem>> -> memref<50xf32, #tpu.memory_space<vmem>>
      %dma_start3A_166 = arith.constant 0 : i32
      %dma_start3A_167 = tpu.memref_slice %arg5[%squeeze3A_151, %dma_start3A_166] : memref<100000x50xf32, #tpu.memory_space<hbm>> -> memref<1x50xf32, #tpu.memory_space<hbm>>
      %dma_start3A_168 = tpu.memref_squeeze %dma_start3A_167 : memref<1x50xf32, #tpu.memory_space<hbm>> -> memref<50xf32, #tpu.memory_space<hbm>>
      tpu.enqueue_dma source(%dma_start3A_168 : memref<50xf32, #tpu.memory_space<hbm>>) target(%dma_start3A_165 : memref<50xf32, #tpu.memory_space<vmem>>) target_semaphore(%arg15 : memref<!tpu.dma_semaphore, #tpu.memory_space<semaphore_mem>>)
      %slice3A_169 = vector.extract_strided_slice %get3A_88 {offsets = [2], sizes = [1], strides = [1]} : vector<16xi32> to vector<1xi32>
      %squeeze3A_170 = vector.extract %slice3A_169[0] : i32 from vector<1xi32>
      %mul3A_171 = arith.constant 16 : i32
      %mul3A_172 = arith.muli %scan3A_81, %mul3A_171 : i32
      %add3A_173 = arith.constant 2 : i32
      %add3A_174 = arith.addi %mul3A_172, %add3A_173 : i32
      %dma_start3A_175 = arith.constant 1 : i32
      %dma_start3A_176 = arith.constant 0 : i32
      %dma_start3A_177 = tpu.memref_slice %arg10[%dma_start3A_175, %add3A_174, %dma_start3A_176] : memref<2x128x50xf32, #tpu.memory_space<vmem>> -> memref<1x1x50xf32, #tpu.memory_space<vmem>>
      %dma_start3A_178 = tpu.memref_squeeze %dma_start3A_177 : memref<1x1x50xf32, #tpu.memory_space<vmem>> -> memref<50xf32, #tpu.memory_space<vmem>>
      %dma_start3A_179 = arith.constant 0 : i32
      %dma_start3A_180 = tpu.memref_slice %arg4[%squeeze3A_170, %dma_start3A_179] : memref<100000x50xf32, #tpu.memory_space<hbm>> -> memref<1x50xf32, #tpu.memory_space<hbm>>
      %dma_start3A_181 = tpu.memref_squeeze %dma_start3A_180 : memref<1x50xf32, #tpu.memory_space<hbm>> -> memref<50xf32, #tpu.memory_space<hbm>>
      %dma_start3A_182 = arith.constant 0 : i32
      %dma_start3A_183 = tpu.memref_slice %arg10[%dma_start3A_175, %add3A_174, %dma_start3A_182] : memref<2x128x50xf32, #tpu.memory_space<vmem>> -> memref<1x1x50xf32, #tpu.memory_space<vmem>>
      %dma_start3A_184 = tpu.memref_squeeze %dma_start3A_183 : memref<1x1x50xf32, #tpu.memory_space<vmem>> -> memref<50xf32, #tpu.memory_space<vmem>>
      %dma_start3A_185 = arith.constant 0 : i32
      %dma_start3A_186 = tpu.memref_slice %arg4[%squeeze3A_170, %dma_start3A_185] : memref<100000x50xf32, #tpu.memory_space<hbm>> -> memref<1x50xf32, #tpu.memory_space<hbm>>
      %dma_start3A_187 = tpu.memref_squeeze %dma_start3A_186 : memref<1x50xf32, #tpu.memory_space<hbm>> -> memref<50xf32, #tpu.memory_space<hbm>>
      tpu.enqueue_dma source(%dma_start3A_187 : memref<50xf32, #tpu.memory_space<hbm>>) target(%dma_start3A_184 : memref<50xf32, #tpu.memory_space<vmem>>) target_semaphore(%arg13 : memref<!tpu.dma_semaphore, #tpu.memory_space<semaphore_mem>>)
      %slice3A_188 = vector.extract_strided_slice %get3A_95 {offsets = [2], sizes = [1], strides = [1]} : vector<16xi32> to vector<1xi32>
      %squeeze3A_189 = vector.extract %slice3A_188[0] : i32 from vector<1xi32>
      %mul3A_190 = arith.constant 16 : i32
      %mul3A_191 = arith.muli %scan3A_81, %mul3A_190 : i32
      %add3A_192 = arith.constant 2 : i32
      %add3A_193 = arith.addi %mul3A_191, %add3A_192 : i32
      %dma_start3A_194 = arith.constant 1 : i32
      %dma_start3A_195 = arith.constant 0 : i32
      %dma_start3A_196 = tpu.memref_slice %arg11[%dma_start3A_194, %add3A_193, %dma_start3A_195] : memref<2x128x50xf32, #tpu.memory_space<vmem>> -> memref<1x1x50xf32, #tpu.memory_space<vmem>>
      %dma_start3A_197 = tpu.memref_squeeze %dma_start3A_196 : memref<1x1x50xf32, #tpu.memory_space<vmem>> -> memref<50xf32, #tpu.memory_space<vmem>>
      %dma_start3A_198 = arith.constant 0 : i32
      %dma_start3A_199 = tpu.memref_slice %arg5[%squeeze3A_189, %dma_start3A_198] : memref<100000x50xf32, #tpu.memory_space<hbm>> -> memref<1x50xf32, #tpu.memory_space<hbm>>
      %dma_start3A_200 = tpu.memref_squeeze %dma_start3A_199 : memref<1x50xf32, #tpu.memory_space<hbm>> -> memref<50xf32, #tpu.memory_space<hbm>>
      %dma_start3A_201 = arith.constant 0 : i32
      %dma_start3A_202 = tpu.memref_slice %arg11[%dma_start3A_194, %add3A_193, %dma_start3A_201] : memref<2x128x50xf32, #tpu.memory_space<vmem>> -> memref<1x1x50xf32, #tpu.memory_space<vmem>>
      %dma_start3A_203 = tpu.memref_squeeze %dma_start3A_202 : memref<1x1x50xf32, #tpu.memory_space<vmem>> -> memref<50xf32, #tpu.memory_space<vmem>>
      %dma_start3A_204 = arith.constant 0 : i32
      %dma_start3A_205 = tpu.memref_slice %arg5[%squeeze3A_189, %dma_start3A_204] : memref<100000x50xf32, #tpu.memory_space<hbm>> -> memref<1x50xf32, #tpu.memory_space<hbm>>
      %dma_start3A_206 = tpu.memref_squeeze %dma_start3A_205 : memref<1x50xf32, #tpu.memory_space<hbm>> -> memref<50xf32, #tpu.memory_space<hbm>>
      tpu.enqueue_dma source(%dma_start3A_206 : memref<50xf32, #tpu.memory_space<hbm>>) target(%dma_start3A_203 : memref<50xf32, #tpu.memory_space<vmem>>) target_semaphore(%arg15 : memref<!tpu.dma_semaphore, #tpu.memory_space<semaphore_mem>>)
      %slice3A_207 = vector.extract_strided_slice %get3A_88 {offsets = [3], sizes = [1], strides = [1]} : vector<16xi32> to vector<1xi32>
      %squeeze3A_208 = vector.extract %slice3A_207[0] : i32 from vector<1xi32>
      %mul3A_209 = arith.constant 16 : i32
      %mul3A_210 = arith.muli %scan3A_81, %mul3A_209 : i32
      %add3A_211 = arith.constant 3 : i32
      %add3A_212 = arith.addi %mul3A_210, %add3A_211 : i32
      %dma_start3A_213 = arith.constant 1 : i32
      %dma_start3A_214 = arith.constant 0 : i32
      %dma_start3A_215 = tpu.memref_slice %arg10[%dma_start3A_213, %add3A_212, %dma_start3A_214] : memref<2x128x50xf32, #tpu.memory_space<vmem>> -> memref<1x1x50xf32, #tpu.memory_space<vmem>>
      %dma_start3A_216 = tpu.memref_squeeze %dma_start3A_215 : memref<1x1x50xf32, #tpu.memory_space<vmem>> -> memref<50xf32, #tpu.memory_space<vmem>>
      %dma_start3A_217 = arith.constant 0 : i32
      %dma_start3A_218 = tpu.memref_slice %arg4[%squeeze3A_208, %dma_start3A_217] : memref<100000x50xf32, #tpu.memory_space<hbm>> -> memref<1x50xf32, #tpu.memory_space<hbm>>
      %dma_start3A_219 = tpu.memref_squeeze %dma_start3A_218 : memref<1x50xf32, #tpu.memory_space<hbm>> -> memref<50xf32, #tpu.memory_space<hbm>>
      %dma_start3A_220 = arith.constant 0 : i32
      %dma_start3A_221 = tpu.memref_slice %arg10[%dma_start3A_213, %add3A_212, %dma_start3A_220] : memref<2x128x50xf32, #tpu.memory_space<vmem>> -> memref<1x1x50xf32, #tpu.memory_space<vmem>>
      %dma_start3A_222 = tpu.memref_squeeze %dma_start3A_221 : memref<1x1x50xf32, #tpu.memory_space<vmem>> -> memref<50xf32, #tpu.memory_space<vmem>>
      %dma_start3A_223 = arith.constant 0 : i32
      %dma_start3A_224 = tpu.memref_slice %arg4[%squeeze3A_208, %dma_start3A_223] : memref<100000x50xf32, #tpu.memory_space<hbm>> -> memref<1x50xf32, #tpu.memory_space<hbm>>
      %dma_start3A_225 = tpu.memref_squeeze %dma_start3A_224 : memref<1x50xf32, #tpu.memory_space<hbm>> -> memref<50xf32, #tpu.memory_space<hbm>>
      tpu.enqueue_dma source(%dma_start3A_225 : memref<50xf32, #tpu.memory_space<hbm>>) target(%dma_start3A_222 : memref<50xf32, #tpu.memory_space<vmem>>) target_semaphore(%arg13 : memref<!tpu.dma_semaphore, #tpu.memory_space<semaphore_mem>>)
      %slice3A_226 = vector.extract_strided_slice %get3A_95 {offsets = [3], sizes = [1], strides = [1]} : vector<16xi32> to vector<1xi32>
      %squeeze3A_227 = vector.extract %slice3A_226[0] : i32 from vector<1xi32>
      %mul3A_228 = arith.constant 16 : i32
      %mul3A_229 = arith.muli %scan3A_81, %mul3A_228 : i32
      %add3A_230 = arith.constant 3 : i32
      %add3A_231 = arith.addi %mul3A_229, %add3A_230 : i32
      %dma_start3A_232 = arith.constant 1 : i32
      %dma_start3A_233 = arith.constant 0 : i32
      %dma_start3A_234 = tpu.memref_slice %arg11[%dma_start3A_232, %add3A_231, %dma_start3A_233] : memref<2x128x50xf32, #tpu.memory_space<vmem>> -> memref<1x1x50xf32, #tpu.memory_space<vmem>>
      %dma_start3A_235 = tpu.memref_squeeze %dma_start3A_234 : memref<1x1x50xf32, #tpu.memory_space<vmem>> -> memref<50xf32, #tpu.memory_space<vmem>>
      %dma_start3A_236 = arith.constant 0 : i32
      %dma_start3A_237 = tpu.memref_slice %arg5[%squeeze3A_227, %dma_start3A_236] : memref<100000x50xf32, #tpu.memory_space<hbm>> -> memref<1x50xf32, #tpu.memory_space<hbm>>
      %dma_start3A_238 = tpu.memref_squeeze %dma_start3A_237 : memref<1x50xf32, #tpu.memory_space<hbm>> -> memref<50xf32, #tpu.memory_space<hbm>>
      %dma_start3A_239 = arith.constant 0 : i32
      %dma_start3A_240 = tpu.memref_slice %arg11[%dma_start3A_232, %add3A_231, %dma_start3A_239] : memref<2x128x50xf32, #tpu.memory_space<vmem>> -> memref<1x1x50xf32, #tpu.memory_space<vmem>>
      %dma_start3A_241 = tpu.memref_squeeze %dma_start3A_240 : memref<1x1x50xf32, #tpu.memory_space<vmem>> -> memref<50xf32, #tpu.memory_space<vmem>>
      %dma_start3A_242 = arith.constant 0 : i32
      %dma_start3A_243 = tpu.memref_slice %arg5[%squeeze3A_227, %dma_start3A_242] : memref<100000x50xf32, #tpu.memory_space<hbm>> -> memref<1x50xf32, #tpu.memory_space<hbm>>
      %dma_start3A_244 = tpu.memref_squeeze %dma_start3A_243 : memref<1x50xf32, #tpu.memory_space<hbm>> -> memref<50xf32, #tpu.memory_space<hbm>>
      tpu.enqueue_dma source(%dma_start3A_244 : memref<50xf32, #tpu.memory_space<hbm>>) target(%dma_start3A_241 : memref<50xf32, #tpu.memory_space<vmem>>) target_semaphore(%arg15 : memref<!tpu.dma_semaphore, #tpu.memory_space<semaphore_mem>>)
      %slice3A_245 = vector.extract_strided_slice %get3A_88 {offsets = [4], sizes = [1], strides = [1]} : vector<16xi32> to vector<1xi32>
      %squeeze3A_246 = vector.extract %slice3A_245[0] : i32 from vector<1xi32>
      %mul3A_247 = arith.constant 16 : i32
      %mul3A_248 = arith.muli %scan3A_81, %mul3A_247 : i32
      %add3A_249 = arith.constant 4 : i32
      %add3A_250 = arith.addi %mul3A_248, %add3A_249 : i32
      %dma_start3A_251 = arith.constant 1 : i32
      %dma_start3A_252 = arith.constant 0 : i32
      %dma_start3A_253 = tpu.memref_slice %arg10[%dma_start3A_251, %add3A_250, %dma_start3A_252] : memref<2x128x50xf32, #tpu.memory_space<vmem>> -> memref<1x1x50xf32, #tpu.memory_space<vmem>>
      %dma_start3A_254 = tpu.memref_squeeze %dma_start3A_253 : memref<1x1x50xf32, #tpu.memory_space<vmem>> -> memref<50xf32, #tpu.memory_space<vmem>>
      %dma_start3A_255 = arith.constant 0 : i32
      %dma_start3A_256 = tpu.memref_slice %arg4[%squeeze3A_246, %dma_start3A_255] : memref<100000x50xf32, #tpu.memory_space<hbm>> -> memref<1x50xf32, #tpu.memory_space<hbm>>
      %dma_start3A_257 = tpu.memref_squeeze %dma_start3A_256 : memref<1x50xf32, #tpu.memory_space<hbm>> -> memref<50xf32, #tpu.memory_space<hbm>>
      %dma_start3A_258 = arith.constant 0 : i32
      %dma_start3A_259 = tpu.memref_slice %arg10[%dma_start3A_251, %add3A_250, %dma_start3A_258] : memref<2x128x50xf32, #tpu.memory_space<vmem>> -> memref<1x1x50xf32, #tpu.memory_space<vmem>>
      %dma_start3A_260 = tpu.memref_squeeze %dma_start3A_259 : memref<1x1x50xf32, #tpu.memory_space<vmem>> -> memref<50xf32, #tpu.memory_space<vmem>>
      %dma_start3A_261 = arith.constant 0 : i32
      %dma_start3A_262 = tpu.memref_slice %arg4[%squeeze3A_246, %dma_start3A_261] : memref<100000x50xf32, #tpu.memory_space<hbm>> -> memref<1x50xf32, #tpu.memory_space<hbm>>
      %dma_start3A_263 = tpu.memref_squeeze %dma_start3A_262 : memref<1x50xf32, #tpu.memory_space<hbm>> -> memref<50xf32, #tpu.memory_space<hbm>>
      tpu.enqueue_dma source(%dma_start3A_263 : memref<50xf32, #tpu.memory_space<hbm>>) target(%dma_start3A_260 : memref<50xf32, #tpu.memory_space<vmem>>) target_semaphore(%arg13 : memref<!tpu.dma_semaphore, #tpu.memory_space<semaphore_mem>>)
      %slice3A_264 = vector.extract_strided_slice %get3A_95 {offsets = [4], sizes = [1], strides = [1]} : vector<16xi32> to vector<1xi32>
      %squeeze3A_265 = vector.extract %slice3A_264[0] : i32 from vector<1xi32>
      %mul3A_266 = arith.constant 16 : i32
      %mul3A_267 = arith.muli %scan3A_81, %mul3A_266 : i32
      %add3A_268 = arith.constant 4 : i32
      %add3A_269 = arith.addi %mul3A_267, %add3A_268 : i32
      %dma_start3A_270 = arith.constant 1 : i32
      %dma_start3A_271 = arith.constant 0 : i32
      %dma_start3A_272 = tpu.memref_slice %arg11[%dma_start3A_270, %add3A_269, %dma_start3A_271] : memref<2x128x50xf32, #tpu.memory_space<vmem>> -> memref<1x1x50xf32, #tpu.memory_space<vmem>>
      %dma_start3A_273 = tpu.memref_squeeze %dma_start3A_272 : memref<1x1x50xf32, #tpu.memory_space<vmem>> -> memref<50xf32, #tpu.memory_space<vmem>>
      %dma_start3A_274 = arith.constant 0 : i32
      %dma_start3A_275 = tpu.memref_slice %arg5[%squeeze3A_265, %dma_start3A_274] : memref<100000x50xf32, #tpu.memory_space<hbm>> -> memref<1x50xf32, #tpu.memory_space<hbm>>
      %dma_start3A_276 = tpu.memref_squeeze %dma_start3A_275 : memref<1x50xf32, #tpu.memory_space<hbm>> -> memref<50xf32, #tpu.memory_space<hbm>>
      %dma_start3A_277 = arith.constant 0 : i32
      %dma_start3A_278 = tpu.memref_slice %arg11[%dma_start3A_270, %add3A_269, %dma_start3A_277] : memref<2x128x50xf32, #tpu.memory_space<vmem>> -> memref<1x1x50xf32, #tpu.memory_space<vmem>>
      %dma_start3A_279 = tpu.memref_squeeze %dma_start3A_278 : memref<1x1x50xf32, #tpu.memory_space<vmem>> -> memref<50xf32, #tpu.memory_space<vmem>>
      %dma_start3A_280 = arith.constant 0 : i32
      %dma_start3A_281 = tpu.memref_slice %arg5[%squeeze3A_265, %dma_start3A_280] : memref<100000x50xf32, #tpu.memory_space<hbm>> -> memref<1x50xf32, #tpu.memory_space<hbm>>
      %dma_start3A_282 = tpu.memref_squeeze %dma_start3A_281 : memref<1x50xf32, #tpu.memory_space<hbm>> -> memref<50xf32, #tpu.memory_space<hbm>>
      tpu.enqueue_dma source(%dma_start3A_282 : memref<50xf32, #tpu.memory_space<hbm>>) target(%dma_start3A_279 : memref<50xf32, #tpu.memory_space<vmem>>) target_semaphore(%arg15 : memref<!tpu.dma_semaphore, #tpu.memory_space<semaphore_mem>>)
      %slice3A_283 = vector.extract_strided_slice %get3A_88 {offsets = [5], sizes = [1], strides = [1]} : vector<16xi32> to vector<1xi32>
      %squeeze3A_284 = vector.extract %slice3A_283[0] : i32 from vector<1xi32>
      %mul3A_285 = arith.constant 16 : i32
      %mul3A_286 = arith.muli %scan3A_81, %mul3A_285 : i32
      %add3A_287 = arith.constant 5 : i32
      %add3A_288 = arith.addi %mul3A_286, %add3A_287 : i32
      %dma_start3A_289 = arith.constant 1 : i32
      %dma_start3A_290 = arith.constant 0 : i32
      %dma_start3A_291 = tpu.memref_slice %arg10[%dma_start3A_289, %add3A_288, %dma_start3A_290] : memref<2x128x50xf32, #tpu.memory_space<vmem>> -> memref<1x1x50xf32, #tpu.memory_space<vmem>>
      %dma_start3A_292 = tpu.memref_squeeze %dma_start3A_291 : memref<1x1x50xf32, #tpu.memory_space<vmem>> -> memref<50xf32, #tpu.memory_space<vmem>>
      %dma_start3A_293 = arith.constant 0 : i32
      %dma_start3A_294 = tpu.memref_slice %arg4[%squeeze3A_284, %dma_start3A_293] : memref<100000x50xf32, #tpu.memory_space<hbm>> -> memref<1x50xf32, #tpu.memory_space<hbm>>
      %dma_start3A_295 = tpu.memref_squeeze %dma_start3A_294 : memref<1x50xf32, #tpu.memory_space<hbm>> -> memref<50xf32, #tpu.memory_space<hbm>>
      %dma_start3A_296 = arith.constant 0 : i32
      %dma_start3A_297 = tpu.memref_slice %arg10[%dma_start3A_289, %add3A_288, %dma_start3A_296] : memref<2x128x50xf32, #tpu.memory_space<vmem>> -> memref<1x1x50xf32, #tpu.memory_space<vmem>>
      %dma_start3A_298 = tpu.memref_squeeze %dma_start3A_297 : memref<1x1x50xf32, #tpu.memory_space<vmem>> -> memref<50xf32, #tpu.memory_space<vmem>>
      %dma_start3A_299 = arith.constant 0 : i32
      %dma_start3A_300 = tpu.memref_slice %arg4[%squeeze3A_284, %dma_start3A_299] : memref<100000x50xf32, #tpu.memory_space<hbm>> -> memref<1x50xf32, #tpu.memory_space<hbm>>
      %dma_start3A_301 = tpu.memref_squeeze %dma_start3A_300 : memref<1x50xf32, #tpu.memory_space<hbm>> -> memref<50xf32, #tpu.memory_space<hbm>>
      tpu.enqueue_dma source(%dma_start3A_301 : memref<50xf32, #tpu.memory_space<hbm>>) target(%dma_start3A_298 : memref<50xf32, #tpu.memory_space<vmem>>) target_semaphore(%arg13 : memref<!tpu.dma_semaphore, #tpu.memory_space<semaphore_mem>>)
      %slice3A_302 = vector.extract_strided_slice %get3A_95 {offsets = [5], sizes = [1], strides = [1]} : vector<16xi32> to vector<1xi32>
      %squeeze3A_303 = vector.extract %slice3A_302[0] : i32 from vector<1xi32>
      %mul3A_304 = arith.constant 16 : i32
      %mul3A_305 = arith.muli %scan3A_81, %mul3A_304 : i32
      %add3A_306 = arith.constant 5 : i32
      %add3A_307 = arith.addi %mul3A_305, %add3A_306 : i32
      %dma_start3A_308 = arith.constant 1 : i32
      %dma_start3A_309 = arith.constant 0 : i32
      %dma_start3A_310 = tpu.memref_slice %arg11[%dma_start3A_308, %add3A_307, %dma_start3A_309] : memref<2x128x50xf32, #tpu.memory_space<vmem>> -> memref<1x1x50xf32, #tpu.memory_space<vmem>>
      %dma_start3A_311 = tpu.memref_squeeze %dma_start3A_310 : memref<1x1x50xf32, #tpu.memory_space<vmem>> -> memref<50xf32, #tpu.memory_space<vmem>>
      %dma_start3A_312 = arith.constant 0 : i32
      %dma_start3A_313 = tpu.memref_slice %arg5[%squeeze3A_303, %dma_start3A_312] : memref<100000x50xf32, #tpu.memory_space<hbm>> -> memref<1x50xf32, #tpu.memory_space<hbm>>
      %dma_start3A_314 = tpu.memref_squeeze %dma_start3A_313 : memref<1x50xf32, #tpu.memory_space<hbm>> -> memref<50xf32, #tpu.memory_space<hbm>>
      %dma_start3A_315 = arith.constant 0 : i32
      %dma_start3A_316 = tpu.memref_slice %arg11[%dma_start3A_308, %add3A_307, %dma_start3A_315] : memref<2x128x50xf32, #tpu.memory_space<vmem>> -> memref<1x1x50xf32, #tpu.memory_space<vmem>>
      %dma_start3A_317 = tpu.memref_squeeze %dma_start3A_316 : memref<1x1x50xf32, #tpu.memory_space<vmem>> -> memref<50xf32, #tpu.memory_space<vmem>>
      %dma_start3A_318 = arith.constant 0 : i32
      %dma_start3A_319 = tpu.memref_slice %arg5[%squeeze3A_303, %dma_start3A_318] : memref<100000x50xf32, #tpu.memory_space<hbm>> -> memref<1x50xf32, #tpu.memory_space<hbm>>
      %dma_start3A_320 = tpu.memref_squeeze %dma_start3A_319 : memref<1x50xf32, #tpu.memory_space<hbm>> -> memref<50xf32, #tpu.memory_space<hbm>>
      tpu.enqueue_dma source(%dma_start3A_320 : memref<50xf32, #tpu.memory_space<hbm>>) target(%dma_start3A_317 : memref<50xf32, #tpu.memory_space<vmem>>) target_semaphore(%arg15 : memref<!tpu.dma_semaphore, #tpu.memory_space<semaphore_mem>>)
      %slice3A_321 = vector.extract_strided_slice %get3A_88 {offsets = [6], sizes = [1], strides = [1]} : vector<16xi32> to vector<1xi32>
      %squeeze3A_322 = vector.extract %slice3A_321[0] : i32 from vector<1xi32>
      %mul3A_323 = arith.constant 16 : i32
      %mul3A_324 = arith.muli %scan3A_81, %mul3A_323 : i32
      %add3A_325 = arith.constant 6 : i32
      %add3A_326 = arith.addi %mul3A_324, %add3A_325 : i32
      %dma_start3A_327 = arith.constant 1 : i32
      %dma_start3A_328 = arith.constant 0 : i32
      %dma_start3A_329 = tpu.memref_slice %arg10[%dma_start3A_327, %add3A_326, %dma_start3A_328] : memref<2x128x50xf32, #tpu.memory_space<vmem>> -> memref<1x1x50xf32, #tpu.memory_space<vmem>>
      %dma_start3A_330 = tpu.memref_squeeze %dma_start3A_329 : memref<1x1x50xf32, #tpu.memory_space<vmem>> -> memref<50xf32, #tpu.memory_space<vmem>>
      %dma_start3A_331 = arith.constant 0 : i32
      %dma_start3A_332 = tpu.memref_slice %arg4[%squeeze3A_322, %dma_start3A_331] : memref<100000x50xf32, #tpu.memory_space<hbm>> -> memref<1x50xf32, #tpu.memory_space<hbm>>
      %dma_start3A_333 = tpu.memref_squeeze %dma_start3A_332 : memref<1x50xf32, #tpu.memory_space<hbm>> -> memref<50xf32, #tpu.memory_space<hbm>>
      %dma_start3A_334 = arith.constant 0 : i32
      %dma_start3A_335 = tpu.memref_slice %arg10[%dma_start3A_327, %add3A_326, %dma_start3A_334] : memref<2x128x50xf32, #tpu.memory_space<vmem>> -> memref<1x1x50xf32, #tpu.memory_space<vmem>>
      %dma_start3A_336 = tpu.memref_squeeze %dma_start3A_335 : memref<1x1x50xf32, #tpu.memory_space<vmem>> -> memref<50xf32, #tpu.memory_space<vmem>>
      %dma_start3A_337 = arith.constant 0 : i32
      %dma_start3A_338 = tpu.memref_slice %arg4[%squeeze3A_322, %dma_start3A_337] : memref<100000x50xf32, #tpu.memory_space<hbm>> -> memref<1x50xf32, #tpu.memory_space<hbm>>
      %dma_start3A_339 = tpu.memref_squeeze %dma_start3A_338 : memref<1x50xf32, #tpu.memory_space<hbm>> -> memref<50xf32, #tpu.memory_space<hbm>>
      tpu.enqueue_dma source(%dma_start3A_339 : memref<50xf32, #tpu.memory_space<hbm>>) target(%dma_start3A_336 : memref<50xf32, #tpu.memory_space<vmem>>) target_semaphore(%arg13 : memref<!tpu.dma_semaphore, #tpu.memory_space<semaphore_mem>>)
      %slice3A_340 = vector.extract_strided_slice %get3A_95 {offsets = [6], sizes = [1], strides = [1]} : vector<16xi32> to vector<1xi32>
      %squeeze3A_341 = vector.extract %slice3A_340[0] : i32 from vector<1xi32>
      %mul3A_342 = arith.constant 16 : i32
      %mul3A_343 = arith.muli %scan3A_81, %mul3A_342 : i32
      %add3A_344 = arith.constant 6 : i32
      %add3A_345 = arith.addi %mul3A_343, %add3A_344 : i32
      %dma_start3A_346 = arith.constant 1 : i32
      %dma_start3A_347 = arith.constant 0 : i32
      %dma_start3A_348 = tpu.memref_slice %arg11[%dma_start3A_346, %add3A_345, %dma_start3A_347] : memref<2x128x50xf32, #tpu.memory_space<vmem>> -> memref<1x1x50xf32, #tpu.memory_space<vmem>>
      %dma_start3A_349 = tpu.memref_squeeze %dma_start3A_348 : memref<1x1x50xf32, #tpu.memory_space<vmem>> -> memref<50xf32, #tpu.memory_space<vmem>>
      %dma_start3A_350 = arith.constant 0 : i32
      %dma_start3A_351 = tpu.memref_slice %arg5[%squeeze3A_341, %dma_start3A_350] : memref<100000x50xf32, #tpu.memory_space<hbm>> -> memref<1x50xf32, #tpu.memory_space<hbm>>
      %dma_start3A_352 = tpu.memref_squeeze %dma_start3A_351 : memref<1x50xf32, #tpu.memory_space<hbm>> -> memref<50xf32, #tpu.memory_space<hbm>>
      %dma_start3A_353 = arith.constant 0 : i32
      %dma_start3A_354 = tpu.memref_slice %arg11[%dma_start3A_346, %add3A_345, %dma_start3A_353] : memref<2x128x50xf32, #tpu.memory_space<vmem>> -> memref<1x1x50xf32, #tpu.memory_space<vmem>>
      %dma_start3A_355 = tpu.memref_squeeze %dma_start3A_354 : memref<1x1x50xf32, #tpu.memory_space<vmem>> -> memref<50xf32, #tpu.memory_space<vmem>>
      %dma_start3A_356 = arith.constant 0 : i32
      %dma_start3A_357 = tpu.memref_slice %arg5[%squeeze3A_341, %dma_start3A_356] : memref<100000x50xf32, #tpu.memory_space<hbm>> -> memref<1x50xf32, #tpu.memory_space<hbm>>
      %dma_start3A_358 = tpu.memref_squeeze %dma_start3A_357 : memref<1x50xf32, #tpu.memory_space<hbm>> -> memref<50xf32, #tpu.memory_space<hbm>>
      tpu.enqueue_dma source(%dma_start3A_358 : memref<50xf32, #tpu.memory_space<hbm>>) target(%dma_start3A_355 : memref<50xf32, #tpu.memory_space<vmem>>) target_semaphore(%arg15 : memref<!tpu.dma_semaphore, #tpu.memory_space<semaphore_mem>>)
      %slice3A_359 = vector.extract_strided_slice %get3A_88 {offsets = [7], sizes = [1], strides = [1]} : vector<16xi32> to vector<1xi32>
      %squeeze3A_360 = vector.extract %slice3A_359[0] : i32 from vector<1xi32>
      %mul3A_361 = arith.constant 16 : i32
      %mul3A_362 = arith.muli %scan3A_81, %mul3A_361 : i32
      %add3A_363 = arith.constant 7 : i32
      %add3A_364 = arith.addi %mul3A_362, %add3A_363 : i32
      %dma_start3A_365 = arith.constant 1 : i32
      %dma_start3A_366 = arith.constant 0 : i32
      %dma_start3A_367 = tpu.memref_slice %arg10[%dma_start3A_365, %add3A_364, %dma_start3A_366] : memref<2x128x50xf32, #tpu.memory_space<vmem>> -> memref<1x1x50xf32, #tpu.memory_space<vmem>>
      %dma_start3A_368 = tpu.memref_squeeze %dma_start3A_367 : memref<1x1x50xf32, #tpu.memory_space<vmem>> -> memref<50xf32, #tpu.memory_space<vmem>>
      %dma_start3A_369 = arith.constant 0 : i32
      %dma_start3A_370 = tpu.memref_slice %arg4[%squeeze3A_360, %dma_start3A_369] : memref<100000x50xf32, #tpu.memory_space<hbm>> -> memref<1x50xf32, #tpu.memory_space<hbm>>
      %dma_start3A_371 = tpu.memref_squeeze %dma_start3A_370 : memref<1x50xf32, #tpu.memory_space<hbm>> -> memref<50xf32, #tpu.memory_space<hbm>>
      %dma_start3A_372 = arith.constant 0 : i32
      %dma_start3A_373 = tpu.memref_slice %arg10[%dma_start3A_365, %add3A_364, %dma_start3A_372] : memref<2x128x50xf32, #tpu.memory_space<vmem>> -> memref<1x1x50xf32, #tpu.memory_space<vmem>>
      %dma_start3A_374 = tpu.memref_squeeze %dma_start3A_373 : memref<1x1x50xf32, #tpu.memory_space<vmem>> -> memref<50xf32, #tpu.memory_space<vmem>>
      %dma_start3A_375 = arith.constant 0 : i32
      %dma_start3A_376 = tpu.memref_slice %arg4[%squeeze3A_360, %dma_start3A_375] : memref<100000x50xf32, #tpu.memory_space<hbm>> -> memref<1x50xf32, #tpu.memory_space<hbm>>
      %dma_start3A_377 = tpu.memref_squeeze %dma_start3A_376 : memref<1x50xf32, #tpu.memory_space<hbm>> -> memref<50xf32, #tpu.memory_space<hbm>>
      tpu.enqueue_dma source(%dma_start3A_377 : memref<50xf32, #tpu.memory_space<hbm>>) target(%dma_start3A_374 : memref<50xf32, #tpu.memory_space<vmem>>) target_semaphore(%arg13 : memref<!tpu.dma_semaphore, #tpu.memory_space<semaphore_mem>>)
      %slice3A_378 = vector.extract_strided_slice %get3A_95 {offsets = [7], sizes = [1], strides = [1]} : vector<16xi32> to vector<1xi32>
      %squeeze3A_379 = vector.extract %slice3A_378[0] : i32 from vector<1xi32>
      %mul3A_380 = arith.constant 16 : i32
      %mul3A_381 = arith.muli %scan3A_81, %mul3A_380 : i32
      %add3A_382 = arith.constant 7 : i32
      %add3A_383 = arith.addi %mul3A_381, %add3A_382 : i32
      %dma_start3A_384 = arith.constant 1 : i32
      %dma_start3A_385 = arith.constant 0 : i32
      %dma_start3A_386 = tpu.memref_slice %arg11[%dma_start3A_384, %add3A_383, %dma_start3A_385] : memref<2x128x50xf32, #tpu.memory_space<vmem>> -> memref<1x1x50xf32, #tpu.memory_space<vmem>>
      %dma_start3A_387 = tpu.memref_squeeze %dma_start3A_386 : memref<1x1x50xf32, #tpu.memory_space<vmem>> -> memref<50xf32, #tpu.memory_space<vmem>>
      %dma_start3A_388 = arith.constant 0 : i32
      %dma_start3A_389 = tpu.memref_slice %arg5[%squeeze3A_379, %dma_start3A_388] : memref<100000x50xf32, #tpu.memory_space<hbm>> -> memref<1x50xf32, #tpu.memory_space<hbm>>
      %dma_start3A_390 = tpu.memref_squeeze %dma_start3A_389 : memref<1x50xf32, #tpu.memory_space<hbm>> -> memref<50xf32, #tpu.memory_space<hbm>>
      %dma_start3A_391 = arith.constant 0 : i32
      %dma_start3A_392 = tpu.memref_slice %arg11[%dma_start3A_384, %add3A_383, %dma_start3A_391] : memref<2x128x50xf32, #tpu.memory_space<vmem>> -> memref<1x1x50xf32, #tpu.memory_space<vmem>>
      %dma_start3A_393 = tpu.memref_squeeze %dma_start3A_392 : memref<1x1x50xf32, #tpu.memory_space<vmem>> -> memref<50xf32, #tpu.memory_space<vmem>>
      %dma_start3A_394 = arith.constant 0 : i32
      %dma_start3A_395 = tpu.memref_slice %arg5[%squeeze3A_379, %dma_start3A_394] : memref<100000x50xf32, #tpu.memory_space<hbm>> -> memref<1x50xf32, #tpu.memory_space<hbm>>
      %dma_start3A_396 = tpu.memref_squeeze %dma_start3A_395 : memref<1x50xf32, #tpu.memory_space<hbm>> -> memref<50xf32, #tpu.memory_space<hbm>>
      tpu.enqueue_dma source(%dma_start3A_396 : memref<50xf32, #tpu.memory_space<hbm>>) target(%dma_start3A_393 : memref<50xf32, #tpu.memory_space<vmem>>) target_semaphore(%arg15 : memref<!tpu.dma_semaphore, #tpu.memory_space<semaphore_mem>>)
      %slice3A_397 = vector.extract_strided_slice %get3A_88 {offsets = [8], sizes = [1], strides = [1]} : vector<16xi32> to vector<1xi32>
      %squeeze3A_398 = vector.extract %slice3A_397[0] : i32 from vector<1xi32>
      %mul3A_399 = arith.constant 16 : i32
      %mul3A_400 = arith.muli %scan3A_81, %mul3A_399 : i32
      %add3A_401 = arith.constant 8 : i32
      %add3A_402 = arith.addi %mul3A_400, %add3A_401 : i32
      %dma_start3A_403 = arith.constant 1 : i32
      %dma_start3A_404 = arith.constant 0 : i32
      %dma_start3A_405 = tpu.memref_slice %arg10[%dma_start3A_403, %add3A_402, %dma_start3A_404] : memref<2x128x50xf32, #tpu.memory_space<vmem>> -> memref<1x1x50xf32, #tpu.memory_space<vmem>>
      %dma_start3A_406 = tpu.memref_squeeze %dma_start3A_405 : memref<1x1x50xf32, #tpu.memory_space<vmem>> -> memref<50xf32, #tpu.memory_space<vmem>>
      %dma_start3A_407 = arith.constant 0 : i32
      %dma_start3A_408 = tpu.memref_slice %arg4[%squeeze3A_398, %dma_start3A_407] : memref<100000x50xf32, #tpu.memory_space<hbm>> -> memref<1x50xf32, #tpu.memory_space<hbm>>
      %dma_start3A_409 = tpu.memref_squeeze %dma_start3A_408 : memref<1x50xf32, #tpu.memory_space<hbm>> -> memref<50xf32, #tpu.memory_space<hbm>>
      %dma_start3A_410 = arith.constant 0 : i32
      %dma_start3A_411 = tpu.memref_slice %arg10[%dma_start3A_403, %add3A_402, %dma_start3A_410] : memref<2x128x50xf32, #tpu.memory_space<vmem>> -> memref<1x1x50xf32, #tpu.memory_space<vmem>>
      %dma_start3A_412 = tpu.memref_squeeze %dma_start3A_411 : memref<1x1x50xf32, #tpu.memory_space<vmem>> -> memref<50xf32, #tpu.memory_space<vmem>>
      %dma_start3A_413 = arith.constant 0 : i32
      %dma_start3A_414 = tpu.memref_slice %arg4[%squeeze3A_398, %dma_start3A_413] : memref<100000x50xf32, #tpu.memory_space<hbm>> -> memref<1x50xf32, #tpu.memory_space<hbm>>
      %dma_start3A_415 = tpu.memref_squeeze %dma_start3A_414 : memref<1x50xf32, #tpu.memory_space<hbm>> -> memref<50xf32, #tpu.memory_space<hbm>>
      tpu.enqueue_dma source(%dma_start3A_415 : memref<50xf32, #tpu.memory_space<hbm>>) target(%dma_start3A_412 : memref<50xf32, #tpu.memory_space<vmem>>) target_semaphore(%arg13 : memref<!tpu.dma_semaphore, #tpu.memory_space<semaphore_mem>>)
      %slice3A_416 = vector.extract_strided_slice %get3A_95 {offsets = [8], sizes = [1], strides = [1]} : vector<16xi32> to vector<1xi32>
      %squeeze3A_417 = vector.extract %slice3A_416[0] : i32 from vector<1xi32>
      %mul3A_418 = arith.constant 16 : i32
      %mul3A_419 = arith.muli %scan3A_81, %mul3A_418 : i32
      %add3A_420 = arith.constant 8 : i32
      %add3A_421 = arith.addi %mul3A_419, %add3A_420 : i32
      %dma_start3A_422 = arith.constant 1 : i32
      %dma_start3A_423 = arith.constant 0 : i32
      %dma_start3A_424 = tpu.memref_slice %arg11[%dma_start3A_422, %add3A_421, %dma_start3A_423] : memref<2x128x50xf32, #tpu.memory_space<vmem>> -> memref<1x1x50xf32, #tpu.memory_space<vmem>>
      %dma_start3A_425 = tpu.memref_squeeze %dma_start3A_424 : memref<1x1x50xf32, #tpu.memory_space<vmem>> -> memref<50xf32, #tpu.memory_space<vmem>>
      %dma_start3A_426 = arith.constant 0 : i32
      %dma_start3A_427 = tpu.memref_slice %arg5[%squeeze3A_417, %dma_start3A_426] : memref<100000x50xf32, #tpu.memory_space<hbm>> -> memref<1x50xf32, #tpu.memory_space<hbm>>
      %dma_start3A_428 = tpu.memref_squeeze %dma_start3A_427 : memref<1x50xf32, #tpu.memory_space<hbm>> -> memref<50xf32, #tpu.memory_space<hbm>>
      %dma_start3A_429 = arith.constant 0 : i32
      %dma_start3A_430 = tpu.memref_slice %arg11[%dma_start3A_422, %add3A_421, %dma_start3A_429] : memref<2x128x50xf32, #tpu.memory_space<vmem>> -> memref<1x1x50xf32, #tpu.memory_space<vmem>>
      %dma_start3A_431 = tpu.memref_squeeze %dma_start3A_430 : memref<1x1x50xf32, #tpu.memory_space<vmem>> -> memref<50xf32, #tpu.memory_space<vmem>>
      %dma_start3A_432 = arith.constant 0 : i32
      %dma_start3A_433 = tpu.memref_slice %arg5[%squeeze3A_417, %dma_start3A_432] : memref<100000x50xf32, #tpu.memory_space<hbm>> -> memref<1x50xf32, #tpu.memory_space<hbm>>
      %dma_start3A_434 = tpu.memref_squeeze %dma_start3A_433 : memref<1x50xf32, #tpu.memory_space<hbm>> -> memref<50xf32, #tpu.memory_space<hbm>>
      tpu.enqueue_dma source(%dma_start3A_434 : memref<50xf32, #tpu.memory_space<hbm>>) target(%dma_start3A_431 : memref<50xf32, #tpu.memory_space<vmem>>) target_semaphore(%arg15 : memref<!tpu.dma_semaphore, #tpu.memory_space<semaphore_mem>>)
      %slice3A_435 = vector.extract_strided_slice %get3A_88 {offsets = [9], sizes = [1], strides = [1]} : vector<16xi32> to vector<1xi32>
      %squeeze3A_436 = vector.extract %slice3A_435[0] : i32 from vector<1xi32>
      %mul3A_437 = arith.constant 16 : i32
      %mul3A_438 = arith.muli %scan3A_81, %mul3A_437 : i32
      %add3A_439 = arith.constant 9 : i32
      %add3A_440 = arith.addi %mul3A_438, %add3A_439 : i32
      %dma_start3A_441 = arith.constant 1 : i32
      %dma_start3A_442 = arith.constant 0 : i32
      %dma_start3A_443 = tpu.memref_slice %arg10[%dma_start3A_441, %add3A_440, %dma_start3A_442] : memref<2x128x50xf32, #tpu.memory_space<vmem>> -> memref<1x1x50xf32, #tpu.memory_space<vmem>>
      %dma_start3A_444 = tpu.memref_squeeze %dma_start3A_443 : memref<1x1x50xf32, #tpu.memory_space<vmem>> -> memref<50xf32, #tpu.memory_space<vmem>>
      %dma_start3A_445 = arith.constant 0 : i32
      %dma_start3A_446 = tpu.memref_slice %arg4[%squeeze3A_436, %dma_start3A_445] : memref<100000x50xf32, #tpu.memory_space<hbm>> -> memref<1x50xf32, #tpu.memory_space<hbm>>
      %dma_start3A_447 = tpu.memref_squeeze %dma_start3A_446 : memref<1x50xf32, #tpu.memory_space<hbm>> -> memref<50xf32, #tpu.memory_space<hbm>>
      %dma_start3A_448 = arith.constant 0 : i32
      %dma_start3A_449 = tpu.memref_slice %arg10[%dma_start3A_441, %add3A_440, %dma_start3A_448] : memref<2x128x50xf32, #tpu.memory_space<vmem>> -> memref<1x1x50xf32, #tpu.memory_space<vmem>>
      %dma_start3A_450 = tpu.memref_squeeze %dma_start3A_449 : memref<1x1x50xf32, #tpu.memory_space<vmem>> -> memref<50xf32, #tpu.memory_space<vmem>>
      %dma_start3A_451 = arith.constant 0 : i32
      %dma_start3A_452 = tpu.memref_slice %arg4[%squeeze3A_436, %dma_start3A_451] : memref<100000x50xf32, #tpu.memory_space<hbm>> -> memref<1x50xf32, #tpu.memory_space<hbm>>
      %dma_start3A_453 = tpu.memref_squeeze %dma_start3A_452 : memref<1x50xf32, #tpu.memory_space<hbm>> -> memref<50xf32, #tpu.memory_space<hbm>>
      tpu.enqueue_dma source(%dma_start3A_453 : memref<50xf32, #tpu.memory_space<hbm>>) target(%dma_start3A_450 : memref<50xf32, #tpu.memory_space<vmem>>) target_semaphore(%arg13 : memref<!tpu.dma_semaphore, #tpu.memory_space<semaphore_mem>>)
      %slice3A_454 = vector.extract_strided_slice %get3A_95 {offsets = [9], sizes = [1], strides = [1]} : vector<16xi32> to vector<1xi32>
      %squeeze3A_455 = vector.extract %slice3A_454[0] : i32 from vector<1xi32>
      %mul3A_456 = arith.constant 16 : i32
      %mul3A_457 = arith.muli %scan3A_81, %mul3A_456 : i32
      %add3A_458 = arith.constant 9 : i32
      %add3A_459 = arith.addi %mul3A_457, %add3A_458 : i32
      %dma_start3A_460 = arith.constant 1 : i32
      %dma_start3A_461 = arith.constant 0 : i32
      %dma_start3A_462 = tpu.memref_slice %arg11[%dma_start3A_460, %add3A_459, %dma_start3A_461] : memref<2x128x50xf32, #tpu.memory_space<vmem>> -> memref<1x1x50xf32, #tpu.memory_space<vmem>>
      %dma_start3A_463 = tpu.memref_squeeze %dma_start3A_462 : memref<1x1x50xf32, #tpu.memory_space<vmem>> -> memref<50xf32, #tpu.memory_space<vmem>>
      %dma_start3A_464 = arith.constant 0 : i32
      %dma_start3A_465 = tpu.memref_slice %arg5[%squeeze3A_455, %dma_start3A_464] : memref<100000x50xf32, #tpu.memory_space<hbm>> -> memref<1x50xf32, #tpu.memory_space<hbm>>
      %dma_start3A_466 = tpu.memref_squeeze %dma_start3A_465 : memref<1x50xf32, #tpu.memory_space<hbm>> -> memref<50xf32, #tpu.memory_space<hbm>>
      %dma_start3A_467 = arith.constant 0 : i32
      %dma_start3A_468 = tpu.memref_slice %arg11[%dma_start3A_460, %add3A_459, %dma_start3A_467] : memref<2x128x50xf32, #tpu.memory_space<vmem>> -> memref<1x1x50xf32, #tpu.memory_space<vmem>>
      %dma_start3A_469 = tpu.memref_squeeze %dma_start3A_468 : memref<1x1x50xf32, #tpu.memory_space<vmem>> -> memref<50xf32, #tpu.memory_space<vmem>>
      %dma_start3A_470 = arith.constant 0 : i32
      %dma_start3A_471 = tpu.memref_slice %arg5[%squeeze3A_455, %dma_start3A_470] : memref<100000x50xf32, #tpu.memory_space<hbm>> -> memref<1x50xf32, #tpu.memory_space<hbm>>
      %dma_start3A_472 = tpu.memref_squeeze %dma_start3A_471 : memref<1x50xf32, #tpu.memory_space<hbm>> -> memref<50xf32, #tpu.memory_space<hbm>>
      tpu.enqueue_dma source(%dma_start3A_472 : memref<50xf32, #tpu.memory_space<hbm>>) target(%dma_start3A_469 : memref<50xf32, #tpu.memory_space<vmem>>) target_semaphore(%arg15 : memref<!tpu.dma_semaphore, #tpu.memory_space<semaphore_mem>>)
      %slice3A_473 = vector.extract_strided_slice %get3A_88 {offsets = [10], sizes = [1], strides = [1]} : vector<16xi32> to vector<1xi32>
      %squeeze3A_474 = vector.extract %slice3A_473[0] : i32 from vector<1xi32>
      %mul3A_475 = arith.constant 16 : i32
      %mul3A_476 = arith.muli %scan3A_81, %mul3A_475 : i32
      %add3A_477 = arith.constant 10 : i32
      %add3A_478 = arith.addi %mul3A_476, %add3A_477 : i32
      %dma_start3A_479 = arith.constant 1 : i32
      %dma_start3A_480 = arith.constant 0 : i32
      %dma_start3A_481 = tpu.memref_slice %arg10[%dma_start3A_479, %add3A_478, %dma_start3A_480] : memref<2x128x50xf32, #tpu.memory_space<vmem>> -> memref<1x1x50xf32, #tpu.memory_space<vmem>>
      %dma_start3A_482 = tpu.memref_squeeze %dma_start3A_481 : memref<1x1x50xf32, #tpu.memory_space<vmem>> -> memref<50xf32, #tpu.memory_space<vmem>>
      %dma_start3A_483 = arith.constant 0 : i32
      %dma_start3A_484 = tpu.memref_slice %arg4[%squeeze3A_474, %dma_start3A_483] : memref<100000x50xf32, #tpu.memory_space<hbm>> -> memref<1x50xf32, #tpu.memory_space<hbm>>
      %dma_start3A_485 = tpu.memref_squeeze %dma_start3A_484 : memref<1x50xf32, #tpu.memory_space<hbm>> -> memref<50xf32, #tpu.memory_space<hbm>>
      %dma_start3A_486 = arith.constant 0 : i32
      %dma_start3A_487 = tpu.memref_slice %arg10[%dma_start3A_479, %add3A_478, %dma_start3A_486] : memref<2x128x50xf32, #tpu.memory_space<vmem>> -> memref<1x1x50xf32, #tpu.memory_space<vmem>>
      %dma_start3A_488 = tpu.memref_squeeze %dma_start3A_487 : memref<1x1x50xf32, #tpu.memory_space<vmem>> -> memref<50xf32, #tpu.memory_space<vmem>>
      %dma_start3A_489 = arith.constant 0 : i32
      %dma_start3A_490 = tpu.memref_slice %arg4[%squeeze3A_474, %dma_start3A_489] : memref<100000x50xf32, #tpu.memory_space<hbm>> -> memref<1x50xf32, #tpu.memory_space<hbm>>
      %dma_start3A_491 = tpu.memref_squeeze %dma_start3A_490 : memref<1x50xf32, #tpu.memory_space<hbm>> -> memref<50xf32, #tpu.memory_space<hbm>>
      tpu.enqueue_dma source(%dma_start3A_491 : memref<50xf32, #tpu.memory_space<hbm>>) target(%dma_start3A_488 : memref<50xf32, #tpu.memory_space<vmem>>) target_semaphore(%arg13 : memref<!tpu.dma_semaphore, #tpu.memory_space<semaphore_mem>>)
      %slice3A_492 = vector.extract_strided_slice %get3A_95 {offsets = [10], sizes = [1], strides = [1]} : vector<16xi32> to vector<1xi32>
      %squeeze3A_493 = vector.extract %slice3A_492[0] : i32 from vector<1xi32>
      %mul3A_494 = arith.constant 16 : i32
      %mul3A_495 = arith.muli %scan3A_81, %mul3A_494 : i32
      %add3A_496 = arith.constant 10 : i32
      %add3A_497 = arith.addi %mul3A_495, %add3A_496 : i32
      %dma_start3A_498 = arith.constant 1 : i32
      %dma_start3A_499 = arith.constant 0 : i32
      %dma_start3A_500 = tpu.memref_slice %arg11[%dma_start3A_498, %add3A_497, %dma_start3A_499] : memref<2x128x50xf32, #tpu.memory_space<vmem>> -> memref<1x1x50xf32, #tpu.memory_space<vmem>>
      %dma_start3A_501 = tpu.memref_squeeze %dma_start3A_500 : memref<1x1x50xf32, #tpu.memory_space<vmem>> -> memref<50xf32, #tpu.memory_space<vmem>>
      %dma_start3A_502 = arith.constant 0 : i32
      %dma_start3A_503 = tpu.memref_slice %arg5[%squeeze3A_493, %dma_start3A_502] : memref<100000x50xf32, #tpu.memory_space<hbm>> -> memref<1x50xf32, #tpu.memory_space<hbm>>
      %dma_start3A_504 = tpu.memref_squeeze %dma_start3A_503 : memref<1x50xf32, #tpu.memory_space<hbm>> -> memref<50xf32, #tpu.memory_space<hbm>>
      %dma_start3A_505 = arith.constant 0 : i32
      %dma_start3A_506 = tpu.memref_slice %arg11[%dma_start3A_498, %add3A_497, %dma_start3A_505] : memref<2x128x50xf32, #tpu.memory_space<vmem>> -> memref<1x1x50xf32, #tpu.memory_space<vmem>>
      %dma_start3A_507 = tpu.memref_squeeze %dma_start3A_506 : memref<1x1x50xf32, #tpu.memory_space<vmem>> -> memref<50xf32, #tpu.memory_space<vmem>>
      %dma_start3A_508 = arith.constant 0 : i32
      %dma_start3A_509 = tpu.memref_slice %arg5[%squeeze3A_493, %dma_start3A_508] : memref<100000x50xf32, #tpu.memory_space<hbm>> -> memref<1x50xf32, #tpu.memory_space<hbm>>
      %dma_start3A_510 = tpu.memref_squeeze %dma_start3A_509 : memref<1x50xf32, #tpu.memory_space<hbm>> -> memref<50xf32, #tpu.memory_space<hbm>>
      tpu.enqueue_dma source(%dma_start3A_510 : memref<50xf32, #tpu.memory_space<hbm>>) target(%dma_start3A_507 : memref<50xf32, #tpu.memory_space<vmem>>) target_semaphore(%arg15 : memref<!tpu.dma_semaphore, #tpu.memory_space<semaphore_mem>>)
      %slice3A_511 = vector.extract_strided_slice %get3A_88 {offsets = [11], sizes = [1], strides = [1]} : vector<16xi32> to vector<1xi32>
      %squeeze3A_512 = vector.extract %slice3A_511[0] : i32 from vector<1xi32>
      %mul3A_513 = arith.constant 16 : i32
      %mul3A_514 = arith.muli %scan3A_81, %mul3A_513 : i32
      %add3A_515 = arith.constant 11 : i32
      %add3A_516 = arith.addi %mul3A_514, %add3A_515 : i32
      %dma_start3A_517 = arith.constant 1 : i32
      %dma_start3A_518 = arith.constant 0 : i32
      %dma_start3A_519 = tpu.memref_slice %arg10[%dma_start3A_517, %add3A_516, %dma_start3A_518] : memref<2x128x50xf32, #tpu.memory_space<vmem>> -> memref<1x1x50xf32, #tpu.memory_space<vmem>>
      %dma_start3A_520 = tpu.memref_squeeze %dma_start3A_519 : memref<1x1x50xf32, #tpu.memory_space<vmem>> -> memref<50xf32, #tpu.memory_space<vmem>>
      %dma_start3A_521 = arith.constant 0 : i32
      %dma_start3A_522 = tpu.memref_slice %arg4[%squeeze3A_512, %dma_start3A_521] : memref<100000x50xf32, #tpu.memory_space<hbm>> -> memref<1x50xf32, #tpu.memory_space<hbm>>
      %dma_start3A_523 = tpu.memref_squeeze %dma_start3A_522 : memref<1x50xf32, #tpu.memory_space<hbm>> -> memref<50xf32, #tpu.memory_space<hbm>>
      %dma_start3A_524 = arith.constant 0 : i32
      %dma_start3A_525 = tpu.memref_slice %arg10[%dma_start3A_517, %add3A_516, %dma_start3A_524] : memref<2x128x50xf32, #tpu.memory_space<vmem>> -> memref<1x1x50xf32, #tpu.memory_space<vmem>>
      %dma_start3A_526 = tpu.memref_squeeze %dma_start3A_525 : memref<1x1x50xf32, #tpu.memory_space<vmem>> -> memref<50xf32, #tpu.memory_space<vmem>>
      %dma_start3A_527 = arith.constant 0 : i32
      %dma_start3A_528 = tpu.memref_slice %arg4[%squeeze3A_512, %dma_start3A_527] : memref<100000x50xf32, #tpu.memory_space<hbm>> -> memref<1x50xf32, #tpu.memory_space<hbm>>
      %dma_start3A_529 = tpu.memref_squeeze %dma_start3A_528 : memref<1x50xf32, #tpu.memory_space<hbm>> -> memref<50xf32, #tpu.memory_space<hbm>>
      tpu.enqueue_dma source(%dma_start3A_529 : memref<50xf32, #tpu.memory_space<hbm>>) target(%dma_start3A_526 : memref<50xf32, #tpu.memory_space<vmem>>) target_semaphore(%arg13 : memref<!tpu.dma_semaphore, #tpu.memory_space<semaphore_mem>>)
      %slice3A_530 = vector.extract_strided_slice %get3A_95 {offsets = [11], sizes = [1], strides = [1]} : vector<16xi32> to vector<1xi32>
      %squeeze3A_531 = vector.extract %slice3A_530[0] : i32 from vector<1xi32>
      %mul3A_532 = arith.constant 16 : i32
      %mul3A_533 = arith.muli %scan3A_81, %mul3A_532 : i32
      %add3A_534 = arith.constant 11 : i32
      %add3A_535 = arith.addi %mul3A_533, %add3A_534 : i32
      %dma_start3A_536 = arith.constant 1 : i32
      %dma_start3A_537 = arith.constant 0 : i32
      %dma_start3A_538 = tpu.memref_slice %arg11[%dma_start3A_536, %add3A_535, %dma_start3A_537] : memref<2x128x50xf32, #tpu.memory_space<vmem>> -> memref<1x1x50xf32, #tpu.memory_space<vmem>>
      %dma_start3A_539 = tpu.memref_squeeze %dma_start3A_538 : memref<1x1x50xf32, #tpu.memory_space<vmem>> -> memref<50xf32, #tpu.memory_space<vmem>>
      %dma_start3A_540 = arith.constant 0 : i32
      %dma_start3A_541 = tpu.memref_slice %arg5[%squeeze3A_531, %dma_start3A_540] : memref<100000x50xf32, #tpu.memory_space<hbm>> -> memref<1x50xf32, #tpu.memory_space<hbm>>
      %dma_start3A_542 = tpu.memref_squeeze %dma_start3A_541 : memref<1x50xf32, #tpu.memory_space<hbm>> -> memref<50xf32, #tpu.memory_space<hbm>>
      %dma_start3A_543 = arith.constant 0 : i32
      %dma_start3A_544 = tpu.memref_slice %arg11[%dma_start3A_536, %add3A_535, %dma_start3A_543] : memref<2x128x50xf32, #tpu.memory_space<vmem>> -> memref<1x1x50xf32, #tpu.memory_space<vmem>>
      %dma_start3A_545 = tpu.memref_squeeze %dma_start3A_544 : memref<1x1x50xf32, #tpu.memory_space<vmem>> -> memref<50xf32, #tpu.memory_space<vmem>>
      %dma_start3A_546 = arith.constant 0 : i32
      %dma_start3A_547 = tpu.memref_slice %arg5[%squeeze3A_531, %dma_start3A_546] : memref<100000x50xf32, #tpu.memory_space<hbm>> -> memref<1x50xf32, #tpu.memory_space<hbm>>
      %dma_start3A_548 = tpu.memref_squeeze %dma_start3A_547 : memref<1x50xf32, #tpu.memory_space<hbm>> -> memref<50xf32, #tpu.memory_space<hbm>>
      tpu.enqueue_dma source(%dma_start3A_548 : memref<50xf32, #tpu.memory_space<hbm>>) target(%dma_start3A_545 : memref<50xf32, #tpu.memory_space<vmem>>) target_semaphore(%arg15 : memref<!tpu.dma_semaphore, #tpu.memory_space<semaphore_mem>>)
      %slice3A_549 = vector.extract_strided_slice %get3A_88 {offsets = [12], sizes = [1], strides = [1]} : vector<16xi32> to vector<1xi32>
      %squeeze3A_550 = vector.extract %slice3A_549[0] : i32 from vector<1xi32>
      %mul3A_551 = arith.constant 16 : i32
      %mul3A_552 = arith.muli %scan3A_81, %mul3A_551 : i32
      %add3A_553 = arith.constant 12 : i32
      %add3A_554 = arith.addi %mul3A_552, %add3A_553 : i32
      %dma_start3A_555 = arith.constant 1 : i32
      %dma_start3A_556 = arith.constant 0 : i32
      %dma_start3A_557 = tpu.memref_slice %arg10[%dma_start3A_555, %add3A_554, %dma_start3A_556] : memref<2x128x50xf32, #tpu.memory_space<vmem>> -> memref<1x1x50xf32, #tpu.memory_space<vmem>>
      %dma_start3A_558 = tpu.memref_squeeze %dma_start3A_557 : memref<1x1x50xf32, #tpu.memory_space<vmem>> -> memref<50xf32, #tpu.memory_space<vmem>>
      %dma_start3A_559 = arith.constant 0 : i32
      %dma_start3A_560 = tpu.memref_slice %arg4[%squeeze3A_550, %dma_start3A_559] : memref<100000x50xf32, #tpu.memory_space<hbm>> -> memref<1x50xf32, #tpu.memory_space<hbm>>
      %dma_start3A_561 = tpu.memref_squeeze %dma_start3A_560 : memref<1x50xf32, #tpu.memory_space<hbm>> -> memref<50xf32, #tpu.memory_space<hbm>>
      %dma_start3A_562 = arith.constant 0 : i32
      %dma_start3A_563 = tpu.memref_slice %arg10[%dma_start3A_555, %add3A_554, %dma_start3A_562] : memref<2x128x50xf32, #tpu.memory_space<vmem>> -> memref<1x1x50xf32, #tpu.memory_space<vmem>>
      %dma_start3A_564 = tpu.memref_squeeze %dma_start3A_563 : memref<1x1x50xf32, #tpu.memory_space<vmem>> -> memref<50xf32, #tpu.memory_space<vmem>>
      %dma_start3A_565 = arith.constant 0 : i32
      %dma_start3A_566 = tpu.memref_slice %arg4[%squeeze3A_550, %dma_start3A_565] : memref<100000x50xf32, #tpu.memory_space<hbm>> -> memref<1x50xf32, #tpu.memory_space<hbm>>
      %dma_start3A_567 = tpu.memref_squeeze %dma_start3A_566 : memref<1x50xf32, #tpu.memory_space<hbm>> -> memref<50xf32, #tpu.memory_space<hbm>>
      tpu.enqueue_dma source(%dma_start3A_567 : memref<50xf32, #tpu.memory_space<hbm>>) target(%dma_start3A_564 : memref<50xf32, #tpu.memory_space<vmem>>) target_semaphore(%arg13 : memref<!tpu.dma_semaphore, #tpu.memory_space<semaphore_mem>>)
      %slice3A_568 = vector.extract_strided_slice %get3A_95 {offsets = [12], sizes = [1], strides = [1]} : vector<16xi32> to vector<1xi32>
      %squeeze3A_569 = vector.extract %slice3A_568[0] : i32 from vector<1xi32>
      %mul3A_570 = arith.constant 16 : i32
      %mul3A_571 = arith.muli %scan3A_81, %mul3A_570 : i32
      %add3A_572 = arith.constant 12 : i32
      %add3A_573 = arith.addi %mul3A_571, %add3A_572 : i32
      %dma_start3A_574 = arith.constant 1 : i32
      %dma_start3A_575 = arith.constant 0 : i32
      %dma_start3A_576 = tpu.memref_slice %arg11[%dma_start3A_574, %add3A_573, %dma_start3A_575] : memref<2x128x50xf32, #tpu.memory_space<vmem>> -> memref<1x1x50xf32, #tpu.memory_space<vmem>>
      %dma_start3A_577 = tpu.memref_squeeze %dma_start3A_576 : memref<1x1x50xf32, #tpu.memory_space<vmem>> -> memref<50xf32, #tpu.memory_space<vmem>>
      %dma_start3A_578 = arith.constant 0 : i32
      %dma_start3A_579 = tpu.memref_slice %arg5[%squeeze3A_569, %dma_start3A_578] : memref<100000x50xf32, #tpu.memory_space<hbm>> -> memref<1x50xf32, #tpu.memory_space<hbm>>
      %dma_start3A_580 = tpu.memref_squeeze %dma_start3A_579 : memref<1x50xf32, #tpu.memory_space<hbm>> -> memref<50xf32, #tpu.memory_space<hbm>>
      %dma_start3A_581 = arith.constant 0 : i32
      %dma_start3A_582 = tpu.memref_slice %arg11[%dma_start3A_574, %add3A_573, %dma_start3A_581] : memref<2x128x50xf32, #tpu.memory_space<vmem>> -> memref<1x1x50xf32, #tpu.memory_space<vmem>>
      %dma_start3A_583 = tpu.memref_squeeze %dma_start3A_582 : memref<1x1x50xf32, #tpu.memory_space<vmem>> -> memref<50xf32, #tpu.memory_space<vmem>>
      %dma_start3A_584 = arith.constant 0 : i32
      %dma_start3A_585 = tpu.memref_slice %arg5[%squeeze3A_569, %dma_start3A_584] : memref<100000x50xf32, #tpu.memory_space<hbm>> -> memref<1x50xf32, #tpu.memory_space<hbm>>
      %dma_start3A_586 = tpu.memref_squeeze %dma_start3A_585 : memref<1x50xf32, #tpu.memory_space<hbm>> -> memref<50xf32, #tpu.memory_space<hbm>>
      tpu.enqueue_dma source(%dma_start3A_586 : memref<50xf32, #tpu.memory_space<hbm>>) target(%dma_start3A_583 : memref<50xf32, #tpu.memory_space<vmem>>) target_semaphore(%arg15 : memref<!tpu.dma_semaphore, #tpu.memory_space<semaphore_mem>>)
      %slice3A_587 = vector.extract_strided_slice %get3A_88 {offsets = [13], sizes = [1], strides = [1]} : vector<16xi32> to vector<1xi32>
      %squeeze3A_588 = vector.extract %slice3A_587[0] : i32 from vector<1xi32>
      %mul3A_589 = arith.constant 16 : i32
      %mul3A_590 = arith.muli %scan3A_81, %mul3A_589 : i32
      %add3A_591 = arith.constant 13 : i32
      %add3A_592 = arith.addi %mul3A_590, %add3A_591 : i32
      %dma_start3A_593 = arith.constant 1 : i32
      %dma_start3A_594 = arith.constant 0 : i32
      %dma_start3A_595 = tpu.memref_slice %arg10[%dma_start3A_593, %add3A_592, %dma_start3A_594] : memref<2x128x50xf32, #tpu.memory_space<vmem>> -> memref<1x1x50xf32, #tpu.memory_space<vmem>>
      %dma_start3A_596 = tpu.memref_squeeze %dma_start3A_595 : memref<1x1x50xf32, #tpu.memory_space<vmem>> -> memref<50xf32, #tpu.memory_space<vmem>>
      %dma_start3A_597 = arith.constant 0 : i32
      %dma_start3A_598 = tpu.memref_slice %arg4[%squeeze3A_588, %dma_start3A_597] : memref<100000x50xf32, #tpu.memory_space<hbm>> -> memref<1x50xf32, #tpu.memory_space<hbm>>
      %dma_start3A_599 = tpu.memref_squeeze %dma_start3A_598 : memref<1x50xf32, #tpu.memory_space<hbm>> -> memref<50xf32, #tpu.memory_space<hbm>>
      %dma_start3A_600 = arith.constant 0 : i32
      %dma_start3A_601 = tpu.memref_slice %arg10[%dma_start3A_593, %add3A_592, %dma_start3A_600] : memref<2x128x50xf32, #tpu.memory_space<vmem>> -> memref<1x1x50xf32, #tpu.memory_space<vmem>>
      %dma_start3A_602 = tpu.memref_squeeze %dma_start3A_601 : memref<1x1x50xf32, #tpu.memory_space<vmem>> -> memref<50xf32, #tpu.memory_space<vmem>>
      %dma_start3A_603 = arith.constant 0 : i32
      %dma_start3A_604 = tpu.memref_slice %arg4[%squeeze3A_588, %dma_start3A_603] : memref<100000x50xf32, #tpu.memory_space<hbm>> -> memref<1x50xf32, #tpu.memory_space<hbm>>
      %dma_start3A_605 = tpu.memref_squeeze %dma_start3A_604 : memref<1x50xf32, #tpu.memory_space<hbm>> -> memref<50xf32, #tpu.memory_space<hbm>>
      tpu.enqueue_dma source(%dma_start3A_605 : memref<50xf32, #tpu.memory_space<hbm>>) target(%dma_start3A_602 : memref<50xf32, #tpu.memory_space<vmem>>) target_semaphore(%arg13 : memref<!tpu.dma_semaphore, #tpu.memory_space<semaphore_mem>>)
      %slice3A_606 = vector.extract_strided_slice %get3A_95 {offsets = [13], sizes = [1], strides = [1]} : vector<16xi32> to vector<1xi32>
      %squeeze3A_607 = vector.extract %slice3A_606[0] : i32 from vector<1xi32>
      %mul3A_608 = arith.constant 16 : i32
      %mul3A_609 = arith.muli %scan3A_81, %mul3A_608 : i32
      %add3A_610 = arith.constant 13 : i32
      %add3A_611 = arith.addi %mul3A_609, %add3A_610 : i32
      %dma_start3A_612 = arith.constant 1 : i32
      %dma_start3A_613 = arith.constant 0 : i32
      %dma_start3A_614 = tpu.memref_slice %arg11[%dma_start3A_612, %add3A_611, %dma_start3A_613] : memref<2x128x50xf32, #tpu.memory_space<vmem>> -> memref<1x1x50xf32, #tpu.memory_space<vmem>>
      %dma_start3A_615 = tpu.memref_squeeze %dma_start3A_614 : memref<1x1x50xf32, #tpu.memory_space<vmem>> -> memref<50xf32, #tpu.memory_space<vmem>>
      %dma_start3A_616 = arith.constant 0 : i32
      %dma_start3A_617 = tpu.memref_slice %arg5[%squeeze3A_607, %dma_start3A_616] : memref<100000x50xf32, #tpu.memory_space<hbm>> -> memref<1x50xf32, #tpu.memory_space<hbm>>
      %dma_start3A_618 = tpu.memref_squeeze %dma_start3A_617 : memref<1x50xf32, #tpu.memory_space<hbm>> -> memref<50xf32, #tpu.memory_space<hbm>>
      %dma_start3A_619 = arith.constant 0 : i32
      %dma_start3A_620 = tpu.memref_slice %arg11[%dma_start3A_612, %add3A_611, %dma_start3A_619] : memref<2x128x50xf32, #tpu.memory_space<vmem>> -> memref<1x1x50xf32, #tpu.memory_space<vmem>>
      %dma_start3A_621 = tpu.memref_squeeze %dma_start3A_620 : memref<1x1x50xf32, #tpu.memory_space<vmem>> -> memref<50xf32, #tpu.memory_space<vmem>>
      %dma_start3A_622 = arith.constant 0 : i32
      %dma_start3A_623 = tpu.memref_slice %arg5[%squeeze3A_607, %dma_start3A_622] : memref<100000x50xf32, #tpu.memory_space<hbm>> -> memref<1x50xf32, #tpu.memory_space<hbm>>
      %dma_start3A_624 = tpu.memref_squeeze %dma_start3A_623 : memref<1x50xf32, #tpu.memory_space<hbm>> -> memref<50xf32, #tpu.memory_space<hbm>>
      tpu.enqueue_dma source(%dma_start3A_624 : memref<50xf32, #tpu.memory_space<hbm>>) target(%dma_start3A_621 : memref<50xf32, #tpu.memory_space<vmem>>) target_semaphore(%arg15 : memref<!tpu.dma_semaphore, #tpu.memory_space<semaphore_mem>>)
      %slice3A_625 = vector.extract_strided_slice %get3A_88 {offsets = [14], sizes = [1], strides = [1]} : vector<16xi32> to vector<1xi32>
      %squeeze3A_626 = vector.extract %slice3A_625[0] : i32 from vector<1xi32>
      %mul3A_627 = arith.constant 16 : i32
      %mul3A_628 = arith.muli %scan3A_81, %mul3A_627 : i32
      %add3A_629 = arith.constant 14 : i32
      %add3A_630 = arith.addi %mul3A_628, %add3A_629 : i32
      %dma_start3A_631 = arith.constant 1 : i32
      %dma_start3A_632 = arith.constant 0 : i32
      %dma_start3A_633 = tpu.memref_slice %arg10[%dma_start3A_631, %add3A_630, %dma_start3A_632] : memref<2x128x50xf32, #tpu.memory_space<vmem>> -> memref<1x1x50xf32, #tpu.memory_space<vmem>>
      %dma_start3A_634 = tpu.memref_squeeze %dma_start3A_633 : memref<1x1x50xf32, #tpu.memory_space<vmem>> -> memref<50xf32, #tpu.memory_space<vmem>>
      %dma_start3A_635 = arith.constant 0 : i32
      %dma_start3A_636 = tpu.memref_slice %arg4[%squeeze3A_626, %dma_start3A_635] : memref<100000x50xf32, #tpu.memory_space<hbm>> -> memref<1x50xf32, #tpu.memory_space<hbm>>
      %dma_start3A_637 = tpu.memref_squeeze %dma_start3A_636 : memref<1x50xf32, #tpu.memory_space<hbm>> -> memref<50xf32, #tpu.memory_space<hbm>>
      %dma_start3A_638 = arith.constant 0 : i32
      %dma_start3A_639 = tpu.memref_slice %arg10[%dma_start3A_631, %add3A_630, %dma_start3A_638] : memref<2x128x50xf32, #tpu.memory_space<vmem>> -> memref<1x1x50xf32, #tpu.memory_space<vmem>>
      %dma_start3A_640 = tpu.memref_squeeze %dma_start3A_639 : memref<1x1x50xf32, #tpu.memory_space<vmem>> -> memref<50xf32, #tpu.memory_space<vmem>>
      %dma_start3A_641 = arith.constant 0 : i32
      %dma_start3A_642 = tpu.memref_slice %arg4[%squeeze3A_626, %dma_start3A_641] : memref<100000x50xf32, #tpu.memory_space<hbm>> -> memref<1x50xf32, #tpu.memory_space<hbm>>
      %dma_start3A_643 = tpu.memref_squeeze %dma_start3A_642 : memref<1x50xf32, #tpu.memory_space<hbm>> -> memref<50xf32, #tpu.memory_space<hbm>>
      tpu.enqueue_dma source(%dma_start3A_643 : memref<50xf32, #tpu.memory_space<hbm>>) target(%dma_start3A_640 : memref<50xf32, #tpu.memory_space<vmem>>) target_semaphore(%arg13 : memref<!tpu.dma_semaphore, #tpu.memory_space<semaphore_mem>>)
      %slice3A_644 = vector.extract_strided_slice %get3A_95 {offsets = [14], sizes = [1], strides = [1]} : vector<16xi32> to vector<1xi32>
      %squeeze3A_645 = vector.extract %slice3A_644[0] : i32 from vector<1xi32>
      %mul3A_646 = arith.constant 16 : i32
      %mul3A_647 = arith.muli %scan3A_81, %mul3A_646 : i32
      %add3A_648 = arith.constant 14 : i32
      %add3A_649 = arith.addi %mul3A_647, %add3A_648 : i32
      %dma_start3A_650 = arith.constant 1 : i32
      %dma_start3A_651 = arith.constant 0 : i32
      %dma_start3A_652 = tpu.memref_slice %arg11[%dma_start3A_650, %add3A_649, %dma_start3A_651] : memref<2x128x50xf32, #tpu.memory_space<vmem>> -> memref<1x1x50xf32, #tpu.memory_space<vmem>>
      %dma_start3A_653 = tpu.memref_squeeze %dma_start3A_652 : memref<1x1x50xf32, #tpu.memory_space<vmem>> -> memref<50xf32, #tpu.memory_space<vmem>>
      %dma_start3A_654 = arith.constant 0 : i32
      %dma_start3A_655 = tpu.memref_slice %arg5[%squeeze3A_645, %dma_start3A_654] : memref<100000x50xf32, #tpu.memory_space<hbm>> -> memref<1x50xf32, #tpu.memory_space<hbm>>
      %dma_start3A_656 = tpu.memref_squeeze %dma_start3A_655 : memref<1x50xf32, #tpu.memory_space<hbm>> -> memref<50xf32, #tpu.memory_space<hbm>>
      %dma_start3A_657 = arith.constant 0 : i32
      %dma_start3A_658 = tpu.memref_slice %arg11[%dma_start3A_650, %add3A_649, %dma_start3A_657] : memref<2x128x50xf32, #tpu.memory_space<vmem>> -> memref<1x1x50xf32, #tpu.memory_space<vmem>>
      %dma_start3A_659 = tpu.memref_squeeze %dma_start3A_658 : memref<1x1x50xf32, #tpu.memory_space<vmem>> -> memref<50xf32, #tpu.memory_space<vmem>>
      %dma_start3A_660 = arith.constant 0 : i32
      %dma_start3A_661 = tpu.memref_slice %arg5[%squeeze3A_645, %dma_start3A_660] : memref<100000x50xf32, #tpu.memory_space<hbm>> -> memref<1x50xf32, #tpu.memory_space<hbm>>
      %dma_start3A_662 = tpu.memref_squeeze %dma_start3A_661 : memref<1x50xf32, #tpu.memory_space<hbm>> -> memref<50xf32, #tpu.memory_space<hbm>>
      tpu.enqueue_dma source(%dma_start3A_662 : memref<50xf32, #tpu.memory_space<hbm>>) target(%dma_start3A_659 : memref<50xf32, #tpu.memory_space<vmem>>) target_semaphore(%arg15 : memref<!tpu.dma_semaphore, #tpu.memory_space<semaphore_mem>>)
      %slice3A_663 = vector.extract_strided_slice %get3A_88 {offsets = [15], sizes = [1], strides = [1]} : vector<16xi32> to vector<1xi32>
      %squeeze3A_664 = vector.extract %slice3A_663[0] : i32 from vector<1xi32>
      %mul3A_665 = arith.constant 16 : i32
      %mul3A_666 = arith.muli %scan3A_81, %mul3A_665 : i32
      %add3A_667 = arith.constant 15 : i32
      %add3A_668 = arith.addi %mul3A_666, %add3A_667 : i32
      %dma_start3A_669 = arith.constant 1 : i32
      %dma_start3A_670 = arith.constant 0 : i32
      %dma_start3A_671 = tpu.memref_slice %arg10[%dma_start3A_669, %add3A_668, %dma_start3A_670] : memref<2x128x50xf32, #tpu.memory_space<vmem>> -> memref<1x1x50xf32, #tpu.memory_space<vmem>>
      %dma_start3A_672 = tpu.memref_squeeze %dma_start3A_671 : memref<1x1x50xf32, #tpu.memory_space<vmem>> -> memref<50xf32, #tpu.memory_space<vmem>>
      %dma_start3A_673 = arith.constant 0 : i32
      %dma_start3A_674 = tpu.memref_slice %arg4[%squeeze3A_664, %dma_start3A_673] : memref<100000x50xf32, #tpu.memory_space<hbm>> -> memref<1x50xf32, #tpu.memory_space<hbm>>
      %dma_start3A_675 = tpu.memref_squeeze %dma_start3A_674 : memref<1x50xf32, #tpu.memory_space<hbm>> -> memref<50xf32, #tpu.memory_space<hbm>>
      %dma_start3A_676 = arith.constant 0 : i32
      %dma_start3A_677 = tpu.memref_slice %arg10[%dma_start3A_669, %add3A_668, %dma_start3A_676] : memref<2x128x50xf32, #tpu.memory_space<vmem>> -> memref<1x1x50xf32, #tpu.memory_space<vmem>>
      %dma_start3A_678 = tpu.memref_squeeze %dma_start3A_677 : memref<1x1x50xf32, #tpu.memory_space<vmem>> -> memref<50xf32, #tpu.memory_space<vmem>>
      %dma_start3A_679 = arith.constant 0 : i32
      %dma_start3A_680 = tpu.memref_slice %arg4[%squeeze3A_664, %dma_start3A_679] : memref<100000x50xf32, #tpu.memory_space<hbm>> -> memref<1x50xf32, #tpu.memory_space<hbm>>
      %dma_start3A_681 = tpu.memref_squeeze %dma_start3A_680 : memref<1x50xf32, #tpu.memory_space<hbm>> -> memref<50xf32, #tpu.memory_space<hbm>>
      tpu.enqueue_dma source(%dma_start3A_681 : memref<50xf32, #tpu.memory_space<hbm>>) target(%dma_start3A_678 : memref<50xf32, #tpu.memory_space<vmem>>) target_semaphore(%arg13 : memref<!tpu.dma_semaphore, #tpu.memory_space<semaphore_mem>>)
      %slice3A_682 = vector.extract_strided_slice %get3A_95 {offsets = [15], sizes = [1], strides = [1]} : vector<16xi32> to vector<1xi32>
      %squeeze3A_683 = vector.extract %slice3A_682[0] : i32 from vector<1xi32>
      %mul3A_684 = arith.constant 16 : i32
      %mul3A_685 = arith.muli %scan3A_81, %mul3A_684 : i32
      %add3A_686 = arith.constant 15 : i32
      %add3A_687 = arith.addi %mul3A_685, %add3A_686 : i32
      %dma_start3A_688 = arith.constant 1 : i32
      %dma_start3A_689 = arith.constant 0 : i32
      %dma_start3A_690 = tpu.memref_slice %arg11[%dma_start3A_688, %add3A_687, %dma_start3A_689] : memref<2x128x50xf32, #tpu.memory_space<vmem>> -> memref<1x1x50xf32, #tpu.memory_space<vmem>>
      %dma_start3A_691 = tpu.memref_squeeze %dma_start3A_690 : memref<1x1x50xf32, #tpu.memory_space<vmem>> -> memref<50xf32, #tpu.memory_space<vmem>>
      %dma_start3A_692 = arith.constant 0 : i32
      %dma_start3A_693 = tpu.memref_slice %arg5[%squeeze3A_683, %dma_start3A_692] : memref<100000x50xf32, #tpu.memory_space<hbm>> -> memref<1x50xf32, #tpu.memory_space<hbm>>
      %dma_start3A_694 = tpu.memref_squeeze %dma_start3A_693 : memref<1x50xf32, #tpu.memory_space<hbm>> -> memref<50xf32, #tpu.memory_space<hbm>>
      %dma_start3A_695 = arith.constant 0 : i32
      %dma_start3A_696 = tpu.memref_slice %arg11[%dma_start3A_688, %add3A_687, %dma_start3A_695] : memref<2x128x50xf32, #tpu.memory_space<vmem>> -> memref<1x1x50xf32, #tpu.memory_space<vmem>>
      %dma_start3A_697 = tpu.memref_squeeze %dma_start3A_696 : memref<1x1x50xf32, #tpu.memory_space<vmem>> -> memref<50xf32, #tpu.memory_space<vmem>>
      %dma_start3A_698 = arith.constant 0 : i32
      %dma_start3A_699 = tpu.memref_slice %arg5[%squeeze3A_683, %dma_start3A_698] : memref<100000x50xf32, #tpu.memory_space<hbm>> -> memref<1x50xf32, #tpu.memory_space<hbm>>
      %dma_start3A_700 = tpu.memref_squeeze %dma_start3A_699 : memref<1x50xf32, #tpu.memory_space<hbm>> -> memref<50xf32, #tpu.memory_space<hbm>>
      tpu.enqueue_dma source(%dma_start3A_700 : memref<50xf32, #tpu.memory_space<hbm>>) target(%dma_start3A_697 : memref<50xf32, #tpu.memory_space<vmem>>) target_semaphore(%arg15 : memref<!tpu.dma_semaphore, #tpu.memory_space<semaphore_mem>>)
      %scan3A_701 = arith.constant 0 : i32
      scf.yield %scan3A_701 : i32
    }
    %scan3A_54 = arith.constant 8 : i32
    %scan3A_55 = arith.constant 0 : i32
    %scan3A_56 = arith.constant 0 : i32
    %scan3A_57 = arith.constant 128 : i32
    %scan3A_58 = arith.addi %scan3A_56, %scan3A_57 : i32
    %scan3A_59 = arith.constant 1 : i32
    %scan3A_60 = scf.for %scan3A_81 = %scan3A_56 to %scan3A_58 step %scan3A_59 iter_args(%scan3A_82 = %scan3A_55) -> (i32)  : i32 {
      %dma_wait3A = arith.constant 0 : i32
      %dma_wait3A_83 = arith.constant 0 : i32
      %dma_wait3A_84 = arith.constant 0 : i32
      %dma_wait3A_85 = arith.constant 0 : i32
      %dma_wait3A_86 = tpu.memref_slice %arg10[%dma_wait3A_83, %dma_wait3A_84, %dma_wait3A_85] : memref<2x128x50xf32, #tpu.memory_space<vmem>> -> memref<1x1x50xf32, #tpu.memory_space<vmem>>
      %dma_wait3A_87 = tpu.memref_squeeze %dma_wait3A_86 : memref<1x1x50xf32, #tpu.memory_space<vmem>> -> memref<50xf32, #tpu.memory_space<vmem>>
      %dma_wait3A_88 = arith.constant 0 : i32
      %dma_wait3A_89 = tpu.memref_slice %arg4[%dma_wait3A, %dma_wait3A_88] : memref<100000x50xf32, #tpu.memory_space<hbm>> -> memref<1x50xf32, #tpu.memory_space<hbm>>
      %dma_wait3A_90 = tpu.memref_squeeze %dma_wait3A_89 : memref<1x50xf32, #tpu.memory_space<hbm>> -> memref<50xf32, #tpu.memory_space<hbm>>
      %dma_wait3A_91 = arith.constant 0 : i32
      %dma_wait3A_92 = tpu.memref_slice %arg10[%dma_wait3A_83, %dma_wait3A_84, %dma_wait3A_91] : memref<2x128x50xf32, #tpu.memory_space<vmem>> -> memref<1x1x50xf32, #tpu.memory_space<vmem>>
      %dma_wait3A_93 = tpu.memref_squeeze %dma_wait3A_92 : memref<1x1x50xf32, #tpu.memory_space<vmem>> -> memref<50xf32, #tpu.memory_space<vmem>>
      %dma_wait3A_94 = arith.constant 0 : i32
      %dma_wait3A_95 = tpu.memref_slice %arg4[%dma_wait3A, %dma_wait3A_94] : memref<100000x50xf32, #tpu.memory_space<hbm>> -> memref<1x50xf32, #tpu.memory_space<hbm>>
      %dma_wait3A_96 = tpu.memref_squeeze %dma_wait3A_95 : memref<1x50xf32, #tpu.memory_space<hbm>> -> memref<50xf32, #tpu.memory_space<hbm>>
      tpu.wait_dma2 semaphore(%arg12 : memref<!tpu.dma_semaphore, #tpu.memory_space<semaphore_mem>>) src(%dma_wait3A_96 : memref<50xf32, #tpu.memory_space<hbm>>) dst(%dma_wait3A_93 : memref<50xf32, #tpu.memory_space<vmem>>)
      %dma_wait3A_97 = arith.constant 0 : i32
      %dma_wait3A_98 = arith.constant 0 : i32
      %dma_wait3A_99 = arith.constant 0 : i32
      %dma_wait3A_100 = arith.constant 0 : i32
      %dma_wait3A_101 = tpu.memref_slice %arg11[%dma_wait3A_98, %dma_wait3A_99, %dma_wait3A_100] : memref<2x128x50xf32, #tpu.memory_space<vmem>> -> memref<1x1x50xf32, #tpu.memory_space<vmem>>
      %dma_wait3A_102 = tpu.memref_squeeze %dma_wait3A_101 : memref<1x1x50xf32, #tpu.memory_space<vmem>> -> memref<50xf32, #tpu.memory_space<vmem>>
      %dma_wait3A_103 = arith.constant 0 : i32
      %dma_wait3A_104 = tpu.memref_slice %arg5[%dma_wait3A_97, %dma_wait3A_103] : memref<100000x50xf32, #tpu.memory_space<hbm>> -> memref<1x50xf32, #tpu.memory_space<hbm>>
      %dma_wait3A_105 = tpu.memref_squeeze %dma_wait3A_104 : memref<1x50xf32, #tpu.memory_space<hbm>> -> memref<50xf32, #tpu.memory_space<hbm>>
      %dma_wait3A_106 = arith.constant 0 : i32
      %dma_wait3A_107 = tpu.memref_slice %arg11[%dma_wait3A_98, %dma_wait3A_99, %dma_wait3A_106] : memref<2x128x50xf32, #tpu.memory_space<vmem>> -> memref<1x1x50xf32, #tpu.memory_space<vmem>>
      %dma_wait3A_108 = tpu.memref_squeeze %dma_wait3A_107 : memref<1x1x50xf32, #tpu.memory_space<vmem>> -> memref<50xf32, #tpu.memory_space<vmem>>
      %dma_wait3A_109 = arith.constant 0 : i32
      %dma_wait3A_110 = tpu.memref_slice %arg5[%dma_wait3A_97, %dma_wait3A_109] : memref<100000x50xf32, #tpu.memory_space<hbm>> -> memref<1x50xf32, #tpu.memory_space<hbm>>
      %dma_wait3A_111 = tpu.memref_squeeze %dma_wait3A_110 : memref<1x50xf32, #tpu.memory_space<hbm>> -> memref<50xf32, #tpu.memory_space<hbm>>
      tpu.wait_dma2 semaphore(%arg14 : memref<!tpu.dma_semaphore, #tpu.memory_space<semaphore_mem>>) src(%dma_wait3A_111 : memref<50xf32, #tpu.memory_space<hbm>>) dst(%dma_wait3A_108 : memref<50xf32, #tpu.memory_space<vmem>>)
      %scan3A_112 = arith.constant 0 : i32
      scf.yield %scan3A_112 : i32
    }
    %scan3A_61 = arith.constant 128 : i32
    %add3A_62 = arith.constant 256 : i32
    %add3A_63 = arith.addi %mul3A_2, %add3A_62 : i32
    %run_scoped3A_64 = arith.constant 0 : i32
    "tpu.region"() ({
      %run_scoped3A_81 = tpu.sem_alloc : memref<!tpu.dma_semaphore, #tpu.memory_space<semaphore_mem>>
      %dma_start3A = arith.constant 0 : i32
      %dma_start3A_82 = arith.constant 0 : i32
      %dma_start3A_83 = tpu.memref_slice %arg10[%run_scoped3A_64, %dma_start3A, %dma_start3A_82] : memref<2x128x50xf32, #tpu.memory_space<vmem>> -> memref<1x128x50xf32, #tpu.memory_space<vmem>>
      %dma_start3A_84 = tpu.memref_squeeze %dma_start3A_83 : memref<1x128x50xf32, #tpu.memory_space<vmem>> -> memref<128x50xf32, #tpu.memory_space<vmem>>
      %dma_start3A_85 = arith.constant 0 : i32
      %dma_start3A_86 = tpu.memref_slice %arg6[%add3A_63, %dma_start3A_85] : memref<16384x50xf32, #tpu.memory_space<hbm>> -> memref<128x50xf32, #tpu.memory_space<hbm>>
      %dma_start3A_87 = arith.constant 0 : i32
      %dma_start3A_88 = tpu.memref_slice %arg6[%add3A_63, %dma_start3A_87] : memref<16384x50xf32, #tpu.memory_space<hbm>> -> memref<128x50xf32, #tpu.memory_space<hbm>>
      %dma_start3A_89 = arith.constant 0 : i32
      %dma_start3A_90 = arith.constant 0 : i32
      %dma_start3A_91 = tpu.memref_slice %arg10[%run_scoped3A_64, %dma_start3A_89, %dma_start3A_90] : memref<2x128x50xf32, #tpu.memory_space<vmem>> -> memref<1x128x50xf32, #tpu.memory_space<vmem>>
      %dma_start3A_92 = tpu.memref_squeeze %dma_start3A_91 : memref<1x128x50xf32, #tpu.memory_space<vmem>> -> memref<128x50xf32, #tpu.memory_space<vmem>>
      tpu.enqueue_dma source(%dma_start3A_92 : memref<128x50xf32, #tpu.memory_space<vmem>>) target(%dma_start3A_88 : memref<128x50xf32, #tpu.memory_space<hbm>>) target_semaphore(%run_scoped3A_81 : memref<!tpu.dma_semaphore, #tpu.memory_space<semaphore_mem>>)
      %dma_wait3A = arith.constant 0 : i32
      %dma_wait3A_93 = arith.constant 0 : i32
      %dma_wait3A_94 = tpu.memref_slice %arg10[%run_scoped3A_64, %dma_wait3A, %dma_wait3A_93] : memref<2x128x50xf32, #tpu.memory_space<vmem>> -> memref<1x128x50xf32, #tpu.memory_space<vmem>>
      %dma_wait3A_95 = tpu.memref_squeeze %dma_wait3A_94 : memref<1x128x50xf32, #tpu.memory_space<vmem>> -> memref<128x50xf32, #tpu.memory_space<vmem>>
      %dma_wait3A_96 = arith.constant 0 : i32
      %dma_wait3A_97 = tpu.memref_slice %arg6[%add3A_63, %dma_wait3A_96] : memref<16384x50xf32, #tpu.memory_space<hbm>> -> memref<128x50xf32, #tpu.memory_space<hbm>>
      %dma_wait3A_98 = arith.constant 0 : i32
      %dma_wait3A_99 = tpu.memref_slice %arg6[%add3A_63, %dma_wait3A_98] : memref<16384x50xf32, #tpu.memory_space<hbm>> -> memref<128x50xf32, #tpu.memory_space<hbm>>
      %dma_wait3A_100 = arith.constant 0 : i32
      %dma_wait3A_101 = arith.constant 0 : i32
      %dma_wait3A_102 = tpu.memref_slice %arg10[%run_scoped3A_64, %dma_wait3A_100, %dma_wait3A_101] : memref<2x128x50xf32, #tpu.memory_space<vmem>> -> memref<1x128x50xf32, #tpu.memory_space<vmem>>
      %dma_wait3A_103 = tpu.memref_squeeze %dma_wait3A_102 : memref<1x128x50xf32, #tpu.memory_space<vmem>> -> memref<128x50xf32, #tpu.memory_space<vmem>>
      tpu.wait_dma2 semaphore(%run_scoped3A_81 : memref<!tpu.dma_semaphore, #tpu.memory_space<semaphore_mem>>) src(%dma_wait3A_103 : memref<128x50xf32, #tpu.memory_space<vmem>>) dst(%dma_wait3A_99 : memref<128x50xf32, #tpu.memory_space<hbm>>)
      tpu.yield
    }) : () -> ()
    %add3A_65 = arith.constant 256 : i32
    %add3A_66 = arith.addi %mul3A_2, %add3A_65 : i32
    %run_scoped3A_67 = arith.constant 0 : i32
    "tpu.region"() ({
      %run_scoped3A_81 = tpu.sem_alloc : memref<!tpu.dma_semaphore, #tpu.memory_space<semaphore_mem>>
      %dma_start3A = arith.constant 0 : i32
      %dma_start3A_82 = arith.constant 0 : i32
      %dma_start3A_83 = tpu.memref_slice %arg11[%run_scoped3A_67, %dma_start3A, %dma_start3A_82] : memref<2x128x50xf32, #tpu.memory_space<vmem>> -> memref<1x128x50xf32, #tpu.memory_space<vmem>>
      %dma_start3A_84 = tpu.memref_squeeze %dma_start3A_83 : memref<1x128x50xf32, #tpu.memory_space<vmem>> -> memref<128x50xf32, #tpu.memory_space<vmem>>
      %dma_start3A_85 = arith.constant 0 : i32
      %dma_start3A_86 = tpu.memref_slice %arg7[%add3A_66, %dma_start3A_85] : memref<16384x50xf32, #tpu.memory_space<hbm>> -> memref<128x50xf32, #tpu.memory_space<hbm>>
      %dma_start3A_87 = arith.constant 0 : i32
      %dma_start3A_88 = tpu.memref_slice %arg7[%add3A_66, %dma_start3A_87] : memref<16384x50xf32, #tpu.memory_space<hbm>> -> memref<128x50xf32, #tpu.memory_space<hbm>>
      %dma_start3A_89 = arith.constant 0 : i32
      %dma_start3A_90 = arith.constant 0 : i32
      %dma_start3A_91 = tpu.memref_slice %arg11[%run_scoped3A_67, %dma_start3A_89, %dma_start3A_90] : memref<2x128x50xf32, #tpu.memory_space<vmem>> -> memref<1x128x50xf32, #tpu.memory_space<vmem>>
      %dma_start3A_92 = tpu.memref_squeeze %dma_start3A_91 : memref<1x128x50xf32, #tpu.memory_space<vmem>> -> memref<128x50xf32, #tpu.memory_space<vmem>>
      tpu.enqueue_dma source(%dma_start3A_92 : memref<128x50xf32, #tpu.memory_space<vmem>>) target(%dma_start3A_88 : memref<128x50xf32, #tpu.memory_space<hbm>>) target_semaphore(%run_scoped3A_81 : memref<!tpu.dma_semaphore, #tpu.memory_space<semaphore_mem>>)
      %dma_wait3A = arith.constant 0 : i32
      %dma_wait3A_93 = arith.constant 0 : i32
      %dma_wait3A_94 = tpu.memref_slice %arg11[%run_scoped3A_67, %dma_wait3A, %dma_wait3A_93] : memref<2x128x50xf32, #tpu.memory_space<vmem>> -> memref<1x128x50xf32, #tpu.memory_space<vmem>>
      %dma_wait3A_95 = tpu.memref_squeeze %dma_wait3A_94 : memref<1x128x50xf32, #tpu.memory_space<vmem>> -> memref<128x50xf32, #tpu.memory_space<vmem>>
      %dma_wait3A_96 = arith.constant 0 : i32
      %dma_wait3A_97 = tpu.memref_slice %arg7[%add3A_66, %dma_wait3A_96] : memref<16384x50xf32, #tpu.memory_space<hbm>> -> memref<128x50xf32, #tpu.memory_space<hbm>>
      %dma_wait3A_98 = arith.constant 0 : i32
      %dma_wait3A_99 = tpu.memref_slice %arg7[%add3A_66, %dma_wait3A_98] : memref<16384x50xf32, #tpu.memory_space<hbm>> -> memref<128x50xf32, #tpu.memory_space<hbm>>
      %dma_wait3A_100 = arith.constant 0 : i32
      %dma_wait3A_101 = arith.constant 0 : i32
      %dma_wait3A_102 = tpu.memref_slice %arg11[%run_scoped3A_67, %dma_wait3A_100, %dma_wait3A_101] : memref<2x128x50xf32, #tpu.memory_space<vmem>> -> memref<1x128x50xf32, #tpu.memory_space<vmem>>
      %dma_wait3A_103 = tpu.memref_squeeze %dma_wait3A_102 : memref<1x128x50xf32, #tpu.memory_space<vmem>> -> memref<128x50xf32, #tpu.memory_space<vmem>>
      tpu.wait_dma2 semaphore(%run_scoped3A_81 : memref<!tpu.dma_semaphore, #tpu.memory_space<semaphore_mem>>) src(%dma_wait3A_103 : memref<128x50xf32, #tpu.memory_space<vmem>>) dst(%dma_wait3A_99 : memref<128x50xf32, #tpu.memory_space<hbm>>)
      tpu.yield
    }) : () -> ()
    %scan3A_68 = arith.constant 0 : i32
    %scan3A_69 = arith.constant 0 : i32
    %scan3A_70 = arith.constant 128 : i32
    %scan3A_71 = arith.addi %scan3A_69, %scan3A_70 : i32
    %scan3A_72 = arith.constant 1 : i32
    %scan3A_73 = scf.for %scan3A_81 = %scan3A_69 to %scan3A_71 step %scan3A_72 iter_args(%scan3A_82 = %scan3A_68) -> (i32)  : i32 {
      %dma_wait3A = arith.constant 0 : i32
      %dma_wait3A_83 = arith.constant 0 : i32
      %dma_wait3A_84 = arith.constant 0 : i32
      %dma_wait3A_85 = arith.constant 0 : i32
      %dma_wait3A_86 = tpu.memref_slice %arg10[%dma_wait3A_83, %dma_wait3A_84, %dma_wait3A_85] : memref<2x128x50xf32, #tpu.memory_space<vmem>> -> memref<1x1x50xf32, #tpu.memory_space<vmem>>
      %dma_wait3A_87 = tpu.memref_squeeze %dma_wait3A_86 : memref<1x1x50xf32, #tpu.memory_space<vmem>> -> memref<50xf32, #tpu.memory_space<vmem>>
      %dma_wait3A_88 = arith.constant 0 : i32
      %dma_wait3A_89 = tpu.memref_slice %arg4[%dma_wait3A, %dma_wait3A_88] : memref<100000x50xf32, #tpu.memory_space<hbm>> -> memref<1x50xf32, #tpu.memory_space<hbm>>
      %dma_wait3A_90 = tpu.memref_squeeze %dma_wait3A_89 : memref<1x50xf32, #tpu.memory_space<hbm>> -> memref<50xf32, #tpu.memory_space<hbm>>
      %dma_wait3A_91 = arith.constant 0 : i32
      %dma_wait3A_92 = tpu.memref_slice %arg10[%dma_wait3A_83, %dma_wait3A_84, %dma_wait3A_91] : memref<2x128x50xf32, #tpu.memory_space<vmem>> -> memref<1x1x50xf32, #tpu.memory_space<vmem>>
      %dma_wait3A_93 = tpu.memref_squeeze %dma_wait3A_92 : memref<1x1x50xf32, #tpu.memory_space<vmem>> -> memref<50xf32, #tpu.memory_space<vmem>>
      %dma_wait3A_94 = arith.constant 0 : i32
      %dma_wait3A_95 = tpu.memref_slice %arg4[%dma_wait3A, %dma_wait3A_94] : memref<100000x50xf32, #tpu.memory_space<hbm>> -> memref<1x50xf32, #tpu.memory_space<hbm>>
      %dma_wait3A_96 = tpu.memref_squeeze %dma_wait3A_95 : memref<1x50xf32, #tpu.memory_space<hbm>> -> memref<50xf32, #tpu.memory_space<hbm>>
      tpu.wait_dma2 semaphore(%arg13 : memref<!tpu.dma_semaphore, #tpu.memory_space<semaphore_mem>>) src(%dma_wait3A_96 : memref<50xf32, #tpu.memory_space<hbm>>) dst(%dma_wait3A_93 : memref<50xf32, #tpu.memory_space<vmem>>)
      %dma_wait3A_97 = arith.constant 0 : i32
      %dma_wait3A_98 = arith.constant 0 : i32
      %dma_wait3A_99 = arith.constant 0 : i32
      %dma_wait3A_100 = arith.constant 0 : i32
      %dma_wait3A_101 = tpu.memref_slice %arg11[%dma_wait3A_98, %dma_wait3A_99, %dma_wait3A_100] : memref<2x128x50xf32, #tpu.memory_space<vmem>> -> memref<1x1x50xf32, #tpu.memory_space<vmem>>
      %dma_wait3A_102 = tpu.memref_squeeze %dma_wait3A_101 : memref<1x1x50xf32, #tpu.memory_space<vmem>> -> memref<50xf32, #tpu.memory_space<vmem>>
      %dma_wait3A_103 = arith.constant 0 : i32
      %dma_wait3A_104 = tpu.memref_slice %arg5[%dma_wait3A_97, %dma_wait3A_103] : memref<100000x50xf32, #tpu.memory_space<hbm>> -> memref<1x50xf32, #tpu.memory_space<hbm>>
      %dma_wait3A_105 = tpu.memref_squeeze %dma_wait3A_104 : memref<1x50xf32, #tpu.memory_space<hbm>> -> memref<50xf32, #tpu.memory_space<hbm>>
      %dma_wait3A_106 = arith.constant 0 : i32
      %dma_wait3A_107 = tpu.memref_slice %arg11[%dma_wait3A_98, %dma_wait3A_99, %dma_wait3A_106] : memref<2x128x50xf32, #tpu.memory_space<vmem>> -> memref<1x1x50xf32, #tpu.memory_space<vmem>>
      %dma_wait3A_108 = tpu.memref_squeeze %dma_wait3A_107 : memref<1x1x50xf32, #tpu.memory_space<vmem>> -> memref<50xf32, #tpu.memory_space<vmem>>
      %dma_wait3A_109 = arith.constant 0 : i32
      %dma_wait3A_110 = tpu.memref_slice %arg5[%dma_wait3A_97, %dma_wait3A_109] : memref<100000x50xf32, #tpu.memory_space<hbm>> -> memref<1x50xf32, #tpu.memory_space<hbm>>
      %dma_wait3A_111 = tpu.memref_squeeze %dma_wait3A_110 : memref<1x50xf32, #tpu.memory_space<hbm>> -> memref<50xf32, #tpu.memory_space<hbm>>
      tpu.wait_dma2 semaphore(%arg15 : memref<!tpu.dma_semaphore, #tpu.memory_space<semaphore_mem>>) src(%dma_wait3A_111 : memref<50xf32, #tpu.memory_space<hbm>>) dst(%dma_wait3A_108 : memref<50xf32, #tpu.memory_space<vmem>>)
      %scan3A_112 = arith.constant 0 : i32
      scf.yield %scan3A_112 : i32
    }
    %scan3A_74 = arith.constant 128 : i32
    %add3A_75 = arith.constant 384 : i32
    %add3A_76 = arith.addi %mul3A_2, %add3A_75 : i32
    %run_scoped3A_77 = arith.constant 1 : i32
    "tpu.region"() ({
      %run_scoped3A_81 = tpu.sem_alloc : memref<!tpu.dma_semaphore, #tpu.memory_space<semaphore_mem>>
      %dma_start3A = arith.constant 0 : i32
      %dma_start3A_82 = arith.constant 0 : i32
      %dma_start3A_83 = tpu.memref_slice %arg10[%run_scoped3A_77, %dma_start3A, %dma_start3A_82] : memref<2x128x50xf32, #tpu.memory_space<vmem>> -> memref<1x128x50xf32, #tpu.memory_space<vmem>>
      %dma_start3A_84 = tpu.memref_squeeze %dma_start3A_83 : memref<1x128x50xf32, #tpu.memory_space<vmem>> -> memref<128x50xf32, #tpu.memory_space<vmem>>
      %dma_start3A_85 = arith.constant 0 : i32
      %dma_start3A_86 = tpu.memref_slice %arg6[%add3A_76, %dma_start3A_85] : memref<16384x50xf32, #tpu.memory_space<hbm>> -> memref<128x50xf32, #tpu.memory_space<hbm>>
      %dma_start3A_87 = arith.constant 0 : i32
      %dma_start3A_88 = tpu.memref_slice %arg6[%add3A_76, %dma_start3A_87] : memref<16384x50xf32, #tpu.memory_space<hbm>> -> memref<128x50xf32, #tpu.memory_space<hbm>>
      %dma_start3A_89 = arith.constant 0 : i32
      %dma_start3A_90 = arith.constant 0 : i32
      %dma_start3A_91 = tpu.memref_slice %arg10[%run_scoped3A_77, %dma_start3A_89, %dma_start3A_90] : memref<2x128x50xf32, #tpu.memory_space<vmem>> -> memref<1x128x50xf32, #tpu.memory_space<vmem>>
      %dma_start3A_92 = tpu.memref_squeeze %dma_start3A_91 : memref<1x128x50xf32, #tpu.memory_space<vmem>> -> memref<128x50xf32, #tpu.memory_space<vmem>>
      tpu.enqueue_dma source(%dma_start3A_92 : memref<128x50xf32, #tpu.memory_space<vmem>>) target(%dma_start3A_88 : memref<128x50xf32, #tpu.memory_space<hbm>>) target_semaphore(%run_scoped3A_81 : memref<!tpu.dma_semaphore, #tpu.memory_space<semaphore_mem>>)
      %dma_wait3A = arith.constant 0 : i32
      %dma_wait3A_93 = arith.constant 0 : i32
      %dma_wait3A_94 = tpu.memref_slice %arg10[%run_scoped3A_77, %dma_wait3A, %dma_wait3A_93] : memref<2x128x50xf32, #tpu.memory_space<vmem>> -> memref<1x128x50xf32, #tpu.memory_space<vmem>>
      %dma_wait3A_95 = tpu.memref_squeeze %dma_wait3A_94 : memref<1x128x50xf32, #tpu.memory_space<vmem>> -> memref<128x50xf32, #tpu.memory_space<vmem>>
      %dma_wait3A_96 = arith.constant 0 : i32
      %dma_wait3A_97 = tpu.memref_slice %arg6[%add3A_76, %dma_wait3A_96] : memref<16384x50xf32, #tpu.memory_space<hbm>> -> memref<128x50xf32, #tpu.memory_space<hbm>>
      %dma_wait3A_98 = arith.constant 0 : i32
      %dma_wait3A_99 = tpu.memref_slice %arg6[%add3A_76, %dma_wait3A_98] : memref<16384x50xf32, #tpu.memory_space<hbm>> -> memref<128x50xf32, #tpu.memory_space<hbm>>
      %dma_wait3A_100 = arith.constant 0 : i32
      %dma_wait3A_101 = arith.constant 0 : i32
      %dma_wait3A_102 = tpu.memref_slice %arg10[%run_scoped3A_77, %dma_wait3A_100, %dma_wait3A_101] : memref<2x128x50xf32, #tpu.memory_space<vmem>> -> memref<1x128x50xf32, #tpu.memory_space<vmem>>
      %dma_wait3A_103 = tpu.memref_squeeze %dma_wait3A_102 : memref<1x128x50xf32, #tpu.memory_space<vmem>> -> memref<128x50xf32, #tpu.memory_space<vmem>>
      tpu.wait_dma2 semaphore(%run_scoped3A_81 : memref<!tpu.dma_semaphore, #tpu.memory_space<semaphore_mem>>) src(%dma_wait3A_103 : memref<128x50xf32, #tpu.memory_space<vmem>>) dst(%dma_wait3A_99 : memref<128x50xf32, #tpu.memory_space<hbm>>)
      tpu.yield
    }) : () -> ()
    %add3A_78 = arith.constant 384 : i32
    %add3A_79 = arith.addi %mul3A_2, %add3A_78 : i32
    %run_scoped3A_80 = arith.constant 1 : i32
    "tpu.region"() ({
      %run_scoped3A_81 = tpu.sem_alloc : memref<!tpu.dma_semaphore, #tpu.memory_space<semaphore_mem>>
      %dma_start3A = arith.constant 0 : i32
      %dma_start3A_82 = arith.constant 0 : i32
      %dma_start3A_83 = tpu.memref_slice %arg11[%run_scoped3A_80, %dma_start3A, %dma_start3A_82] : memref<2x128x50xf32, #tpu.memory_space<vmem>> -> memref<1x128x50xf32, #tpu.memory_space<vmem>>
      %dma_start3A_84 = tpu.memref_squeeze %dma_start3A_83 : memref<1x128x50xf32, #tpu.memory_space<vmem>> -> memref<128x50xf32, #tpu.memory_space<vmem>>
      %dma_start3A_85 = arith.constant 0 : i32
      %dma_start3A_86 = tpu.memref_slice %arg7[%add3A_79, %dma_start3A_85] : memref<16384x50xf32, #tpu.memory_space<hbm>> -> memref<128x50xf32, #tpu.memory_space<hbm>>
      %dma_start3A_87 = arith.constant 0 : i32
      %dma_start3A_88 = tpu.memref_slice %arg7[%add3A_79, %dma_start3A_87] : memref<16384x50xf32, #tpu.memory_space<hbm>> -> memref<128x50xf32, #tpu.memory_space<hbm>>
      %dma_start3A_89 = arith.constant 0 : i32
      %dma_start3A_90 = arith.constant 0 : i32
      %dma_start3A_91 = tpu.memref_slice %arg11[%run_scoped3A_80, %dma_start3A_89, %dma_start3A_90] : memref<2x128x50xf32, #tpu.memory_space<vmem>> -> memref<1x128x50xf32, #tpu.memory_space<vmem>>
      %dma_start3A_92 = tpu.memref_squeeze %dma_start3A_91 : memref<1x128x50xf32, #tpu.memory_space<vmem>> -> memref<128x50xf32, #tpu.memory_space<vmem>>
      tpu.enqueue_dma source(%dma_start3A_92 : memref<128x50xf32, #tpu.memory_space<vmem>>) target(%dma_start3A_88 : memref<128x50xf32, #tpu.memory_space<hbm>>) target_semaphore(%run_scoped3A_81 : memref<!tpu.dma_semaphore, #tpu.memory_space<semaphore_mem>>)
      %dma_wait3A = arith.constant 0 : i32
      %dma_wait3A_93 = arith.constant 0 : i32
      %dma_wait3A_94 = tpu.memref_slice %arg11[%run_scoped3A_80, %dma_wait3A, %dma_wait3A_93] : memref<2x128x50xf32, #tpu.memory_space<vmem>> -> memref<1x128x50xf32, #tpu.memory_space<vmem>>
      %dma_wait3A_95 = tpu.memref_squeeze %dma_wait3A_94 : memref<1x128x50xf32, #tpu.memory_space<vmem>> -> memref<128x50xf32, #tpu.memory_space<vmem>>
      %dma_wait3A_96 = arith.constant 0 : i32
      %dma_wait3A_97 = tpu.memref_slice %arg7[%add3A_79, %dma_wait3A_96] : memref<16384x50xf32, #tpu.memory_space<hbm>> -> memref<128x50xf32, #tpu.memory_space<hbm>>
      %dma_wait3A_98 = arith.constant 0 : i32
      %dma_wait3A_99 = tpu.memref_slice %arg7[%add3A_79, %dma_wait3A_98] : memref<16384x50xf32, #tpu.memory_space<hbm>> -> memref<128x50xf32, #tpu.memory_space<hbm>>
      %dma_wait3A_100 = arith.constant 0 : i32
      %dma_wait3A_101 = arith.constant 0 : i32
      %dma_wait3A_102 = tpu.memref_slice %arg11[%run_scoped3A_80, %dma_wait3A_100, %dma_wait3A_101] : memref<2x128x50xf32, #tpu.memory_space<vmem>> -> memref<1x128x50xf32, #tpu.memory_space<vmem>>
      %dma_wait3A_103 = tpu.memref_squeeze %dma_wait3A_102 : memref<1x128x50xf32, #tpu.memory_space<vmem>> -> memref<128x50xf32, #tpu.memory_space<vmem>>
      tpu.wait_dma2 semaphore(%run_scoped3A_81 : memref<!tpu.dma_semaphore, #tpu.memory_space<semaphore_mem>>) src(%dma_wait3A_103 : memref<128x50xf32, #tpu.memory_space<vmem>>) dst(%dma_wait3A_99 : memref<128x50xf32, #tpu.memory_space<hbm>>)
      tpu.yield
    }) : () -> ()
    return
  }
}

module attributes {stable_mosaic.version = 14 : i64} {
  func.func @_mlp_body(%arg0: i32, %arg1: memref<4096x50xf32, #tpu.memory_space<vmem>>, %arg2: memref<4096x50xf32, #tpu.memory_space<vmem>>, %arg3: memref<50x128xbf16, #tpu.memory_space<vmem>>, %arg4: memref<50x128xbf16, #tpu.memory_space<vmem>>, %arg5: memref<50x128xbf16, #tpu.memory_space<vmem>>, %arg6: memref<50x128xbf16, #tpu.memory_space<vmem>>, %arg7: memref<1x128xf32, #tpu.memory_space<vmem>>, %arg8: memref<128x256xbf16, #tpu.memory_space<vmem>>, %arg9: memref<128x256xbf16, #tpu.memory_space<vmem>>, %arg10: memref<1x256xf32, #tpu.memory_space<vmem>>, %arg11: memref<256x128xbf16, #tpu.memory_space<vmem>>, %arg12: memref<256x128xbf16, #tpu.memory_space<vmem>>, %arg13: memref<1x128xf32, #tpu.memory_space<vmem>>, %arg14: memref<1x128xf32, #tpu.memory_space<vmem>>, %arg15: memref<1x1xf32, #tpu.memory_space<vmem>>, %arg16: memref<4096x1xf32, #tpu.memory_space<vmem>>) attributes {dimension_semantics = [#tpu.dimension_semantics<arbitrary>], iteration_bounds = array<i64: 4>, scalar_prefetch = 0 : i64, scratch_operands = 0 : i64, tpu.core_type = #tpu.core_type<tc>, window_params = [{transform_indices = @transform_0, window_bounds = array<i64: 4096, 50>}, {transform_indices = @transform_1, window_bounds = array<i64: 4096, 50>}, {pipeline_mode = #tpu.pipeline_mode<synchronous>, transform_indices = @transform_2, window_bounds = array<i64: 50, 128>}, {pipeline_mode = #tpu.pipeline_mode<synchronous>, transform_indices = @transform_3, window_bounds = array<i64: 50, 128>}, {pipeline_mode = #tpu.pipeline_mode<synchronous>, transform_indices = @transform_4, window_bounds = array<i64: 50, 128>}, {pipeline_mode = #tpu.pipeline_mode<synchronous>, transform_indices = @transform_5, window_bounds = array<i64: 50, 128>}, {pipeline_mode = #tpu.pipeline_mode<synchronous>, transform_indices = @transform_6, window_bounds = array<i64: 1, 128>}, {pipeline_mode = #tpu.pipeline_mode<synchronous>, transform_indices = @transform_7, window_bounds = array<i64: 128, 256>}, {pipeline_mode = #tpu.pipeline_mode<synchronous>, transform_indices = @transform_8, window_bounds = array<i64: 128, 256>}, {pipeline_mode = #tpu.pipeline_mode<synchronous>, transform_indices = @transform_9, window_bounds = array<i64: 1, 256>}, {pipeline_mode = #tpu.pipeline_mode<synchronous>, transform_indices = @transform_10, window_bounds = array<i64: 256, 128>}, {pipeline_mode = #tpu.pipeline_mode<synchronous>, transform_indices = @transform_11, window_bounds = array<i64: 256, 128>}, {pipeline_mode = #tpu.pipeline_mode<synchronous>, transform_indices = @transform_12, window_bounds = array<i64: 1, 128>}, {pipeline_mode = #tpu.pipeline_mode<synchronous>, transform_indices = @transform_13, window_bounds = array<i64: 1, 128>}, {pipeline_mode = #tpu.pipeline_mode<synchronous>, transform_indices = @transform_14, window_bounds = array<i64: 1, 1>}, {transform_indices = @transform_15, window_bounds = array<i64: 4096, 1>}]} {
    %get3A = arith.constant 0 : index
    %get3A_0 = arith.constant 0 : index
    %get3A_1 = vector.load %arg1[%get3A, %get3A_0] : memref<4096x50xf32, #tpu.memory_space<vmem>>, vector<4096x50xf32>
    %get3A_2 = arith.constant 0 : index
    %get3A_3 = arith.constant 0 : index
    %get3A_4 = vector.load %arg3[%get3A_2, %get3A_3] : memref<50x128xbf16, #tpu.memory_space<vmem>>, vector<50x128xbf16>
    %get3A_5 = arith.constant 0 : index
    %get3A_6 = arith.constant 0 : index
    %get3A_7 = vector.load %arg4[%get3A_5, %get3A_6] : memref<50x128xbf16, #tpu.memory_space<vmem>>, vector<50x128xbf16>
    %convert_element_type3A = arith.truncf %get3A_1 : vector<4096x50xf32> to vector<4096x50xbf16>
    %convert_element_type3A_8 = arith.extf %convert_element_type3A : vector<4096x50xbf16> to vector<4096x50xf32>
    %sub3A = arith.subf %get3A_1, %convert_element_type3A_8 : vector<4096x50xf32>
    %convert_element_type3A_9 = arith.truncf %sub3A : vector<4096x50xf32> to vector<4096x50xbf16>
    %dot_general3A = arith.constant dense<0.000000e+00> : vector<4096x128xf32>
    %dot_general3A_10 = tpu.matmul %convert_element_type3A, %get3A_4, %dot_general3A {dimension_numbers = #tpu.dot_dimension_numbers<[1], [0], [0], [1], [0, 0, 1, 1], [], []>, transpose_lhs_hint = false} : vector<4096x50xbf16>, vector<50x128xbf16>, vector<4096x128xf32> -> vector<4096x128xf32>
    %dot_general3A_11 = arith.constant dense<0.000000e+00> : vector<4096x128xf32>
    %dot_general3A_12 = tpu.matmul %convert_element_type3A, %get3A_7, %dot_general3A_11 {dimension_numbers = #tpu.dot_dimension_numbers<[1], [0], [0], [1], [0, 0, 1, 1], [], []>, transpose_lhs_hint = false} : vector<4096x50xbf16>, vector<50x128xbf16>, vector<4096x128xf32> -> vector<4096x128xf32>
    %add3A = arith.addf %dot_general3A_10, %dot_general3A_12 : vector<4096x128xf32>
    %dot_general3A_13 = arith.constant dense<0.000000e+00> : vector<4096x128xf32>
    %dot_general3A_14 = tpu.matmul %convert_element_type3A_9, %get3A_4, %dot_general3A_13 {dimension_numbers = #tpu.dot_dimension_numbers<[1], [0], [0], [1], [0, 0, 1, 1], [], []>, transpose_lhs_hint = false} : vector<4096x50xbf16>, vector<50x128xbf16>, vector<4096x128xf32> -> vector<4096x128xf32>
    %add3A_15 = arith.addf %add3A, %dot_general3A_14 : vector<4096x128xf32>
    %get3A_16 = arith.constant 0 : index
    %get3A_17 = arith.constant 0 : index
    %get3A_18 = vector.load %arg2[%get3A_16, %get3A_17] : memref<4096x50xf32, #tpu.memory_space<vmem>>, vector<4096x50xf32>
    %get3A_19 = arith.constant 0 : index
    %get3A_20 = arith.constant 0 : index
    %get3A_21 = vector.load %arg5[%get3A_19, %get3A_20] : memref<50x128xbf16, #tpu.memory_space<vmem>>, vector<50x128xbf16>
    %get3A_22 = arith.constant 0 : index
    %get3A_23 = arith.constant 0 : index
    %get3A_24 = vector.load %arg6[%get3A_22, %get3A_23] : memref<50x128xbf16, #tpu.memory_space<vmem>>, vector<50x128xbf16>
    %convert_element_type3A_25 = arith.truncf %get3A_18 : vector<4096x50xf32> to vector<4096x50xbf16>
    %convert_element_type3A_26 = arith.extf %convert_element_type3A_25 : vector<4096x50xbf16> to vector<4096x50xf32>
    %sub3A_27 = arith.subf %get3A_18, %convert_element_type3A_26 : vector<4096x50xf32>
    %convert_element_type3A_28 = arith.truncf %sub3A_27 : vector<4096x50xf32> to vector<4096x50xbf16>
    %dot_general3A_29 = arith.constant dense<0.000000e+00> : vector<4096x128xf32>
    %dot_general3A_30 = tpu.matmul %convert_element_type3A_25, %get3A_21, %dot_general3A_29 {dimension_numbers = #tpu.dot_dimension_numbers<[1], [0], [0], [1], [0, 0, 1, 1], [], []>, transpose_lhs_hint = false} : vector<4096x50xbf16>, vector<50x128xbf16>, vector<4096x128xf32> -> vector<4096x128xf32>
    %dot_general3A_31 = arith.constant dense<0.000000e+00> : vector<4096x128xf32>
    %dot_general3A_32 = tpu.matmul %convert_element_type3A_25, %get3A_24, %dot_general3A_31 {dimension_numbers = #tpu.dot_dimension_numbers<[1], [0], [0], [1], [0, 0, 1, 1], [], []>, transpose_lhs_hint = false} : vector<4096x50xbf16>, vector<50x128xbf16>, vector<4096x128xf32> -> vector<4096x128xf32>
    %add3A_33 = arith.addf %dot_general3A_30, %dot_general3A_32 : vector<4096x128xf32>
    %dot_general3A_34 = arith.constant dense<0.000000e+00> : vector<4096x128xf32>
    %dot_general3A_35 = tpu.matmul %convert_element_type3A_28, %get3A_21, %dot_general3A_34 {dimension_numbers = #tpu.dot_dimension_numbers<[1], [0], [0], [1], [0, 0, 1, 1], [], []>, transpose_lhs_hint = false} : vector<4096x50xbf16>, vector<50x128xbf16>, vector<4096x128xf32> -> vector<4096x128xf32>
    %add3A_36 = arith.addf %add3A_33, %dot_general3A_35 : vector<4096x128xf32>
    %add3A_37 = arith.addf %add3A_15, %add3A_36 : vector<4096x128xf32>
    %get3A_38 = arith.constant 0 : index
    %get3A_39 = arith.constant 0 : index
    %get3A_40 = vector.load %arg7[%get3A_38, %get3A_39] : memref<1x128xf32, #tpu.memory_space<vmem>>, vector<1x128xf32>
    %add3A_41 = vector.broadcast %get3A_40 : vector<1x128xf32> to vector<4096x128xf32>
    %add3A_42 = arith.addf %add3A_37, %add3A_41 : vector<4096x128xf32>
    %max3A = arith.constant 0.000000e+00 : f32
    %max3A_43 = vector.broadcast %max3A : f32 to vector<4096x128xf32>
    %max3A_44 = arith.maximumf %add3A_42, %max3A_43 : vector<4096x128xf32>
    %get3A_45 = arith.constant 0 : index
    %get3A_46 = arith.constant 0 : index
    %get3A_47 = vector.load %arg8[%get3A_45, %get3A_46] : memref<128x256xbf16, #tpu.memory_space<vmem>>, vector<128x256xbf16>
    %get3A_48 = arith.constant 0 : index
    %get3A_49 = arith.constant 0 : index
    %get3A_50 = vector.load %arg9[%get3A_48, %get3A_49] : memref<128x256xbf16, #tpu.memory_space<vmem>>, vector<128x256xbf16>
    %convert_element_type3A_51 = arith.truncf %max3A_44 : vector<4096x128xf32> to vector<4096x128xbf16>
    %convert_element_type3A_52 = arith.extf %convert_element_type3A_51 : vector<4096x128xbf16> to vector<4096x128xf32>
    %sub3A_53 = arith.subf %max3A_44, %convert_element_type3A_52 : vector<4096x128xf32>
    %convert_element_type3A_54 = arith.truncf %sub3A_53 : vector<4096x128xf32> to vector<4096x128xbf16>
    %dot_general3A_55 = arith.constant dense<0.000000e+00> : vector<4096x256xf32>
    %dot_general3A_56 = tpu.matmul %convert_element_type3A_51, %get3A_47, %dot_general3A_55 {dimension_numbers = #tpu.dot_dimension_numbers<[1], [0], [0], [1], [0, 0, 1, 1], [], []>, transpose_lhs_hint = false} : vector<4096x128xbf16>, vector<128x256xbf16>, vector<4096x256xf32> -> vector<4096x256xf32>
    %dot_general3A_57 = arith.constant dense<0.000000e+00> : vector<4096x256xf32>
    %dot_general3A_58 = tpu.matmul %convert_element_type3A_51, %get3A_50, %dot_general3A_57 {dimension_numbers = #tpu.dot_dimension_numbers<[1], [0], [0], [1], [0, 0, 1, 1], [], []>, transpose_lhs_hint = false} : vector<4096x128xbf16>, vector<128x256xbf16>, vector<4096x256xf32> -> vector<4096x256xf32>
    %add3A_59 = arith.addf %dot_general3A_56, %dot_general3A_58 : vector<4096x256xf32>
    %dot_general3A_60 = arith.constant dense<0.000000e+00> : vector<4096x256xf32>
    %dot_general3A_61 = tpu.matmul %convert_element_type3A_54, %get3A_47, %dot_general3A_60 {dimension_numbers = #tpu.dot_dimension_numbers<[1], [0], [0], [1], [0, 0, 1, 1], [], []>, transpose_lhs_hint = false} : vector<4096x128xbf16>, vector<128x256xbf16>, vector<4096x256xf32> -> vector<4096x256xf32>
    %add3A_62 = arith.addf %add3A_59, %dot_general3A_61 : vector<4096x256xf32>
    %get3A_63 = arith.constant 0 : index
    %get3A_64 = arith.constant 0 : index
    %get3A_65 = vector.load %arg10[%get3A_63, %get3A_64] : memref<1x256xf32, #tpu.memory_space<vmem>>, vector<1x256xf32>
    %add3A_66 = vector.broadcast %get3A_65 : vector<1x256xf32> to vector<4096x256xf32>
    %add3A_67 = arith.addf %add3A_62, %add3A_66 : vector<4096x256xf32>
    %max3A_68 = arith.constant 0.000000e+00 : f32
    %max3A_69 = vector.broadcast %max3A_68 : f32 to vector<4096x256xf32>
    %max3A_70 = arith.maximumf %add3A_67, %max3A_69 : vector<4096x256xf32>
    %get3A_71 = arith.constant 0 : index
    %get3A_72 = arith.constant 0 : index
    %get3A_73 = vector.load %arg11[%get3A_71, %get3A_72] : memref<256x128xbf16, #tpu.memory_space<vmem>>, vector<256x128xbf16>
    %get3A_74 = arith.constant 0 : index
    %get3A_75 = arith.constant 0 : index
    %get3A_76 = vector.load %arg12[%get3A_74, %get3A_75] : memref<256x128xbf16, #tpu.memory_space<vmem>>, vector<256x128xbf16>
    %convert_element_type3A_77 = arith.truncf %max3A_70 : vector<4096x256xf32> to vector<4096x256xbf16>
    %convert_element_type3A_78 = arith.extf %convert_element_type3A_77 : vector<4096x256xbf16> to vector<4096x256xf32>
    %sub3A_79 = arith.subf %max3A_70, %convert_element_type3A_78 : vector<4096x256xf32>
    %convert_element_type3A_80 = arith.truncf %sub3A_79 : vector<4096x256xf32> to vector<4096x256xbf16>
    %dot_general3A_81 = arith.constant dense<0.000000e+00> : vector<4096x128xf32>
    %dot_general3A_82 = tpu.matmul %convert_element_type3A_77, %get3A_73, %dot_general3A_81 {dimension_numbers = #tpu.dot_dimension_numbers<[1], [0], [0], [1], [0, 0, 1, 1], [], []>, transpose_lhs_hint = false} : vector<4096x256xbf16>, vector<256x128xbf16>, vector<4096x128xf32> -> vector<4096x128xf32>
    %dot_general3A_83 = arith.constant dense<0.000000e+00> : vector<4096x128xf32>
    %dot_general3A_84 = tpu.matmul %convert_element_type3A_77, %get3A_76, %dot_general3A_83 {dimension_numbers = #tpu.dot_dimension_numbers<[1], [0], [0], [1], [0, 0, 1, 1], [], []>, transpose_lhs_hint = false} : vector<4096x256xbf16>, vector<256x128xbf16>, vector<4096x128xf32> -> vector<4096x128xf32>
    %add3A_85 = arith.addf %dot_general3A_82, %dot_general3A_84 : vector<4096x128xf32>
    %dot_general3A_86 = arith.constant dense<0.000000e+00> : vector<4096x128xf32>
    %dot_general3A_87 = tpu.matmul %convert_element_type3A_80, %get3A_73, %dot_general3A_86 {dimension_numbers = #tpu.dot_dimension_numbers<[1], [0], [0], [1], [0, 0, 1, 1], [], []>, transpose_lhs_hint = false} : vector<4096x256xbf16>, vector<256x128xbf16>, vector<4096x128xf32> -> vector<4096x128xf32>
    %add3A_88 = arith.addf %add3A_85, %dot_general3A_87 : vector<4096x128xf32>
    %get3A_89 = arith.constant 0 : index
    %get3A_90 = arith.constant 0 : index
    %get3A_91 = vector.load %arg13[%get3A_89, %get3A_90] : memref<1x128xf32, #tpu.memory_space<vmem>>, vector<1x128xf32>
    %add3A_92 = vector.broadcast %get3A_91 : vector<1x128xf32> to vector<4096x128xf32>
    %add3A_93 = arith.addf %add3A_88, %add3A_92 : vector<4096x128xf32>
    %max3A_94 = arith.constant 0.000000e+00 : f32
    %max3A_95 = vector.broadcast %max3A_94 : f32 to vector<4096x128xf32>
    %max3A_96 = arith.maximumf %add3A_93, %max3A_95 : vector<4096x128xf32>
    %get3A_97 = arith.constant 0 : index
    %get3A_98 = arith.constant 0 : index
    %get3A_99 = vector.load %arg14[%get3A_97, %get3A_98] : memref<1x128xf32, #tpu.memory_space<vmem>>, vector<1x128xf32>
    %mul3A = vector.broadcast %get3A_99 : vector<1x128xf32> to vector<4096x128xf32>
    %mul3A_100 = arith.mulf %max3A_96, %mul3A : vector<4096x128xf32>
    %reduce_sum3A = arith.constant dense<0.000000e+00> : vector<4096xf32>
    %reduce_sum3A_101 = vector.multi_reduction <add>, %mul3A_100, %reduce_sum3A [1] : vector<4096x128xf32> to vector<4096xf32>
    %broadcast_in_dim3A = vector.shape_cast %reduce_sum3A_101 : vector<4096xf32> to vector<4096x1xf32>
    %get3A_102 = arith.constant 0 : index
    %get3A_103 = arith.constant 0 : index
    %get3A_104 = vector.load %arg15[%get3A_102, %get3A_103] : memref<1x1xf32, #tpu.memory_space<vmem>>, vector<1x1xf32>
    %add3A_105 = vector.broadcast %get3A_104 : vector<1x1xf32> to vector<4096x1xf32>
    %add3A_106 = arith.addf %broadcast_in_dim3A, %add3A_105 : vector<4096x1xf32>
    %logistic3A = arith.negf %add3A_106 : vector<4096x1xf32>
    %logistic3A_107 = math.exp %logistic3A : vector<4096x1xf32>
    %logistic3A_108 = arith.constant 1.000000e+00 : f32
    %logistic3A_109 = vector.broadcast %logistic3A_108 : f32 to vector<4096x1xf32>
    %logistic3A_110 = arith.addf %logistic3A_109, %logistic3A_107 : vector<4096x1xf32>
    %logistic3A_111 = arith.divf %logistic3A_109, %logistic3A_110 : vector<4096x1xf32>
    %mul3A_112 = arith.constant 4.000000e+00 : f32
    %mul3A_113 = vector.broadcast %mul3A_112 : f32 to vector<4096x1xf32>
    %mul3A_114 = arith.mulf %logistic3A_111, %mul3A_113 : vector<4096x1xf32>
    %add3A_115 = arith.constant 5.000000e-01 : f32
    %add3A_116 = vector.broadcast %add3A_115 : f32 to vector<4096x1xf32>
    %add3A_117 = arith.addf %mul3A_114, %add3A_116 : vector<4096x1xf32>
    %swap3A = arith.constant 0 : index
    %swap3A_118 = arith.constant 0 : index
    %swap3A_119 = vector.load %arg16[%swap3A, %swap3A_118] : memref<4096x1xf32, #tpu.memory_space<vmem>>, vector<4096x1xf32>
    tpu.vector_store %arg16[%swap3A, %swap3A_118], %add3A_117 {strides = array<i32>} : memref<4096x1xf32, #tpu.memory_space<vmem>>, vector<4096x1xf32>,
    return
  }
  func.func @transform_0(%arg0: i32) -> (i32, i32) {
    %c0_i32 = arith.constant 0 : i32
    %c0_i32_0 = arith.constant 0 : i32
    return %arg0, %c0_i32 : i32, i32
  }
  func.func @transform_1(%arg0: i32) -> (i32, i32) {
    %c0_i32 = arith.constant 0 : i32
    %c0_i32_0 = arith.constant 0 : i32
    return %arg0, %c0_i32 : i32, i32
  }
  func.func @transform_2(%arg0: i32) -> (i32, i32) {
    %c0_i32 = arith.constant 0 : i32
    %c0_i32_0 = arith.constant 0 : i32
    %c0_i32_1 = arith.constant 0 : i32
    return %c0_i32, %c0_i32_0 : i32, i32
  }
  func.func @transform_3(%arg0: i32) -> (i32, i32) {
    %c0_i32 = arith.constant 0 : i32
    %c0_i32_0 = arith.constant 0 : i32
    %c0_i32_1 = arith.constant 0 : i32
    return %c0_i32, %c0_i32_0 : i32, i32
  }
  func.func @transform_4(%arg0: i32) -> (i32, i32) {
    %c0_i32 = arith.constant 0 : i32
    %c0_i32_0 = arith.constant 0 : i32
    %c0_i32_1 = arith.constant 0 : i32
    return %c0_i32, %c0_i32_0 : i32, i32
  }
  func.func @transform_5(%arg0: i32) -> (i32, i32) {
    %c0_i32 = arith.constant 0 : i32
    %c0_i32_0 = arith.constant 0 : i32
    %c0_i32_1 = arith.constant 0 : i32
    return %c0_i32, %c0_i32_0 : i32, i32
  }
  func.func @transform_6(%arg0: i32) -> (i32, i32) {
    %c0_i32 = arith.constant 0 : i32
    %c0_i32_0 = arith.constant 0 : i32
    %c0_i32_1 = arith.constant 0 : i32
    return %c0_i32, %c0_i32_0 : i32, i32
  }
  func.func @transform_7(%arg0: i32) -> (i32, i32) {
    %c0_i32 = arith.constant 0 : i32
    %c0_i32_0 = arith.constant 0 : i32
    %c0_i32_1 = arith.constant 0 : i32
    return %c0_i32, %c0_i32_0 : i32, i32
  }
  func.func @transform_8(%arg0: i32) -> (i32, i32) {
    %c0_i32 = arith.constant 0 : i32
    %c0_i32_0 = arith.constant 0 : i32
    %c0_i32_1 = arith.constant 0 : i32
    return %c0_i32, %c0_i32_0 : i32, i32
  }
  func.func @transform_9(%arg0: i32) -> (i32, i32) {
    %c0_i32 = arith.constant 0 : i32
    %c0_i32_0 = arith.constant 0 : i32
    %c0_i32_1 = arith.constant 0 : i32
    return %c0_i32, %c0_i32_0 : i32, i32
  }
  func.func @transform_10(%arg0: i32) -> (i32, i32) {
    %c0_i32 = arith.constant 0 : i32
    %c0_i32_0 = arith.constant 0 : i32
    %c0_i32_1 = arith.constant 0 : i32
    return %c0_i32, %c0_i32_0 : i32, i32
  }
  func.func @transform_11(%arg0: i32) -> (i32, i32) {
    %c0_i32 = arith.constant 0 : i32
    %c0_i32_0 = arith.constant 0 : i32
    %c0_i32_1 = arith.constant 0 : i32
    return %c0_i32, %c0_i32_0 : i32, i32
  }
  func.func @transform_12(%arg0: i32) -> (i32, i32) {
    %c0_i32 = arith.constant 0 : i32
    %c0_i32_0 = arith.constant 0 : i32
    %c0_i32_1 = arith.constant 0 : i32
    return %c0_i32, %c0_i32_0 : i32, i32
  }
  func.func @transform_13(%arg0: i32) -> (i32, i32) {
    %c0_i32 = arith.constant 0 : i32
    %c0_i32_0 = arith.constant 0 : i32
    %c0_i32_1 = arith.constant 0 : i32
    return %c0_i32, %c0_i32_0 : i32, i32
  }
  func.func @transform_14(%arg0: i32) -> (i32, i32) {
    %c0_i32 = arith.constant 0 : i32
    %c0_i32_0 = arith.constant 0 : i32
    %c0_i32_1 = arith.constant 0 : i32
    return %c0_i32, %c0_i32_0 : i32, i32
  }
  func.func @transform_15(%arg0: i32) -> (i32, i32) {
    %c0_i32 = arith.constant 0 : i32
    %c0_i32_0 = arith.constant 0 : i32
    return %arg0, %c0_i32 : i32, i32
  }
}

</mosaic_0001>

<sc_bundles>
// kernel: kernel.4.cloned.1.call-start
scs
__scs_entry_jumppad:
0x0: {  	(pc) =	sbr.rel $0x88, $3  }
0x1: {  	(tag) =	ssettag $0x0;
	lr =	simm.s32 $0x1  }
0x2: {  	[smem:$0x3F95] =	sst lr;
	_ =	strace $0xD0000000  }
0x3: {  	_ = 	snop  }
0x4: {  	_ = 	snop  }
0x5: {  	_ = 	snop  }
0x6: {  	_ = 	snop  }
0x7: {  	_ = 	snop  }
__scs_overlays_trampoline_lowered:
0x8: {  	[smem:$0x3FA4] =	sst s0  }
0x9: {  	[smem:$0x3FA5] =	sst s1  }
0xa: {  	[smem:$0x3FA6] =	sst s2  }
0xb: {  	[smem:$0x3FA7] =	sst s3  }
0xc: {  	[smem:$0x3FA8] =	sst s4  }
0xd: {  	[smem:$0x3FA9] =	sst s5  }
0xe: {  	[smem:$0x3FAA] =	sst s6  }
0xf: {  	[smem:$0x3FAB] =	sst s7  }
0x10: {  	[smem:$0x3FAC] =	sst s8  }
0x11: {  	[smem:$0x3FAD] =	sst s9;
	s0 =	simm.s32 @!p0 $0x0  }
0x12: {  	s1 =	sld [smem:$0x3F93];
	s0 =	simm.s32 @p0 $0x1  }
0x13: {  	[smem:$0x3FAE] =	sst s0;
	s0 =	simm.s32 @!p1 $0x0  }
0x14: {  	s2 =	sld [smem:$0x3F92];
	s0 =	simm.s32 @p1 $0x1  }
0x15: {  	[smem:$0x3FAF] =	sst s0;
	s0 =	simm.s32 @!p2 $0x0  }
0x16: {  	s3 =	sld [smem:$0x3FDB];
	s0 =	simm.s32 @p2 $0x1  }
0x17: {  	s4 =	simm.s32 $0x1BF5;
	[smem:$0x3FB1] =	sst s0  }
0x18: {  	s0 =	sld [smem:$0x3F94];
	_ =	swait.ge [sflag:s4], $0x0  }
0x19: {  	s7 =	sld [smem:$0x3F95]  }
0x1a: {  	s8 =	sadd.s32 $0xFFFFE003, lr  }
0x1b: {  	s9 =	sadd.s32 $0xFFFFFEF7, lr;
	s5 =	simm.s32 $0xFFFFFFFF;
	p2 =	slt.u32 s8, $0xFFFFF086  }
0x1c: {  	p1 =	slt.u32 s9, $0xF7A;
	s5 =	simm.s32 @!p2 $0x0  }
0x1d: {  	s5 =	simm.s32 @p1 $0x1;
	p0 =	seq.s32 s7, s2  }
0x1e: {  	s7 =	smul.u32 @!p0 $0xF7A, s2;
	p2 =	seq.s32 @!p0 s5, $0x0  }
0x1f: {  	s9 =	smul.u32 $0xF7A, s1;
	s8 =	simm.s32 @!p0 $0x1BF5;
	p2 =	por !p2, p0  }
0x20: {  	[sflag:s8] =	ssyncset.s32 @!p0 $0xFFFFF086;
	s6 =	sadd.s32 @!p0 s3, s7;
	s7 =	simm.s32 @!p0 $0x108  }
0x21: {  	s3 =	sadd.s32 s3, s9;
	s6 =	sadd.s32 @!p0 $0x88, s6;
	s7 =	simm.s32 @p2 $0x1082  }
0x22: {  	[simem:s7], [sflag:s8] =	dma.local @!p0 [hbm:s6], $0xF7A  }
0x23: {  	s9 =	sor.u32 $0xD0000000, s2;
	s6 =	simm.s32 $0x108;
	_ =	swait.ge @!p0 [sflag:s8], $0x0  }
0x24: {  	s3 =	sadd.s32 $0x88, s3;
	s6 =	simm.s32 @!p1 $0x1082;
	[sflag:s4] =	ssyncset.s32 $0xFFFFF086  }
0x25: {  	[simem:s6], [sflag:s4] =	dma.local [hbm:s3], $0xF7A  }
0x26: {  	[smem:$0x3F95] =	sst s1;
	(tag) =	ssettag s2;
	_ =	strace s9  }
0x27: {  	s1 =	sld [smem:$0x3FA5]  }
0x28: {  	s2 =	sld [smem:$0x3FA6]  }
0x29: {  	s4 =	sld [smem:$0x3FA8]  }
0x2a: {  	p0 =	seq.s32 s5, $0x0;
	s5 =	sld [smem:$0x3FA9]  }
0x2b: {  	s6 =	sld [smem:$0x3FAA]  }
0x2c: {  	s7 =	sld [smem:$0x3FAB]  }
0x2d: {  	s3 =	simm.s32 $0x108;
	s8 =	sld [smem:$0x3FAC]  }
0x2e: {  	s3 =	simm.s32 @!p0 $0x1082;
	s9 =	sld [smem:$0x3FAD]  }
0x2f: {  	lr =	sadd.s32 s0, s3;
	s0 =	sld [smem:$0x3FA4]  }
0x30: {  	s3 =	sld [smem:$0x3FA7]  }
0x31: {  	[smem:$0x3FB0] =	sst s10  }
0x32: {  	s10 =	sld [smem:$0x3FAE];
	_ =	sdelay $0x3  }
0x33: {  	p0 =	seq.s32 s10, $0x1;
	s10 =	sld [smem:$0x3FB0];
	_ =	sdelay $0x3  }
0x34: {  	[smem:$0x3FB0] =	sst s10  }
0x35: {  	s10 =	sld [smem:$0x3FAF];
	_ =	sdelay $0x3  }
0x36: {  	p1 =	seq.s32 s10, $0x1;
	s10 =	sld [smem:$0x3FB0];
	_ =	sdelay $0x3  }
0x37: {  	[smem:$0x3FB0] =	sst s10  }
0x38: {  	s10 =	sld [smem:$0x3FB1]  }
0x39: {  	_ = 	snop;
	(pc) =	sbr.ind lr, $3  }
0x3a: {  	_ = 	snop  }
0x3b: {  	_ = 	snop  }
0x3c: {  	p2 =	seq.s32 s10, $0x1;
	s10 =	sld [smem:$0x3FB0]  }
0x3d: {  	_ =	shalt  }
0x3e: {  	_ =	shalt  }
0x3f: {  	_ =	shalt  }
0x40: {  	_ =	shalt  }
0x41: {  	_ =	shalt  }
0x42: {  	_ =	shalt  }
0x43: {  	_ =	shalt  }
0x44: {  	_ =	shalt  }
0x45: {  	_ =	shalt  }
0x46: {  	_ =	shalt  }
0x47: {  	_ =	shalt  }
0x48: {  	_ =	shalt  }
0x49: {  	_ =	shalt  }
0x4a: {  	_ =	shalt  }
0x4b: {  	_ =	shalt  }
0x4c: {  	_ =	shalt  }
0x4d: {  	_ =	shalt  }
0x4e: {  	_ =	shalt  }
0x4f: {  	_ =	shalt  }
0x50: {  	_ =	shalt  }
0x51: {  	_ =	shalt  }
0x52: {  	_ =	shalt  }
0x53: {  	_ =	shalt  }
0x54: {  	_ =	shalt  }
0x55: {  	_ =	shalt  }
0x56: {  	_ =	shalt  }
0x57: {  	_ =	shalt  }
0x58: {  	_ =	shalt  }
0x59: {  	_ =	shalt  }
0x5a: {  	_ =	shalt  }
0x5b: {  	_ =	shalt  }
0x5c: {  	_ =	shalt  }
0x5d: {  	_ =	shalt  }
0x5e: {  	_ =	shalt  }
0x5f: {  	_ =	shalt  }
0x60: {  	_ =	shalt  }
0x61: {  	_ =	shalt  }
0x62: {  	_ =	shalt  }
0x63: {  	_ =	shalt  }
0x64: {  	_ =	shalt  }
0x65: {  	_ =	shalt  }
0x66: {  	_ =	shalt  }
0x67: {  	_ =	shalt  }
0x68: {  	_ =	shalt  }
0x69: {  	_ =	shalt  }
0x6a: {  	_ =	shalt  }
0x6b: {  	_ =	shalt  }
0x6c: {  	_ =	shalt  }
0x6d: {  	_ =	shalt  }
0x6e: {  	_ =	shalt  }
0x6f: {  	_ =	shalt  }
0x70: {  	_ =	shalt  }
0x71: {  	_ =	shalt  }
0x72: {  	_ =	shalt  }
0x73: {  	_ =	shalt  }
0x74: {  	_ =	shalt  }
0x75: {  	_ =	shalt  }
0x76: {  	_ =	shalt  }
0x77: {  	_ =	shalt  }
0x78: {  	_ =	shalt  }
0x79: {  	_ =	shalt  }
0x7a: {  	_ =	shalt  }
0x7b: {  	_ =	shalt  }
0x7c: {  	_ =	shalt  }
0x7d: {  	_ =	shalt  }
0x7e: {  	_ =	shalt  }
0x7f: {  	_ =	shalt  }
0x80: {  	_ =	shalt  }
0x81: {  	_ =	shalt  }
0x82: {  	_ =	shalt  }
0x83: {  	_ =	shalt  }
0x84: {  	_ =	shalt  }
0x85: {  	_ =	shalt  }
0x86: {  	_ =	shalt  }
0x87: {  	_ =	shalt  }
.Lfunc_end0:
.L_simem_size_0:
called_computation_lowered:
.L_overlay_start_0:
0x88: {  	s2 =	sld [smem:$0x3FD9]  }
0x89: {  	s3 =	sld [smem:$0x3FFE];
	_ =	sdelay $0x1  }
0x8a: {  	s1 =	srdreg.scid  }
0x8b: {  	s0 =	sand.u32 $0x1, s1  }
0x8c: {  	s17 =	sshll.u32 s0, $0xA;
	s2 =	sadd.s32 s3, s2  }
0x8d: {  	s2 =	sadd.s32 s2, s17  }
0x8e: {  	[smem:$0x3FBC] =	sst s2  }
0x8f: {  	_ = 	snop  }
0x90: {  	s2 =	sld [smem:$0x3FC9]  }
0x91: {  	s18 =	sld [smem:$0x3FC8];
	(tm) =	ssettm $0x1  }
0x92: {  	s4 =	sld [smem:$0x3FFB];
	_ =	sdelay $0x3  }
0x93: {  	_ =	strace s4  }
0x94: {  	s4 =	sld [smem:$0x3FFC];
	_ =	sdelay $0x3  }
0x95: {  	_ =	strace s4  }
0x96: {  	s4 =	sld [smem:$0x3FFD];
	_ =	sdelay $0x3  }
0x97: {  	_ =	strace s4  }
0x98: {  	_ =	strace $0x8FFFFFFF  }
0x99: {  	s19 =	sld [smem:$0x3FDB];
	_ =	sdelay $0x1  }
0x9a: {  	s5 =	simm.s32 $_scs_section_size  }
0x9b: {  	s6 =	simm.s32 $_size__tile_overlayer_lowered;
	s7 =	simm.s32 $_tile_overlayer_lowered  }
0x9c: {  	s22 =	simm.s32 $0x1BFF;
	s21 =	sshll.u32 s7, $0x1;
	s4 =	sadd.s32 s5, s19  }
0x9d: {  	s8 =	simm.s32 $0x0;
	s20 =	sshll.u32 s6, $0x1;
	s6 =	sadd.s32 s21, s4  }
0x9e: {  	[timem:s8], [sflag:s22] =	dma.local [hbm:s6], s20  }
0x9f: {  	_ =	swait.ge [sflag:s22], s20  }
0xa0: {  	s5 =	ssub.s32 $0x0, s20;
	[sflag:s22] =	ssyncset.done $0x0  }
0xa1: {  	[sflag:s22] =	ssyncadd.s32 s5;
	_ =	sdelay $0x1  }
0xa2: {  	s23 =	simm.s32 $0x1B8B  }
0xa3: {  	_ =	swait.ge [sflag:s23], $0x1  }
0xa4: {  	[sflag:s23] =	ssyncset.done $0x0  }
0xa5: {  	s25 =	simm.s32 $0x1B8E;
	s24 =	sld [smem:$0x3FFE];
	[sflag:s23] =	ssyncadd.s32 $0xFFFFFFFF  }
0xa6: {  	s26 =	simm.s32 $execute0_lowered;
	[smem:$0x3FD2] =	sst s25  }
0xa7: {  	s6 =	sshll.u32 s26, $0x1;
	_ =	strace $0x80000046;
	[dreg:$0x1] =	wrdreg $0xFFFFFFFF  }
0xa8: {  	s28 =	simm.s32 $_size_execute0_lowered;
	s4 =	sadd.s32 s4, s6;
	[dreg:$0x0] =	wrdreg $0x0  }
0xa9: {  	s6 =	sshll.u32 s28, $0x1;
	[dreg:$0x2] =	wrdreg s4  }
0xaa: {  	[dreg:$0x3] =	wrdreg s6  }
0xab: {  	[dreg:$0x4] =	wrdreg $0xC0  }
0xac: {  	_ =	task [dreg:s8], $0x5FFFF  }
0xad: {  	[dreg:$0x1] =	wrdreg $0xFFFFFFFF  }
0xae: {  	[dreg:$0x0] =	wrdreg $0x60  }
0xaf: {  	[dreg:$0x2] =	wrdreg s2  }
0xb0: {  	[dreg:$0x3] =	wrdreg s18  }
0xb1: {  	[dreg:$0x4] =	wrdreg s24  }
0xb2: {  	[dreg:$0x5] =	wrdreg $0x9  }
0xb3: {  	_ =	task.clear_ibuf [dreg:s8], $0x6FFFF;
	_ =	strace $0x90000046  }
0xb4: {  	s29 =	simm.s32 $0x9;
	_ =	strace $0x80000048  }
0xb5: {  	_ =	swait.ge [sflag:s29], $0x1  }
0xb6: {  	[sflag:s29] =	ssyncadd.s32 $0xFFFFFFFF  }
0xb7: {  	_ =	strace $0x90000048  }
0xb8: {  	_ =	sfence  }
0xb9: {  	s30 =	sld [smem:$0x0];
	_ =	sdelay $0x2  }
0xba: {  	s31 =	sshll.u32 s1, $0xD;
	s1 =	sshrl.u32 s1, $0x2  }
0xbb: {  	s3 =	sand.u32 $0x4000, s31;
	s1 =	sadd.s32 s1, s30  }
0xbc: {  	s0 =	sor.u32 s3, s0;
	s1 =	sshll.u32 s1, $0x11  }
0xbd: {  	s0 =	sor.u32 s1, s0  }
0xbe: {  	s0 =	sadd.s32 $0x8F2B, s0  }
0xbf: {  	[sflag:s0] =	ssyncadd.remote.s32 $0x1  }
0xc0: {  	_ =	sfence.sel $0xFFFF  }
0xc1: {  	[dreg:$0x0] =	wrdreg $0xFFFFFFFF;
	(pc) =	sbr.abs _section_cstart, $3  }
0xc2: {  	[dreg:$0x1] =	wrdreg $0xFFFFFFFF  }
0xc3: {  	_ =	task.clear_ibuf [dreg:s8], $0x2FFFF;
	_ =	strace $0x9FFFFFFF  }
0xc4: {  	(tm) =	ssettm $0x7FFFFFFF  }
0xc5: {  	_ =	shalt  }
tec
execute0_lowered:
.L_overlay_start_1:
0x0: {  	(tag) =	ssettag $0x1  }
0x1: {  	s0 =	rddreg [dreg:$0x0]  }
0x2: {  	s2 =	rddreg [dreg:$0x1]  }
0x3: {  	s5 =	rddreg [dreg:$0x2];
	s6 =	srdreg.scid  }
0x4: {  	s1 =	simm.s32 $0x0;
	s9 =	stileid.u32;
	s6 =	sand.u32 $0x1, s6  }
0x5: {  	s9 =	sshll.u32 s9, $0xA;
	s8 =	ssub.s32 $0x2, s6;
	s6 =	sshll.u32 s6, $0x9  }
0x6: {  	[smem:$0x7FF] =	sst s1;
	s3 =	sadd.s32 $0x2000, s5;
	s6 =	sor.u32 s6, s9  }
0x7: {  	s4 =	sadd.s32 $0x188A00, s5;
	s7 =	sadd.s32 $0x30F400, s5;
	s9 =	sshrl.u32 s6, $0x3  }
0x8: {  	s5 =	sadd.s32 $0x34F400, s5;
	_ =	strace $0x80000047;
	s0 =	sadd.s32 s0, s9  }
0x9: {  	s6 =	sshll.u32 s6, $0x4;
	s20 =	sadd.s32 s2, s9;
	[smem:$0x7F3] =	sst s0  }
0xa: {  	s10 =	sshrl.u32 s8, $0x1;
	s22 =	sadd.s32 s7, s6;
	[smem:$0x7F4] =	sst s20  }
0xb: {  	s8 =	ssub.s32 s8, s10;
	s23 =	sadd.s32 s5, s6;
	[smem:$0x7F5] =	sst s22  }
0xc: {  	s21 =	sor.u32 $0x800, s6;
	s31 =	smax.u32 s8, $0x1;
	[smem:$0x7F6] =	sst s23  }
0xd: {  	s24 =	sadd.s32 s7, s21;
	[smem:$0x7FD] =	sst s31  }
0xe: {  	s25 =	sor.u32 $0x1000, s6;
	s0 =	sadd.s32 s5, s21;
	[smem:$0x7F7] =	sst s24  }
0xf: {  	s26 =	sor.u32 $0x1800, s6;
	s28 =	sadd.s32 s7, s25;
	[smem:$0x7F8] =	sst s0  }
0x10: {  	s29 =	sadd.s32 s7, s26;
	[smem:$0x7F9] =	sst s28  }
0x11: {  	s30 =	sadd.s32 s5, s26;
	[smem:$0x7FB] =	sst s29  }
0x12: {  	s0 =	sadd.s32 s5, s25;
	[smem:$0x7FC] =	sst s30  }
0x13: {  	s2 =	simm.s32 $0x0;
	s5 =	simm.s32 $0x5;
	[smem:$0x7FA] =	sst s0  }
.LBB2_1:
0x14: {  	s0 =	sld [smem:$0x7F3];
	_ =	sdelay $0x1  }
0x15: {  	[smem:$0x7F2] =	sst s2  }
0x16: {  	[tilespmem:s1], [sflag:$0x5] =	stream.linear.gather [hbm4b:s0+s1], $0x200, $0x38;
	[tilespmem:$0x10400] =	vst v63  }
0x17: {  	_ =	swait.ge [sflag:s5], $0x200  }
0x18: {  	s16 =	sld [smem:$0x7F4]  }
0x19: {  	[sflag:s5] =	ssyncset.done $0x0  }
0x1a: {  	s15 =	simm.s32 $0x200;
	[sflag:s5] =	ssyncadd.s32 $0xFFFFFE00  }
0x1b: {  	[tilespmem:s15], [sflag:$0x5] =	stream.linear.gather [hbm4b:s16+s1], $0x200, $0x38;
	[tilespmem:$0x10400] =	vst v63  }
0x1c: {  	_ =	swait.ge [sflag:s5], $0x200  }
0x1d: {  	[sflag:s5] =	ssyncset.done $0x0  }
0x1e: {  	[sflag:s5] =	ssyncadd.s32 $0xFFFFFE00  }
0x1f: {  	v0 =	vld [tilespmem:s1+$0x0]  }
0x20: {  	v1 =	vld [tilespmem:s15+$0x0];
	_ =	sdelay $0x3  }
0x21: {  	v0 =	vshll.u32 v0, $0x4  }
0x22: {  	v1 =	vshll.u32 v1, $0x4;
	(v2sf) =	vpush v0, $0x0  }
0x23: {  	(v2sf) =	vpush v1, $0x0  }
0x24: {  	(v2sf) =	vpush v0, $0x1;
	_ =	sdelay $0x1  }
0x25: {  	(v2sf) =	vpush v1, $0x1;
	_ =	sdelay $0x2  }
0x26: {  	(v2sf) =	vpush v0, $0x2;
	_ =	sdelay $0x1  }
0x27: {  	(v2sf) =	vpush v1, $0x2;
	_ =	sdelay $0x1  }
0x28: {  	s28 =	simm.s32 $0x2000;
	s26 =	simm.s32 $0x0;
	(v2sf) =	vpush v0, $0x3  }
0x29: {  	s17 =	simm.s32 $0x8400;
	s6 =	simm.s32 $0x680;
	s2 =	simm.s32 $0x880  }
0x2a: {  	s7 =	simm.s32 $0x400;
	s13 =	simm.s32 $0x600;
	s10 =	simm.s32 $0x580  }
0x2b: {  	s11 =	simm.s32 $0x8580;
	s14 =	simm.s32 $0x8A00;
	s21 =	simm.s32 $0x480  }
0x2c: {  	s24 =	simm.s32 $0x8480;
	s29 =	simm.s32 $0x500;
	s8 =	spop (v2sf);
	(v2sf) =	vpush v1, $0x3  }
0x2d: {  	s9 =	simm.s32 $0x8500;
	s8 =	sand.u32 $0x1FFFFFF0, s8;
	s12 =	spop (v2sf)  }
0x2e: {  	s0 =	simm.s32 $0x8900;
	(v2sf) =	vpush v0, $0x4;
	s8 =	sadd.s32 s3, s8;
	s19 =	spop (v2sf)  }
0x2f: {  	(v2sf) =	vpush v1, $0x4;
	[tilespmem:s7], [sflag:$0x1] =	stream.linear.gather [hbm4b:s8+s1], $0x80, $0x38;
	[tilespmem:$0x10400] =	vst v63  }
0x30: {  	s5 =	simm.s32 $0x8980;
	s18 =	sand.u32 $0x1FFFFFF0, s12;
	s20 =	spop (v2sf)  }
0x31: {  	s7 =	sadd.s32 s4, s18;
	s8 =	sand.u32 $0x1FFFFFF0, s19;
	s23 =	sand.u32 $0x1FFFFFF0, s20  }
0x32: {  	(v2sf) =	vpush v0, $0x5;
	[tilespmem:s17], [sflag:$0x3] =	stream.linear.gather [hbm4b:s7+s1], $0x80, $0x38;
	[tilespmem:$0x10400] =	vst v63  }
0x33: {  	s22 =	sadd.s32 s3, s8;
	s25 =	spop (v2sf);
	s8 =	sadd.s32 s4, s23  }
0x34: {  	(v2sf) =	vpush v1, $0x5;
	[tilespmem:s21], [sflag:$0x1] =	stream.linear.gather [hbm4b:s22+s1], $0x80, $0x38;
	[tilespmem:$0x10400] =	vst v63  }
0x35: {  	s7 =	sand.u32 $0x1FFFFFF0, s25;
	s30 =	spop (v2sf);
	s17 =	simm.s32 $0x8600  }
0x36: {  	(v2sf) =	vpush v0, $0x6;
	[tilespmem:s24], [sflag:$0x3] =	stream.linear.gather [hbm4b:s8+s1], $0x80, $0x38;
	[tilespmem:$0x10400] =	vst v63  }
0x37: {  	s7 =	sadd.s32 s3, s7;
	s31 =	spop (v2sf);
	s8 =	sand.u32 $0x1FFFFFF0, s30  }
0x38: {  	(v2sf) =	vpush v1, $0x6;
	[tilespmem:s29], [sflag:$0x1] =	stream.linear.gather [hbm4b:s7+s1], $0x80, $0x38;
	[tilespmem:$0x10400] =	vst v63  }
0x39: {  	s23 =	simm.s32 $0x700;
	s16 =	sand.u32 $0x1FFFFFF0, s31;
	s15 =	sadd.s32 s4, s8  }
0x3a: {  	[tilespmem:s9], [sflag:$0x3] =	stream.linear.gather [hbm4b:s15+s1], $0x80, $0x38;
	[tilespmem:$0x10400] =	vst v63  }
0x3b: {  	s21 =	simm.s32 $0x8680;
	s8 =	sadd.s32 s3, s16;
	s18 =	spop (v2sf)  }
0x3c: {  	(v2sf) =	vpush v0, $0x7;
	[tilespmem:s10], [sflag:$0x1] =	stream.linear.gather [hbm4b:s8+s1], $0x80, $0x38;
	[tilespmem:$0x10400] =	vst v63  }
0x3d: {  	s15 =	simm.s32 $0xA80;
	s7 =	sand.u32 $0x1FFFFFF0, s18;
	s19 =	spop (v2sf)  }
0x3e: {  	(v2sf) =	vpush v1, $0x7;
	s7 =	sadd.s32 s4, s7;
	s10 =	sand.u32 $0x1FFFFFF0, s19;
	s20 =	spop (v2sf)  }
0x3f: {  	(v2sf) =	vpush v0, $0x8;
	[tilespmem:s11], [sflag:$0x3] =	stream.linear.gather [hbm4b:s7+s1], $0x80, $0x38;
	[tilespmem:$0x10400] =	vst v63  }
0x40: {  	s8 =	simm.s32 $0x8880;
	s10 =	sadd.s32 s3, s10;
	s22 =	sand.u32 $0x1FFFFFF0, s20  }
0x41: {  	s24 =	spop (v2sf);
	(v2sf) =	vpush v1, $0x8;
	s20 =	simm.s32 $0x8780;
	s11 =	sadd.s32 s4, s22  }
0x42: {  	(v2sf) =	vpush v0, $0x9;
	[tilespmem:s13], [sflag:$0x1] =	stream.linear.gather [hbm4b:s10+s1], $0x80, $0x38;
	[tilespmem:$0x10400] =	vst v63  }
0x43: {  	s25 =	spop (v2sf);
	s22 =	simm.s32 $0x800;
	s10 =	sand.u32 $0x1FFFFFF0, s24  }
0x44: {  	[tilespmem:s17], [sflag:$0x3] =	stream.linear.gather [hbm4b:s11+s1], $0x80, $0x38;
	[tilespmem:$0x10400] =	vst v63  }
0x45: {  	s9 =	sand.u32 $0x1FFFFFF0, s25;
	s29 =	spop (v2sf);
	(v2sf) =	vpush v1, $0x9;
	s10 =	sadd.s32 s3, s10  }
0x46: {  	[tilespmem:s6], [sflag:$0x1] =	stream.linear.gather [hbm4b:s10+s1], $0x80, $0x38;
	[tilespmem:$0x10400] =	vst v63  }
0x47: {  	s30 =	sadd.s32 s4, s9;
	s31 =	sand.u32 $0x1FFFFFF0, s29;
	s12 =	spop (v2sf);
	(v2sf) =	vpush v0, $0xA  }
0x48: {  	[tilespmem:s21], [sflag:$0x3] =	stream.linear.gather [hbm4b:s30+s1], $0x80, $0x38;
	[tilespmem:$0x10400] =	vst v63  }
0x49: {  	s25 =	simm.s32 $0x8800;
	(v2sf) =	vpush v1, $0xA;
	s7 =	sand.u32 $0x1FFFFFF0, s12;
	s10 =	sadd.s32 s3, s31  }
0x4a: {  	[tilespmem:s23], [sflag:$0x1] =	stream.linear.gather [hbm4b:s10+s1], $0x80, $0x38;
	[tilespmem:$0x10400] =	vst v63  }
0x4b: {  	s9 =	simm.s32 $0x8700;
	s7 =	sadd.s32 s4, s7;
	s13 =	spop (v2sf)  }
0x4c: {  	[tilespmem:s9], [sflag:$0x3] =	stream.linear.gather [hbm4b:s7+s1], $0x80, $0x38;
	[tilespmem:$0x10400] =	vst v63  }
0x4d: {  	s11 =	simm.s32 $0x8A80;
	(v2sf) =	vpush v0, $0xB;
	s10 =	sand.u32 $0x1FFFFFF0, s13;
	s16 =	spop (v2sf)  }
0x4e: {  	s17 =	simm.s32 $0x780;
	s18 =	sadd.s32 s3, s10;
	s21 =	spop (v2sf)  }
0x4f: {  	(v2sf) =	vpush v1, $0xB;
	[tilespmem:s17], [sflag:$0x1] =	stream.linear.gather [hbm4b:s18+s1], $0x80, $0x38;
	[tilespmem:$0x10400] =	vst v63  }
0x50: {  	s31 =	simm.s32 $0x900;
	s19 =	sand.u32 $0x1FFFFFF0, s16;
	s23 =	spop (v2sf)  }
0x51: {  	s10 =	sadd.s32 s4, s19;
	s7 =	sand.u32 $0x1FFFFFF0, s21;
	s24 =	spop (v2sf)  }
0x52: {  	[tilespmem:s20], [sflag:$0x3] =	stream.linear.gather [hbm4b:s10+s1], $0x80, $0x38;
	[tilespmem:$0x10400] =	vst v63  }
0x53: {  	(v2sf) =	vpush v0, $0xC;
	s7 =	sadd.s32 s3, s7;
	s10 =	sand.u32 $0x1FFFFFF0, s23;
	s30 =	sand.u32 $0x1FFFFFF0, s24  }
0x54: {  	s9 =	spop (v2sf);
	s23 =	simm.s32 $0xA00;
	s24 =	simm.s32 $0x980  }
0x55: {  	(v2sf) =	vpush v1, $0xC;
	[tilespmem:s22], [sflag:$0x1] =	stream.linear.gather [hbm4b:s7+s1], $0x80, $0x38;
	[tilespmem:$0x10400] =	vst v63  }
0x56: {  	s29 =	sadd.s32 s4, s10;
	s10 =	sadd.s32 s3, s30;
	s13 =	spop (v2sf)  }
0x57: {  	[tilespmem:s25], [sflag:$0x3] =	stream.linear.gather [hbm4b:s29+s1], $0x80, $0x38;
	[tilespmem:$0x10400] =	vst v63  }
0x58: {  	s12 =	sand.u32 $0x1FFFFFF0, s9;
	s7 =	sand.u32 $0x1FFFFFF0, s13;
	s16 =	spop (v2sf)  }
0x59: {  	[tilespmem:s2], [sflag:$0x1] =	stream.linear.gather [hbm4b:s10+s1], $0x80, $0x38;
	[tilespmem:$0x10400] =	vst v63  }
0x5a: {  	s13 =	simm.s32 $0x8B00;
	s18 =	sand.u32 $0x1FFFFFF0, s16;
	s2 =	sadd.s32 s4, s12  }
0x5b: {  	[tilespmem:s8], [sflag:$0x3] =	stream.linear.gather [hbm4b:s2+s1], $0x80, $0x38;
	[tilespmem:$0x10400] =	vst v63  }
0x5c: {  	s17 =	sadd.s32 s3, s7;
	s20 =	sadd.s32 s4, s18;
	s19 =	spop (v2sf)  }
0x5d: {  	[tilespmem:s31], [sflag:$0x1] =	stream.linear.gather [hbm4b:s17+s1], $0x80, $0x38;
	[tilespmem:$0x10400] =	vst v63  }
0x5e: {  	s2 =	simm.s32 $0x10;
	s21 =	sand.u32 $0x1FFFFFF0, s19;
	s22 =	spop (v2sf)  }
0x5f: {  	(v2sf) =	vpush v0, $0xD;
	[tilespmem:s0], [sflag:$0x3] =	stream.linear.gather [hbm4b:s20+s1], $0x80, $0x38;
	[tilespmem:$0x10400] =	vst v63  }
0x60: {  	(v2sf) =	vpush v1, $0xD;
	s19 =	simm.s32 $0x210;
	s25 =	sadd.s32 s3, s21;
	s29 =	sand.u32 $0x1FFFFFF0, s22  }
0x61: {  	(v2sf) =	vpush v0, $0xE;
	[tilespmem:s24], [sflag:$0x1] =	stream.linear.gather [hbm4b:s25+s1], $0x80, $0x38;
	[tilespmem:$0x10400] =	vst v63  }
0x62: {  	s0 =	simm.s32 $0x0;
	s30 =	sadd.s32 s4, s29;
	(v2sf) =	vpush v1, $0xE;
	s31 =	spop (v2sf)  }
0x63: {  	(v2sf) =	vpush v0, $0xF;
	[tilespmem:s5], [sflag:$0x3] =	stream.linear.gather [hbm4b:s30+s1], $0x80, $0x38;
	[tilespmem:$0x10400] =	vst v63  }
0x64: {  	s24 =	simm.s32 $0xB00;
	s6 =	spop (v2sf);
	(v2sf) =	vpush v1, $0xF;
	s5 =	sand.u32 $0x1FFFFFF0, s31  }
.LBB2_2:
0x65: {  	_ =	sdelay $0x4  }
0x66: {  	s5 =	sadd.s32 s3, s5;
	s6 =	sand.u32 $0x1FFFFFF0, s6  }
0x67: {  	[tilespmem:s23], [sflag:$0x1] =	stream.linear.gather [hbm4b:s5+s0], $0x80, $0x38;
	[tilespmem:$0x10400] =	vst v63  }
0x68: {  	s18 =	sadd.s32 s4, s6  }
0x69: {  	[tilespmem:s14], [sflag:$0x3] =	stream.linear.gather [hbm4b:s18+s0], $0x80, $0x38;
	[tilespmem:$0x10400] =	vst v63  }
0x6a: {  	s7 =	spop (v2sf)  }
0x6b: {  	s20 =	sand.u32 $0x1FFFFFF0, s7;
	s21 =	spop (v2sf)  }
0x6c: {  	s22 =	sadd.s32 s3, s20;
	s23 =	sand.u32 $0x1FFFFFF0, s21;
	s25 =	spop (v2sf)  }
0x6d: {  	[tilespmem:s15], [sflag:$0x1] =	stream.linear.gather [hbm4b:s22+s0], $0x80, $0x38;
	[tilespmem:$0x10400] =	vst v63  }
0x6e: {  	s29 =	sadd.s32 s4, s23;
	s30 =	sand.u32 $0x1FFFFFF0, s25;
	s31 =	spop (v2sf)  }
0x6f: {  	[tilespmem:s11], [sflag:$0x3] =	stream.linear.gather [hbm4b:s29+s0], $0x80, $0x38;
	[tilespmem:$0x10400] =	vst v63  }
0x70: {  	s6 =	sadd.s32 s3, s30;
	s8 =	sand.u32 $0x1FFFFFF0, s31;
	s9 =	spop (v2sf)  }
0x71: {  	[tilespmem:s24], [sflag:$0x1] =	stream.linear.gather [hbm4b:s6+s0], $0x80, $0x38;
	[tilespmem:$0x10400] =	vst v63  }
0x72: {  	s10 =	sadd.s32 s4, s8;
	s11 =	sand.u32 $0x1FFFFFF0, s9;
	s12 =	spop (v2sf)  }
0x73: {  	[tilespmem:s13], [sflag:$0x3] =	stream.linear.gather [hbm4b:s10+s0], $0x80, $0x38;
	[tilespmem:$0x10400] =	vst v63  }
0x74: {  	s7 =	sand.u32 $0x1FFFFFF0, s12;
	s6 =	sadd.s32 s3, s11;
	s13 =	sadd.s32 $0xB80, s26  }
0x75: {  	[tilespmem:s13], [sflag:$0x1] =	stream.linear.gather [hbm4b:s6+s0], $0x80, $0x38;
	[tilespmem:$0x10400] =	vst v63  }
0x76: {  	s14 =	sadd.s32 $0x8B80, s26;
	s15 =	sadd.s32 s4, s7  }
0x77: {  	[tilespmem:s14], [sflag:$0x3] =	stream.linear.gather [hbm4b:s15+s0], $0x80, $0x38;
	[tilespmem:$0x10400] =	vst v63  }
0x78: {  	v0 =	vld [tilespmem:s2+$0x0]  }
0x79: {  	v2 =	vld [tilespmem:s19+$0x0];
	_ =	sdelay $0x3  }
0x7a: {  	v1 =	vshll.u32 v0, $0x4  }
0x7b: {  	s16 =	smov.u32 s28;
	v63 =	vshll.u32 v2, $0x4;
	(v2sf) =	vpush v1, $0x0  }
0x7c: {  	s26 =	sshra.s32 s16, $0x2;
	(v2sf) =	vpush v63, $0x0  }
0x7d: {  	p0 =	sne.s32 s28, $0xE000;
	s28 =	sadd.s32 $0x2000, s28;
	s7 =	sadd.s32 $0x8400, s26;
	(v2sf) =	vpush v1, $0x1  }
0x7e: {  	s17 =	sadd.s32 $0x680, s26;
	s18 =	sadd.s32 $0x880, s26;
	s8 =	sadd.s32 $0x400, s26  }
0x7f: {  	s20 =	sadd.s32 $0x8900, s26;
	s5 =	sadd.s32 $0x580, s26;
	[smem:$0x7F1] =	sst s17;
	(v2sf) =	vpush v63, $0x1  }
0x80: {  	s22 =	sadd.s32 $0x8580, s26;
	s21 =	sadd.s32 $0x8A00, s26;
	[dreg:$0xc] =	wrdreg s18  }
0x81: {  	s9 =	sadd.s32 $0xA80, s26;
	s30 =	sadd.s32 $0x8480, s26;
	[dreg:$0x4] =	wrdreg s20  }
0x82: {  	s29 =	sadd.s32 $0x8500, s26;
	s16 =	sadd.s32 $0x700, s26;
	[dreg:$0x18] =	wrdreg s21;
	(v2sf) =	vpush v1, $0x2  }
0x83: {  	s23 =	sadd.s32 $0x8980, s26;
	s12 =	sadd.s32 $0x8A80, s26;
	[dreg:$0x1d] =	wrdreg s9  }
0x84: {  	s25 =	sadd.s32 $0x8700, s26;
	s24 =	sadd.s32 $0x8880, s26;
	[dreg:$0x8] =	wrdreg s23;
	(v2sf) =	vpush v63, $0x2  }
0x85: {  	s31 =	sadd.s32 $0x900, s26;
	s10 =	sadd.s32 $0x8800, s26;
	[dreg:$0x14] =	wrdreg s24  }
0x86: {  	s18 =	sadd.s32 $0x600, s26;
	s6 =	sadd.s32 $0x500, s26;
	[dreg:$0x10] =	wrdreg s31;
	(v2sf) =	vpush v1, $0x3  }
0x87: {  	s21 =	sadd.s32 $0x8600, s26;
	s17 =	sadd.s32 $0x8680, s26;
	[dreg:$0x19] =	wrdreg s10  }
0x88: {  	s23 =	sadd.s32 $0xA00, s26;
	s9 =	sadd.s32 $0x480, s26;
	s10 =	sadd.s32 $0x800, s26;
	(v2sf) =	vpush v63, $0x3  }
0x89: {  	s24 =	sadd.s32 $0xB00, s26;
	s13 =	sadd.s32 $0x8B00, s26;
	[dreg:$0x1e] =	wrdreg s10  }
0x8a: {  	s10 =	sadd.s32 $0x980, s26;
	s0 =	simm.s32 $0x0;
	(v2sf) =	vpush v1, $0x4;
	s11 =	spop (v2sf)  }
0x8b: {  	s15 =	sadd.s32 $0x780, s26;
	s31 =	sand.u32 $0x1FFFFFF0, s11;
	s20 =	spop (v2sf)  }
0x8c: {  	(v2sf) =	vpush v63, $0x4;
	s31 =	sadd.s32 s3, s31;
	s11 =	sand.u32 $0x1FFFFFF0, s20;
	s20 =	spop (v2sf)  }
0x8d: {  	[tilespmem:s8], [sflag:$0x1] =	stream.linear.gather [hbm4b:s31+s0], $0x80, $0x38;
	[tilespmem:$0x10400] =	vst v63  }
0x8e: {  	(v2sf) =	vpush v1, $0x5;
	s11 =	sadd.s32 s4, s11;
	s20 =	sand.u32 $0x1FFFFFF0, s20;
	s31 =	spop (v2sf)  }
0x8f: {  	(v2sf) =	vpush v63, $0x5;
	[tilespmem:s7], [sflag:$0x3] =	stream.linear.gather [hbm4b:s11+s0], $0x80, $0x38;
	[tilespmem:$0x10400] =	vst v63  }
0x90: {  	s14 =	sadd.s32 $0x8780, s26;
	s11 =	sadd.s32 s3, s20;
	s20 =	sand.u32 $0x1FFFFFF0, s31  }
0x91: {  	s2 =	sadd.s32 $0x10, s2;
	s31 =	spop (v2sf);
	(v2sf) =	vpush v1, $0x6;
	s8 =	sadd.s32 s4, s20  }
0x92: {  	[tilespmem:s9], [sflag:$0x1] =	stream.linear.gather [hbm4b:s11+s0], $0x80, $0x38;
	[tilespmem:$0x10400] =	vst v63  }
0x93: {  	s9 =	sand.u32 $0x1FFFFFF0, s31;
	s11 =	smov.u32 s12;
	s12 =	spop (v2sf);
	(v2sf) =	vpush v63, $0x6  }
0x94: {  	[tilespmem:s30], [sflag:$0x3] =	stream.linear.gather [hbm4b:s8+s0], $0x80, $0x38;
	[tilespmem:$0x10400] =	vst v63  }
0x95: {  	s20 =	sadd.s32 s3, s9;
	s31 =	spop (v2sf);
	s30 =	sand.u32 $0x1FFFFFF0, s12  }
0x96: {  	(v2sf) =	vpush v1, $0x7;
	[tilespmem:s6], [sflag:$0x1] =	stream.linear.gather [hbm4b:s20+s0], $0x80, $0x38;
	[tilespmem:$0x10400] =	vst v63  }
0x97: {  	s12 =	sand.u32 $0x1FFFFFF0, s31;
	s8 =	sadd.s32 s4, s30;
	s20 =	spop (v2sf)  }
0x98: {  	(v2sf) =	vpush v63, $0x7;
	[tilespmem:s29], [sflag:$0x3] =	stream.linear.gather [hbm4b:s8+s0], $0x80, $0x38;
	[tilespmem:$0x10400] =	vst v63  }
0x99: {  	s30 =	sand.u32 $0x1FFFFFF0, s20;
	s31 =	spop (v2sf);
	s29 =	sadd.s32 s3, s12  }
0x9a: {  	(v2sf) =	vpush v1, $0x8;
	[tilespmem:s5], [sflag:$0x1] =	stream.linear.gather [hbm4b:s29+s0], $0x80, $0x38;
	[tilespmem:$0x10400] =	vst v63  }
0x9b: {  	s19 =	sadd.s32 $0x10, s19;
	s7 =	sadd.s32 s4, s30;
	s9 =	spop (v2sf)  }
0x9c: {  	[tilespmem:s22], [sflag:$0x3] =	stream.linear.gather [hbm4b:s7+s0], $0x80, $0x38;
	[tilespmem:$0x10400] =	vst v63  }
0x9d: {  	s8 =	sand.u32 $0x1FFFFFF0, s31;
	s20 =	sand.u32 $0x1FFFFFF0, s9;
	s22 =	spop (v2sf)  }
0x9e: {  	s12 =	sadd.s32 s3, s8;
	(v2sf) =	vpush v63, $0x8;
	s29 =	sadd.s32 s4, s20;
	s31 =	spop (v2sf)  }
0x9f: {  	(v2sf) =	vpush v1, $0x9;
	[tilespmem:s18], [sflag:$0x1] =	stream.linear.gather [hbm4b:s12+s0], $0x80, $0x38;
	[tilespmem:$0x10400] =	vst v63  }
0xa0: {  	s30 =	sand.u32 $0x1FFFFFF0, s22;
	s18 =	sld [smem:$0x7F1];
	s12 =	spop (v2sf)  }
0xa1: {  	(v2sf) =	vpush v63, $0x9;
	[tilespmem:s21], [sflag:$0x3] =	stream.linear.gather [hbm4b:s29+s0], $0x80, $0x38;
	[tilespmem:$0x10400] =	vst v63  }
0xa2: {  	s8 =	sadd.s32 s3, s30;
	s9 =	sand.u32 $0x1FFFFFF0, s31;
	s22 =	spop (v2sf)  }
0xa3: {  	[tilespmem:s18], [sflag:$0x1] =	stream.linear.gather [hbm4b:s8+s0], $0x80, $0x38;
	[tilespmem:$0x10400] =	vst v63  }
0xa4: {  	s20 =	sadd.s32 s4, s9;
	s21 =	sand.u32 $0x1FFFFFF0, s12;
	s30 =	sand.u32 $0x1FFFFFF0, s22  }
0xa5: {  	(v2sf) =	vpush v1, $0xA;
	s29 =	sadd.s32 s3, s21;
	s31 =	spop (v2sf);
	s8 =	sadd.s32 s4, s30  }
0xa6: {  	[tilespmem:s17], [sflag:$0x3] =	stream.linear.gather [hbm4b:s20+s0], $0x80, $0x38;
	[tilespmem:$0x10400] =	vst v63  }
0xa7: {  	(v2sf) =	vpush v63, $0xA;
	s9 =	sand.u32 $0x1FFFFFF0, s31;
	s31 =	rddreg [dreg:$0x1e];
	s12 =	spop (v2sf)  }
0xa8: {  	[tilespmem:s16], [sflag:$0x1] =	stream.linear.gather [hbm4b:s29+s0], $0x80, $0x38;
	[tilespmem:$0x10400] =	vst v63  }
0xa9: {  	(v2sf) =	vpush v1, $0xB;
	s16 =	sadd.s32 s3, s9;
	s17 =	sand.u32 $0x1FFFFFF0, s12;
	s18 =	spop (v2sf)  }
0xaa: {  	[tilespmem:s25], [sflag:$0x3] =	stream.linear.gather [hbm4b:s8+s0], $0x80, $0x38;
	[tilespmem:$0x10400] =	vst v63  }
0xab: {  	s20 =	sadd.s32 s4, s17;
	s21 =	sand.u32 $0x1FFFFFF0, s18;
	s17 =	rddreg [dreg:$0x19]  }
0xac: {  	[tilespmem:s15], [sflag:$0x1] =	stream.linear.gather [hbm4b:s16+s0], $0x80, $0x38;
	[tilespmem:$0x10400] =	vst v63  }
0xad: {  	(v2sf) =	vpush v63, $0xB;
	s25 =	sadd.s32 s3, s21;
	s15 =	rddreg [dreg:$0x1d];
	s22 =	spop (v2sf)  }
0xae: {  	(v2sf) =	vpush v1, $0xC;
	s29 =	sand.u32 $0x1FFFFFF0, s22;
	s30 =	spop (v2sf);
	s22 =	rddreg [dreg:$0xc]  }
0xaf: {  	[tilespmem:s14], [sflag:$0x3] =	stream.linear.gather [hbm4b:s20+s0], $0x80, $0x38;
	[tilespmem:$0x10400] =	vst v63  }
0xb0: {  	(v2sf) =	vpush v63, $0xC;
	s14 =	rddreg [dreg:$0x18];
	s12 =	sand.u32 $0x1FFFFFF0, s30;
	s16 =	spop (v2sf)  }
0xb1: {  	[tilespmem:s31], [sflag:$0x1] =	stream.linear.gather [hbm4b:s25+s0], $0x80, $0x38;
	[tilespmem:$0x10400] =	vst v63  }
0xb2: {  	s9 =	sadd.s32 s4, s29;
	s18 =	sadd.s32 s3, s12;
	s20 =	sand.u32 $0x1FFFFFF0, s16  }
0xb3: {  	[tilespmem:s17], [sflag:$0x3] =	stream.linear.gather [hbm4b:s9+s0], $0x80, $0x38;
	[tilespmem:$0x10400] =	vst v63  }
0xb4: {  	s16 =	rddreg [dreg:$0x10];
	s21 =	spop (v2sf);
	s25 =	sadd.s32 s4, s20  }
0xb5: {  	[tilespmem:s22], [sflag:$0x1] =	stream.linear.gather [hbm4b:s18+s0], $0x80, $0x38;
	[tilespmem:$0x10400] =	vst v63  }
0xb6: {  	s31 =	rddreg [dreg:$0x14];
	s29 =	sand.u32 $0x1FFFFFF0, s21;
	s30 =	spop (v2sf)  }
0xb7: {  	[tilespmem:s31], [sflag:$0x3] =	stream.linear.gather [hbm4b:s25+s0], $0x80, $0x38;
	[tilespmem:$0x10400] =	vst v63  }
0xb8: {  	s8 =	sadd.s32 s3, s29;
	s9 =	sand.u32 $0x1FFFFFF0, s30;
	s12 =	spop (v2sf)  }
0xb9: {  	[tilespmem:s16], [sflag:$0x1] =	stream.linear.gather [hbm4b:s8+s0], $0x80, $0x38;
	[tilespmem:$0x10400] =	vst v63  }
0xba: {  	s21 =	rddreg [dreg:$0x4];
	s17 =	sadd.s32 s4, s9;
	s18 =	sand.u32 $0x1FFFFFF0, s12  }
0xbb: {  	(v2sf) =	vpush v1, $0xD;
	[tilespmem:s21], [sflag:$0x3] =	stream.linear.gather [hbm4b:s17+s0], $0x80, $0x38;
	[tilespmem:$0x10400] =	vst v63  }
.Ltmp0:
0xbc: {  	(v2sf) =	vpush v63, $0xD;
	s22 =	sadd.s32 s3, s18;
	s20 =	spop (v2sf);
	(pc) =	sbr.rel @p0 .LBB2_2-.Ltmp0, $4  }
0xbd: {  	(v2sf) =	vpush v1, $0xE;
	s31 =	rddreg [dreg:$0x8];
	s25 =	sand.u32 $0x1FFFFFF0, s20;
	s29 =	spop (v2sf)  }
0xbe: {  	(v2sf) =	vpush v63, $0xE;
	[tilespmem:s10], [sflag:$0x1] =	stream.linear.gather [hbm4b:s22+s0], $0x80, $0x38;
	[tilespmem:$0x10400] =	vst v63  }
0xbf: {  	(v2sf) =	vpush v1, $0xF;
	s30 =	sadd.s32 s4, s25;
	s5 =	sand.u32 $0x1FFFFFF0, s29;
	s6 =	spop (v2sf)  }
0xc0: {  	(v2sf) =	vpush v63, $0xF;
	[tilespmem:s31], [sflag:$0x3] =	stream.linear.gather [hbm4b:s30+s0], $0x80, $0x38;
	[tilespmem:$0x10400] =	vst v63  }
0xc1: {  	_ =	sdelay $0x4  }
0xc2: {  	s2 =	sadd.s32 s3, s5;
	s17 =	sand.u32 $0x1FFFFFF0, s6  }
0xc3: {  	[tilespmem:s23], [sflag:$0x1] =	stream.linear.gather [hbm4b:s2+s0], $0x80, $0x38;
	[tilespmem:$0x10400] =	vst v63  }
0xc4: {  	s19 =	sadd.s32 s4, s17  }
0xc5: {  	[tilespmem:s14], [sflag:$0x3] =	stream.linear.gather [hbm4b:s19+s0], $0x80, $0x38;
	[tilespmem:$0x10400] =	vst v63  }
0xc6: {  	s18 =	spop (v2sf)  }
0xc7: {  	s20 =	sand.u32 $0x1FFFFFF0, s18;
	s21 =	spop (v2sf)  }
0xc8: {  	s22 =	sadd.s32 s3, s20;
	s23 =	sand.u32 $0x1FFFFFF0, s21;
	s25 =	spop (v2sf)  }
0xc9: {  	[tilespmem:s15], [sflag:$0x1] =	stream.linear.gather [hbm4b:s22+s0], $0x80, $0x38;
	[tilespmem:$0x10400] =	vst v63  }
0xca: {  	s29 =	sadd.s32 s4, s23;
	s30 =	sand.u32 $0x1FFFFFF0, s25;
	s31 =	spop (v2sf)  }
0xcb: {  	[tilespmem:s11], [sflag:$0x3] =	stream.linear.gather [hbm4b:s29+s0], $0x80, $0x38;
	[tilespmem:$0x10400] =	vst v63  }
0xcc: {  	s5 =	sadd.s32 s3, s30;
	s7 =	sand.u32 $0x1FFFFFF0, s31;
	s8 =	spop (v2sf)  }
0xcd: {  	[tilespmem:s24], [sflag:$0x1] =	stream.linear.gather [hbm4b:s5+s0], $0x80, $0x38;
	[tilespmem:$0x10400] =	vst v63  }
0xce: {  	s9 =	sadd.s32 s4, s7;
	s10 =	sand.u32 $0x1FFFFFF0, s8;
	s11 =	spop (v2sf)  }
0xcf: {  	[tilespmem:s13], [sflag:$0x3] =	stream.linear.gather [hbm4b:s9+s0], $0x80, $0x38;
	[tilespmem:$0x10400] =	vst v63  }
0xd0: {  	s12 =	sadd.s32 $0xB80, s26;
	s6 =	sand.u32 $0x1FFFFFF0, s11;
	s5 =	sadd.s32 s3, s10  }
0xd1: {  	[tilespmem:s12], [sflag:$0x1] =	stream.linear.gather [hbm4b:s5+s0], $0x80, $0x38;
	[tilespmem:$0x10400] =	vst v63  }
0xd2: {  	s15 =	simm.s32 $0x80;
	s14 =	sadd.s32 s4, s6;
	s13 =	sadd.s32 $0x8B80, s26  }
0xd3: {  	[tilespmem:s13], [sflag:$0x3] =	stream.linear.gather [hbm4b:s14+s0], $0x80, $0x38;
	[tilespmem:$0x10400] =	vst v63  }
0xd4: {  	s16 =	simm.s32 $0x280;
	v0 =	vld [tilespmem:s15+$0x0]  }
0xd5: {  	v2 =	vld [tilespmem:s16+$0x0];
	_ =	sdelay $0x3  }
0xd6: {  	v1 =	vshll.u32 v0, $0x4  }
0xd7: {  	v63 =	vshll.u32 v2, $0x4;
	(v2sf) =	vpush v1, $0x0  }
0xd8: {  	(v2sf) =	vpush v63, $0x0;
	_ =	sdelay $0x2  }
0xd9: {  	(v2sf) =	vpush v1, $0x1  }
0xda: {  	(v2sf) =	vpush v63, $0x1;
	_ =	sdelay $0x1  }
0xdb: {  	(v2sf) =	vpush v1, $0x2;
	_ =	sdelay $0x1  }
0xdc: {  	(v2sf) =	vpush v63, $0x2;
	_ =	sdelay $0x1  }
0xdd: {  	s28 =	simm.s32 $0x2000;
	(v2sf) =	vpush v1, $0x3  }
0xde: {  	s17 =	simm.s32 $0xC400;
	s2 =	simm.s32 $0x4880;
	s18 =	simm.s32 $0x4580  }
0xdf: {  	s22 =	simm.s32 $0x4480;
	s25 =	simm.s32 $0xC480;
	s30 =	simm.s32 $0x4500;
	(v2sf) =	vpush v63, $0x3  }
0xe0: {  	s7 =	simm.s32 $0x4400;
	s26 =	simm.s32 $0x0;
	s9 =	simm.s32 $0x4600  }
0xe1: {  	s5 =	simm.s32 $0x4680;
	s0 =	simm.s32 $0xC900;
	s8 =	spop (v2sf)  }
0xe2: {  	s14 =	simm.s32 $0xC500;
	s8 =	sand.u32 $0x1FFFFFF0, s8;
	s19 =	spop (v2sf)  }
0xe3: {  	s13 =	simm.s32 $0x4A80;
	(v2sf) =	vpush v1, $0x4;
	s8 =	sadd.s32 s3, s8;
	s20 =	sand.u32 $0x1FFFFFF0, s19  }
0xe4: {  	(v2sf) =	vpush v63, $0x4;
	[tilespmem:s7], [sflag:$0x2] =	stream.linear.gather [hbm4b:s8+s1], $0x80, $0x38;
	[tilespmem:$0x10400] =	vst v63  }
0xe5: {  	s21 =	spop (v2sf);
	s19 =	simm.s32 $0xCA00;
	s7 =	simm.s32 $0xC580  }
0xe6: {  	s8 =	sadd.s32 s4, s20;
	s11 =	sand.u32 $0x1FFFFFF0, s21;
	s12 =	spop (v2sf)  }
0xe7: {  	(v2sf) =	vpush v1, $0x5;
	[tilespmem:s17], [sflag:$0x4] =	stream.linear.gather [hbm4b:s8+s1], $0x80, $0x38;
	[tilespmem:$0x10400] =	vst v63  }
0xe8: {  	s23 =	sadd.s32 s3, s11;
	s24 =	sand.u32 $0x1FFFFFF0, s12;
	s29 =	spop (v2sf)  }
0xe9: {  	(v2sf) =	vpush v63, $0x5;
	[tilespmem:s22], [sflag:$0x2] =	stream.linear.gather [hbm4b:s23+s1], $0x80, $0x38;
	[tilespmem:$0x10400] =	vst v63  }
0xea: {  	s11 =	sadd.s32 s4, s24;
	(v2sf) =	vpush v1, $0x6;
	s8 =	sand.u32 $0x1FFFFFF0, s29;
	s31 =	spop (v2sf)  }
0xeb: {  	[tilespmem:s25], [sflag:$0x4] =	stream.linear.gather [hbm4b:s11+s1], $0x80, $0x38;
	[tilespmem:$0x10400] =	vst v63  }
0xec: {  	s8 =	sadd.s32 s3, s8;
	s10 =	spop (v2sf);
	s11 =	sand.u32 $0x1FFFFFF0, s31  }
0xed: {  	(v2sf) =	vpush v63, $0x6;
	[tilespmem:s30], [sflag:$0x2] =	stream.linear.gather [hbm4b:s8+s1], $0x80, $0x38;
	[tilespmem:$0x10400] =	vst v63  }
0xee: {  	s16 =	sand.u32 $0x1FFFFFF0, s10;
	s17 =	spop (v2sf);
	s15 =	sadd.s32 s4, s11  }
0xef: {  	(v2sf) =	vpush v1, $0x7;
	[tilespmem:s14], [sflag:$0x4] =	stream.linear.gather [hbm4b:s15+s1], $0x80, $0x38;
	[tilespmem:$0x10400] =	vst v63  }
0xf0: {  	s12 =	simm.s32 $0xCA80;
	s24 =	simm.s32 $0xC680;
	s11 =	sadd.s32 s3, s16  }
0xf1: {  	(v2sf) =	vpush v63, $0x7;
	[tilespmem:s18], [sflag:$0x2] =	stream.linear.gather [hbm4b:s11+s1], $0x80, $0x38;
	[tilespmem:$0x10400] =	vst v63  }
0xf2: {  	s29 =	simm.s32 $0x4700;
	s6 =	sand.u32 $0x1FFFFFF0, s17;
	s20 =	spop (v2sf)  }
0xf3: {  	s6 =	sadd.s32 s4, s6;
	s15 =	simm.s32 $0xC700;
	s21 =	spop (v2sf)  }
0xf4: {  	[tilespmem:s7], [sflag:$0x4] =	stream.linear.gather [hbm4b:s6+s1], $0x80, $0x38;
	[tilespmem:$0x10400] =	vst v63  }
0xf5: {  	s18 =	simm.s32 $0xC600;
	(v2sf) =	vpush v1, $0x8;
	s11 =	sand.u32 $0x1FFFFFF0, s20;
	s23 =	sand.u32 $0x1FFFFFF0, s21  }
0xf6: {  	s22 =	sadd.s32 s3, s11;
	s25 =	spop (v2sf);
	s7 =	sadd.s32 s4, s23  }
0xf7: {  	(v2sf) =	vpush v63, $0x8;
	[tilespmem:s9], [sflag:$0x2] =	stream.linear.gather [hbm4b:s22+s1], $0x80, $0x38;
	[tilespmem:$0x10400] =	vst v63  }
0xf8: {  	s9 =	sand.u32 $0x1FFFFFF0, s25;
	s30 =	spop (v2sf);
	s22 =	simm.s32 $0xC780  }
0xf9: {  	(v2sf) =	vpush v1, $0x9;
	s9 =	sadd.s32 s3, s9;
	s8 =	sand.u32 $0x1FFFFFF0, s30;
	s31 =	spop (v2sf)  }
0xfa: {  	(v2sf) =	vpush v63, $0x9;
	[tilespmem:s18], [sflag:$0x4] =	stream.linear.gather [hbm4b:s7+s1], $0x80, $0x38;
	[tilespmem:$0x10400] =	vst v63  }
0xfb: {  	s30 =	simm.s32 $0xC800;
	s8 =	sadd.s32 s4, s8;
	s10 =	sand.u32 $0x1FFFFFF0, s31  }
0xfc: {  	(v2sf) =	vpush v1, $0xA;
	s11 =	spop (v2sf);
	s18 =	simm.s32 $0x4780;
	s14 =	sadd.s32 s3, s10  }
0xfd: {  	[tilespmem:s5], [sflag:$0x2] =	stream.linear.gather [hbm4b:s9+s1], $0x80, $0x38;
	[tilespmem:$0x10400] =	vst v63  }
0xfe: {  	(v2sf) =	vpush v63, $0xA;
	s6 =	sand.u32 $0x1FFFFFF0, s11;
	s16 =	spop (v2sf);
	s10 =	simm.s32 $0xC880  }
0xff: {  	[tilespmem:s24], [sflag:$0x4] =	stream.linear.gather [hbm4b:s8+s1], $0x80, $0x38;
	[tilespmem:$0x10400] =	vst v63  }
0x100: {  	(v2sf) =	vpush v1, $0xB;
	s5 =	simm.s32 $0xC980;
	s9 =	sand.u32 $0x1FFFFFF0, s16;
	s17 =	spop (v2sf)  }
0x101: {  	[tilespmem:s29], [sflag:$0x2] =	stream.linear.gather [hbm4b:s14+s1], $0x80, $0x38;
	[tilespmem:$0x10400] =	vst v63  }
0x102: {  	s6 =	sadd.s32 s4, s6;
	s20 =	sadd.s32 s3, s9;
	s21 =	sand.u32 $0x1FFFFFF0, s17  }
0x103: {  	[tilespmem:s15], [sflag:$0x4] =	stream.linear.gather [hbm4b:s6+s1], $0x80, $0x38;
	[tilespmem:$0x10400] =	vst v63  }
0x104: {  	(v2sf) =	vpush v63, $0xB;
	s9 =	sadd.s32 s4, s21;
	s24 =	simm.s32 $0x4800;
	s23 =	spop (v2sf)  }
0x105: {  	[tilespmem:s18], [sflag:$0x2] =	stream.linear.gather [hbm4b:s20+s1], $0x80, $0x38;
	[tilespmem:$0x10400] =	vst v63  }
0x106: {  	s14 =	simm.s32 $0x4900;
	s7 =	sand.u32 $0x1FFFFFF0, s23;
	s25 =	spop (v2sf)  }
0x107: {  	[tilespmem:s22], [sflag:$0x4] =	stream.linear.gather [hbm4b:s9+s1], $0x80, $0x38;
	[tilespmem:$0x10400] =	vst v63  }
0x108: {  	(v2sf) =	vpush v1, $0xC;
	s7 =	sadd.s32 s3, s7;
	s9 =	sand.u32 $0x1FFFFFF0, s25;
	s29 =	spop (v2sf)  }
0x109: {  	s31 =	sadd.s32 s4, s9;
	s8 =	sand.u32 $0x1FFFFFF0, s29;
	s11 =	spop (v2sf)  }
0x10a: {  	(v2sf) =	vpush v63, $0xC;
	[tilespmem:s24], [sflag:$0x2] =	stream.linear.gather [hbm4b:s7+s1], $0x80, $0x38;
	[tilespmem:$0x10400] =	vst v63  }
0x10b: {  	s9 =	sadd.s32 s3, s8;
	s7 =	sand.u32 $0x1FFFFFF0, s11;
	s15 =	spop (v2sf)  }
0x10c: {  	[tilespmem:s30], [sflag:$0x4] =	stream.linear.gather [hbm4b:s31+s1], $0x80, $0x38;
	[tilespmem:$0x10400] =	vst v63  }
0x10d: {  	s24 =	simm.s32 $0x4980;
	s7 =	sadd.s32 s4, s7;
	s16 =	spop (v2sf)  }
0x10e: {  	[tilespmem:s2], [sflag:$0x2] =	stream.linear.gather [hbm4b:s9+s1], $0x80, $0x38;
	[tilespmem:$0x10400] =	vst v63  }
0x10f: {  	s18 =	sand.u32 $0x1FFFFFF0, s16;
	s20 =	spop (v2sf);
	s9 =	sand.u32 $0x1FFFFFF0, s15  }
0x110: {  	[tilespmem:s10], [sflag:$0x4] =	stream.linear.gather [hbm4b:s7+s1], $0x80, $0x38;
	[tilespmem:$0x10400] =	vst v63  }
0x111: {  	s21 =	sadd.s32 s4, s18;
	s22 =	sand.u32 $0x1FFFFFF0, s20;
	s17 =	sadd.s32 s3, s9  }
0x112: {  	[tilespmem:s14], [sflag:$0x2] =	stream.linear.gather [hbm4b:s17+s1], $0x80, $0x38;
	[tilespmem:$0x10400] =	vst v63  }
0x113: {  	s23 =	spop (v2sf);
	s20 =	simm.s32 $0x4B00;
	s25 =	sadd.s32 s3, s22  }
0x114: {  	(v2sf) =	vpush v1, $0xD;
	[tilespmem:s0], [sflag:$0x4] =	stream.linear.gather [hbm4b:s21+s1], $0x80, $0x38;
	[tilespmem:$0x10400] =	vst v63  }
0x115: {  	(v2sf) =	vpush v63, $0xD;
	s29 =	sand.u32 $0x1FFFFFF0, s23;
	s23 =	simm.s32 $0x4A00;
	s2 =	simm.s32 $0x90  }
0x116: {  	(v2sf) =	vpush v1, $0xE;
	[tilespmem:s24], [sflag:$0x2] =	stream.linear.gather [hbm4b:s25+s1], $0x80, $0x38;
	[tilespmem:$0x10400] =	vst v63  }
0x117: {  	s30 =	sadd.s32 s4, s29;
	(v2sf) =	vpush v63, $0xE;
	s14 =	simm.s32 $0xCB00;
	s31 =	spop (v2sf)  }
0x118: {  	(v2sf) =	vpush v1, $0xF;
	[tilespmem:s5], [sflag:$0x4] =	stream.linear.gather [hbm4b:s30+s1], $0x80, $0x38;
	[tilespmem:$0x10400] =	vst v63  }
0x119: {  	(v2sf) =	vpush v63, $0xF;
	s0 =	simm.s32 $0x290;
	s6 =	spop (v2sf);
	s5 =	sand.u32 $0x1FFFFFF0, s31  }
.LBB2_4:
0x11a: {  	_ =	sdelay $0x4  }
0x11b: {  	s5 =	sadd.s32 s3, s5;
	s6 =	sand.u32 $0x1FFFFFF0, s6  }
0x11c: {  	[tilespmem:s23], [sflag:$0x2] =	stream.linear.gather [hbm4b:s5+s1], $0x80, $0x38;
	[tilespmem:$0x10400] =	vst v63  }
0x11d: {  	s6 =	sadd.s32 s4, s6  }
0x11e: {  	[tilespmem:s19], [sflag:$0x4] =	stream.linear.gather [hbm4b:s6+s1], $0x80, $0x38;
	[tilespmem:$0x10400] =	vst v63  }
0x11f: {  	s7 =	spop (v2sf)  }
0x120: {  	s7 =	sand.u32 $0x1FFFFFF0, s7;
	s8 =	spop (v2sf)  }
0x121: {  	s9 =	sadd.s32 s3, s7;
	s10 =	sand.u32 $0x1FFFFFF0, s8;
	s11 =	spop (v2sf)  }
0x122: {  	[tilespmem:s13], [sflag:$0x2] =	stream.linear.gather [hbm4b:s9+s1], $0x80, $0x38;
	[tilespmem:$0x10400] =	vst v63  }
0x123: {  	s13 =	sadd.s32 s4, s10;
	s15 =	sand.u32 $0x1FFFFFF0, s11;
	s16 =	spop (v2sf)  }
0x124: {  	[tilespmem:s12], [sflag:$0x4] =	stream.linear.gather [hbm4b:s13+s1], $0x80, $0x38;
	[tilespmem:$0x10400] =	vst v63  }
0x125: {  	s17 =	sadd.s32 s3, s15;
	s18 =	sand.u32 $0x1FFFFFF0, s16;
	s19 =	spop (v2sf)  }
0x126: {  	[tilespmem:s20], [sflag:$0x2] =	stream.linear.gather [hbm4b:s17+s1], $0x80, $0x38;
	[tilespmem:$0x10400] =	vst v63  }
0x127: {  	s21 =	sand.u32 $0x1FFFFFF0, s19;
	s22 =	spop (v2sf);
	s20 =	sadd.s32 s4, s18  }
0x128: {  	[tilespmem:s14], [sflag:$0x4] =	stream.linear.gather [hbm4b:s20+s1], $0x80, $0x38;
	[tilespmem:$0x10400] =	vst v63  }
0x129: {  	s23 =	sadd.s32 $0x4B80, s26;
	s6 =	sadd.s32 s3, s21;
	s7 =	sand.u32 $0x1FFFFFF0, s22  }
0x12a: {  	[tilespmem:s23], [sflag:$0x2] =	stream.linear.gather [hbm4b:s6+s1], $0x80, $0x38;
	[tilespmem:$0x10400] =	vst v63  }
0x12b: {  	s24 =	sadd.s32 $0xCB80, s26;
	s25 =	sadd.s32 s4, s7  }
0x12c: {  	[tilespmem:s24], [sflag:$0x4] =	stream.linear.gather [hbm4b:s25+s1], $0x80, $0x38;
	[tilespmem:$0x10400] =	vst v63  }
0x12d: {  	v0 =	vld [tilespmem:s2+$0x0]  }
0x12e: {  	v2 =	vld [tilespmem:s0+$0x0];
	_ =	sdelay $0x3  }
0x12f: {  	v1 =	vshll.u32 v0, $0x4  }
0x130: {  	s26 =	smov.u32 s28;
	v63 =	vshll.u32 v2, $0x4;
	(v2sf) =	vpush v1, $0x0  }
0x131: {  	s26 =	sshra.s32 s26, $0x2;
	(v2sf) =	vpush v63, $0x0  }
0x132: {  	p0 =	sne.s32 s28, $0xE000;
	s5 =	sadd.s32 $0x4680, s26;
	(v2sf) =	vpush v1, $0x1  }
0x133: {  	s28 =	sadd.s32 $0x2000, s28;
	s29 =	sadd.s32 $0x4880, s26;
	[smem:$0x7EF] =	sst s5  }
0x134: {  	s30 =	sadd.s32 $0xC900, s26;
	s31 =	sadd.s32 $0xC880, s26;
	[dreg:$0xd] =	wrdreg s29;
	(v2sf) =	vpush v63, $0x1  }
0x135: {  	[dreg:$0x5] =	wrdreg s30;
	s29 =	sadd.s32 $0x4500, s26;
	s5 =	sadd.s32 $0xC500, s26  }
0x136: {  	[dreg:$0x15] =	wrdreg s31;
	s8 =	sadd.s32 $0x4400, s26;
	s9 =	sadd.s32 $0xC980, s26;
	(v2sf) =	vpush v1, $0x2  }
0x137: {  	s10 =	sadd.s32 $0x4900, s26;
	s11 =	sadd.s32 $0xC800, s26;
	[dreg:$0x9] =	wrdreg s9  }
0x138: {  	s16 =	sadd.s32 $0x4700, s26;
	[dreg:$0x11] =	wrdreg s10;
	s15 =	sadd.s32 $0x4780, s26;
	(v2sf) =	vpush v63, $0x2  }
0x139: {  	[dreg:$0x1a] =	wrdreg s11;
	s10 =	sadd.s32 $0x4480, s26;
	s9 =	sadd.s32 $0x4980, s26  }
0x13a: {  	s19 =	sadd.s32 $0xCA00, s26;
	s13 =	sadd.s32 $0x4A80, s26;
	s12 =	sadd.s32 $0xCA80, s26;
	(v2sf) =	vpush v1, $0x3  }
0x13b: {  	s22 =	sadd.s32 $0xC580, s26;
	s21 =	sadd.s32 $0xC600, s26;
	s14 =	sadd.s32 $0xC780, s26  }
0x13c: {  	s18 =	sadd.s32 $0x4600, s26;
	s20 =	sadd.s32 $0x4800, s26;
	[smem:$0x7F0] =	sst s14;
	(v2sf) =	vpush v63, $0x3  }
0x13d: {  	s7 =	sadd.s32 $0xC480, s26;
	s17 =	sadd.s32 $0xC680, s26;
	[dreg:$0x1f] =	wrdreg s20  }
0x13e: {  	s20 =	sadd.s32 $0x4B00, s26;
	s14 =	sadd.s32 $0xCB00, s26;
	s6 =	sadd.s32 $0xC400, s26;
	(v2sf) =	vpush v1, $0x4  }
0x13f: {  	s23 =	sadd.s32 $0x4A00, s26;
	s25 =	sadd.s32 $0x4580, s26;
	s30 =	spop (v2sf)  }
0x140: {  	s24 =	sadd.s32 $0xC700, s26;
	s30 =	sand.u32 $0x1FFFFFF0, s30;
	s31 =	spop (v2sf);
	(v2sf) =	vpush v63, $0x4  }
0x141: {  	s30 =	sadd.s32 s3, s30;
	s31 =	sand.u32 $0x1FFFFFF0, s31;
	s11 =	spop (v2sf)  }
0x142: {  	(v2sf) =	vpush v1, $0x5;
	[tilespmem:s8], [sflag:$0x2] =	stream.linear.gather [hbm4b:s30+s1], $0x80, $0x38;
	[tilespmem:$0x10400] =	vst v63  }
0x143: {  	s8 =	sadd.s32 s4, s31;
	s11 =	sand.u32 $0x1FFFFFF0, s11;
	s31 =	spop (v2sf)  }
0x144: {  	[tilespmem:s6], [sflag:$0x4] =	stream.linear.gather [hbm4b:s8+s1], $0x80, $0x38;
	[tilespmem:$0x10400] =	vst v63  }
0x145: {  	(v2sf) =	vpush v63, $0x5;
	s11 =	sadd.s32 s3, s11;
	s30 =	sand.u32 $0x1FFFFFF0, s31;
	s31 =	spop (v2sf)  }
0x146: {  	(v2sf) =	vpush v1, $0x6;
	[tilespmem:s10], [sflag:$0x2] =	stream.linear.gather [hbm4b:s11+s1], $0x80, $0x38;
	[tilespmem:$0x10400] =	vst v63  }
0x147: {  	s10 =	sadd.s32 s4, s30;
	s30 =	sand.u32 $0x1FFFFFF0, s31;
	s31 =	spop (v2sf)  }
0x148: {  	(v2sf) =	vpush v63, $0x6;
	[tilespmem:s7], [sflag:$0x4] =	stream.linear.gather [hbm4b:s10+s1], $0x80, $0x38;
	[tilespmem:$0x10400] =	vst v63  }
0x149: {  	s11 =	sadd.s32 s3, s30;
	s30 =	sand.u32 $0x1FFFFFF0, s31;
	s31 =	spop (v2sf)  }
0x14a: {  	(v2sf) =	vpush v1, $0x7;
	[tilespmem:s29], [sflag:$0x2] =	stream.linear.gather [hbm4b:s11+s1], $0x80, $0x38;
	[tilespmem:$0x10400] =	vst v63  }
0x14b: {  	s7 =	sadd.s32 s4, s30;
	s10 =	sand.u32 $0x1FFFFFF0, s31;
	s11 =	spop (v2sf)  }
0x14c: {  	(v2sf) =	vpush v63, $0x7;
	[tilespmem:s5], [sflag:$0x4] =	stream.linear.gather [hbm4b:s7+s1], $0x80, $0x38;
	[tilespmem:$0x10400] =	vst v63  }
0x14d: {  	s29 =	sadd.s32 s3, s10;
	s30 =	sand.u32 $0x1FFFFFF0, s11;
	s31 =	spop (v2sf)  }
0x14e: {  	[tilespmem:s25], [sflag:$0x2] =	stream.linear.gather [hbm4b:s29+s1], $0x80, $0x38;
	[tilespmem:$0x10400] =	vst v63  }
0x14f: {  	s0 =	sadd.s32 $0x10, s0;
	s6 =	sadd.s32 s4, s30;
	s10 =	spop (v2sf)  }
0x150: {  	(v2sf) =	vpush v1, $0x8;
	[tilespmem:s22], [sflag:$0x4] =	stream.linear.gather [hbm4b:s6+s1], $0x80, $0x38;
	[tilespmem:$0x10400] =	vst v63  }
0x151: {  	s2 =	sadd.s32 $0x10, s2;
	s8 =	sand.u32 $0x1FFFFFF0, s31;
	s25 =	spop (v2sf)  }
0x152: {  	s11 =	sadd.s32 s3, s8;
	(v2sf) =	vpush v63, $0x8;
	s22 =	sand.u32 $0x1FFFFFF0, s10;
	s30 =	sand.u32 $0x1FFFFFF0, s25  }
0x153: {  	(v2sf) =	vpush v1, $0x9;
	[tilespmem:s18], [sflag:$0x2] =	stream.linear.gather [hbm4b:s11+s1], $0x80, $0x38;
	[tilespmem:$0x10400] =	vst v63  }
0x154: {  	s29 =	sadd.s32 s4, s22;
	s31 =	spop (v2sf);
	s8 =	sadd.s32 s3, s30  }
0x155: {  	s10 =	sand.u32 $0x1FFFFFF0, s31;
	s11 =	spop (v2sf);
	s18 =	sld [smem:$0x7EF]  }
0x156: {  	[tilespmem:s21], [sflag:$0x4] =	stream.linear.gather [hbm4b:s29+s1], $0x80, $0x38;
	[tilespmem:$0x10400] =	vst v63  }
0x157: {  	(v2sf) =	vpush v63, $0x9;
	s22 =	sand.u32 $0x1FFFFFF0, s11;
	s21 =	sadd.s32 s4, s10;
	s25 =	spop (v2sf)  }
0x158: {  	[tilespmem:s18], [sflag:$0x2] =	stream.linear.gather [hbm4b:s8+s1], $0x80, $0x38;
	[tilespmem:$0x10400] =	vst v63  }
0x159: {  	(v2sf) =	vpush v1, $0xA;
	s29 =	sadd.s32 s3, s22;
	s30 =	sand.u32 $0x1FFFFFF0, s25;
	s31 =	spop (v2sf)  }
0x15a: {  	[tilespmem:s17], [sflag:$0x4] =	stream.linear.gather [hbm4b:s21+s1], $0x80, $0x38;
	[tilespmem:$0x10400] =	vst v63  }
0x15b: {  	(v2sf) =	vpush v63, $0xA;
	s25 =	sld [smem:$0x7F0];
	s10 =	sand.u32 $0x1FFFFFF0, s31;
	s11 =	spop (v2sf)  }
0x15c: {  	[tilespmem:s16], [sflag:$0x2] =	stream.linear.gather [hbm4b:s29+s1], $0x80, $0x38;
	[tilespmem:$0x10400] =	vst v63  }
0x15d: {  	(v2sf) =	vpush v1, $0xB;
	s8 =	sadd.s32 s4, s30;
	s16 =	sadd.s32 s3, s10;
	s17 =	sand.u32 $0x1FFFFFF0, s11  }
0x15e: {  	[tilespmem:s24], [sflag:$0x4] =	stream.linear.gather [hbm4b:s8+s1], $0x80, $0x38;
	[tilespmem:$0x10400] =	vst v63  }
0x15f: {  	s18 =	spop (v2sf);
	s10 =	rddreg [dreg:$0x1f];
	s21 =	sadd.s32 s4, s17  }
0x160: {  	[tilespmem:s15], [sflag:$0x2] =	stream.linear.gather [hbm4b:s16+s1], $0x80, $0x38;
	[tilespmem:$0x10400] =	vst v63  }
0x161: {  	(v2sf) =	vpush v63, $0xB;
	s22 =	sand.u32 $0x1FFFFFF0, s18;
	s17 =	rddreg [dreg:$0x1a];
	s24 =	spop (v2sf)  }
0x162: {  	(v2sf) =	vpush v1, $0xC;
	s29 =	sadd.s32 s3, s22;
	s30 =	sand.u32 $0x1FFFFFF0, s24;
	s31 =	spop (v2sf)  }
0x163: {  	[tilespmem:s25], [sflag:$0x4] =	stream.linear.gather [hbm4b:s21+s1], $0x80, $0x38;
	[tilespmem:$0x10400] =	vst v63  }
0x164: {  	(v2sf) =	vpush v63, $0xC;
	s24 =	rddreg [dreg:$0xd];
	s11 =	sadd.s32 s4, s30;
	s15 =	sand.u32 $0x1FFFFFF0, s31  }
0x165: {  	[tilespmem:s10], [sflag:$0x2] =	stream.linear.gather [hbm4b:s29+s1], $0x80, $0x38;
	[tilespmem:$0x10400] =	vst v63  }
0x166: {  	s16 =	spop (v2sf);
	s31 =	rddreg [dreg:$0x15];
	s18 =	sadd.s32 s3, s15  }
0x167: {  	[tilespmem:s17], [sflag:$0x4] =	stream.linear.gather [hbm4b:s11+s1], $0x80, $0x38;
	[tilespmem:$0x10400] =	vst v63  }
0x168: {  	s21 =	sand.u32 $0x1FFFFFF0, s16;
	s22 =	spop (v2sf);
	s16 =	rddreg [dreg:$0x11]  }
0x169: {  	[tilespmem:s24], [sflag:$0x2] =	stream.linear.gather [hbm4b:s18+s1], $0x80, $0x38;
	[tilespmem:$0x10400] =	vst v63  }
0x16a: {  	s25 =	sadd.s32 s4, s21;
	s29 =	sand.u32 $0x1FFFFFF0, s22;
	s30 =	spop (v2sf)  }
0x16b: {  	[tilespmem:s31], [sflag:$0x4] =	stream.linear.gather [hbm4b:s25+s1], $0x80, $0x38;
	[tilespmem:$0x10400] =	vst v63  }
0x16c: {  	s10 =	sadd.s32 s3, s29;
	s11 =	sand.u32 $0x1FFFFFF0, s30;
	s15 =	spop (v2sf)  }
0x16d: {  	[tilespmem:s16], [sflag:$0x2] =	stream.linear.gather [hbm4b:s10+s1], $0x80, $0x38;
	[tilespmem:$0x10400] =	vst v63  }
0x16e: {  	s22 =	rddreg [dreg:$0x5];
	s17 =	sadd.s32 s4, s11;
	s18 =	sand.u32 $0x1FFFFFF0, s15  }
0x16f: {  	(v2sf) =	vpush v1, $0xD;
	[tilespmem:s22], [sflag:$0x4] =	stream.linear.gather [hbm4b:s17+s1], $0x80, $0x38;
	[tilespmem:$0x10400] =	vst v63  }
.Ltmp1:
0x170: {  	(v2sf) =	vpush v63, $0xD;
	s24 =	sadd.s32 s3, s18;
	s21 =	spop (v2sf);
	(pc) =	sbr.rel @p0 .LBB2_4-.Ltmp1, $4  }
0x171: {  	(v2sf) =	vpush v1, $0xE;
	s31 =	rddreg [dreg:$0x9];
	s25 =	sand.u32 $0x1FFFFFF0, s21;
	s29 =	spop (v2sf)  }
0x172: {  	(v2sf) =	vpush v63, $0xE;
	[tilespmem:s9], [sflag:$0x2] =	stream.linear.gather [hbm4b:s24+s1], $0x80, $0x38;
	[tilespmem:$0x10400] =	vst v63  }
0x173: {  	(v2sf) =	vpush v1, $0xF;
	s30 =	sadd.s32 s4, s25;
	s5 =	sand.u32 $0x1FFFFFF0, s29;
	s6 =	spop (v2sf)  }
0x174: {  	(v2sf) =	vpush v63, $0xF;
	[tilespmem:s31], [sflag:$0x4] =	stream.linear.gather [hbm4b:s30+s1], $0x80, $0x38;
	[tilespmem:$0x10400] =	vst v63  }
0x175: {  	_ =	sdelay $0x4  }
0x176: {  	s0 =	sadd.s32 s3, s5;
	s2 =	sand.u32 $0x1FFFFFF0, s6  }
0x177: {  	[tilespmem:s23], [sflag:$0x2] =	stream.linear.gather [hbm4b:s0+s1], $0x80, $0x38;
	[tilespmem:$0x10400] =	vst v63  }
0x178: {  	s8 =	sadd.s32 s4, s2  }
0x179: {  	[tilespmem:s19], [sflag:$0x4] =	stream.linear.gather [hbm4b:s8+s1], $0x80, $0x38;
	[tilespmem:$0x10400] =	vst v63  }
0x17a: {  	s7 =	spop (v2sf)  }
0x17b: {  	s9 =	sand.u32 $0x1FFFFFF0, s7;
	s10 =	spop (v2sf)  }
0x17c: {  	s11 =	sadd.s32 s3, s9;
	s15 =	sand.u32 $0x1FFFFFF0, s10;
	s16 =	spop (v2sf)  }
0x17d: {  	[tilespmem:s13], [sflag:$0x2] =	stream.linear.gather [hbm4b:s11+s1], $0x80, $0x38;
	[tilespmem:$0x10400] =	vst v63  }
0x17e: {  	s17 =	sadd.s32 s4, s15;
	s18 =	sand.u32 $0x1FFFFFF0, s16;
	s19 =	spop (v2sf)  }
0x17f: {  	[tilespmem:s12], [sflag:$0x4] =	stream.linear.gather [hbm4b:s17+s1], $0x80, $0x38;
	[tilespmem:$0x10400] =	vst v63  }
0x180: {  	s21 =	sadd.s32 s3, s18;
	s22 =	sand.u32 $0x1FFFFFF0, s19;
	s23 =	spop (v2sf)  }
0x181: {  	[tilespmem:s20], [sflag:$0x2] =	stream.linear.gather [hbm4b:s21+s1], $0x80, $0x38;
	[tilespmem:$0x10400] =	vst v63  }
0x182: {  	s24 =	sadd.s32 s4, s22;
	s25 =	sand.u32 $0x1FFFFFF0, s23;
	s28 =	spop (v2sf)  }
0x183: {  	[tilespmem:s14], [sflag:$0x4] =	stream.linear.gather [hbm4b:s24+s1], $0x80, $0x38;
	[tilespmem:$0x10400] =	vst v63  }
0x184: {  	s29 =	sadd.s32 $0x4B80, s26;
	s2 =	sadd.s32 s3, s25;
	s5 =	sand.u32 $0x1FFFFFF0, s28  }
0x185: {  	[tilespmem:s29], [sflag:$0x2] =	stream.linear.gather [hbm4b:s2+s1], $0x80, $0x38;
	[tilespmem:$0x10400] =	vst v63  }
0x186: {  	s30 =	sadd.s32 $0xCB80, s26;
	s31 =	sadd.s32 s4, s5;
	s2 =	simm.s32 $0x1  }
0x187: {  	[tilespmem:s30], [sflag:$0x4] =	stream.linear.gather [hbm4b:s31+s1], $0x80, $0x38;
	[tilespmem:$0x10400] =	vst v63  }
0x188: {  	_ =	swait.ge [sflag:s2], $0x80  }
0x189: {  	[sflag:s2] =	ssyncset.done $0x0  }
0x18a: {  	s5 =	simm.s32 $0x3;
	[sflag:s2] =	ssyncadd.s32 $0xFFFFFF80  }
0x18b: {  	_ =	swait.ge [sflag:s5], $0x80  }
0x18c: {  	s0 =	simm.s32 $0x7F;
	[sflag:s5] =	ssyncset.done $0x0  }
.LBB2_6:
0x18d: {  	p0 =	sne.s32 s0, $0x1;
	s0 =	sadd.s32 $0xFFFFFFFF, s0;
	[sflag:s5] =	ssyncadd.s32 $0xFFFFFF80  }
.Ltmp2:
0x18e: {  	_ =	swait.ge [sflag:s2], $0x80;
	(pc) =	sbr.rel @p0 .LBB2_6-.Ltmp2, $4  }
0x18f: {  	[sflag:s2] =	ssyncset.done $0x0  }
0x190: {  	[sflag:s2] =	ssyncadd.s32 $0xFFFFFF80  }
0x191: {  	_ =	swait.ge [sflag:s5], $0x80  }
0x192: {  	[sflag:s5] =	ssyncset.done $0x0  }
0x193: {  	s2 =	sld [smem:$0x7F5]  }
0x194: {  	[sflag:s5] =	ssyncadd.s32 $0xFFFFFF80  }
0x195: {  	s0 =	simm.s32 $0x0;
	s14 =	simm.s32 $0x400;
	s15 =	simm.s32 $0x5  }
0x196: {  	[hbm4b:s2+s0] =	stream.linear.scatter [tilespmem:s14], [sflag:$0x5], $0x4000, $0x38;
	[tilespmem:$0x10400] =	vst v63  }
0x197: {  	_ =	swait.ge [sflag:s15], $0x4000  }
0x198: {  	s16 =	sld [smem:$0x7F6]  }
0x199: {  	[sflag:s15] =	ssyncset.done $0x0  }
0x19a: {  	s6 =	simm.s32 $0x8400;
	[sflag:s15] =	ssyncadd.s32 $0xFFFFC000  }
0x19b: {  	[hbm4b:s16+s0] =	stream.linear.scatter [tilespmem:s6], [sflag:$0x5], $0x4000, $0x38;
	[tilespmem:$0x10400] =	vst v63  }
0x19c: {  	_ =	swait.ge [sflag:s15], $0x4000  }
0x19d: {  	[sflag:s15] =	ssyncset.done $0x0  }
0x19e: {  	s17 =	simm.s32 $0x100;
	[sflag:s15] =	ssyncadd.s32 $0xFFFFC000  }
0x19f: {  	s18 =	simm.s32 $0x300;
	v0 =	vld [tilespmem:s17+$0x0]  }
0x1a0: {  	v2 =	vld [tilespmem:s18+$0x0];
	_ =	sdelay $0x3  }
0x1a1: {  	v1 =	vshll.u32 v0, $0x4  }
0x1a2: {  	v63 =	vshll.u32 v2, $0x4;
	(v2sf) =	vpush v1, $0x0  }
0x1a3: {  	(v2sf) =	vpush v63, $0x0  }
0x1a4: {  	(v2sf) =	vpush v1, $0x1;
	_ =	sdelay $0x2  }
0x1a5: {  	(v2sf) =	vpush v63, $0x1;
	_ =	sdelay $0x1  }
0x1a6: {  	(v2sf) =	vpush v1, $0x2;
	_ =	sdelay $0x1  }
0x1a7: {  	(v2sf) =	vpush v63, $0x2;
	_ =	sdelay $0x1  }
0x1a8: {  	s28 =	simm.s32 $0x2000;
	(v2sf) =	vpush v1, $0x3  }
0x1a9: {  	s26 =	simm.s32 $0x0;
	s19 =	simm.s32 $0x8400;
	s5 =	simm.s32 $0x680  }
0x1aa: {  	s7 =	simm.s32 $0x400;
	s9 =	simm.s32 $0x600;
	s13 =	simm.s32 $0x580  }
0x1ab: {  	s22 =	simm.s32 $0x480;
	s25 =	simm.s32 $0x8480;
	s30 =	simm.s32 $0x500  }
0x1ac: {  	s2 =	simm.s32 $0x880;
	s14 =	simm.s32 $0x8500;
	s8 =	spop (v2sf);
	(v2sf) =	vpush v63, $0x3  }
0x1ad: {  	s0 =	simm.s32 $0x8900;
	s8 =	sand.u32 $0x1FFFFFF0, s8;
	s11 =	spop (v2sf)  }
0x1ae: {  	s18 =	simm.s32 $0x8600;
	(v2sf) =	vpush v1, $0x4;
	s8 =	sadd.s32 s3, s8;
	s21 =	spop (v2sf)  }
0x1af: {  	(v2sf) =	vpush v63, $0x4;
	[tilespmem:s7], [sflag:$0x1] =	stream.linear.gather [hbm4b:s8+s1], $0x80, $0x38;
	[tilespmem:$0x10400] =	vst v63  }
0x1b0: {  	s20 =	sand.u32 $0x1FFFFFF0, s11;
	s7 =	simm.s32 $0x8580;
	s11 =	sand.u32 $0x1FFFFFF0, s21  }
0x1b1: {  	s8 =	sadd.s32 s4, s20;
	s12 =	spop (v2sf);
	(v2sf) =	vpush v1, $0x5;
	s23 =	sadd.s32 s3, s11  }
0x1b2: {  	(v2sf) =	vpush v63, $0x5;
	[tilespmem:s19], [sflag:$0x3] =	stream.linear.gather [hbm4b:s8+s1], $0x80, $0x38;
	[tilespmem:$0x10400] =	vst v63  }
0x1b3: {  	s24 =	sand.u32 $0x1FFFFFF0, s12;
	s29 =	spop (v2sf);
	s12 =	simm.s32 $0x8A80  }
0x1b4: {  	[tilespmem:s22], [sflag:$0x1] =	stream.linear.gather [hbm4b:s23+s1], $0x80, $0x38;
	[tilespmem:$0x10400] =	vst v63  }
0x1b5: {  	s11 =	sadd.s32 s4, s24;
	s8 =	sand.u32 $0x1FFFFFF0, s29;
	s31 =	spop (v2sf)  }
0x1b6: {  	(v2sf) =	vpush v1, $0x6;
	[tilespmem:s25], [sflag:$0x3] =	stream.linear.gather [hbm4b:s11+s1], $0x80, $0x38;
	[tilespmem:$0x10400] =	vst v63  }
0x1b7: {  	s8 =	sadd.s32 s3, s8;
	s10 =	spop (v2sf);
	s11 =	sand.u32 $0x1FFFFFF0, s31  }
0x1b8: {  	(v2sf) =	vpush v63, $0x6;
	[tilespmem:s30], [sflag:$0x1] =	stream.linear.gather [hbm4b:s8+s1], $0x80, $0x38;
	[tilespmem:$0x10400] =	vst v63  }
0x1b9: {  	s19 =	simm.s32 $0x8A00;
	s16 =	sand.u32 $0x1FFFFFF0, s10;
	s15 =	sadd.s32 s4, s11  }
0x1ba: {  	[tilespmem:s14], [sflag:$0x3] =	stream.linear.gather [hbm4b:s15+s1], $0x80, $0x38;
	[tilespmem:$0x10400] =	vst v63  }
0x1bb: {  	s24 =	simm.s32 $0x8680;
	s11 =	sadd.s32 s3, s16;
	s17 =	spop (v2sf)  }
0x1bc: {  	(v2sf) =	vpush v1, $0x7;
	[tilespmem:s13], [sflag:$0x1] =	stream.linear.gather [hbm4b:s11+s1], $0x80, $0x38;
	[tilespmem:$0x10400] =	vst v63  }
0x1bd: {  	s29 =	simm.s32 $0x700;
	s6 =	sand.u32 $0x1FFFFFF0, s17;
	s20 =	spop (v2sf)  }
0x1be: {  	s15 =	simm.s32 $0x8700;
	(v2sf) =	vpush v63, $0x7;
	s6 =	sadd.s32 s4, s6;
	s21 =	spop (v2sf)  }
0x1bf: {  	(v2sf) =	vpush v1, $0x8;
	[tilespmem:s7], [sflag:$0x3] =	stream.linear.gather [hbm4b:s6+s1], $0x80, $0x38;
	[tilespmem:$0x10400] =	vst v63  }
0x1c0: {  	s13 =	simm.s32 $0xA80;
	s11 =	sand.u32 $0x1FFFFFF0, s20;
	s25 =	spop (v2sf)  }
0x1c1: {  	s22 =	sadd.s32 s3, s11;
	s23 =	sand.u32 $0x1FFFFFF0, s21;
	(v2sf) =	vpush v63, $0x8;
	s30 =	spop (v2sf)  }
0x1c2: {  	(v2sf) =	vpush v1, $0x9;
	[tilespmem:s9], [sflag:$0x1] =	stream.linear.gather [hbm4b:s22+s1], $0x80, $0x38;
	[tilespmem:$0x10400] =	vst v63  }
0x1c3: {  	s7 =	sadd.s32 s4, s23;
	s9 =	sand.u32 $0x1FFFFFF0, s25;
	s8 =	sand.u32 $0x1FFFFFF0, s30  }
0x1c4: {  	(v2sf) =	vpush v63, $0x9;
	[tilespmem:s18], [sflag:$0x3] =	stream.linear.gather [hbm4b:s7+s1], $0x80, $0x38;
	[tilespmem:$0x10400] =	vst v63  }
0x1c5: {  	s31 =	spop (v2sf);
	s22 =	simm.s32 $0x8780;
	s9 =	sadd.s32 s3, s9;
	(v2sf) =	vpush v1, $0xA  }
0x1c6: {  	[tilespmem:s5], [sflag:$0x1] =	stream.linear.gather [hbm4b:s9+s1], $0x80, $0x38;
	[tilespmem:$0x10400] =	vst v63  }
0x1c7: {  	s8 =	sadd.s32 s4, s8;
	s10 =	sand.u32 $0x1FFFFFF0, s31;
	s11 =	spop (v2sf);
	(v2sf) =	vpush v63, $0xA  }
0x1c8: {  	[tilespmem:s24], [sflag:$0x3] =	stream.linear.gather [hbm4b:s8+s1], $0x80, $0x38;
	[tilespmem:$0x10400] =	vst v63  }
0x1c9: {  	s30 =	simm.s32 $0x8800;
	s14 =	sadd.s32 s3, s10;
	s6 =	sand.u32 $0x1FFFFFF0, s11  }
0x1ca: {  	[tilespmem:s29], [sflag:$0x1] =	stream.linear.gather [hbm4b:s14+s1], $0x80, $0x38;
	[tilespmem:$0x10400] =	vst v63  }
0x1cb: {  	s18 =	simm.s32 $0x780;
	s6 =	sadd.s32 s4, s6;
	s16 =	spop (v2sf)  }
0x1cc: {  	[tilespmem:s15], [sflag:$0x3] =	stream.linear.gather [hbm4b:s6+s1], $0x80, $0x38;
	[tilespmem:$0x10400] =	vst v63  }
0x1cd: {  	s10 =	simm.s32 $0x8880;
	(v2sf) =	vpush v1, $0xB;
	s9 =	sand.u32 $0x1FFFFFF0, s16;
	s17 =	spop (v2sf)  }
0x1ce: {  	s5 =	simm.s32 $0x8980;
	s20 =	sadd.s32 s3, s9;
	s23 =	spop (v2sf)  }
0x1cf: {  	(v2sf) =	vpush v63, $0xB;
	[tilespmem:s18], [sflag:$0x1] =	stream.linear.gather [hbm4b:s20+s1], $0x80, $0x38;
	[tilespmem:$0x10400] =	vst v63  }
0x1d0: {  	s24 =	simm.s32 $0x800;
	s21 =	sand.u32 $0x1FFFFFF0, s17;
	s25 =	spop (v2sf)  }
0x1d1: {  	s9 =	sadd.s32 s4, s21;
	s7 =	sand.u32 $0x1FFFFFF0, s23;
	s29 =	spop (v2sf)  }
0x1d2: {  	[tilespmem:s22], [sflag:$0x3] =	stream.linear.gather [hbm4b:s9+s1], $0x80, $0x38;
	[tilespmem:$0x10400] =	vst v63  }
0x1d3: {  	s14 =	simm.s32 $0x900;
	(v2sf) =	vpush v1, $0xC;
	s7 =	sadd.s32 s3, s7;
	s11 =	spop (v2sf)  }
0x1d4: {  	s9 =	sand.u32 $0x1FFFFFF0, s25;
	s8 =	sand.u32 $0x1FFFFFF0, s29;
	s15 =	spop (v2sf)  }
0x1d5: {  	(v2sf) =	vpush v63, $0xC;
	[tilespmem:s24], [sflag:$0x1] =	stream.linear.gather [hbm4b:s7+s1], $0x80, $0x38;
	[tilespmem:$0x10400] =	vst v63  }
0x1d6: {  	s31 =	sadd.s32 s4, s9;
	s9 =	sadd.s32 s3, s8;
	s16 =	spop (v2sf)  }
0x1d7: {  	[tilespmem:s30], [sflag:$0x3] =	stream.linear.gather [hbm4b:s31+s1], $0x80, $0x38;
	[tilespmem:$0x10400] =	vst v63  }
0x1d8: {  	s7 =	sand.u32 $0x1FFFFFF0, s11;
	s24 =	simm.s32 $0x980;
	s18 =	sand.u32 $0x1FFFFFF0, s16  }
0x1d9: {  	[tilespmem:s2], [sflag:$0x1] =	stream.linear.gather [hbm4b:s9+s1], $0x80, $0x38;
	[tilespmem:$0x10400] =	vst v63  }
0x1da: {  	s7 =	sadd.s32 s4, s7;
	s21 =	sadd.s32 s4, s18;
	s9 =	sand.u32 $0x1FFFFFF0, s15  }
0x1db: {  	[tilespmem:s10], [sflag:$0x3] =	stream.linear.gather [hbm4b:s7+s1], $0x80, $0x38;
	[tilespmem:$0x10400] =	vst v63  }
0x1dc: {  	s2 =	simm.s32 $0x110;
	s17 =	sadd.s32 s3, s9;
	s20 =	spop (v2sf)  }
0x1dd: {  	[tilespmem:s14], [sflag:$0x1] =	stream.linear.gather [hbm4b:s17+s1], $0x80, $0x38;
	[tilespmem:$0x10400] =	vst v63  }
0x1de: {  	s14 =	simm.s32 $0x8B00;
	s22 =	sand.u32 $0x1FFFFFF0, s20;
	s23 =	spop (v2sf)  }
0x1df: {  	(v2sf) =	vpush v1, $0xD;
	[tilespmem:s0], [sflag:$0x3] =	stream.linear.gather [hbm4b:s21+s1], $0x80, $0x38;
	[tilespmem:$0x10400] =	vst v63  }
0x1e0: {  	(v2sf) =	vpush v63, $0xD;
	s20 =	simm.s32 $0xB00;
	s25 =	sadd.s32 s3, s22;
	s29 =	sand.u32 $0x1FFFFFF0, s23  }
0x1e1: {  	(v2sf) =	vpush v1, $0xE;
	[tilespmem:s24], [sflag:$0x1] =	stream.linear.gather [hbm4b:s25+s1], $0x80, $0x38;
	[tilespmem:$0x10400] =	vst v63  }
0x1e2: {  	s23 =	simm.s32 $0xA00;
	s30 =	sadd.s32 s4, s29;
	(v2sf) =	vpush v63, $0xE;
	s31 =	spop (v2sf)  }
0x1e3: {  	(v2sf) =	vpush v1, $0xF;
	[tilespmem:s5], [sflag:$0x3] =	stream.linear.gather [hbm4b:s30+s1], $0x80, $0x38;
	[tilespmem:$0x10400] =	vst v63  }
0x1e4: {  	s0 =	simm.s32 $0x310;
	s6 =	spop (v2sf);
	(v2sf) =	vpush v63, $0xF;
	s5 =	sand.u32 $0x1FFFFFF0, s31  }
.LBB2_8:
0x1e5: {  	_ =	sdelay $0x4  }
0x1e6: {  	s5 =	sadd.s32 s3, s5;
	s6 =	sand.u32 $0x1FFFFFF0, s6  }
0x1e7: {  	[tilespmem:s23], [sflag:$0x1] =	stream.linear.gather [hbm4b:s5+s1], $0x80, $0x38;
	[tilespmem:$0x10400] =	vst v63  }
0x1e8: {  	s6 =	sadd.s32 s4, s6  }
0x1e9: {  	[tilespmem:s19], [sflag:$0x3] =	stream.linear.gather [hbm4b:s6+s1], $0x80, $0x38;
	[tilespmem:$0x10400] =	vst v63  }
0x1ea: {  	s7 =	spop (v2sf)  }
0x1eb: {  	s7 =	sand.u32 $0x1FFFFFF0, s7;
	s8 =	spop (v2sf)  }
0x1ec: {  	s9 =	sadd.s32 s3, s7;
	s10 =	sand.u32 $0x1FFFFFF0, s8;
	s11 =	spop (v2sf)  }
0x1ed: {  	[tilespmem:s13], [sflag:$0x1] =	stream.linear.gather [hbm4b:s9+s1], $0x80, $0x38;
	[tilespmem:$0x10400] =	vst v63  }
0x1ee: {  	s13 =	sadd.s32 s4, s10;
	s15 =	sand.u32 $0x1FFFFFF0, s11;
	s16 =	spop (v2sf)  }
0x1ef: {  	[tilespmem:s12], [sflag:$0x3] =	stream.linear.gather [hbm4b:s13+s1], $0x80, $0x38;
	[tilespmem:$0x10400] =	vst v63  }
0x1f0: {  	s17 =	sadd.s32 s3, s15;
	s18 =	sand.u32 $0x1FFFFFF0, s16;
	s19 =	spop (v2sf)  }
0x1f1: {  	[tilespmem:s20], [sflag:$0x1] =	stream.linear.gather [hbm4b:s17+s1], $0x80, $0x38;
	[tilespmem:$0x10400] =	vst v63  }
0x1f2: {  	s21 =	sand.u32 $0x1FFFFFF0, s19;
	s22 =	spop (v2sf);
	s20 =	sadd.s32 s4, s18  }
0x1f3: {  	[tilespmem:s14], [sflag:$0x3] =	stream.linear.gather [hbm4b:s20+s1], $0x80, $0x38;
	[tilespmem:$0x10400] =	vst v63  }
0x1f4: {  	s23 =	sadd.s32 $0xB80, s26;
	s6 =	sadd.s32 s3, s21;
	s7 =	sand.u32 $0x1FFFFFF0, s22  }
0x1f5: {  	[tilespmem:s23], [sflag:$0x1] =	stream.linear.gather [hbm4b:s6+s1], $0x80, $0x38;
	[tilespmem:$0x10400] =	vst v63  }
0x1f6: {  	s24 =	sadd.s32 $0x8B80, s26;
	s25 =	sadd.s32 s4, s7  }
0x1f7: {  	[tilespmem:s24], [sflag:$0x3] =	stream.linear.gather [hbm4b:s25+s1], $0x80, $0x38;
	[tilespmem:$0x10400] =	vst v63  }
0x1f8: {  	v0 =	vld [tilespmem:s2+$0x0]  }
0x1f9: {  	v2 =	vld [tilespmem:s0+$0x0];
	_ =	sdelay $0x3  }
0x1fa: {  	v1 =	vshll.u32 v0, $0x4  }
0x1fb: {  	s26 =	smov.u32 s28;
	v63 =	vshll.u32 v2, $0x4;
	(v2sf) =	vpush v1, $0x0  }
0x1fc: {  	s26 =	sshra.s32 s26, $0x2;
	(v2sf) =	vpush v63, $0x0  }
0x1fd: {  	p0 =	sne.s32 s28, $0xE000;
	s5 =	sadd.s32 $0x680, s26;
	(v2sf) =	vpush v1, $0x1  }
0x1fe: {  	s28 =	sadd.s32 $0x2000, s28;
	s29 =	sadd.s32 $0x880, s26;
	[smem:$0x7EC] =	sst s5  }
0x1ff: {  	s30 =	sadd.s32 $0x8900, s26;
	s31 =	sadd.s32 $0x8880, s26;
	[dreg:$0xe] =	wrdreg s29;
	(v2sf) =	vpush v63, $0x1  }
0x200: {  	[dreg:$0x6] =	wrdreg s30;
	s29 =	sadd.s32 $0x500, s26;
	s5 =	sadd.s32 $0x8500, s26  }
0x201: {  	[dreg:$0x16] =	wrdreg s31;
	s8 =	sadd.s32 $0x400, s26;
	s9 =	sadd.s32 $0x8980, s26;
	(v2sf) =	vpush v1, $0x2  }
0x202: {  	s10 =	sadd.s32 $0x900, s26;
	s11 =	sadd.s32 $0x8800, s26;
	[dreg:$0xa] =	wrdreg s9  }
0x203: {  	s16 =	sadd.s32 $0x700, s26;
	[dreg:$0x12] =	wrdreg s10;
	s15 =	sadd.s32 $0x780, s26;
	(v2sf) =	vpush v63, $0x2  }
0x204: {  	[dreg:$0x1b] =	wrdreg s11;
	s10 =	sadd.s32 $0x480, s26;
	s9 =	sadd.s32 $0x980, s26  }
0x205: {  	s19 =	sadd.s32 $0x8A00, s26;
	s13 =	sadd.s32 $0xA80, s26;
	s12 =	sadd.s32 $0x8A80, s26;
	(v2sf) =	vpush v1, $0x3  }
0x206: {  	s22 =	sadd.s32 $0x8580, s26;
	s21 =	sadd.s32 $0x8600, s26;
	s14 =	sadd.s32 $0x8780, s26  }
0x207: {  	s18 =	sadd.s32 $0x600, s26;
	s20 =	sadd.s32 $0x800, s26;
	[smem:$0x7ED] =	sst s14;
	(v2sf) =	vpush v63, $0x3  }
0x208: {  	s7 =	sadd.s32 $0x8480, s26;
	s17 =	sadd.s32 $0x8680, s26;
	[smem:$0x7EE] =	sst s20  }
0x209: {  	s20 =	sadd.s32 $0xB00, s26;
	s14 =	sadd.s32 $0x8B00, s26;
	s6 =	sadd.s32 $0x8400, s26;
	(v2sf) =	vpush v1, $0x4  }
0x20a: {  	s23 =	sadd.s32 $0xA00, s26;
	s25 =	sadd.s32 $0x580, s26;
	s30 =	spop (v2sf)  }
0x20b: {  	s24 =	sadd.s32 $0x8700, s26;
	s30 =	sand.u32 $0x1FFFFFF0, s30;
	s31 =	spop (v2sf);
	(v2sf) =	vpush v63, $0x4  }
0x20c: {  	s30 =	sadd.s32 s3, s30;
	s31 =	sand.u32 $0x1FFFFFF0, s31;
	s11 =	spop (v2sf)  }
0x20d: {  	(v2sf) =	vpush v1, $0x5;
	[tilespmem:s8], [sflag:$0x1] =	stream.linear.gather [hbm4b:s30+s1], $0x80, $0x38;
	[tilespmem:$0x10400] =	vst v63  }
0x20e: {  	s8 =	sadd.s32 s4, s31;
	s11 =	sand.u32 $0x1FFFFFF0, s11;
	s31 =	spop (v2sf)  }
0x20f: {  	[tilespmem:s6], [sflag:$0x3] =	stream.linear.gather [hbm4b:s8+s1], $0x80, $0x38;
	[tilespmem:$0x10400] =	vst v63  }
0x210: {  	(v2sf) =	vpush v63, $0x5;
	s11 =	sadd.s32 s3, s11;
	s30 =	sand.u32 $0x1FFFFFF0, s31;
	s31 =	spop (v2sf)  }
0x211: {  	(v2sf) =	vpush v1, $0x6;
	[tilespmem:s10], [sflag:$0x1] =	stream.linear.gather [hbm4b:s11+s1], $0x80, $0x38;
	[tilespmem:$0x10400] =	vst v63  }
0x212: {  	s10 =	sadd.s32 s4, s30;
	s30 =	sand.u32 $0x1FFFFFF0, s31;
	s31 =	spop (v2sf)  }
0x213: {  	(v2sf) =	vpush v63, $0x6;
	[tilespmem:s7], [sflag:$0x3] =	stream.linear.gather [hbm4b:s10+s1], $0x80, $0x38;
	[tilespmem:$0x10400] =	vst v63  }
0x214: {  	s11 =	sadd.s32 s3, s30;
	s30 =	sand.u32 $0x1FFFFFF0, s31;
	s31 =	spop (v2sf)  }
0x215: {  	(v2sf) =	vpush v1, $0x7;
	[tilespmem:s29], [sflag:$0x1] =	stream.linear.gather [hbm4b:s11+s1], $0x80, $0x38;
	[tilespmem:$0x10400] =	vst v63  }
0x216: {  	s7 =	sadd.s32 s4, s30;
	s10 =	sand.u32 $0x1FFFFFF0, s31;
	s11 =	spop (v2sf)  }
0x217: {  	(v2sf) =	vpush v63, $0x7;
	[tilespmem:s5], [sflag:$0x3] =	stream.linear.gather [hbm4b:s7+s1], $0x80, $0x38;
	[tilespmem:$0x10400] =	vst v63  }
0x218: {  	s29 =	sadd.s32 s3, s10;
	s30 =	sand.u32 $0x1FFFFFF0, s11;
	s31 =	spop (v2sf)  }
0x219: {  	[tilespmem:s25], [sflag:$0x1] =	stream.linear.gather [hbm4b:s29+s1], $0x80, $0x38;
	[tilespmem:$0x10400] =	vst v63  }
0x21a: {  	s0 =	sadd.s32 $0x10, s0;
	s6 =	sadd.s32 s4, s30;
	s10 =	spop (v2sf)  }
0x21b: {  	(v2sf) =	vpush v1, $0x8;
	[tilespmem:s22], [sflag:$0x3] =	stream.linear.gather [hbm4b:s6+s1], $0x80, $0x38;
	[tilespmem:$0x10400] =	vst v63  }
0x21c: {  	s2 =	sadd.s32 $0x10, s2;
	s8 =	sand.u32 $0x1FFFFFF0, s31;
	s25 =	spop (v2sf)  }
0x21d: {  	s11 =	sadd.s32 s3, s8;
	(v2sf) =	vpush v63, $0x8;
	s22 =	sand.u32 $0x1FFFFFF0, s10;
	s30 =	sand.u32 $0x1FFFFFF0, s25  }
0x21e: {  	(v2sf) =	vpush v1, $0x9;
	[tilespmem:s18], [sflag:$0x1] =	stream.linear.gather [hbm4b:s11+s1], $0x80, $0x38;
	[tilespmem:$0x10400] =	vst v63  }
0x21f: {  	s29 =	sadd.s32 s4, s22;
	s31 =	spop (v2sf);
	s8 =	sadd.s32 s3, s30  }
0x220: {  	s10 =	sand.u32 $0x1FFFFFF0, s31;
	s11 =	spop (v2sf);
	s18 =	sld [smem:$0x7EC]  }
0x221: {  	[tilespmem:s21], [sflag:$0x3] =	stream.linear.gather [hbm4b:s29+s1], $0x80, $0x38;
	[tilespmem:$0x10400] =	vst v63  }
0x222: {  	(v2sf) =	vpush v63, $0x9;
	s22 =	sand.u32 $0x1FFFFFF0, s11;
	s21 =	sadd.s32 s4, s10;
	s25 =	spop (v2sf)  }
0x223: {  	[tilespmem:s18], [sflag:$0x1] =	stream.linear.gather [hbm4b:s8+s1], $0x80, $0x38;
	[tilespmem:$0x10400] =	vst v63  }
0x224: {  	(v2sf) =	vpush v1, $0xA;
	s29 =	sadd.s32 s3, s22;
	s30 =	sand.u32 $0x1FFFFFF0, s25;
	s31 =	spop (v2sf)  }
0x225: {  	[tilespmem:s17], [sflag:$0x3] =	stream.linear.gather [hbm4b:s21+s1], $0x80, $0x38;
	[tilespmem:$0x10400] =	vst v63  }
0x226: {  	(v2sf) =	vpush v63, $0xA;
	s25 =	sld [smem:$0x7ED];
	s10 =	sand.u32 $0x1FFFFFF0, s31;
	s11 =	spop (v2sf)  }
0x227: {  	[tilespmem:s16], [sflag:$0x1] =	stream.linear.gather [hbm4b:s29+s1], $0x80, $0x38;
	[tilespmem:$0x10400] =	vst v63  }
0x228: {  	(v2sf) =	vpush v1, $0xB;
	s8 =	sadd.s32 s4, s30;
	s16 =	sadd.s32 s3, s10;
	s17 =	sand.u32 $0x1FFFFFF0, s11  }
0x229: {  	[tilespmem:s24], [sflag:$0x3] =	stream.linear.gather [hbm4b:s8+s1], $0x80, $0x38;
	[tilespmem:$0x10400] =	vst v63  }
0x22a: {  	s18 =	spop (v2sf);
	s10 =	sld [smem:$0x7EE];
	s21 =	sadd.s32 s4, s17  }
0x22b: {  	[tilespmem:s15], [sflag:$0x1] =	stream.linear.gather [hbm4b:s16+s1], $0x80, $0x38;
	[tilespmem:$0x10400] =	vst v63  }
0x22c: {  	(v2sf) =	vpush v63, $0xB;
	s22 =	sand.u32 $0x1FFFFFF0, s18;
	s17 =	rddreg [dreg:$0x1b];
	s24 =	spop (v2sf)  }
0x22d: {  	(v2sf) =	vpush v1, $0xC;
	s29 =	sadd.s32 s3, s22;
	s30 =	sand.u32 $0x1FFFFFF0, s24;
	s31 =	spop (v2sf)  }
0x22e: {  	[tilespmem:s25], [sflag:$0x3] =	stream.linear.gather [hbm4b:s21+s1], $0x80, $0x38;
	[tilespmem:$0x10400] =	vst v63  }
0x22f: {  	(v2sf) =	vpush v63, $0xC;
	s24 =	rddreg [dreg:$0xe];
	s11 =	sadd.s32 s4, s30;
	s15 =	sand.u32 $0x1FFFFFF0, s31  }
0x230: {  	[tilespmem:s10], [sflag:$0x1] =	stream.linear.gather [hbm4b:s29+s1], $0x80, $0x38;
	[tilespmem:$0x10400] =	vst v63  }
0x231: {  	s16 =	spop (v2sf);
	s31 =	rddreg [dreg:$0x16];
	s18 =	sadd.s32 s3, s15  }
0x232: {  	[tilespmem:s17], [sflag:$0x3] =	stream.linear.gather [hbm4b:s11+s1], $0x80, $0x38;
	[tilespmem:$0x10400] =	vst v63  }
0x233: {  	s21 =	sand.u32 $0x1FFFFFF0, s16;
	s22 =	spop (v2sf);
	s16 =	rddreg [dreg:$0x12]  }
0x234: {  	[tilespmem:s24], [sflag:$0x1] =	stream.linear.gather [hbm4b:s18+s1], $0x80, $0x38;
	[tilespmem:$0x10400] =	vst v63  }
0x235: {  	s25 =	sadd.s32 s4, s21;
	s29 =	sand.u32 $0x1FFFFFF0, s22;
	s30 =	spop (v2sf)  }
0x236: {  	[tilespmem:s31], [sflag:$0x3] =	stream.linear.gather [hbm4b:s25+s1], $0x80, $0x38;
	[tilespmem:$0x10400] =	vst v63  }
0x237: {  	s10 =	sadd.s32 s3, s29;
	s11 =	sand.u32 $0x1FFFFFF0, s30;
	s15 =	spop (v2sf)  }
0x238: {  	[tilespmem:s16], [sflag:$0x1] =	stream.linear.gather [hbm4b:s10+s1], $0x80, $0x38;
	[tilespmem:$0x10400] =	vst v63  }
0x239: {  	s22 =	rddreg [dreg:$0x6];
	s17 =	sadd.s32 s4, s11;
	s18 =	sand.u32 $0x1FFFFFF0, s15  }
0x23a: {  	(v2sf) =	vpush v1, $0xD;
	[tilespmem:s22], [sflag:$0x3] =	stream.linear.gather [hbm4b:s17+s1], $0x80, $0x38;
	[tilespmem:$0x10400] =	vst v63  }
.Ltmp3:
0x23b: {  	(v2sf) =	vpush v63, $0xD;
	s24 =	sadd.s32 s3, s18;
	s21 =	spop (v2sf);
	(pc) =	sbr.rel @p0 .LBB2_8-.Ltmp3, $4  }
0x23c: {  	(v2sf) =	vpush v1, $0xE;
	s31 =	rddreg [dreg:$0xa];
	s25 =	sand.u32 $0x1FFFFFF0, s21;
	s29 =	spop (v2sf)  }
0x23d: {  	(v2sf) =	vpush v63, $0xE;
	[tilespmem:s9], [sflag:$0x1] =	stream.linear.gather [hbm4b:s24+s1], $0x80, $0x38;
	[tilespmem:$0x10400] =	vst v63  }
0x23e: {  	(v2sf) =	vpush v1, $0xF;
	s30 =	sadd.s32 s4, s25;
	s5 =	sand.u32 $0x1FFFFFF0, s29;
	s6 =	spop (v2sf)  }
0x23f: {  	(v2sf) =	vpush v63, $0xF;
	[tilespmem:s31], [sflag:$0x3] =	stream.linear.gather [hbm4b:s30+s1], $0x80, $0x38;
	[tilespmem:$0x10400] =	vst v63  }
0x240: {  	_ =	sdelay $0x4  }
0x241: {  	s0 =	sadd.s32 s3, s5;
	s2 =	sand.u32 $0x1FFFFFF0, s6  }
0x242: {  	[tilespmem:s23], [sflag:$0x1] =	stream.linear.gather [hbm4b:s0+s1], $0x80, $0x38;
	[tilespmem:$0x10400] =	vst v63  }
0x243: {  	s8 =	sadd.s32 s4, s2  }
0x244: {  	[tilespmem:s19], [sflag:$0x3] =	stream.linear.gather [hbm4b:s8+s1], $0x80, $0x38;
	[tilespmem:$0x10400] =	vst v63  }
0x245: {  	s7 =	spop (v2sf)  }
0x246: {  	s9 =	sand.u32 $0x1FFFFFF0, s7;
	s10 =	spop (v2sf)  }
0x247: {  	s11 =	sadd.s32 s3, s9;
	s15 =	sand.u32 $0x1FFFFFF0, s10;
	s16 =	spop (v2sf)  }
0x248: {  	[tilespmem:s13], [sflag:$0x1] =	stream.linear.gather [hbm4b:s11+s1], $0x80, $0x38;
	[tilespmem:$0x10400] =	vst v63  }
0x249: {  	s17 =	sadd.s32 s4, s15;
	s18 =	sand.u32 $0x1FFFFFF0, s16;
	s19 =	spop (v2sf)  }
0x24a: {  	[tilespmem:s12], [sflag:$0x3] =	stream.linear.gather [hbm4b:s17+s1], $0x80, $0x38;
	[tilespmem:$0x10400] =	vst v63  }
0x24b: {  	s21 =	sadd.s32 s3, s18;
	s22 =	sand.u32 $0x1FFFFFF0, s19;
	s23 =	spop (v2sf)  }
0x24c: {  	[tilespmem:s20], [sflag:$0x1] =	stream.linear.gather [hbm4b:s21+s1], $0x80, $0x38;
	[tilespmem:$0x10400] =	vst v63  }
0x24d: {  	s24 =	sadd.s32 s4, s22;
	s25 =	sand.u32 $0x1FFFFFF0, s23;
	s28 =	spop (v2sf)  }
0x24e: {  	[tilespmem:s14], [sflag:$0x3] =	stream.linear.gather [hbm4b:s24+s1], $0x80, $0x38;
	[tilespmem:$0x10400] =	vst v63  }
0x24f: {  	s29 =	sadd.s32 $0xB80, s26;
	s2 =	sadd.s32 s3, s25;
	s5 =	sand.u32 $0x1FFFFFF0, s28  }
0x250: {  	[tilespmem:s29], [sflag:$0x1] =	stream.linear.gather [hbm4b:s2+s1], $0x80, $0x38;
	[tilespmem:$0x10400] =	vst v63  }
0x251: {  	s30 =	sadd.s32 $0x8B80, s26;
	s31 =	sadd.s32 s4, s5;
	s2 =	simm.s32 $0x2  }
0x252: {  	[tilespmem:s30], [sflag:$0x3] =	stream.linear.gather [hbm4b:s31+s1], $0x80, $0x38;
	[tilespmem:$0x10400] =	vst v63  }
0x253: {  	_ =	swait.ge [sflag:s2], $0x80  }
0x254: {  	[sflag:s2] =	ssyncset.done $0x0  }
0x255: {  	s5 =	simm.s32 $0x4;
	[sflag:s2] =	ssyncadd.s32 $0xFFFFFF80  }
0x256: {  	_ =	swait.ge [sflag:s5], $0x80  }
0x257: {  	s0 =	simm.s32 $0x7F;
	[sflag:s5] =	ssyncset.done $0x0  }
.LBB2_10:
0x258: {  	p0 =	sne.s32 s0, $0x1;
	s0 =	sadd.s32 $0xFFFFFFFF, s0;
	[sflag:s5] =	ssyncadd.s32 $0xFFFFFF80  }
.Ltmp4:
0x259: {  	_ =	swait.ge [sflag:s2], $0x80;
	(pc) =	sbr.rel @p0 .LBB2_10-.Ltmp4, $4  }
0x25a: {  	[sflag:s2] =	ssyncset.done $0x0  }
0x25b: {  	[sflag:s2] =	ssyncadd.s32 $0xFFFFFF80  }
0x25c: {  	_ =	swait.ge [sflag:s5], $0x80  }
0x25d: {  	[sflag:s5] =	ssyncset.done $0x0  }
0x25e: {  	s2 =	sld [smem:$0x7F7]  }
0x25f: {  	[sflag:s5] =	ssyncadd.s32 $0xFFFFFF80  }
0x260: {  	s0 =	simm.s32 $0x0;
	s14 =	simm.s32 $0x4400;
	s15 =	simm.s32 $0x5  }
0x261: {  	[hbm4b:s2+s0] =	stream.linear.scatter [tilespmem:s14], [sflag:$0x5], $0x4000, $0x38;
	[tilespmem:$0x10400] =	vst v63  }
0x262: {  	_ =	swait.ge [sflag:s15], $0x4000  }
0x263: {  	s16 =	sld [smem:$0x7F8]  }
0x264: {  	[sflag:s15] =	ssyncset.done $0x0  }
0x265: {  	s6 =	simm.s32 $0xC400;
	[sflag:s15] =	ssyncadd.s32 $0xFFFFC000  }
0x266: {  	[hbm4b:s16+s0] =	stream.linear.scatter [tilespmem:s6], [sflag:$0x5], $0x4000, $0x38;
	[tilespmem:$0x10400] =	vst v63  }
0x267: {  	_ =	swait.ge [sflag:s15], $0x4000  }
0x268: {  	[sflag:s15] =	ssyncset.done $0x0  }
0x269: {  	s17 =	simm.s32 $0x180;
	[sflag:s15] =	ssyncadd.s32 $0xFFFFC000  }
0x26a: {  	s18 =	simm.s32 $0x380;
	v0 =	vld [tilespmem:s17+$0x0]  }
0x26b: {  	v2 =	vld [tilespmem:s18+$0x0];
	_ =	sdelay $0x3  }
0x26c: {  	v1 =	vshll.u32 v0, $0x4  }
0x26d: {  	v63 =	vshll.u32 v2, $0x4;
	(v2sf) =	vpush v1, $0x0  }
0x26e: {  	(v2sf) =	vpush v63, $0x0  }
0x26f: {  	(v2sf) =	vpush v1, $0x1;
	_ =	sdelay $0x2  }
0x270: {  	(v2sf) =	vpush v63, $0x1;
	_ =	sdelay $0x1  }
0x271: {  	(v2sf) =	vpush v1, $0x2;
	_ =	sdelay $0x1  }
0x272: {  	(v2sf) =	vpush v63, $0x2;
	_ =	sdelay $0x1  }
0x273: {  	s28 =	simm.s32 $0x2000;
	(v2sf) =	vpush v1, $0x3  }
0x274: {  	s26 =	simm.s32 $0x0;
	s19 =	simm.s32 $0xC400;
	s5 =	simm.s32 $0x4680  }
0x275: {  	s7 =	simm.s32 $0x4400;
	s9 =	simm.s32 $0x4600;
	s13 =	simm.s32 $0x4580  }
0x276: {  	s22 =	simm.s32 $0x4480;
	s25 =	simm.s32 $0xC480;
	s30 =	simm.s32 $0x4500  }
0x277: {  	s2 =	simm.s32 $0x4880;
	s14 =	simm.s32 $0xC500;
	s8 =	spop (v2sf);
	(v2sf) =	vpush v63, $0x3  }
0x278: {  	s0 =	simm.s32 $0xC900;
	s8 =	sand.u32 $0x1FFFFFF0, s8;
	s11 =	spop (v2sf)  }
0x279: {  	s18 =	simm.s32 $0xC600;
	(v2sf) =	vpush v1, $0x4;
	s8 =	sadd.s32 s3, s8;
	s21 =	spop (v2sf)  }
0x27a: {  	(v2sf) =	vpush v63, $0x4;
	[tilespmem:s7], [sflag:$0x2] =	stream.linear.gather [hbm4b:s8+s1], $0x80, $0x38;
	[tilespmem:$0x10400] =	vst v63  }
0x27b: {  	s20 =	sand.u32 $0x1FFFFFF0, s11;
	s7 =	simm.s32 $0xC580;
	s11 =	sand.u32 $0x1FFFFFF0, s21  }
0x27c: {  	s8 =	sadd.s32 s4, s20;
	s12 =	spop (v2sf);
	(v2sf) =	vpush v1, $0x5;
	s23 =	sadd.s32 s3, s11  }
0x27d: {  	(v2sf) =	vpush v63, $0x5;
	[tilespmem:s19], [sflag:$0x4] =	stream.linear.gather [hbm4b:s8+s1], $0x80, $0x38;
	[tilespmem:$0x10400] =	vst v63  }
0x27e: {  	s24 =	sand.u32 $0x1FFFFFF0, s12;
	s29 =	spop (v2sf);
	s12 =	simm.s32 $0xCA80  }
0x27f: {  	[tilespmem:s22], [sflag:$0x2] =	stream.linear.gather [hbm4b:s23+s1], $0x80, $0x38;
	[tilespmem:$0x10400] =	vst v63  }
0x280: {  	s11 =	sadd.s32 s4, s24;
	s8 =	sand.u32 $0x1FFFFFF0, s29;
	s31 =	spop (v2sf)  }
0x281: {  	(v2sf) =	vpush v1, $0x6;
	[tilespmem:s25], [sflag:$0x4] =	stream.linear.gather [hbm4b:s11+s1], $0x80, $0x38;
	[tilespmem:$0x10400] =	vst v63  }
0x282: {  	s8 =	sadd.s32 s3, s8;
	s10 =	spop (v2sf);
	s11 =	sand.u32 $0x1FFFFFF0, s31  }
0x283: {  	(v2sf) =	vpush v63, $0x6;
	[tilespmem:s30], [sflag:$0x2] =	stream.linear.gather [hbm4b:s8+s1], $0x80, $0x38;
	[tilespmem:$0x10400] =	vst v63  }
0x284: {  	s19 =	simm.s32 $0xCA00;
	s16 =	sand.u32 $0x1FFFFFF0, s10;
	s15 =	sadd.s32 s4, s11  }
0x285: {  	[tilespmem:s14], [sflag:$0x4] =	stream.linear.gather [hbm4b:s15+s1], $0x80, $0x38;
	[tilespmem:$0x10400] =	vst v63  }
0x286: {  	s24 =	simm.s32 $0xC680;
	s11 =	sadd.s32 s3, s16;
	s17 =	spop (v2sf)  }
0x287: {  	(v2sf) =	vpush v1, $0x7;
	[tilespmem:s13], [sflag:$0x2] =	stream.linear.gather [hbm4b:s11+s1], $0x80, $0x38;
	[tilespmem:$0x10400] =	vst v63  }
0x288: {  	s29 =	simm.s32 $0x4700;
	s6 =	sand.u32 $0x1FFFFFF0, s17;
	s20 =	spop (v2sf)  }
0x289: {  	s15 =	simm.s32 $0xC700;
	(v2sf) =	vpush v63, $0x7;
	s6 =	sadd.s32 s4, s6;
	s21 =	spop (v2sf)  }
0x28a: {  	(v2sf) =	vpush v1, $0x8;
	[tilespmem:s7], [sflag:$0x4] =	stream.linear.gather [hbm4b:s6+s1], $0x80, $0x38;
	[tilespmem:$0x10400] =	vst v63  }
0x28b: {  	s13 =	simm.s32 $0x4A80;
	s11 =	sand.u32 $0x1FFFFFF0, s20;
	s25 =	spop (v2sf)  }
0x28c: {  	s22 =	sadd.s32 s3, s11;
	s23 =	sand.u32 $0x1FFFFFF0, s21;
	(v2sf) =	vpush v63, $0x8;
	s30 =	spop (v2sf)  }
0x28d: {  	(v2sf) =	vpush v1, $0x9;
	[tilespmem:s9], [sflag:$0x2] =	stream.linear.gather [hbm4b:s22+s1], $0x80, $0x38;
	[tilespmem:$0x10400] =	vst v63  }
0x28e: {  	s7 =	sadd.s32 s4, s23;
	s9 =	sand.u32 $0x1FFFFFF0, s25;
	s8 =	sand.u32 $0x1FFFFFF0, s30  }
0x28f: {  	(v2sf) =	vpush v63, $0x9;
	[tilespmem:s18], [sflag:$0x4] =	stream.linear.gather [hbm4b:s7+s1], $0x80, $0x38;
	[tilespmem:$0x10400] =	vst v63  }
0x290: {  	s31 =	spop (v2sf);
	s22 =	simm.s32 $0xC780;
	s9 =	sadd.s32 s3, s9;
	(v2sf) =	vpush v1, $0xA  }
0x291: {  	[tilespmem:s5], [sflag:$0x2] =	stream.linear.gather [hbm4b:s9+s1], $0x80, $0x38;
	[tilespmem:$0x10400] =	vst v63  }
0x292: {  	s8 =	sadd.s32 s4, s8;
	s10 =	sand.u32 $0x1FFFFFF0, s31;
	s11 =	spop (v2sf);
	(v2sf) =	vpush v63, $0xA  }
0x293: {  	[tilespmem:s24], [sflag:$0x4] =	stream.linear.gather [hbm4b:s8+s1], $0x80, $0x38;
	[tilespmem:$0x10400] =	vst v63  }
0x294: {  	s30 =	simm.s32 $0xC800;
	s14 =	sadd.s32 s3, s10;
	s6 =	sand.u32 $0x1FFFFFF0, s11  }
0x295: {  	[tilespmem:s29], [sflag:$0x2] =	stream.linear.gather [hbm4b:s14+s1], $0x80, $0x38;
	[tilespmem:$0x10400] =	vst v63  }
0x296: {  	s18 =	simm.s32 $0x4780;
	s6 =	sadd.s32 s4, s6;
	s16 =	spop (v2sf)  }
0x297: {  	[tilespmem:s15], [sflag:$0x4] =	stream.linear.gather [hbm4b:s6+s1], $0x80, $0x38;
	[tilespmem:$0x10400] =	vst v63  }
0x298: {  	s10 =	simm.s32 $0xC880;
	(v2sf) =	vpush v1, $0xB;
	s9 =	sand.u32 $0x1FFFFFF0, s16;
	s17 =	spop (v2sf)  }
0x299: {  	s5 =	simm.s32 $0xC980;
	s20 =	sadd.s32 s3, s9;
	s23 =	spop (v2sf)  }
0x29a: {  	(v2sf) =	vpush v63, $0xB;
	[tilespmem:s18], [sflag:$0x2] =	stream.linear.gather [hbm4b:s20+s1], $0x80, $0x38;
	[tilespmem:$0x10400] =	vst v63  }
0x29b: {  	s24 =	simm.s32 $0x4800;
	s21 =	sand.u32 $0x1FFFFFF0, s17;
	s25 =	spop (v2sf)  }
0x29c: {  	s9 =	sadd.s32 s4, s21;
	s7 =	sand.u32 $0x1FFFFFF0, s23;
	s29 =	spop (v2sf)  }
0x29d: {  	[tilespmem:s22], [sflag:$0x4] =	stream.linear.gather [hbm4b:s9+s1], $0x80, $0x38;
	[tilespmem:$0x10400] =	vst v63  }
0x29e: {  	s14 =	simm.s32 $0x4900;
	(v2sf) =	vpush v1, $0xC;
	s7 =	sadd.s32 s3, s7;
	s11 =	spop (v2sf)  }
0x29f: {  	s9 =	sand.u32 $0x1FFFFFF0, s25;
	s8 =	sand.u32 $0x1FFFFFF0, s29;
	s15 =	spop (v2sf)  }
0x2a0: {  	(v2sf) =	vpush v63, $0xC;
	[tilespmem:s24], [sflag:$0x2] =	stream.linear.gather [hbm4b:s7+s1], $0x80, $0x38;
	[tilespmem:$0x10400] =	vst v63  }
0x2a1: {  	s31 =	sadd.s32 s4, s9;
	s9 =	sadd.s32 s3, s8;
	s16 =	spop (v2sf)  }
0x2a2: {  	[tilespmem:s30], [sflag:$0x4] =	stream.linear.gather [hbm4b:s31+s1], $0x80, $0x38;
	[tilespmem:$0x10400] =	vst v63  }
0x2a3: {  	s7 =	sand.u32 $0x1FFFFFF0, s11;
	s24 =	simm.s32 $0x4980;
	s18 =	sand.u32 $0x1FFFFFF0, s16  }
0x2a4: {  	[tilespmem:s2], [sflag:$0x2] =	stream.linear.gather [hbm4b:s9+s1], $0x80, $0x38;
	[tilespmem:$0x10400] =	vst v63  }
0x2a5: {  	s7 =	sadd.s32 s4, s7;
	s21 =	sadd.s32 s4, s18;
	s9 =	sand.u32 $0x1FFFFFF0, s15  }
0x2a6: {  	[tilespmem:s10], [sflag:$0x4] =	stream.linear.gather [hbm4b:s7+s1], $0x80, $0x38;
	[tilespmem:$0x10400] =	vst v63  }
0x2a7: {  	s2 =	simm.s32 $0x190;
	s17 =	sadd.s32 s3, s9;
	s20 =	spop (v2sf)  }
0x2a8: {  	[tilespmem:s14], [sflag:$0x2] =	stream.linear.gather [hbm4b:s17+s1], $0x80, $0x38;
	[tilespmem:$0x10400] =	vst v63  }
0x2a9: {  	s14 =	simm.s32 $0xCB00;
	s22 =	sand.u32 $0x1FFFFFF0, s20;
	s23 =	spop (v2sf)  }
0x2aa: {  	(v2sf) =	vpush v1, $0xD;
	[tilespmem:s0], [sflag:$0x4] =	stream.linear.gather [hbm4b:s21+s1], $0x80, $0x38;
	[tilespmem:$0x10400] =	vst v63  }
0x2ab: {  	(v2sf) =	vpush v63, $0xD;
	s20 =	simm.s32 $0x4B00;
	s25 =	sadd.s32 s3, s22;
	s29 =	sand.u32 $0x1FFFFFF0, s23  }
0x2ac: {  	(v2sf) =	vpush v1, $0xE;
	[tilespmem:s24], [sflag:$0x2] =	stream.linear.gather [hbm4b:s25+s1], $0x80, $0x38;
	[tilespmem:$0x10400] =	vst v63  }
0x2ad: {  	s23 =	simm.s32 $0x4A00;
	s30 =	sadd.s32 s4, s29;
	(v2sf) =	vpush v63, $0xE;
	s31 =	spop (v2sf)  }
0x2ae: {  	(v2sf) =	vpush v1, $0xF;
	[tilespmem:s5], [sflag:$0x4] =	stream.linear.gather [hbm4b:s30+s1], $0x80, $0x38;
	[tilespmem:$0x10400] =	vst v63  }
0x2af: {  	s0 =	simm.s32 $0x390;
	s6 =	spop (v2sf);
	(v2sf) =	vpush v63, $0xF;
	s5 =	sand.u32 $0x1FFFFFF0, s31  }
.LBB2_12:
0x2b0: {  	_ =	sdelay $0x4  }
0x2b1: {  	s5 =	sadd.s32 s3, s5;
	s6 =	sand.u32 $0x1FFFFFF0, s6  }
0x2b2: {  	[tilespmem:s23], [sflag:$0x2] =	stream.linear.gather [hbm4b:s5+s1], $0x80, $0x38;
	[tilespmem:$0x10400] =	vst v63  }
0x2b3: {  	s6 =	sadd.s32 s4, s6  }
0x2b4: {  	[tilespmem:s19], [sflag:$0x4] =	stream.linear.gather [hbm4b:s6+s1], $0x80, $0x38;
	[tilespmem:$0x10400] =	vst v63  }
0x2b5: {  	s7 =	spop (v2sf)  }
0x2b6: {  	s7 =	sand.u32 $0x1FFFFFF0, s7;
	s8 =	spop (v2sf)  }
0x2b7: {  	s9 =	sadd.s32 s3, s7;
	s10 =	sand.u32 $0x1FFFFFF0, s8;
	s11 =	spop (v2sf)  }
0x2b8: {  	[tilespmem:s13], [sflag:$0x2] =	stream.linear.gather [hbm4b:s9+s1], $0x80, $0x38;
	[tilespmem:$0x10400] =	vst v63  }
0x2b9: {  	s13 =	sadd.s32 s4, s10;
	s15 =	sand.u32 $0x1FFFFFF0, s11;
	s16 =	spop (v2sf)  }
0x2ba: {  	[tilespmem:s12], [sflag:$0x4] =	stream.linear.gather [hbm4b:s13+s1], $0x80, $0x38;
	[tilespmem:$0x10400] =	vst v63  }
0x2bb: {  	s17 =	sadd.s32 s3, s15;
	s18 =	sand.u32 $0x1FFFFFF0, s16;
	s19 =	spop (v2sf)  }
0x2bc: {  	[tilespmem:s20], [sflag:$0x2] =	stream.linear.gather [hbm4b:s17+s1], $0x80, $0x38;
	[tilespmem:$0x10400] =	vst v63  }
0x2bd: {  	s21 =	sand.u32 $0x1FFFFFF0, s19;
	s22 =	spop (v2sf);
	s20 =	sadd.s32 s4, s18  }
0x2be: {  	[tilespmem:s14], [sflag:$0x4] =	stream.linear.gather [hbm4b:s20+s1], $0x80, $0x38;
	[tilespmem:$0x10400] =	vst v63  }
0x2bf: {  	s23 =	sadd.s32 $0x4B80, s26;
	s6 =	sadd.s32 s3, s21;
	s7 =	sand.u32 $0x1FFFFFF0, s22  }
0x2c0: {  	[tilespmem:s23], [sflag:$0x2] =	stream.linear.gather [hbm4b:s6+s1], $0x80, $0x38;
	[tilespmem:$0x10400] =	vst v63  }
0x2c1: {  	s24 =	sadd.s32 $0xCB80, s26;
	s25 =	sadd.s32 s4, s7  }
0x2c2: {  	[tilespmem:s24], [sflag:$0x4] =	stream.linear.gather [hbm4b:s25+s1], $0x80, $0x38;
	[tilespmem:$0x10400] =	vst v63  }
0x2c3: {  	v0 =	vld [tilespmem:s2+$0x0]  }
0x2c4: {  	v2 =	vld [tilespmem:s0+$0x0];
	_ =	sdelay $0x3  }
0x2c5: {  	v1 =	vshll.u32 v0, $0x4  }
0x2c6: {  	s26 =	smov.u32 s28;
	v63 =	vshll.u32 v2, $0x4;
	(v2sf) =	vpush v1, $0x0  }
0x2c7: {  	s26 =	sshra.s32 s26, $0x2;
	(v2sf) =	vpush v63, $0x0  }
0x2c8: {  	p0 =	sne.s32 s28, $0xE000;
	s5 =	sadd.s32 $0x4680, s26;
	(v2sf) =	vpush v1, $0x1  }
0x2c9: {  	s28 =	sadd.s32 $0x2000, s28;
	s29 =	sadd.s32 $0x4880, s26;
	[smem:$0x7E9] =	sst s5  }
0x2ca: {  	s30 =	sadd.s32 $0xC900, s26;
	s31 =	sadd.s32 $0xC880, s26;
	[dreg:$0xf] =	wrdreg s29;
	(v2sf) =	vpush v63, $0x1  }
0x2cb: {  	[dreg:$0x7] =	wrdreg s30;
	s29 =	sadd.s32 $0x4500, s26;
	s5 =	sadd.s32 $0xC500, s26  }
0x2cc: {  	[dreg:$0x17] =	wrdreg s31;
	s8 =	sadd.s32 $0x4400, s26;
	s9 =	sadd.s32 $0xC980, s26;
	(v2sf) =	vpush v1, $0x2  }
0x2cd: {  	s10 =	sadd.s32 $0x4900, s26;
	s11 =	sadd.s32 $0xC800, s26;
	[dreg:$0xb] =	wrdreg s9  }
0x2ce: {  	s16 =	sadd.s32 $0x4700, s26;
	[dreg:$0x13] =	wrdreg s10;
	s15 =	sadd.s32 $0x4780, s26;
	(v2sf) =	vpush v63, $0x2  }
0x2cf: {  	[dreg:$0x1c] =	wrdreg s11;
	s10 =	sadd.s32 $0x4480, s26;
	s9 =	sadd.s32 $0x4980, s26  }
0x2d0: {  	s19 =	sadd.s32 $0xCA00, s26;
	s13 =	sadd.s32 $0x4A80, s26;
	s12 =	sadd.s32 $0xCA80, s26;
	(v2sf) =	vpush v1, $0x3  }
0x2d1: {  	s22 =	sadd.s32 $0xC580, s26;
	s21 =	sadd.s32 $0xC600, s26;
	s14 =	sadd.s32 $0xC780, s26  }
0x2d2: {  	s18 =	sadd.s32 $0x4600, s26;
	s20 =	sadd.s32 $0x4800, s26;
	[smem:$0x7EA] =	sst s14;
	(v2sf) =	vpush v63, $0x3  }
0x2d3: {  	s7 =	sadd.s32 $0xC480, s26;
	s17 =	sadd.s32 $0xC680, s26;
	[smem:$0x7EB] =	sst s20  }
0x2d4: {  	s20 =	sadd.s32 $0x4B00, s26;
	s14 =	sadd.s32 $0xCB00, s26;
	s6 =	sadd.s32 $0xC400, s26;
	(v2sf) =	vpush v1, $0x4  }
0x2d5: {  	s23 =	sadd.s32 $0x4A00, s26;
	s25 =	sadd.s32 $0x4580, s26;
	s30 =	spop (v2sf)  }
0x2d6: {  	s24 =	sadd.s32 $0xC700, s26;
	s30 =	sand.u32 $0x1FFFFFF0, s30;
	s31 =	spop (v2sf);
	(v2sf) =	vpush v63, $0x4  }
0x2d7: {  	s30 =	sadd.s32 s3, s30;
	s31 =	sand.u32 $0x1FFFFFF0, s31;
	s11 =	spop (v2sf)  }
0x2d8: {  	(v2sf) =	vpush v1, $0x5;
	[tilespmem:s8], [sflag:$0x2] =	stream.linear.gather [hbm4b:s30+s1], $0x80, $0x38;
	[tilespmem:$0x10400] =	vst v63  }
0x2d9: {  	s8 =	sadd.s32 s4, s31;
	s11 =	sand.u32 $0x1FFFFFF0, s11;
	s31 =	spop (v2sf)  }
0x2da: {  	[tilespmem:s6], [sflag:$0x4] =	stream.linear.gather [hbm4b:s8+s1], $0x80, $0x38;
	[tilespmem:$0x10400] =	vst v63  }
0x2db: {  	(v2sf) =	vpush v63, $0x5;
	s11 =	sadd.s32 s3, s11;
	s30 =	sand.u32 $0x1FFFFFF0, s31;
	s31 =	spop (v2sf)  }
0x2dc: {  	(v2sf) =	vpush v1, $0x6;
	[tilespmem:s10], [sflag:$0x2] =	stream.linear.gather [hbm4b:s11+s1], $0x80, $0x38;
	[tilespmem:$0x10400] =	vst v63  }
0x2dd: {  	s10 =	sadd.s32 s4, s30;
	s30 =	sand.u32 $0x1FFFFFF0, s31;
	s31 =	spop (v2sf)  }
0x2de: {  	(v2sf) =	vpush v63, $0x6;
	[tilespmem:s7], [sflag:$0x4] =	stream.linear.gather [hbm4b:s10+s1], $0x80, $0x38;
	[tilespmem:$0x10400] =	vst v63  }
0x2df: {  	s11 =	sadd.s32 s3, s30;
	s30 =	sand.u32 $0x1FFFFFF0, s31;
	s31 =	spop (v2sf)  }
0x2e0: {  	(v2sf) =	vpush v1, $0x7;
	[tilespmem:s29], [sflag:$0x2] =	stream.linear.gather [hbm4b:s11+s1], $0x80, $0x38;
	[tilespmem:$0x10400] =	vst v63  }
0x2e1: {  	s7 =	sadd.s32 s4, s30;
	s10 =	sand.u32 $0x1FFFFFF0, s31;
	s11 =	spop (v2sf)  }
0x2e2: {  	(v2sf) =	vpush v63, $0x7;
	[tilespmem:s5], [sflag:$0x4] =	stream.linear.gather [hbm4b:s7+s1], $0x80, $0x38;
	[tilespmem:$0x10400] =	vst v63  }
0x2e3: {  	s29 =	sadd.s32 s3, s10;
	s30 =	sand.u32 $0x1FFFFFF0, s11;
	s31 =	spop (v2sf)  }
0x2e4: {  	[tilespmem:s25], [sflag:$0x2] =	stream.linear.gather [hbm4b:s29+s1], $0x80, $0x38;
	[tilespmem:$0x10400] =	vst v63  }
0x2e5: {  	s0 =	sadd.s32 $0x10, s0;
	s6 =	sadd.s32 s4, s30;
	s10 =	spop (v2sf)  }
0x2e6: {  	(v2sf) =	vpush v1, $0x8;
	[tilespmem:s22], [sflag:$0x4] =	stream.linear.gather [hbm4b:s6+s1], $0x80, $0x38;
	[tilespmem:$0x10400] =	vst v63  }
0x2e7: {  	s2 =	sadd.s32 $0x10, s2;
	s8 =	sand.u32 $0x1FFFFFF0, s31;
	s25 =	spop (v2sf)  }
0x2e8: {  	s11 =	sadd.s32 s3, s8;
	(v2sf) =	vpush v63, $0x8;
	s22 =	sand.u32 $0x1FFFFFF0, s10;
	s30 =	sand.u32 $0x1FFFFFF0, s25  }
0x2e9: {  	(v2sf) =	vpush v1, $0x9;
	[tilespmem:s18], [sflag:$0x2] =	stream.linear.gather [hbm4b:s11+s1], $0x80, $0x38;
	[tilespmem:$0x10400] =	vst v63  }
0x2ea: {  	s29 =	sadd.s32 s4, s22;
	s31 =	spop (v2sf);
	s8 =	sadd.s32 s3, s30  }
0x2eb: {  	s10 =	sand.u32 $0x1FFFFFF0, s31;
	s11 =	spop (v2sf);
	s18 =	sld [smem:$0x7E9]  }
0x2ec: {  	[tilespmem:s21], [sflag:$0x4] =	stream.linear.gather [hbm4b:s29+s1], $0x80, $0x38;
	[tilespmem:$0x10400] =	vst v63  }
0x2ed: {  	(v2sf) =	vpush v63, $0x9;
	s22 =	sand.u32 $0x1FFFFFF0, s11;
	s21 =	sadd.s32 s4, s10;
	s25 =	spop (v2sf)  }
0x2ee: {  	[tilespmem:s18], [sflag:$0x2] =	stream.linear.gather [hbm4b:s8+s1], $0x80, $0x38;
	[tilespmem:$0x10400] =	vst v63  }
0x2ef: {  	(v2sf) =	vpush v1, $0xA;
	s29 =	sadd.s32 s3, s22;
	s30 =	sand.u32 $0x1FFFFFF0, s25;
	s31 =	spop (v2sf)  }
0x2f0: {  	[tilespmem:s17], [sflag:$0x4] =	stream.linear.gather [hbm4b:s21+s1], $0x80, $0x38;
	[tilespmem:$0x10400] =	vst v63  }
0x2f1: {  	(v2sf) =	vpush v63, $0xA;
	s25 =	sld [smem:$0x7EA];
	s10 =	sand.u32 $0x1FFFFFF0, s31;
	s11 =	spop (v2sf)  }
0x2f2: {  	[tilespmem:s16], [sflag:$0x2] =	stream.linear.gather [hbm4b:s29+s1], $0x80, $0x38;
	[tilespmem:$0x10400] =	vst v63  }
0x2f3: {  	(v2sf) =	vpush v1, $0xB;
	s8 =	sadd.s32 s4, s30;
	s16 =	sadd.s32 s3, s10;
	s17 =	sand.u32 $0x1FFFFFF0, s11  }
0x2f4: {  	[tilespmem:s24], [sflag:$0x4] =	stream.linear.gather [hbm4b:s8+s1], $0x80, $0x38;
	[tilespmem:$0x10400] =	vst v63  }
0x2f5: {  	s18 =	spop (v2sf);
	s10 =	sld [smem:$0x7EB];
	s21 =	sadd.s32 s4, s17  }
0x2f6: {  	[tilespmem:s15], [sflag:$0x2] =	stream.linear.gather [hbm4b:s16+s1], $0x80, $0x38;
	[tilespmem:$0x10400] =	vst v63  }
0x2f7: {  	(v2sf) =	vpush v63, $0xB;
	s22 =	sand.u32 $0x1FFFFFF0, s18;
	s17 =	rddreg [dreg:$0x1c];
	s24 =	spop (v2sf)  }
0x2f8: {  	(v2sf) =	vpush v1, $0xC;
	s29 =	sadd.s32 s3, s22;
	s30 =	sand.u32 $0x1FFFFFF0, s24;
	s31 =	spop (v2sf)  }
0x2f9: {  	[tilespmem:s25], [sflag:$0x4] =	stream.linear.gather [hbm4b:s21+s1], $0x80, $0x38;
	[tilespmem:$0x10400] =	vst v63  }
0x2fa: {  	(v2sf) =	vpush v63, $0xC;
	s24 =	rddreg [dreg:$0xf];
	s11 =	sadd.s32 s4, s30;
	s15 =	sand.u32 $0x1FFFFFF0, s31  }
0x2fb: {  	[tilespmem:s10], [sflag:$0x2] =	stream.linear.gather [hbm4b:s29+s1], $0x80, $0x38;
	[tilespmem:$0x10400] =	vst v63  }
0x2fc: {  	s16 =	spop (v2sf);
	s31 =	rddreg [dreg:$0x17];
	s18 =	sadd.s32 s3, s15  }
0x2fd: {  	[tilespmem:s17], [sflag:$0x4] =	stream.linear.gather [hbm4b:s11+s1], $0x80, $0x38;
	[tilespmem:$0x10400] =	vst v63  }
0x2fe: {  	s21 =	sand.u32 $0x1FFFFFF0, s16;
	s22 =	spop (v2sf);
	s16 =	rddreg [dreg:$0x13]  }
0x2ff: {  	[tilespmem:s24], [sflag:$0x2] =	stream.linear.gather [hbm4b:s18+s1], $0x80, $0x38;
	[tilespmem:$0x10400] =	vst v63  }
0x300: {  	s25 =	sadd.s32 s4, s21;
	s29 =	sand.u32 $0x1FFFFFF0, s22;
	s30 =	spop (v2sf)  }
0x301: {  	[tilespmem:s31], [sflag:$0x4] =	stream.linear.gather [hbm4b:s25+s1], $0x80, $0x38;
	[tilespmem:$0x10400] =	vst v63  }
0x302: {  	s10 =	sadd.s32 s3, s29;
	s11 =	sand.u32 $0x1FFFFFF0, s30;
	s15 =	spop (v2sf)  }
0x303: {  	[tilespmem:s16], [sflag:$0x2] =	stream.linear.gather [hbm4b:s10+s1], $0x80, $0x38;
	[tilespmem:$0x10400] =	vst v63  }
0x304: {  	s22 =	rddreg [dreg:$0x7];
	s17 =	sadd.s32 s4, s11;
	s18 =	sand.u32 $0x1FFFFFF0, s15  }
0x305: {  	(v2sf) =	vpush v1, $0xD;
	[tilespmem:s22], [sflag:$0x4] =	stream.linear.gather [hbm4b:s17+s1], $0x80, $0x38;
	[tilespmem:$0x10400] =	vst v63  }
.Ltmp5:
0x306: {  	(v2sf) =	vpush v63, $0xD;
	s24 =	sadd.s32 s3, s18;
	s21 =	spop (v2sf);
	(pc) =	sbr.rel @p0 .LBB2_12-.Ltmp5, $4  }
0x307: {  	(v2sf) =	vpush v1, $0xE;
	s31 =	rddreg [dreg:$0xb];
	s25 =	sand.u32 $0x1FFFFFF0, s21;
	s29 =	spop (v2sf)  }
0x308: {  	(v2sf) =	vpush v63, $0xE;
	[tilespmem:s9], [sflag:$0x2] =	stream.linear.gather [hbm4b:s24+s1], $0x80, $0x38;
	[tilespmem:$0x10400] =	vst v63  }
0x309: {  	(v2sf) =	vpush v1, $0xF;
	s30 =	sadd.s32 s4, s25;
	s5 =	sand.u32 $0x1FFFFFF0, s29;
	s6 =	spop (v2sf)  }
0x30a: {  	(v2sf) =	vpush v63, $0xF;
	[tilespmem:s31], [sflag:$0x4] =	stream.linear.gather [hbm4b:s30+s1], $0x80, $0x38;
	[tilespmem:$0x10400] =	vst v63  }
0x30b: {  	_ =	sdelay $0x4  }
0x30c: {  	s0 =	sadd.s32 s3, s5;
	s2 =	sand.u32 $0x1FFFFFF0, s6  }
0x30d: {  	[tilespmem:s23], [sflag:$0x2] =	stream.linear.gather [hbm4b:s0+s1], $0x80, $0x38;
	[tilespmem:$0x10400] =	vst v63  }
0x30e: {  	s8 =	sadd.s32 s4, s2  }
0x30f: {  	[tilespmem:s19], [sflag:$0x4] =	stream.linear.gather [hbm4b:s8+s1], $0x80, $0x38;
	[tilespmem:$0x10400] =	vst v63  }
0x310: {  	s7 =	spop (v2sf)  }
0x311: {  	s9 =	sand.u32 $0x1FFFFFF0, s7;
	s10 =	spop (v2sf)  }
0x312: {  	s11 =	sadd.s32 s3, s9;
	s15 =	sand.u32 $0x1FFFFFF0, s10;
	s16 =	spop (v2sf)  }
0x313: {  	[tilespmem:s13], [sflag:$0x2] =	stream.linear.gather [hbm4b:s11+s1], $0x80, $0x38;
	[tilespmem:$0x10400] =	vst v63  }
0x314: {  	s17 =	sadd.s32 s4, s15;
	s18 =	sand.u32 $0x1FFFFFF0, s16;
	s19 =	spop (v2sf)  }
0x315: {  	[tilespmem:s12], [sflag:$0x4] =	stream.linear.gather [hbm4b:s17+s1], $0x80, $0x38;
	[tilespmem:$0x10400] =	vst v63  }
0x316: {  	s21 =	sadd.s32 s3, s18;
	s22 =	sand.u32 $0x1FFFFFF0, s19;
	s23 =	spop (v2sf)  }
0x317: {  	[tilespmem:s20], [sflag:$0x2] =	stream.linear.gather [hbm4b:s21+s1], $0x80, $0x38;
	[tilespmem:$0x10400] =	vst v63  }
0x318: {  	s24 =	sadd.s32 s4, s22;
	s25 =	sand.u32 $0x1FFFFFF0, s23;
	s28 =	spop (v2sf)  }
0x319: {  	[tilespmem:s14], [sflag:$0x4] =	stream.linear.gather [hbm4b:s24+s1], $0x80, $0x38;
	[tilespmem:$0x10400] =	vst v63  }
0x31a: {  	s29 =	sadd.s32 $0x4B80, s26;
	s2 =	sadd.s32 s3, s25;
	s5 =	sand.u32 $0x1FFFFFF0, s28  }
0x31b: {  	[tilespmem:s29], [sflag:$0x2] =	stream.linear.gather [hbm4b:s2+s1], $0x80, $0x38;
	[tilespmem:$0x10400] =	vst v63  }
0x31c: {  	s30 =	sadd.s32 $0xCB80, s26;
	s31 =	sadd.s32 s4, s5;
	s2 =	simm.s32 $0x1  }
0x31d: {  	[tilespmem:s30], [sflag:$0x4] =	stream.linear.gather [hbm4b:s31+s1], $0x80, $0x38;
	[tilespmem:$0x10400] =	vst v63  }
0x31e: {  	_ =	swait.ge [sflag:s2], $0x80  }
0x31f: {  	[sflag:s2] =	ssyncset.done $0x0  }
0x320: {  	s5 =	simm.s32 $0x3;
	[sflag:s2] =	ssyncadd.s32 $0xFFFFFF80  }
0x321: {  	_ =	swait.ge [sflag:s5], $0x80  }
0x322: {  	s0 =	simm.s32 $0x7F;
	[sflag:s5] =	ssyncset.done $0x0  }
.LBB2_14:
0x323: {  	p0 =	sne.s32 s0, $0x1;
	s0 =	sadd.s32 $0xFFFFFFFF, s0;
	[sflag:s5] =	ssyncadd.s32 $0xFFFFFF80  }
.Ltmp6:
0x324: {  	_ =	swait.ge [sflag:s2], $0x80;
	(pc) =	sbr.rel @p0 .LBB2_14-.Ltmp6, $4  }
0x325: {  	[sflag:s2] =	ssyncset.done $0x0  }
0x326: {  	[sflag:s2] =	ssyncadd.s32 $0xFFFFFF80  }
0x327: {  	_ =	swait.ge [sflag:s5], $0x80  }
0x328: {  	[sflag:s5] =	ssyncset.done $0x0  }
0x329: {  	s0 =	sld [smem:$0x7F9];
	_ =	sdelay $0x1  }
0x32a: {  	[sflag:s5] =	ssyncadd.s32 $0xFFFFFF80;
	s2 =	simm.s32 $0x400;
	s5 =	simm.s32 $0x5  }
0x32b: {  	[hbm4b:s0+s1] =	stream.linear.scatter [tilespmem:s2], [sflag:$0x5], $0x4000, $0x38;
	[tilespmem:$0x10400] =	vst v63  }
0x32c: {  	_ =	swait.ge [sflag:s5], $0x4000  }
0x32d: {  	s30 =	sld [smem:$0x7FA]  }
0x32e: {  	[sflag:s5] =	ssyncset.done $0x0  }
0x32f: {  	s31 =	simm.s32 $0x8400;
	[sflag:s5] =	ssyncadd.s32 $0xFFFFC000  }
0x330: {  	[hbm4b:s30+s1] =	stream.linear.scatter [tilespmem:s31], [sflag:$0x5], $0x4000, $0x38;
	[tilespmem:$0x10400] =	vst v63  }
0x331: {  	_ =	swait.ge [sflag:s5], $0x4000  }
0x332: {  	[sflag:s5] =	ssyncset.done $0x0  }
0x333: {  	s2 =	simm.s32 $0x2;
	[sflag:s5] =	ssyncadd.s32 $0xFFFFC000  }
0x334: {  	_ =	swait.ge [sflag:s2], $0x80  }
0x335: {  	[sflag:s2] =	ssyncset.done $0x0  }
0x336: {  	s6 =	simm.s32 $0x4;
	[sflag:s2] =	ssyncadd.s32 $0xFFFFFF80  }
0x337: {  	_ =	swait.ge [sflag:s6], $0x80  }
0x338: {  	s0 =	simm.s32 $0x7F;
	[sflag:s6] =	ssyncset.done $0x0  }
.LBB2_16:
0x339: {  	p0 =	sne.s32 s0, $0x1;
	s0 =	sadd.s32 $0xFFFFFFFF, s0;
	[sflag:s6] =	ssyncadd.s32 $0xFFFFFF80  }
.Ltmp7:
0x33a: {  	_ =	swait.ge [sflag:s2], $0x80;
	(pc) =	sbr.rel @p0 .LBB2_16-.Ltmp7, $4  }
0x33b: {  	[sflag:s2] =	ssyncset.done $0x0  }
0x33c: {  	[sflag:s2] =	ssyncadd.s32 $0xFFFFFF80  }
0x33d: {  	_ =	swait.ge [sflag:s6], $0x80  }
0x33e: {  	[sflag:s6] =	ssyncset.done $0x0  }
0x33f: {  	s0 =	sld [smem:$0x7FB];
	_ =	sdelay $0x1  }
0x340: {  	[sflag:s6] =	ssyncadd.s32 $0xFFFFFF80;
	s2 =	simm.s32 $0x4400  }
0x341: {  	[hbm4b:s0+s1] =	stream.linear.scatter [tilespmem:s2], [sflag:$0x5], $0x4000, $0x38;
	[tilespmem:$0x10400] =	vst v63  }
0x342: {  	_ =	swait.ge [sflag:s5], $0x4000  }
0x343: {  	s28 =	sld [smem:$0x7FC]  }
0x344: {  	[sflag:s5] =	ssyncset.done $0x0  }
0x345: {  	s29 =	simm.s32 $0xC400;
	[sflag:s5] =	ssyncadd.s32 $0xFFFFC000  }
0x346: {  	[hbm4b:s28+s1] =	stream.linear.scatter [tilespmem:s29], [sflag:$0x5], $0x4000, $0x38;
	[tilespmem:$0x10400] =	vst v63  }
0x347: {  	_ =	swait.ge [sflag:s5], $0x4000  }
0x348: {  	s30 =	sld [smem:$0x7F2]  }
0x349: {  	s31 =	sld [smem:$0x7FD];
	_ =	sdelay $0x1  }
0x34a: {  	s2 =	sadd.s32 $0x1, s30  }
0x34b: {  	p0 =	sne.s32 s2, s31  }
.Ltmp8:
0x34c: {  	_ = 	snop;
	(pc) =	sbr.rel @p0 .LBB2_1-.Ltmp8, $3  }
0x34d: {  	_ =	sdelay $0x1  }
0x34e: {  	[sflag:s5] =	ssyncset.done $0x0  }
0x34f: {  	[sflag:s5] =	ssyncadd.s32 $0xFFFFC000  }
0x350: {  	_ =	sfence.sel $0x180000  }
0x351: {  	[bflag:$0x0] =	sbarrier.arrive $0xFFFF  }
0x352: {  	_ =	strace $0x90000047  }
0x353: {  	s0 =	stileid.u32;
	[bflag:$0x2] =	sbarrier.arrive $0xFFFF  }
0x354: {  	p0 =	sne.s32 s0, $0x0;
	s0 =	rddreg [dreg:$0x3]  }
0x355: {  	s0 =	sadd.s32 @!p0 $0x100000, s0  }
0x356: {  	[sflag:s0] =	ssyncadd.tile.s32 @!p0 $0x1;
	_ =	shalt  }
.Lfunc_end2:
_tile_overlayer_lowered:
.L_overlay_start_2:
0x357: {  	(tag) =	ssettag $0x2  }
0x358: {  	s0 =	rddreg [dreg:$0x0];
	s2 =	stileid.u32  }
0x359: {  	s1 =	rddreg [dreg:$0x1];
	p0 =	sne.s32 s2, $0x0  }
0x35a: {  	s3 =	rddreg [dreg:$0x2];
	[bflag:$0x3] =	sbarrier.arrive $0xFFFF;
	s2 =	simm.s32 @!p0 $0x1C05  }
0x35b: {  	[timem:s3], [sflag:s2] =	dma.local @!p0 [hbm:s0], s1  }
0x35c: {  	s0 =	simm.s32 @!p0 $0x5  }
0x35d: {  	_ =	swait.ge @!p0 [sflag:s0], s1  }
0x35e: {  	s1 =	ssub.s32 @!p0 $0x0, s1;
	[sflag:s0] =	ssyncset.done @!p0 $0x0  }
0x35f: {  	[sflag:s0] =	ssyncadd.s32 @!p0 s1  }
0x360: {  	[bflag:$0x3] =	sbarrier.arrive $0xFFFF  }
0x361: {  	_ =	shalt  }

</sc_bundles>
